<compile_context>
chip_gen: v7x
topology: tpu7x:2x2x1
jax: 0.10.2.dev20260603
libtpu: 0.0.44.dev20260713+nightly
codegen_flags: <defaults>
</compile_context>

<pallas_src>
import functools

import jax
import jax.numpy as jnp
from jax import lax
from jax.experimental import pallas as pl
from jax.experimental.pallas import tpu as pltpu
from jax.experimental.pallas import tpu_sc as plsc

N_PTS = 1_000_000
RES = 256
NC, NS, L = 2, 16, 16
NW = NC * NS
C = 2000
NCHUNK = N_PTS // C
GROUPS = C // L
NIDX = 8 * C
NDMA = NIDX // 128
MAX_CHUNKS_PER_W = -(-NCHUNK // NW)
PAIR_STEPS = (MAX_CHUNKS_PER_W + 1) // 2

_POFFS = (0, RES, RES * RES, RES * RES + RES)

_mesh = plsc.VectorSubcoreMesh(core_axis_name="c", subcore_axis_name="s")


@functools.partial(
    pl.kernel,
    out_type=jax.ShapeDtypeStruct((N_PTS,), jnp.float32),
    mesh=_mesh,
    scratch_types=[
        pltpu.VMEM((C,), jnp.float32),
        pltpu.VMEM((C,), jnp.float32),
        pltpu.VMEM((C,), jnp.float32),
        pltpu.VMEM((C,), jnp.float32),
        pltpu.VMEM((C,), jnp.float32),
        pltpu.VMEM((C,), jnp.float32),
        pltpu.VMEM((3 * C,), jnp.float32),
        pltpu.VMEM((3 * C,), jnp.float32),
        pltpu.VMEM((NIDX,), jnp.int32),
        pltpu.VMEM((NIDX,), jnp.int32),
        pltpu.VMEM((NIDX,), jnp.float32),
        pltpu.VMEM((NIDX,), jnp.float32),
        pltpu.VMEM((C,), jnp.float32),
        pltpu.VMEM((C,), jnp.float32),
        pltpu.SemaphoreType.DMA,
        pltpu.SemaphoreType.DMA,
        pltpu.SemaphoreType.DMA,
        pltpu.SemaphoreType.DMA,
    ],
)
def _grid_lookup(x_hbm, y_hbm, z_hbm, w_hbm, out_hbm,
                 x0, y0, z0, x1, y1, z1,
                 frac0, frac1, idx0, idx1, val0, val1, out0, out1,
                 sem0, sem1, semc0, semc1):
    wid = lax.axis_index("s") * NC + lax.axis_index("c")
    lanes = lax.iota(jnp.int32, L)
    halfidx = lanes >> 1
    parbit = lanes & 1
    qa = (2 * lanes) & 15
    qb = (2 * lanes + 1) & 15
    half = lanes < 8

    def lane_perm(x, perm):
        return lax.gather(
            x, perm[:, None],
            dimension_numbers=lax.GatherDimensionNumbers(
                offset_dims=(), collapsed_slice_dims=(0,),
                start_index_map=(0,)),
            slice_sizes=(1,),
            mode=lax.GatherScatterMode.PROMISE_IN_BOUNDS)

    def prefetch(chunk, x_v, y_v, z_v, semc):

        @pl.when(chunk < NCHUNK)
        def _():
            base = chunk * C
            pltpu.make_async_copy(x_hbm.at[pl.ds(base, C)], x_v, semc).start()
            pltpu.make_async_copy(y_hbm.at[pl.ds(base, C)], y_v, semc).start()
            pltpu.make_async_copy(z_hbm.at[pl.ds(base, C)], z_v, semc).start()

    def stage_a(chunk, x_v, y_v, z_v, semc, frac_v, idx_v, val_v, sem):

        @pl.when(chunk < NCHUNK)
        def _():
            base = chunk * C
            pltpu.make_async_copy(x_hbm.at[pl.ds(base, C)], x_v, semc).wait()
            pltpu.make_async_copy(y_hbm.at[pl.ds(base, C)], y_v, semc).wait()
            pltpu.make_async_copy(z_hbm.at[pl.ds(base, C)], z_v, semc).wait()

            def index_body(g, _):
                o = L * g
                ixs = []
                for d, cref in enumerate((x_v, y_v, z_v)):
                    coord = cref[pl.ds(o, L)]
                    idx_f = (coord + 1.0) * 0.5 * (RES - 1.0)
                    ii = idx_f.astype(jnp.int32)
                    frac_v[pl.ds(d * C + o, L)] = idx_f - ii.astype(
                        jnp.float32)
                    ixs.append(ii)
                flat = (ixs[0] * RES + ixs[1]) * RES + ixs[2]
                for c in range(4):
                    fp = flat + _POFFS[c]
                    lo = lane_perm(fp, halfidx) + parbit
                    hi = lane_perm(fp, halfidx + 8) + parbit
                    idx_v[pl.ds(2 * (c * C + o), L)] = lo
                    idx_v[pl.ds(2 * (c * C + o) + L, L)] = hi
                return 0

            lax.fori_loop(0, GROUPS, index_body, 0, unroll=2)

            pltpu.make_async_copy(w_hbm.at[idx_v], val_v, sem).start()

    def stage_b(chunk, frac_v, idx_v, val_v, out_v, sem):

        @pl.when(chunk < NCHUNK)
        def _():
            pltpu.make_async_copy(w_hbm.at[idx_v], val_v, sem).wait()

            def combine_body(g, _):
                o = L * g
                fx = frac_v[pl.ds(0 * C + o, L)]
                fy = frac_v[pl.ds(1 * C + o, L)]
                fz = frac_v[pl.ds(2 * C + o, L)]
                cz = []
                for c in range(4):
                    u0 = val_v[pl.ds(2 * (c * C + o), L)]
                    u1 = val_v[pl.ds(2 * (c * C + o) + L, L)]
                    a = jnp.where(half, lane_perm(u0, qa),
                                  lane_perm(u1, qa))
                    b = jnp.where(half, lane_perm(u0, qb),
                                  lane_perm(u1, qb))
                    cz.append(a + fz * (b - a))
                c0 = cz[0] + fy * (cz[1] - cz[0])
                c1 = cz[2] + fy * (cz[3] - cz[2])
                out_v[pl.ds(o, L)] = c0 + fx * (c1 - c0)
                return 0

            lax.fori_loop(0, GROUPS, combine_body, 0, unroll=2)
            pltpu.sync_copy(out_v, out_hbm.at[pl.ds(chunk * C, C)])

    xyz0 = (x0, y0, z0, semc0)
    xyz1 = (x1, y1, z1, semc1)
    buf0 = (frac0, idx0, val0)
    buf1 = (frac1, idx1, val1)

    prefetch(wid, *xyz0)
    prefetch(wid + NW, *xyz1)
    stage_a(wid, *xyz0, *buf0, sem0)

    def pair_body(s, _):
        c0 = wid + (2 * s) * NW
        prefetch(c0 + 2 * NW, *xyz0)
        stage_a(c0 + NW, *xyz1, *buf1, sem1)
        stage_b(c0, *buf0, out0, sem0)
        prefetch(c0 + 3 * NW, *xyz1)
        stage_a(c0 + 2 * NW, *xyz0, *buf0, sem0)
        stage_b(c0 + NW, *buf1, out1, sem1)
        return 0

    lax.fori_loop(0, PAIR_STEPS, pair_body, 0, unroll=False)


def kernel(pt, W):
    out = _grid_lookup(pt[:, 0], pt[:, 1], pt[:, 2], W.reshape(-1))
    return out.reshape(N_PTS, 1)

# --- scband reference (transcript-rebuilt; emitter-appended) ---
"""Pipeline reference for scband-feature-grid-39178691674399 (READ-ONLY COPY).

The authoritative reference and input builder live on the scoring server;
editing this copy changes nothing except your own understanding.
"""

import jax, jax.numpy as jnp
import numpy as np
import itertools

RES = 256
DIMS = 3
FEAT = 1
GRID_MIN = -1.0
GRID_MAX = 1.0
N_PTS = 1000000

_sample_locs = jnp.array(list(itertools.product(range(2), repeat=DIMS)), dtype=jnp.int32).reshape((2,) * DIMS + (DIMS,))


def _interp(cs, alpha):
    # faithful port of n_dimensional_interpolation
    if alpha.shape[0] > 1:
        a = _interp(cs[0, ...], alpha[1:])
        b = _interp(cs[1, ...], alpha[1:])
    else:
        a = cs[0]
        b = cs[1]
    return (1 - alpha[0]) * a + alpha[0] * b


def setup_inputs(seed: int = 0) -> dict:
    key = jax.random.key(seed)
    k1, k2 = jax.random.split(key)
    # query points; rand in [0,1) lies inside the grid domain [-1,1]^3
    pt = jax.random.uniform(k1, (N_PTS, DIMS), dtype=jnp.float32)
    # learned base_features parameter: (res, res, res, feature_size)
    W = jax.random.normal(k2, (RES,) * DIMS + (FEAT,), dtype=jnp.float32) * 0.1
    return {"pt": pt, "W": W}


def reference(pt, W):
    dims_f = jnp.array((RES,) * DIMS, dtype=jnp.float32)
    grid_min = jnp.full((DIMS,), GRID_MIN, dtype=jnp.float32)
    grid_max = jnp.full((DIMS,), GRID_MAX, dtype=jnp.float32)

    def sample_one(p):
        alpha = (p - grid_min) / (grid_max - grid_min)
        idx_f = alpha * (dims_f - 1.0)
        idx = idx_f.astype(jnp.int32)
        idx_alpha = jnp.modf(idx_f)[0]
        # faithful to original (clips to RES; jax gather clamps OOB anyway)
        xs = jnp.clip(idx + _sample_locs, 0, RES)
        flat = xs.reshape(-1, DIMS)
        cs = W[flat[:, 0], flat[:, 1], flat[:, 2]].reshape(xs.shape[:-1] + (FEAT,))
        pt_feature = _interp(cs, idx_alpha)
        # decoder_fn = identity
        return pt_feature

    return jax.vmap(sample_one)(pt)

if __name__ == "__main__":
    import jax
    _d = setup_inputs()
    print(jax.jit(kernel)(*tuple(_d.values())))

</pallas_src>

<mosaic_0001>
#map = affine_map<(d0, d1) -> (0)>
module attributes {stable_mosaic.version = 14 : i64} {
  func.func @_grid_lookup(%arg0: i32, %arg1: i32, %arg2: memref<1000000xf32, #tpu.memory_space<hbm>>, %arg3: memref<1000000xf32, #tpu.memory_space<hbm>>, %arg4: memref<1000000xf32, #tpu.memory_space<hbm>>, %arg5: memref<16777216xf32, #tpu.memory_space<hbm>>, %arg6: memref<1000000xf32, #tpu.memory_space<hbm>>, %arg7: memref<2000xf32, #tpu.memory_space<vmem>>, %arg8: memref<2000xf32, #tpu.memory_space<vmem>>, %arg9: memref<2000xf32, #tpu.memory_space<vmem>>, %arg10: memref<2000xf32, #tpu.memory_space<vmem>>, %arg11: memref<2000xf32, #tpu.memory_space<vmem>>, %arg12: memref<2000xf32, #tpu.memory_space<vmem>>, %arg13: memref<6000xf32, #tpu.memory_space<vmem>>, %arg14: memref<6000xf32, #tpu.memory_space<vmem>>, %arg15: memref<16000xi32, #tpu.memory_space<vmem>>, %arg16: memref<16000xi32, #tpu.memory_space<vmem>>, %arg17: memref<16000xf32, #tpu.memory_space<vmem>>, %arg18: memref<16000xf32, #tpu.memory_space<vmem>>, %arg19: memref<2000xf32, #tpu.memory_space<vmem>>, %arg20: memref<2000xf32, #tpu.memory_space<vmem>>, %arg21: memref<!tpu.dma_semaphore, #tpu.memory_space<semaphore_mem>>, %arg22: memref<!tpu.dma_semaphore, #tpu.memory_space<semaphore_mem>>, %arg23: memref<!tpu.dma_semaphore, #tpu.memory_space<semaphore_mem>>, %arg24: memref<!tpu.dma_semaphore, #tpu.memory_space<semaphore_mem>>) attributes {dimension_semantics = [#tpu.dimension_semantics<core_parallel>, #tpu.dimension_semantics<subcore_parallel>], iteration_bounds = array<i64: 2, 16>, scalar_prefetch = 0 : i64, scratch_operands = 18 : i64, tpu.core_type = #tpu.core_type<sc_vector_subcore>, window_params = [{transform_indices = #map}, {transform_indices = #map}, {transform_indices = #map}, {transform_indices = #map}, {transform_indices = #map}]} {
    %mul3A = arith.constant 2 : i32
    %mul3A_0 = arith.muli %arg1, %mul3A : i32
    %add3A = arith.addi %mul3A_0, %arg0 : i32
    %iota3A = tpu.iota {dimensions = array<i32: 0>} : vector<16xi32>
    %shift_right_arithmetic3A = arith.constant 1 : i32
    %shift_right_arithmetic3A_1 = vector.broadcast %shift_right_arithmetic3A : i32 to vector<16xi32>
    %shift_right_arithmetic3A_2 = arith.shrsi %iota3A, %shift_right_arithmetic3A_1 : vector<16xi32>
    %and3A = arith.constant 1 : i32
    %and3A_3 = vector.broadcast %and3A : i32 to vector<16xi32>
    %and3A_4 = arith.andi %iota3A, %and3A_3 : vector<16xi32>
    %mul3A_5 = arith.constant 2 : i32
    %mul3A_6 = vector.broadcast %mul3A_5 : i32 to vector<16xi32>
    %mul3A_7 = arith.muli %mul3A_6, %iota3A : vector<16xi32>
    %and3A_8 = arith.constant 15 : i32
    %and3A_9 = vector.broadcast %and3A_8 : i32 to vector<16xi32>
    %and3A_10 = arith.andi %mul3A_7, %and3A_9 : vector<16xi32>
    %mul3A_11 = arith.constant 2 : i32
    %mul3A_12 = vector.broadcast %mul3A_11 : i32 to vector<16xi32>
    %mul3A_13 = arith.muli %mul3A_12, %iota3A : vector<16xi32>
    %add3A_14 = arith.constant 1 : i32
    %add3A_15 = vector.broadcast %add3A_14 : i32 to vector<16xi32>
    %add3A_16 = arith.addi %mul3A_13, %add3A_15 : vector<16xi32>
    %and3A_17 = arith.constant 15 : i32
    %and3A_18 = vector.broadcast %and3A_17 : i32 to vector<16xi32>
    %and3A_19 = arith.andi %add3A_16, %and3A_18 : vector<16xi32>
    %lt3A = arith.constant 8 : i32
    %lt3A_20 = vector.broadcast %lt3A : i32 to vector<16xi32>
    %lt3A_21 = arith.cmpi slt, %iota3A, %lt3A_20 : vector<16xi32>
    %lt3A_22 = arith.constant 500 : i32
    %lt3A_23 = arith.cmpi slt, %add3A, %lt3A_22 : i32
    %convert_element_type3A = arith.extui %lt3A_23 : i1 to i32
    %cond3A = arith.constant 0 : i32
    %cond3A_24 = arith.cmpi ne, %convert_element_type3A, %cond3A : i32
    scf.if %cond3A_24 {
      %mul3A_43 = arith.constant 2000 : i32
      %mul3A_44 = arith.muli %add3A, %mul3A_43 : i32
      %dma_start3A = tpu.memref_slice %arg2[%mul3A_44] : memref<1000000xf32, #tpu.memory_space<hbm>> -> memref<2000xf32, #tpu.memory_space<hbm>>
      %dma_start3A_45 = tpu.memref_slice %arg2[%mul3A_44] : memref<1000000xf32, #tpu.memory_space<hbm>> -> memref<2000xf32, #tpu.memory_space<hbm>>
      tpu.enqueue_dma source(%dma_start3A_45 : memref<2000xf32, #tpu.memory_space<hbm>>) target(%arg7 : memref<2000xf32, #tpu.memory_space<vmem>>) target_semaphore(%arg23 : memref<!tpu.dma_semaphore, #tpu.memory_space<semaphore_mem>>)
      %dma_start3A_46 = tpu.memref_slice %arg3[%mul3A_44] : memref<1000000xf32, #tpu.memory_space<hbm>> -> memref<2000xf32, #tpu.memory_space<hbm>>
      %dma_start3A_47 = tpu.memref_slice %arg3[%mul3A_44] : memref<1000000xf32, #tpu.memory_space<hbm>> -> memref<2000xf32, #tpu.memory_space<hbm>>
      tpu.enqueue_dma source(%dma_start3A_47 : memref<2000xf32, #tpu.memory_space<hbm>>) target(%arg8 : memref<2000xf32, #tpu.memory_space<vmem>>) target_semaphore(%arg23 : memref<!tpu.dma_semaphore, #tpu.memory_space<semaphore_mem>>)
      %dma_start3A_48 = tpu.memref_slice %arg4[%mul3A_44] : memref<1000000xf32, #tpu.memory_space<hbm>> -> memref<2000xf32, #tpu.memory_space<hbm>>
      %dma_start3A_49 = tpu.memref_slice %arg4[%mul3A_44] : memref<1000000xf32, #tpu.memory_space<hbm>> -> memref<2000xf32, #tpu.memory_space<hbm>>
      tpu.enqueue_dma source(%dma_start3A_49 : memref<2000xf32, #tpu.memory_space<hbm>>) target(%arg9 : memref<2000xf32, #tpu.memory_space<vmem>>) target_semaphore(%arg23 : memref<!tpu.dma_semaphore, #tpu.memory_space<semaphore_mem>>)
    } else {
    }
    %add3A_25 = arith.constant 32 : i32
    %add3A_26 = arith.addi %add3A, %add3A_25 : i32
    %lt3A_27 = arith.constant 500 : i32
    %lt3A_28 = arith.cmpi slt, %add3A_26, %lt3A_27 : i32
    %convert_element_type3A_29 = arith.extui %lt3A_28 : i1 to i32
    %cond3A_30 = arith.constant 0 : i32
    %cond3A_31 = arith.cmpi ne, %convert_element_type3A_29, %cond3A_30 : i32
    scf.if %cond3A_31 {
      %mul3A_43 = arith.constant 2000 : i32
      %mul3A_44 = arith.muli %add3A_26, %mul3A_43 : i32
      %dma_start3A = tpu.memref_slice %arg2[%mul3A_44] : memref<1000000xf32, #tpu.memory_space<hbm>> -> memref<2000xf32, #tpu.memory_space<hbm>>
      %dma_start3A_45 = tpu.memref_slice %arg2[%mul3A_44] : memref<1000000xf32, #tpu.memory_space<hbm>> -> memref<2000xf32, #tpu.memory_space<hbm>>
      tpu.enqueue_dma source(%dma_start3A_45 : memref<2000xf32, #tpu.memory_space<hbm>>) target(%arg10 : memref<2000xf32, #tpu.memory_space<vmem>>) target_semaphore(%arg24 : memref<!tpu.dma_semaphore, #tpu.memory_space<semaphore_mem>>)
      %dma_start3A_46 = tpu.memref_slice %arg3[%mul3A_44] : memref<1000000xf32, #tpu.memory_space<hbm>> -> memref<2000xf32, #tpu.memory_space<hbm>>
      %dma_start3A_47 = tpu.memref_slice %arg3[%mul3A_44] : memref<1000000xf32, #tpu.memory_space<hbm>> -> memref<2000xf32, #tpu.memory_space<hbm>>
      tpu.enqueue_dma source(%dma_start3A_47 : memref<2000xf32, #tpu.memory_space<hbm>>) target(%arg11 : memref<2000xf32, #tpu.memory_space<vmem>>) target_semaphore(%arg24 : memref<!tpu.dma_semaphore, #tpu.memory_space<semaphore_mem>>)
      %dma_start3A_48 = tpu.memref_slice %arg4[%mul3A_44] : memref<1000000xf32, #tpu.memory_space<hbm>> -> memref<2000xf32, #tpu.memory_space<hbm>>
      %dma_start3A_49 = tpu.memref_slice %arg4[%mul3A_44] : memref<1000000xf32, #tpu.memory_space<hbm>> -> memref<2000xf32, #tpu.memory_space<hbm>>
      tpu.enqueue_dma source(%dma_start3A_49 : memref<2000xf32, #tpu.memory_space<hbm>>) target(%arg12 : memref<2000xf32, #tpu.memory_space<vmem>>) target_semaphore(%arg24 : memref<!tpu.dma_semaphore, #tpu.memory_space<semaphore_mem>>)
    } else {
    }
    %lt3A_32 = arith.constant 500 : i32
    %lt3A_33 = arith.cmpi slt, %add3A, %lt3A_32 : i32
    %convert_element_type3A_34 = arith.extui %lt3A_33 : i1 to i32
    %cond3A_35 = arith.constant 0 : i32
    %cond3A_36 = arith.cmpi ne, %convert_element_type3A_34, %cond3A_35 : i32
    scf.if %cond3A_36 {
      %mul3A_43 = arith.constant 2000 : i32
      %mul3A_44 = arith.muli %add3A, %mul3A_43 : i32
      %dma_wait3A = tpu.memref_slice %arg2[%mul3A_44] : memref<1000000xf32, #tpu.memory_space<hbm>> -> memref<2000xf32, #tpu.memory_space<hbm>>
      %dma_wait3A_45 = tpu.memref_slice %arg2[%mul3A_44] : memref<1000000xf32, #tpu.memory_space<hbm>> -> memref<2000xf32, #tpu.memory_space<hbm>>
      tpu.wait_dma2 semaphore(%arg23 : memref<!tpu.dma_semaphore, #tpu.memory_space<semaphore_mem>>) src(%dma_wait3A_45 : memref<2000xf32, #tpu.memory_space<hbm>>) dst(%arg7 : memref<2000xf32, #tpu.memory_space<vmem>>)
      %dma_wait3A_46 = tpu.memref_slice %arg3[%mul3A_44] : memref<1000000xf32, #tpu.memory_space<hbm>> -> memref<2000xf32, #tpu.memory_space<hbm>>
      %dma_wait3A_47 = tpu.memref_slice %arg3[%mul3A_44] : memref<1000000xf32, #tpu.memory_space<hbm>> -> memref<2000xf32, #tpu.memory_space<hbm>>
      tpu.wait_dma2 semaphore(%arg23 : memref<!tpu.dma_semaphore, #tpu.memory_space<semaphore_mem>>) src(%dma_wait3A_47 : memref<2000xf32, #tpu.memory_space<hbm>>) dst(%arg8 : memref<2000xf32, #tpu.memory_space<vmem>>)
      %dma_wait3A_48 = tpu.memref_slice %arg4[%mul3A_44] : memref<1000000xf32, #tpu.memory_space<hbm>> -> memref<2000xf32, #tpu.memory_space<hbm>>
      %dma_wait3A_49 = tpu.memref_slice %arg4[%mul3A_44] : memref<1000000xf32, #tpu.memory_space<hbm>> -> memref<2000xf32, #tpu.memory_space<hbm>>
      tpu.wait_dma2 semaphore(%arg23 : memref<!tpu.dma_semaphore, #tpu.memory_space<semaphore_mem>>) src(%dma_wait3A_49 : memref<2000xf32, #tpu.memory_space<hbm>>) dst(%arg9 : memref<2000xf32, #tpu.memory_space<vmem>>)
      %scan3A_50 = arith.constant 0 : i32
      %scan3A_51 = arith.constant 0 : i32
      %scan3A_52 = arith.constant 124 : i32
      %scan3A_53 = arith.addi %scan3A_51, %scan3A_52 : i32
      %scan3A_54 = arith.constant 2 : i32
      %scan3A_55 = scf.for %scan3A_257 = %scan3A_51 to %scan3A_53 step %scan3A_54 iter_args(%scan3A_258 = %scan3A_50) -> (i32)  : i32 {
        %mul3A_259 = arith.constant 16 : i32
        %mul3A_260 = arith.muli %mul3A_259, %scan3A_257 : i32
        %get3A_261 = arith.index_cast %mul3A_260 : i32 to index
        %get3A_262 = tpu.vector_load %arg7[%get3A_261] {strides = array<i32>} : memref<2000xf32, #tpu.memory_space<vmem>>, vector<16xf32>,
        %get3A_263 = vector.shape_cast %get3A_262 : vector<16xf32> to vector<16xf32>
        %add3A_264 = arith.constant 1.000000e+00 : f32
        %add3A_265 = vector.broadcast %add3A_264 : f32 to vector<16xf32>
        %add3A_266 = arith.addf %get3A_263, %add3A_265 : vector<16xf32>
        %mul3A_267 = arith.constant 5.000000e-01 : f32
        %mul3A_268 = vector.broadcast %mul3A_267 : f32 to vector<16xf32>
        %mul3A_269 = arith.mulf %add3A_266, %mul3A_268 : vector<16xf32>
        %mul3A_270 = arith.constant 2.550000e+02 : f32
        %mul3A_271 = vector.broadcast %mul3A_270 : f32 to vector<16xf32>
        %mul3A_272 = arith.mulf %mul3A_269, %mul3A_271 : vector<16xf32>
        %convert_element_type3A_273 = arith.fptosi %mul3A_272 : vector<16xf32> to vector<16xi32>
        %convert_element_type3A_274 = arith.sitofp %convert_element_type3A_273 : vector<16xi32> to vector<16xf32>
        %sub3A_275 = arith.subf %mul3A_272, %convert_element_type3A_274 : vector<16xf32>
        %add3A_276 = arith.constant 0 : i32
        %add3A_277 = arith.addi %add3A_276, %mul3A_260 : i32
        %swap3A_278 = arith.index_cast %add3A_277 : i32 to index
        %swap3A_279 = tpu.vector_load %arg13[%swap3A_278] {strides = array<i32>} : memref<6000xf32, #tpu.memory_space<vmem>>, vector<16xf32>,
        %swap3A_280 = vector.shape_cast %swap3A_279 : vector<16xf32> to vector<16xf32>
        %swap3A_281 = vector.shape_cast %sub3A_275 : vector<16xf32> to vector<16xf32>
        tpu.vector_store %arg13[%swap3A_278], %swap3A_281 {strides = array<i32>} : memref<6000xf32, #tpu.memory_space<vmem>>, vector<16xf32>,
        %get3A_282 = arith.index_cast %mul3A_260 : i32 to index
        %get3A_283 = tpu.vector_load %arg8[%get3A_282] {strides = array<i32>} : memref<2000xf32, #tpu.memory_space<vmem>>, vector<16xf32>,
        %get3A_284 = vector.shape_cast %get3A_283 : vector<16xf32> to vector<16xf32>
        %add3A_285 = arith.constant 1.000000e+00 : f32
        %add3A_286 = vector.broadcast %add3A_285 : f32 to vector<16xf32>
        %add3A_287 = arith.addf %get3A_284, %add3A_286 : vector<16xf32>
        %mul3A_288 = arith.constant 5.000000e-01 : f32
        %mul3A_289 = vector.broadcast %mul3A_288 : f32 to vector<16xf32>
        %mul3A_290 = arith.mulf %add3A_287, %mul3A_289 : vector<16xf32>
        %mul3A_291 = arith.constant 2.550000e+02 : f32
        %mul3A_292 = vector.broadcast %mul3A_291 : f32 to vector<16xf32>
        %mul3A_293 = arith.mulf %mul3A_290, %mul3A_292 : vector<16xf32>
        %convert_element_type3A_294 = arith.fptosi %mul3A_293 : vector<16xf32> to vector<16xi32>
        %convert_element_type3A_295 = arith.sitofp %convert_element_type3A_294 : vector<16xi32> to vector<16xf32>
        %sub3A_296 = arith.subf %mul3A_293, %convert_element_type3A_295 : vector<16xf32>
        %add3A_297 = arith.constant 2000 : i32
        %add3A_298 = arith.addi %add3A_297, %mul3A_260 : i32
        %swap3A_299 = arith.index_cast %add3A_298 : i32 to index
        %swap3A_300 = tpu.vector_load %arg13[%swap3A_299] {strides = array<i32>} : memref<6000xf32, #tpu.memory_space<vmem>>, vector<16xf32>,
        %swap3A_301 = vector.shape_cast %swap3A_300 : vector<16xf32> to vector<16xf32>
        %swap3A_302 = vector.shape_cast %sub3A_296 : vector<16xf32> to vector<16xf32>
        tpu.vector_store %arg13[%swap3A_299], %swap3A_302 {strides = array<i32>} : memref<6000xf32, #tpu.memory_space<vmem>>, vector<16xf32>,
        %get3A_303 = arith.index_cast %mul3A_260 : i32 to index
        %get3A_304 = tpu.vector_load %arg9[%get3A_303] {strides = array<i32>} : memref<2000xf32, #tpu.memory_space<vmem>>, vector<16xf32>,
        %get3A_305 = vector.shape_cast %get3A_304 : vector<16xf32> to vector<16xf32>
        %add3A_306 = arith.constant 1.000000e+00 : f32
        %add3A_307 = vector.broadcast %add3A_306 : f32 to vector<16xf32>
        %add3A_308 = arith.addf %get3A_305, %add3A_307 : vector<16xf32>
        %mul3A_309 = arith.constant 5.000000e-01 : f32
        %mul3A_310 = vector.broadcast %mul3A_309 : f32 to vector<16xf32>
        %mul3A_311 = arith.mulf %add3A_308, %mul3A_310 : vector<16xf32>
        %mul3A_312 = arith.constant 2.550000e+02 : f32
        %mul3A_313 = vector.broadcast %mul3A_312 : f32 to vector<16xf32>
        %mul3A_314 = arith.mulf %mul3A_311, %mul3A_313 : vector<16xf32>
        %convert_element_type3A_315 = arith.fptosi %mul3A_314 : vector<16xf32> to vector<16xi32>
        %convert_element_type3A_316 = arith.sitofp %convert_element_type3A_315 : vector<16xi32> to vector<16xf32>
        %sub3A_317 = arith.subf %mul3A_314, %convert_element_type3A_316 : vector<16xf32>
        %add3A_318 = arith.constant 4000 : i32
        %add3A_319 = arith.addi %add3A_318, %mul3A_260 : i32
        %swap3A_320 = arith.index_cast %add3A_319 : i32 to index
        %swap3A_321 = tpu.vector_load %arg13[%swap3A_320] {strides = array<i32>} : memref<6000xf32, #tpu.memory_space<vmem>>, vector<16xf32>,
        %swap3A_322 = vector.shape_cast %swap3A_321 : vector<16xf32> to vector<16xf32>
        %swap3A_323 = vector.shape_cast %sub3A_317 : vector<16xf32> to vector<16xf32>
        tpu.vector_store %arg13[%swap3A_320], %swap3A_323 {strides = array<i32>} : memref<6000xf32, #tpu.memory_space<vmem>>, vector<16xf32>,
        %mul3A_324 = arith.constant 256 : i32
        %mul3A_325 = vector.broadcast %mul3A_324 : i32 to vector<16xi32>
        %mul3A_326 = arith.muli %convert_element_type3A_273, %mul3A_325 : vector<16xi32>
        %add3A_327 = arith.addi %mul3A_326, %convert_element_type3A_294 : vector<16xi32>
        %mul3A_328 = arith.constant 256 : i32
        %mul3A_329 = vector.broadcast %mul3A_328 : i32 to vector<16xi32>
        %mul3A_330 = arith.muli %add3A_327, %mul3A_329 : vector<16xi32>
        %add3A_331 = arith.addi %mul3A_330, %convert_element_type3A_315 : vector<16xi32>
        %add3A_332 = arith.constant 0 : i32
        %add3A_333 = vector.broadcast %add3A_332 : i32 to vector<16xi32>
        %add3A_334 = arith.addi %add3A_331, %add3A_333 : vector<16xi32>
        %broadcast_in_dim3A_335 = vector.shape_cast %shift_right_arithmetic3A_2 : vector<16xi32> to vector<16x1xi32>
        %gather3A_336 = vector.shape_cast %broadcast_in_dim3A_335 : vector<16x1xi32> to vector<16xi32>
        %gather3A_337 = tpu.dynamic_gather %add3A_334[%gather3A_336] in [0] : vector<16xi32>, vector<16xi32> -> vector<16xi32>
        %add3A_338 = arith.addi %gather3A_337, %and3A_4 : vector<16xi32>
        %add3A_339 = arith.constant 8 : i32
        %add3A_340 = vector.broadcast %add3A_339 : i32 to vector<16xi32>
        %add3A_341 = arith.addi %shift_right_arithmetic3A_2, %add3A_340 : vector<16xi32>
        %broadcast_in_dim3A_342 = vector.shape_cast %add3A_341 : vector<16xi32> to vector<16x1xi32>
        %gather3A_343 = vector.shape_cast %broadcast_in_dim3A_342 : vector<16x1xi32> to vector<16xi32>
        %gather3A_344 = tpu.dynamic_gather %add3A_334[%gather3A_343] in [0] : vector<16xi32>, vector<16xi32> -> vector<16xi32>
        %add3A_345 = arith.addi %gather3A_344, %and3A_4 : vector<16xi32>
        %add3A_346 = arith.constant 0 : i32
        %add3A_347 = arith.addi %add3A_346, %mul3A_260 : i32
        %mul3A_348 = arith.constant 2 : i32
        %mul3A_349 = arith.muli %mul3A_348, %add3A_347 : i32
        %swap3A_350 = arith.index_cast %mul3A_349 : i32 to index
        %swap3A_351 = tpu.vector_load %arg15[%swap3A_350] {strides = array<i32>} : memref<16000xi32, #tpu.memory_space<vmem>>, vector<16xi32>,
        %swap3A_352 = vector.shape_cast %swap3A_351 : vector<16xi32> to vector<16xi32>
        %swap3A_353 = vector.shape_cast %add3A_338 : vector<16xi32> to vector<16xi32>
        tpu.vector_store %arg15[%swap3A_350], %swap3A_353 {strides = array<i32>} : memref<16000xi32, #tpu.memory_space<vmem>>, vector<16xi32>,
        %add3A_354 = arith.constant 0 : i32
        %add3A_355 = arith.addi %add3A_354, %mul3A_260 : i32
        %mul3A_356 = arith.constant 2 : i32
        %mul3A_357 = arith.muli %mul3A_356, %add3A_355 : i32
        %add3A_358 = arith.constant 16 : i32
        %add3A_359 = arith.addi %mul3A_357, %add3A_358 : i32
        %swap3A_360 = arith.index_cast %add3A_359 : i32 to index
        %swap3A_361 = tpu.vector_load %arg15[%swap3A_360] {strides = array<i32>} : memref<16000xi32, #tpu.memory_space<vmem>>, vector<16xi32>,
        %swap3A_362 = vector.shape_cast %swap3A_361 : vector<16xi32> to vector<16xi32>
        %swap3A_363 = vector.shape_cast %add3A_345 : vector<16xi32> to vector<16xi32>
        tpu.vector_store %arg15[%swap3A_360], %swap3A_363 {strides = array<i32>} : memref<16000xi32, #tpu.memory_space<vmem>>, vector<16xi32>,
        %add3A_364 = arith.constant 256 : i32
        %add3A_365 = vector.broadcast %add3A_364 : i32 to vector<16xi32>
        %add3A_366 = arith.addi %add3A_331, %add3A_365 : vector<16xi32>
        %broadcast_in_dim3A_367 = vector.shape_cast %shift_right_arithmetic3A_2 : vector<16xi32> to vector<16x1xi32>
        %gather3A_368 = vector.shape_cast %broadcast_in_dim3A_367 : vector<16x1xi32> to vector<16xi32>
        %gather3A_369 = tpu.dynamic_gather %add3A_366[%gather3A_368] in [0] : vector<16xi32>, vector<16xi32> -> vector<16xi32>
        %add3A_370 = arith.addi %gather3A_369, %and3A_4 : vector<16xi32>
        %add3A_371 = arith.constant 8 : i32
        %add3A_372 = vector.broadcast %add3A_371 : i32 to vector<16xi32>
        %add3A_373 = arith.addi %shift_right_arithmetic3A_2, %add3A_372 : vector<16xi32>
        %broadcast_in_dim3A_374 = vector.shape_cast %add3A_373 : vector<16xi32> to vector<16x1xi32>
        %gather3A_375 = vector.shape_cast %broadcast_in_dim3A_374 : vector<16x1xi32> to vector<16xi32>
        %gather3A_376 = tpu.dynamic_gather %add3A_366[%gather3A_375] in [0] : vector<16xi32>, vector<16xi32> -> vector<16xi32>
        %add3A_377 = arith.addi %gather3A_376, %and3A_4 : vector<16xi32>
        %add3A_378 = arith.constant 2000 : i32
        %add3A_379 = arith.addi %add3A_378, %mul3A_260 : i32
        %mul3A_380 = arith.constant 2 : i32
        %mul3A_381 = arith.muli %mul3A_380, %add3A_379 : i32
        %swap3A_382 = arith.index_cast %mul3A_381 : i32 to index
        %swap3A_383 = tpu.vector_load %arg15[%swap3A_382] {strides = array<i32>} : memref<16000xi32, #tpu.memory_space<vmem>>, vector<16xi32>,
        %swap3A_384 = vector.shape_cast %swap3A_383 : vector<16xi32> to vector<16xi32>
        %swap3A_385 = vector.shape_cast %add3A_370 : vector<16xi32> to vector<16xi32>
        tpu.vector_store %arg15[%swap3A_382], %swap3A_385 {strides = array<i32>} : memref<16000xi32, #tpu.memory_space<vmem>>, vector<16xi32>,
        %add3A_386 = arith.constant 2000 : i32
        %add3A_387 = arith.addi %add3A_386, %mul3A_260 : i32
        %mul3A_388 = arith.constant 2 : i32
        %mul3A_389 = arith.muli %mul3A_388, %add3A_387 : i32
        %add3A_390 = arith.constant 16 : i32
        %add3A_391 = arith.addi %mul3A_389, %add3A_390 : i32
        %swap3A_392 = arith.index_cast %add3A_391 : i32 to index
        %swap3A_393 = tpu.vector_load %arg15[%swap3A_392] {strides = array<i32>} : memref<16000xi32, #tpu.memory_space<vmem>>, vector<16xi32>,
        %swap3A_394 = vector.shape_cast %swap3A_393 : vector<16xi32> to vector<16xi32>
        %swap3A_395 = vector.shape_cast %add3A_377 : vector<16xi32> to vector<16xi32>
        tpu.vector_store %arg15[%swap3A_392], %swap3A_395 {strides = array<i32>} : memref<16000xi32, #tpu.memory_space<vmem>>, vector<16xi32>,
        %add3A_396 = arith.constant 65536 : i32
        %add3A_397 = vector.broadcast %add3A_396 : i32 to vector<16xi32>
        %add3A_398 = arith.addi %add3A_331, %add3A_397 : vector<16xi32>
        %broadcast_in_dim3A_399 = vector.shape_cast %shift_right_arithmetic3A_2 : vector<16xi32> to vector<16x1xi32>
        %gather3A_400 = vector.shape_cast %broadcast_in_dim3A_399 : vector<16x1xi32> to vector<16xi32>
        %gather3A_401 = tpu.dynamic_gather %add3A_398[%gather3A_400] in [0] : vector<16xi32>, vector<16xi32> -> vector<16xi32>
        %add3A_402 = arith.addi %gather3A_401, %and3A_4 : vector<16xi32>
        %add3A_403 = arith.constant 8 : i32
        %add3A_404 = vector.broadcast %add3A_403 : i32 to vector<16xi32>
        %add3A_405 = arith.addi %shift_right_arithmetic3A_2, %add3A_404 : vector<16xi32>
        %broadcast_in_dim3A_406 = vector.shape_cast %add3A_405 : vector<16xi32> to vector<16x1xi32>
        %gather3A_407 = vector.shape_cast %broadcast_in_dim3A_406 : vector<16x1xi32> to vector<16xi32>
        %gather3A_408 = tpu.dynamic_gather %add3A_398[%gather3A_407] in [0] : vector<16xi32>, vector<16xi32> -> vector<16xi32>
        %add3A_409 = arith.addi %gather3A_408, %and3A_4 : vector<16xi32>
        %add3A_410 = arith.constant 4000 : i32
        %add3A_411 = arith.addi %add3A_410, %mul3A_260 : i32
        %mul3A_412 = arith.constant 2 : i32
        %mul3A_413 = arith.muli %mul3A_412, %add3A_411 : i32
        %swap3A_414 = arith.index_cast %mul3A_413 : i32 to index
        %swap3A_415 = tpu.vector_load %arg15[%swap3A_414] {strides = array<i32>} : memref<16000xi32, #tpu.memory_space<vmem>>, vector<16xi32>,
        %swap3A_416 = vector.shape_cast %swap3A_415 : vector<16xi32> to vector<16xi32>
        %swap3A_417 = vector.shape_cast %add3A_402 : vector<16xi32> to vector<16xi32>
        tpu.vector_store %arg15[%swap3A_414], %swap3A_417 {strides = array<i32>} : memref<16000xi32, #tpu.memory_space<vmem>>, vector<16xi32>,
        %add3A_418 = arith.constant 4000 : i32
        %add3A_419 = arith.addi %add3A_418, %mul3A_260 : i32
        %mul3A_420 = arith.constant 2 : i32
        %mul3A_421 = arith.muli %mul3A_420, %add3A_419 : i32
        %add3A_422 = arith.constant 16 : i32
        %add3A_423 = arith.addi %mul3A_421, %add3A_422 : i32
        %swap3A_424 = arith.index_cast %add3A_423 : i32 to index
        %swap3A_425 = tpu.vector_load %arg15[%swap3A_424] {strides = array<i32>} : memref<16000xi32, #tpu.memory_space<vmem>>, vector<16xi32>,
        %swap3A_426 = vector.shape_cast %swap3A_425 : vector<16xi32> to vector<16xi32>
        %swap3A_427 = vector.shape_cast %add3A_409 : vector<16xi32> to vector<16xi32>
        tpu.vector_store %arg15[%swap3A_424], %swap3A_427 {strides = array<i32>} : memref<16000xi32, #tpu.memory_space<vmem>>, vector<16xi32>,
        %add3A_428 = arith.constant 65792 : i32
        %add3A_429 = vector.broadcast %add3A_428 : i32 to vector<16xi32>
        %add3A_430 = arith.addi %add3A_331, %add3A_429 : vector<16xi32>
        %broadcast_in_dim3A_431 = vector.shape_cast %shift_right_arithmetic3A_2 : vector<16xi32> to vector<16x1xi32>
        %gather3A_432 = vector.shape_cast %broadcast_in_dim3A_431 : vector<16x1xi32> to vector<16xi32>
        %gather3A_433 = tpu.dynamic_gather %add3A_430[%gather3A_432] in [0] : vector<16xi32>, vector<16xi32> -> vector<16xi32>
        %add3A_434 = arith.addi %gather3A_433, %and3A_4 : vector<16xi32>
        %add3A_435 = arith.constant 8 : i32
        %add3A_436 = vector.broadcast %add3A_435 : i32 to vector<16xi32>
        %add3A_437 = arith.addi %shift_right_arithmetic3A_2, %add3A_436 : vector<16xi32>
        %broadcast_in_dim3A_438 = vector.shape_cast %add3A_437 : vector<16xi32> to vector<16x1xi32>
        %gather3A_439 = vector.shape_cast %broadcast_in_dim3A_438 : vector<16x1xi32> to vector<16xi32>
        %gather3A_440 = tpu.dynamic_gather %add3A_430[%gather3A_439] in [0] : vector<16xi32>, vector<16xi32> -> vector<16xi32>
        %add3A_441 = arith.addi %gather3A_440, %and3A_4 : vector<16xi32>
        %add3A_442 = arith.constant 6000 : i32
        %add3A_443 = arith.addi %add3A_442, %mul3A_260 : i32
        %mul3A_444 = arith.constant 2 : i32
        %mul3A_445 = arith.muli %mul3A_444, %add3A_443 : i32
        %swap3A_446 = arith.index_cast %mul3A_445 : i32 to index
        %swap3A_447 = tpu.vector_load %arg15[%swap3A_446] {strides = array<i32>} : memref<16000xi32, #tpu.memory_space<vmem>>, vector<16xi32>,
        %swap3A_448 = vector.shape_cast %swap3A_447 : vector<16xi32> to vector<16xi32>
        %swap3A_449 = vector.shape_cast %add3A_434 : vector<16xi32> to vector<16xi32>
        tpu.vector_store %arg15[%swap3A_446], %swap3A_449 {strides = array<i32>} : memref<16000xi32, #tpu.memory_space<vmem>>, vector<16xi32>,
        %add3A_450 = arith.constant 6000 : i32
        %add3A_451 = arith.addi %add3A_450, %mul3A_260 : i32
        %mul3A_452 = arith.constant 2 : i32
        %mul3A_453 = arith.muli %mul3A_452, %add3A_451 : i32
        %add3A_454 = arith.constant 16 : i32
        %add3A_455 = arith.addi %mul3A_453, %add3A_454 : i32
        %swap3A_456 = arith.index_cast %add3A_455 : i32 to index
        %swap3A_457 = tpu.vector_load %arg15[%swap3A_456] {strides = array<i32>} : memref<16000xi32, #tpu.memory_space<vmem>>, vector<16xi32>,
        %swap3A_458 = vector.shape_cast %swap3A_457 : vector<16xi32> to vector<16xi32>
        %swap3A_459 = vector.shape_cast %add3A_441 : vector<16xi32> to vector<16xi32>
        tpu.vector_store %arg15[%swap3A_456], %swap3A_459 {strides = array<i32>} : memref<16000xi32, #tpu.memory_space<vmem>>, vector<16xi32>,
        %scan3A_460 = arith.constant 0 : i32
        %scan3A_461 = arith.constant 1 : i32
        %scan3A_462 = arith.addi %scan3A_257, %scan3A_461 : i32
        %mul3A_463 = arith.constant 16 : i32
        %mul3A_464 = arith.muli %mul3A_463, %scan3A_462 : i32
        %get3A_465 = arith.index_cast %mul3A_464 : i32 to index
        %get3A_466 = tpu.vector_load %arg7[%get3A_465] {strides = array<i32>} : memref<2000xf32, #tpu.memory_space<vmem>>, vector<16xf32>,
        %get3A_467 = vector.shape_cast %get3A_466 : vector<16xf32> to vector<16xf32>
        %add3A_468 = arith.constant 1.000000e+00 : f32
        %add3A_469 = vector.broadcast %add3A_468 : f32 to vector<16xf32>
        %add3A_470 = arith.addf %get3A_467, %add3A_469 : vector<16xf32>
        %mul3A_471 = arith.constant 5.000000e-01 : f32
        %mul3A_472 = vector.broadcast %mul3A_471 : f32 to vector<16xf32>
        %mul3A_473 = arith.mulf %add3A_470, %mul3A_472 : vector<16xf32>
        %mul3A_474 = arith.constant 2.550000e+02 : f32
        %mul3A_475 = vector.broadcast %mul3A_474 : f32 to vector<16xf32>
        %mul3A_476 = arith.mulf %mul3A_473, %mul3A_475 : vector<16xf32>
        %convert_element_type3A_477 = arith.fptosi %mul3A_476 : vector<16xf32> to vector<16xi32>
        %convert_element_type3A_478 = arith.sitofp %convert_element_type3A_477 : vector<16xi32> to vector<16xf32>
        %sub3A_479 = arith.subf %mul3A_476, %convert_element_type3A_478 : vector<16xf32>
        %add3A_480 = arith.constant 0 : i32
        %add3A_481 = arith.addi %add3A_480, %mul3A_464 : i32
        %swap3A_482 = arith.index_cast %add3A_481 : i32 to index
        %swap3A_483 = tpu.vector_load %arg13[%swap3A_482] {strides = array<i32>} : memref<6000xf32, #tpu.memory_space<vmem>>, vector<16xf32>,
        %swap3A_484 = vector.shape_cast %swap3A_483 : vector<16xf32> to vector<16xf32>
        %swap3A_485 = vector.shape_cast %sub3A_479 : vector<16xf32> to vector<16xf32>
        tpu.vector_store %arg13[%swap3A_482], %swap3A_485 {strides = array<i32>} : memref<6000xf32, #tpu.memory_space<vmem>>, vector<16xf32>,
        %get3A_486 = arith.index_cast %mul3A_464 : i32 to index
        %get3A_487 = tpu.vector_load %arg8[%get3A_486] {strides = array<i32>} : memref<2000xf32, #tpu.memory_space<vmem>>, vector<16xf32>,
        %get3A_488 = vector.shape_cast %get3A_487 : vector<16xf32> to vector<16xf32>
        %add3A_489 = arith.constant 1.000000e+00 : f32
        %add3A_490 = vector.broadcast %add3A_489 : f32 to vector<16xf32>
        %add3A_491 = arith.addf %get3A_488, %add3A_490 : vector<16xf32>
        %mul3A_492 = arith.constant 5.000000e-01 : f32
        %mul3A_493 = vector.broadcast %mul3A_492 : f32 to vector<16xf32>
        %mul3A_494 = arith.mulf %add3A_491, %mul3A_493 : vector<16xf32>
        %mul3A_495 = arith.constant 2.550000e+02 : f32
        %mul3A_496 = vector.broadcast %mul3A_495 : f32 to vector<16xf32>
        %mul3A_497 = arith.mulf %mul3A_494, %mul3A_496 : vector<16xf32>
        %convert_element_type3A_498 = arith.fptosi %mul3A_497 : vector<16xf32> to vector<16xi32>
        %convert_element_type3A_499 = arith.sitofp %convert_element_type3A_498 : vector<16xi32> to vector<16xf32>
        %sub3A_500 = arith.subf %mul3A_497, %convert_element_type3A_499 : vector<16xf32>
        %add3A_501 = arith.constant 2000 : i32
        %add3A_502 = arith.addi %add3A_501, %mul3A_464 : i32
        %swap3A_503 = arith.index_cast %add3A_502 : i32 to index
        %swap3A_504 = tpu.vector_load %arg13[%swap3A_503] {strides = array<i32>} : memref<6000xf32, #tpu.memory_space<vmem>>, vector<16xf32>,
        %swap3A_505 = vector.shape_cast %swap3A_504 : vector<16xf32> to vector<16xf32>
        %swap3A_506 = vector.shape_cast %sub3A_500 : vector<16xf32> to vector<16xf32>
        tpu.vector_store %arg13[%swap3A_503], %swap3A_506 {strides = array<i32>} : memref<6000xf32, #tpu.memory_space<vmem>>, vector<16xf32>,
        %get3A_507 = arith.index_cast %mul3A_464 : i32 to index
        %get3A_508 = tpu.vector_load %arg9[%get3A_507] {strides = array<i32>} : memref<2000xf32, #tpu.memory_space<vmem>>, vector<16xf32>,
        %get3A_509 = vector.shape_cast %get3A_508 : vector<16xf32> to vector<16xf32>
        %add3A_510 = arith.constant 1.000000e+00 : f32
        %add3A_511 = vector.broadcast %add3A_510 : f32 to vector<16xf32>
        %add3A_512 = arith.addf %get3A_509, %add3A_511 : vector<16xf32>
        %mul3A_513 = arith.constant 5.000000e-01 : f32
        %mul3A_514 = vector.broadcast %mul3A_513 : f32 to vector<16xf32>
        %mul3A_515 = arith.mulf %add3A_512, %mul3A_514 : vector<16xf32>
        %mul3A_516 = arith.constant 2.550000e+02 : f32
        %mul3A_517 = vector.broadcast %mul3A_516 : f32 to vector<16xf32>
        %mul3A_518 = arith.mulf %mul3A_515, %mul3A_517 : vector<16xf32>
        %convert_element_type3A_519 = arith.fptosi %mul3A_518 : vector<16xf32> to vector<16xi32>
        %convert_element_type3A_520 = arith.sitofp %convert_element_type3A_519 : vector<16xi32> to vector<16xf32>
        %sub3A_521 = arith.subf %mul3A_518, %convert_element_type3A_520 : vector<16xf32>
        %add3A_522 = arith.constant 4000 : i32
        %add3A_523 = arith.addi %add3A_522, %mul3A_464 : i32
        %swap3A_524 = arith.index_cast %add3A_523 : i32 to index
        %swap3A_525 = tpu.vector_load %arg13[%swap3A_524] {strides = array<i32>} : memref<6000xf32, #tpu.memory_space<vmem>>, vector<16xf32>,
        %swap3A_526 = vector.shape_cast %swap3A_525 : vector<16xf32> to vector<16xf32>
        %swap3A_527 = vector.shape_cast %sub3A_521 : vector<16xf32> to vector<16xf32>
        tpu.vector_store %arg13[%swap3A_524], %swap3A_527 {strides = array<i32>} : memref<6000xf32, #tpu.memory_space<vmem>>, vector<16xf32>,
        %mul3A_528 = arith.constant 256 : i32
        %mul3A_529 = vector.broadcast %mul3A_528 : i32 to vector<16xi32>
        %mul3A_530 = arith.muli %convert_element_type3A_477, %mul3A_529 : vector<16xi32>
        %add3A_531 = arith.addi %mul3A_530, %convert_element_type3A_498 : vector<16xi32>
        %mul3A_532 = arith.constant 256 : i32
        %mul3A_533 = vector.broadcast %mul3A_532 : i32 to vector<16xi32>
        %mul3A_534 = arith.muli %add3A_531, %mul3A_533 : vector<16xi32>
        %add3A_535 = arith.addi %mul3A_534, %convert_element_type3A_519 : vector<16xi32>
        %add3A_536 = arith.constant 0 : i32
        %add3A_537 = vector.broadcast %add3A_536 : i32 to vector<16xi32>
        %add3A_538 = arith.addi %add3A_535, %add3A_537 : vector<16xi32>
        %broadcast_in_dim3A_539 = vector.shape_cast %shift_right_arithmetic3A_2 : vector<16xi32> to vector<16x1xi32>
        %gather3A_540 = vector.shape_cast %broadcast_in_dim3A_539 : vector<16x1xi32> to vector<16xi32>
        %gather3A_541 = tpu.dynamic_gather %add3A_538[%gather3A_540] in [0] : vector<16xi32>, vector<16xi32> -> vector<16xi32>
        %add3A_542 = arith.addi %gather3A_541, %and3A_4 : vector<16xi32>
        %add3A_543 = arith.constant 8 : i32
        %add3A_544 = vector.broadcast %add3A_543 : i32 to vector<16xi32>
        %add3A_545 = arith.addi %shift_right_arithmetic3A_2, %add3A_544 : vector<16xi32>
        %broadcast_in_dim3A_546 = vector.shape_cast %add3A_545 : vector<16xi32> to vector<16x1xi32>
        %gather3A_547 = vector.shape_cast %broadcast_in_dim3A_546 : vector<16x1xi32> to vector<16xi32>
        %gather3A_548 = tpu.dynamic_gather %add3A_538[%gather3A_547] in [0] : vector<16xi32>, vector<16xi32> -> vector<16xi32>
        %add3A_549 = arith.addi %gather3A_548, %and3A_4 : vector<16xi32>
        %add3A_550 = arith.constant 0 : i32
        %add3A_551 = arith.addi %add3A_550, %mul3A_464 : i32
        %mul3A_552 = arith.constant 2 : i32
        %mul3A_553 = arith.muli %mul3A_552, %add3A_551 : i32
        %swap3A_554 = arith.index_cast %mul3A_553 : i32 to index
        %swap3A_555 = tpu.vector_load %arg15[%swap3A_554] {strides = array<i32>} : memref<16000xi32, #tpu.memory_space<vmem>>, vector<16xi32>,
        %swap3A_556 = vector.shape_cast %swap3A_555 : vector<16xi32> to vector<16xi32>
        %swap3A_557 = vector.shape_cast %add3A_542 : vector<16xi32> to vector<16xi32>
        tpu.vector_store %arg15[%swap3A_554], %swap3A_557 {strides = array<i32>} : memref<16000xi32, #tpu.memory_space<vmem>>, vector<16xi32>,
        %add3A_558 = arith.constant 0 : i32
        %add3A_559 = arith.addi %add3A_558, %mul3A_464 : i32
        %mul3A_560 = arith.constant 2 : i32
        %mul3A_561 = arith.muli %mul3A_560, %add3A_559 : i32
        %add3A_562 = arith.constant 16 : i32
        %add3A_563 = arith.addi %mul3A_561, %add3A_562 : i32
        %swap3A_564 = arith.index_cast %add3A_563 : i32 to index
        %swap3A_565 = tpu.vector_load %arg15[%swap3A_564] {strides = array<i32>} : memref<16000xi32, #tpu.memory_space<vmem>>, vector<16xi32>,
        %swap3A_566 = vector.shape_cast %swap3A_565 : vector<16xi32> to vector<16xi32>
        %swap3A_567 = vector.shape_cast %add3A_549 : vector<16xi32> to vector<16xi32>
        tpu.vector_store %arg15[%swap3A_564], %swap3A_567 {strides = array<i32>} : memref<16000xi32, #tpu.memory_space<vmem>>, vector<16xi32>,
        %add3A_568 = arith.constant 256 : i32
        %add3A_569 = vector.broadcast %add3A_568 : i32 to vector<16xi32>
        %add3A_570 = arith.addi %add3A_535, %add3A_569 : vector<16xi32>
        %broadcast_in_dim3A_571 = vector.shape_cast %shift_right_arithmetic3A_2 : vector<16xi32> to vector<16x1xi32>
        %gather3A_572 = vector.shape_cast %broadcast_in_dim3A_571 : vector<16x1xi32> to vector<16xi32>
        %gather3A_573 = tpu.dynamic_gather %add3A_570[%gather3A_572] in [0] : vector<16xi32>, vector<16xi32> -> vector<16xi32>
        %add3A_574 = arith.addi %gather3A_573, %and3A_4 : vector<16xi32>
        %add3A_575 = arith.constant 8 : i32
        %add3A_576 = vector.broadcast %add3A_575 : i32 to vector<16xi32>
        %add3A_577 = arith.addi %shift_right_arithmetic3A_2, %add3A_576 : vector<16xi32>
        %broadcast_in_dim3A_578 = vector.shape_cast %add3A_577 : vector<16xi32> to vector<16x1xi32>
        %gather3A_579 = vector.shape_cast %broadcast_in_dim3A_578 : vector<16x1xi32> to vector<16xi32>
        %gather3A_580 = tpu.dynamic_gather %add3A_570[%gather3A_579] in [0] : vector<16xi32>, vector<16xi32> -> vector<16xi32>
        %add3A_581 = arith.addi %gather3A_580, %and3A_4 : vector<16xi32>
        %add3A_582 = arith.constant 2000 : i32
        %add3A_583 = arith.addi %add3A_582, %mul3A_464 : i32
        %mul3A_584 = arith.constant 2 : i32
        %mul3A_585 = arith.muli %mul3A_584, %add3A_583 : i32
        %swap3A_586 = arith.index_cast %mul3A_585 : i32 to index
        %swap3A_587 = tpu.vector_load %arg15[%swap3A_586] {strides = array<i32>} : memref<16000xi32, #tpu.memory_space<vmem>>, vector<16xi32>,
        %swap3A_588 = vector.shape_cast %swap3A_587 : vector<16xi32> to vector<16xi32>
        %swap3A_589 = vector.shape_cast %add3A_574 : vector<16xi32> to vector<16xi32>
        tpu.vector_store %arg15[%swap3A_586], %swap3A_589 {strides = array<i32>} : memref<16000xi32, #tpu.memory_space<vmem>>, vector<16xi32>,
        %add3A_590 = arith.constant 2000 : i32
        %add3A_591 = arith.addi %add3A_590, %mul3A_464 : i32
        %mul3A_592 = arith.constant 2 : i32
        %mul3A_593 = arith.muli %mul3A_592, %add3A_591 : i32
        %add3A_594 = arith.constant 16 : i32
        %add3A_595 = arith.addi %mul3A_593, %add3A_594 : i32
        %swap3A_596 = arith.index_cast %add3A_595 : i32 to index
        %swap3A_597 = tpu.vector_load %arg15[%swap3A_596] {strides = array<i32>} : memref<16000xi32, #tpu.memory_space<vmem>>, vector<16xi32>,
        %swap3A_598 = vector.shape_cast %swap3A_597 : vector<16xi32> to vector<16xi32>
        %swap3A_599 = vector.shape_cast %add3A_581 : vector<16xi32> to vector<16xi32>
        tpu.vector_store %arg15[%swap3A_596], %swap3A_599 {strides = array<i32>} : memref<16000xi32, #tpu.memory_space<vmem>>, vector<16xi32>,
        %add3A_600 = arith.constant 65536 : i32
        %add3A_601 = vector.broadcast %add3A_600 : i32 to vector<16xi32>
        %add3A_602 = arith.addi %add3A_535, %add3A_601 : vector<16xi32>
        %broadcast_in_dim3A_603 = vector.shape_cast %shift_right_arithmetic3A_2 : vector<16xi32> to vector<16x1xi32>
        %gather3A_604 = vector.shape_cast %broadcast_in_dim3A_603 : vector<16x1xi32> to vector<16xi32>
        %gather3A_605 = tpu.dynamic_gather %add3A_602[%gather3A_604] in [0] : vector<16xi32>, vector<16xi32> -> vector<16xi32>
        %add3A_606 = arith.addi %gather3A_605, %and3A_4 : vector<16xi32>
        %add3A_607 = arith.constant 8 : i32
        %add3A_608 = vector.broadcast %add3A_607 : i32 to vector<16xi32>
        %add3A_609 = arith.addi %shift_right_arithmetic3A_2, %add3A_608 : vector<16xi32>
        %broadcast_in_dim3A_610 = vector.shape_cast %add3A_609 : vector<16xi32> to vector<16x1xi32>
        %gather3A_611 = vector.shape_cast %broadcast_in_dim3A_610 : vector<16x1xi32> to vector<16xi32>
        %gather3A_612 = tpu.dynamic_gather %add3A_602[%gather3A_611] in [0] : vector<16xi32>, vector<16xi32> -> vector<16xi32>
        %add3A_613 = arith.addi %gather3A_612, %and3A_4 : vector<16xi32>
        %add3A_614 = arith.constant 4000 : i32
        %add3A_615 = arith.addi %add3A_614, %mul3A_464 : i32
        %mul3A_616 = arith.constant 2 : i32
        %mul3A_617 = arith.muli %mul3A_616, %add3A_615 : i32
        %swap3A_618 = arith.index_cast %mul3A_617 : i32 to index
        %swap3A_619 = tpu.vector_load %arg15[%swap3A_618] {strides = array<i32>} : memref<16000xi32, #tpu.memory_space<vmem>>, vector<16xi32>,
        %swap3A_620 = vector.shape_cast %swap3A_619 : vector<16xi32> to vector<16xi32>
        %swap3A_621 = vector.shape_cast %add3A_606 : vector<16xi32> to vector<16xi32>
        tpu.vector_store %arg15[%swap3A_618], %swap3A_621 {strides = array<i32>} : memref<16000xi32, #tpu.memory_space<vmem>>, vector<16xi32>,
        %add3A_622 = arith.constant 4000 : i32
        %add3A_623 = arith.addi %add3A_622, %mul3A_464 : i32
        %mul3A_624 = arith.constant 2 : i32
        %mul3A_625 = arith.muli %mul3A_624, %add3A_623 : i32
        %add3A_626 = arith.constant 16 : i32
        %add3A_627 = arith.addi %mul3A_625, %add3A_626 : i32
        %swap3A_628 = arith.index_cast %add3A_627 : i32 to index
        %swap3A_629 = tpu.vector_load %arg15[%swap3A_628] {strides = array<i32>} : memref<16000xi32, #tpu.memory_space<vmem>>, vector<16xi32>,
        %swap3A_630 = vector.shape_cast %swap3A_629 : vector<16xi32> to vector<16xi32>
        %swap3A_631 = vector.shape_cast %add3A_613 : vector<16xi32> to vector<16xi32>
        tpu.vector_store %arg15[%swap3A_628], %swap3A_631 {strides = array<i32>} : memref<16000xi32, #tpu.memory_space<vmem>>, vector<16xi32>,
        %add3A_632 = arith.constant 65792 : i32
        %add3A_633 = vector.broadcast %add3A_632 : i32 to vector<16xi32>
        %add3A_634 = arith.addi %add3A_535, %add3A_633 : vector<16xi32>
        %broadcast_in_dim3A_635 = vector.shape_cast %shift_right_arithmetic3A_2 : vector<16xi32> to vector<16x1xi32>
        %gather3A_636 = vector.shape_cast %broadcast_in_dim3A_635 : vector<16x1xi32> to vector<16xi32>
        %gather3A_637 = tpu.dynamic_gather %add3A_634[%gather3A_636] in [0] : vector<16xi32>, vector<16xi32> -> vector<16xi32>
        %add3A_638 = arith.addi %gather3A_637, %and3A_4 : vector<16xi32>
        %add3A_639 = arith.constant 8 : i32
        %add3A_640 = vector.broadcast %add3A_639 : i32 to vector<16xi32>
        %add3A_641 = arith.addi %shift_right_arithmetic3A_2, %add3A_640 : vector<16xi32>
        %broadcast_in_dim3A_642 = vector.shape_cast %add3A_641 : vector<16xi32> to vector<16x1xi32>
        %gather3A_643 = vector.shape_cast %broadcast_in_dim3A_642 : vector<16x1xi32> to vector<16xi32>
        %gather3A_644 = tpu.dynamic_gather %add3A_634[%gather3A_643] in [0] : vector<16xi32>, vector<16xi32> -> vector<16xi32>
        %add3A_645 = arith.addi %gather3A_644, %and3A_4 : vector<16xi32>
        %add3A_646 = arith.constant 6000 : i32
        %add3A_647 = arith.addi %add3A_646, %mul3A_464 : i32
        %mul3A_648 = arith.constant 2 : i32
        %mul3A_649 = arith.muli %mul3A_648, %add3A_647 : i32
        %swap3A_650 = arith.index_cast %mul3A_649 : i32 to index
        %swap3A_651 = tpu.vector_load %arg15[%swap3A_650] {strides = array<i32>} : memref<16000xi32, #tpu.memory_space<vmem>>, vector<16xi32>,
        %swap3A_652 = vector.shape_cast %swap3A_651 : vector<16xi32> to vector<16xi32>
        %swap3A_653 = vector.shape_cast %add3A_638 : vector<16xi32> to vector<16xi32>
        tpu.vector_store %arg15[%swap3A_650], %swap3A_653 {strides = array<i32>} : memref<16000xi32, #tpu.memory_space<vmem>>, vector<16xi32>,
        %add3A_654 = arith.constant 6000 : i32
        %add3A_655 = arith.addi %add3A_654, %mul3A_464 : i32
        %mul3A_656 = arith.constant 2 : i32
        %mul3A_657 = arith.muli %mul3A_656, %add3A_655 : i32
        %add3A_658 = arith.constant 16 : i32
        %add3A_659 = arith.addi %mul3A_657, %add3A_658 : i32
        %swap3A_660 = arith.index_cast %add3A_659 : i32 to index
        %swap3A_661 = tpu.vector_load %arg15[%swap3A_660] {strides = array<i32>} : memref<16000xi32, #tpu.memory_space<vmem>>, vector<16xi32>,
        %swap3A_662 = vector.shape_cast %swap3A_661 : vector<16xi32> to vector<16xi32>
        %swap3A_663 = vector.shape_cast %add3A_645 : vector<16xi32> to vector<16xi32>
        tpu.vector_store %arg15[%swap3A_660], %swap3A_663 {strides = array<i32>} : memref<16000xi32, #tpu.memory_space<vmem>>, vector<16xi32>,
        %scan3A_664 = arith.constant 0 : i32
        scf.yield %scan3A_664 : i32
      }
      %scan3A_56 = arith.constant 124 : i32
      %scan3A_57 = arith.addi %scan3A_51, %scan3A_56 : i32
      %mul3A_58 = arith.constant 16 : i32
      %mul3A_59 = arith.muli %mul3A_58, %scan3A_57 : i32
      %get3A = arith.index_cast %mul3A_59 : i32 to index
      %get3A_60 = tpu.vector_load %arg7[%get3A] {strides = array<i32>} : memref<2000xf32, #tpu.memory_space<vmem>>, vector<16xf32>,
      %get3A_61 = vector.shape_cast %get3A_60 : vector<16xf32> to vector<16xf32>
      %add3A_62 = arith.constant 1.000000e+00 : f32
      %add3A_63 = vector.broadcast %add3A_62 : f32 to vector<16xf32>
      %add3A_64 = arith.addf %get3A_61, %add3A_63 : vector<16xf32>
      %mul3A_65 = arith.constant 5.000000e-01 : f32
      %mul3A_66 = vector.broadcast %mul3A_65 : f32 to vector<16xf32>
      %mul3A_67 = arith.mulf %add3A_64, %mul3A_66 : vector<16xf32>
      %mul3A_68 = arith.constant 2.550000e+02 : f32
      %mul3A_69 = vector.broadcast %mul3A_68 : f32 to vector<16xf32>
      %mul3A_70 = arith.mulf %mul3A_67, %mul3A_69 : vector<16xf32>
      %convert_element_type3A_71 = arith.fptosi %mul3A_70 : vector<16xf32> to vector<16xi32>
      %convert_element_type3A_72 = arith.sitofp %convert_element_type3A_71 : vector<16xi32> to vector<16xf32>
      %sub3A = arith.subf %mul3A_70, %convert_element_type3A_72 : vector<16xf32>
      %add3A_73 = arith.constant 0 : i32
      %add3A_74 = arith.addi %add3A_73, %mul3A_59 : i32
      %swap3A = arith.index_cast %add3A_74 : i32 to index
      %swap3A_75 = tpu.vector_load %arg13[%swap3A] {strides = array<i32>} : memref<6000xf32, #tpu.memory_space<vmem>>, vector<16xf32>,
      %swap3A_76 = vector.shape_cast %swap3A_75 : vector<16xf32> to vector<16xf32>
      %swap3A_77 = vector.shape_cast %sub3A : vector<16xf32> to vector<16xf32>
      tpu.vector_store %arg13[%swap3A], %swap3A_77 {strides = array<i32>} : memref<6000xf32, #tpu.memory_space<vmem>>, vector<16xf32>,
      %get3A_78 = arith.index_cast %mul3A_59 : i32 to index
      %get3A_79 = tpu.vector_load %arg8[%get3A_78] {strides = array<i32>} : memref<2000xf32, #tpu.memory_space<vmem>>, vector<16xf32>,
      %get3A_80 = vector.shape_cast %get3A_79 : vector<16xf32> to vector<16xf32>
      %add3A_81 = arith.constant 1.000000e+00 : f32
      %add3A_82 = vector.broadcast %add3A_81 : f32 to vector<16xf32>
      %add3A_83 = arith.addf %get3A_80, %add3A_82 : vector<16xf32>
      %mul3A_84 = arith.constant 5.000000e-01 : f32
      %mul3A_85 = vector.broadcast %mul3A_84 : f32 to vector<16xf32>
      %mul3A_86 = arith.mulf %add3A_83, %mul3A_85 : vector<16xf32>
      %mul3A_87 = arith.constant 2.550000e+02 : f32
      %mul3A_88 = vector.broadcast %mul3A_87 : f32 to vector<16xf32>
      %mul3A_89 = arith.mulf %mul3A_86, %mul3A_88 : vector<16xf32>
      %convert_element_type3A_90 = arith.fptosi %mul3A_89 : vector<16xf32> to vector<16xi32>
      %convert_element_type3A_91 = arith.sitofp %convert_element_type3A_90 : vector<16xi32> to vector<16xf32>
      %sub3A_92 = arith.subf %mul3A_89, %convert_element_type3A_91 : vector<16xf32>
      %add3A_93 = arith.constant 2000 : i32
      %add3A_94 = arith.addi %add3A_93, %mul3A_59 : i32
      %swap3A_95 = arith.index_cast %add3A_94 : i32 to index
      %swap3A_96 = tpu.vector_load %arg13[%swap3A_95] {strides = array<i32>} : memref<6000xf32, #tpu.memory_space<vmem>>, vector<16xf32>,
      %swap3A_97 = vector.shape_cast %swap3A_96 : vector<16xf32> to vector<16xf32>
      %swap3A_98 = vector.shape_cast %sub3A_92 : vector<16xf32> to vector<16xf32>
      tpu.vector_store %arg13[%swap3A_95], %swap3A_98 {strides = array<i32>} : memref<6000xf32, #tpu.memory_space<vmem>>, vector<16xf32>,
      %get3A_99 = arith.index_cast %mul3A_59 : i32 to index
      %get3A_100 = tpu.vector_load %arg9[%get3A_99] {strides = array<i32>} : memref<2000xf32, #tpu.memory_space<vmem>>, vector<16xf32>,
      %get3A_101 = vector.shape_cast %get3A_100 : vector<16xf32> to vector<16xf32>
      %add3A_102 = arith.constant 1.000000e+00 : f32
      %add3A_103 = vector.broadcast %add3A_102 : f32 to vector<16xf32>
      %add3A_104 = arith.addf %get3A_101, %add3A_103 : vector<16xf32>
      %mul3A_105 = arith.constant 5.000000e-01 : f32
      %mul3A_106 = vector.broadcast %mul3A_105 : f32 to vector<16xf32>
      %mul3A_107 = arith.mulf %add3A_104, %mul3A_106 : vector<16xf32>
      %mul3A_108 = arith.constant 2.550000e+02 : f32
      %mul3A_109 = vector.broadcast %mul3A_108 : f32 to vector<16xf32>
      %mul3A_110 = arith.mulf %mul3A_107, %mul3A_109 : vector<16xf32>
      %convert_element_type3A_111 = arith.fptosi %mul3A_110 : vector<16xf32> to vector<16xi32>
      %convert_element_type3A_112 = arith.sitofp %convert_element_type3A_111 : vector<16xi32> to vector<16xf32>
      %sub3A_113 = arith.subf %mul3A_110, %convert_element_type3A_112 : vector<16xf32>
      %add3A_114 = arith.constant 4000 : i32
      %add3A_115 = arith.addi %add3A_114, %mul3A_59 : i32
      %swap3A_116 = arith.index_cast %add3A_115 : i32 to index
      %swap3A_117 = tpu.vector_load %arg13[%swap3A_116] {strides = array<i32>} : memref<6000xf32, #tpu.memory_space<vmem>>, vector<16xf32>,
      %swap3A_118 = vector.shape_cast %swap3A_117 : vector<16xf32> to vector<16xf32>
      %swap3A_119 = vector.shape_cast %sub3A_113 : vector<16xf32> to vector<16xf32>
      tpu.vector_store %arg13[%swap3A_116], %swap3A_119 {strides = array<i32>} : memref<6000xf32, #tpu.memory_space<vmem>>, vector<16xf32>,
      %mul3A_120 = arith.constant 256 : i32
      %mul3A_121 = vector.broadcast %mul3A_120 : i32 to vector<16xi32>
      %mul3A_122 = arith.muli %convert_element_type3A_71, %mul3A_121 : vector<16xi32>
      %add3A_123 = arith.addi %mul3A_122, %convert_element_type3A_90 : vector<16xi32>
      %mul3A_124 = arith.constant 256 : i32
      %mul3A_125 = vector.broadcast %mul3A_124 : i32 to vector<16xi32>
      %mul3A_126 = arith.muli %add3A_123, %mul3A_125 : vector<16xi32>
      %add3A_127 = arith.addi %mul3A_126, %convert_element_type3A_111 : vector<16xi32>
      %add3A_128 = arith.constant 0 : i32
      %add3A_129 = vector.broadcast %add3A_128 : i32 to vector<16xi32>
      %add3A_130 = arith.addi %add3A_127, %add3A_129 : vector<16xi32>
      %broadcast_in_dim3A = vector.shape_cast %shift_right_arithmetic3A_2 : vector<16xi32> to vector<16x1xi32>
      %gather3A = vector.shape_cast %broadcast_in_dim3A : vector<16x1xi32> to vector<16xi32>
      %gather3A_131 = tpu.dynamic_gather %add3A_130[%gather3A] in [0] : vector<16xi32>, vector<16xi32> -> vector<16xi32>
      %add3A_132 = arith.addi %gather3A_131, %and3A_4 : vector<16xi32>
      %add3A_133 = arith.constant 8 : i32
      %add3A_134 = vector.broadcast %add3A_133 : i32 to vector<16xi32>
      %add3A_135 = arith.addi %shift_right_arithmetic3A_2, %add3A_134 : vector<16xi32>
      %broadcast_in_dim3A_136 = vector.shape_cast %add3A_135 : vector<16xi32> to vector<16x1xi32>
      %gather3A_137 = vector.shape_cast %broadcast_in_dim3A_136 : vector<16x1xi32> to vector<16xi32>
      %gather3A_138 = tpu.dynamic_gather %add3A_130[%gather3A_137] in [0] : vector<16xi32>, vector<16xi32> -> vector<16xi32>
      %add3A_139 = arith.addi %gather3A_138, %and3A_4 : vector<16xi32>
      %add3A_140 = arith.constant 0 : i32
      %add3A_141 = arith.addi %add3A_140, %mul3A_59 : i32
      %mul3A_142 = arith.constant 2 : i32
      %mul3A_143 = arith.muli %mul3A_142, %add3A_141 : i32
      %swap3A_144 = arith.index_cast %mul3A_143 : i32 to index
      %swap3A_145 = tpu.vector_load %arg15[%swap3A_144] {strides = array<i32>} : memref<16000xi32, #tpu.memory_space<vmem>>, vector<16xi32>,
      %swap3A_146 = vector.shape_cast %swap3A_145 : vector<16xi32> to vector<16xi32>
      %swap3A_147 = vector.shape_cast %add3A_132 : vector<16xi32> to vector<16xi32>
      tpu.vector_store %arg15[%swap3A_144], %swap3A_147 {strides = array<i32>} : memref<16000xi32, #tpu.memory_space<vmem>>, vector<16xi32>,
      %add3A_148 = arith.constant 0 : i32
      %add3A_149 = arith.addi %add3A_148, %mul3A_59 : i32
      %mul3A_150 = arith.constant 2 : i32
      %mul3A_151 = arith.muli %mul3A_150, %add3A_149 : i32
      %add3A_152 = arith.constant 16 : i32
      %add3A_153 = arith.addi %mul3A_151, %add3A_152 : i32
      %swap3A_154 = arith.index_cast %add3A_153 : i32 to index
      %swap3A_155 = tpu.vector_load %arg15[%swap3A_154] {strides = array<i32>} : memref<16000xi32, #tpu.memory_space<vmem>>, vector<16xi32>,
      %swap3A_156 = vector.shape_cast %swap3A_155 : vector<16xi32> to vector<16xi32>
      %swap3A_157 = vector.shape_cast %add3A_139 : vector<16xi32> to vector<16xi32>
      tpu.vector_store %arg15[%swap3A_154], %swap3A_157 {strides = array<i32>} : memref<16000xi32, #tpu.memory_space<vmem>>, vector<16xi32>,
      %add3A_158 = arith.constant 256 : i32
      %add3A_159 = vector.broadcast %add3A_158 : i32 to vector<16xi32>
      %add3A_160 = arith.addi %add3A_127, %add3A_159 : vector<16xi32>
      %broadcast_in_dim3A_161 = vector.shape_cast %shift_right_arithmetic3A_2 : vector<16xi32> to vector<16x1xi32>
      %gather3A_162 = vector.shape_cast %broadcast_in_dim3A_161 : vector<16x1xi32> to vector<16xi32>
      %gather3A_163 = tpu.dynamic_gather %add3A_160[%gather3A_162] in [0] : vector<16xi32>, vector<16xi32> -> vector<16xi32>
      %add3A_164 = arith.addi %gather3A_163, %and3A_4 : vector<16xi32>
      %add3A_165 = arith.constant 8 : i32
      %add3A_166 = vector.broadcast %add3A_165 : i32 to vector<16xi32>
      %add3A_167 = arith.addi %shift_right_arithmetic3A_2, %add3A_166 : vector<16xi32>
      %broadcast_in_dim3A_168 = vector.shape_cast %add3A_167 : vector<16xi32> to vector<16x1xi32>
      %gather3A_169 = vector.shape_cast %broadcast_in_dim3A_168 : vector<16x1xi32> to vector<16xi32>
      %gather3A_170 = tpu.dynamic_gather %add3A_160[%gather3A_169] in [0] : vector<16xi32>, vector<16xi32> -> vector<16xi32>
      %add3A_171 = arith.addi %gather3A_170, %and3A_4 : vector<16xi32>
      %add3A_172 = arith.constant 2000 : i32
      %add3A_173 = arith.addi %add3A_172, %mul3A_59 : i32
      %mul3A_174 = arith.constant 2 : i32
      %mul3A_175 = arith.muli %mul3A_174, %add3A_173 : i32
      %swap3A_176 = arith.index_cast %mul3A_175 : i32 to index
      %swap3A_177 = tpu.vector_load %arg15[%swap3A_176] {strides = array<i32>} : memref<16000xi32, #tpu.memory_space<vmem>>, vector<16xi32>,
      %swap3A_178 = vector.shape_cast %swap3A_177 : vector<16xi32> to vector<16xi32>
      %swap3A_179 = vector.shape_cast %add3A_164 : vector<16xi32> to vector<16xi32>
      tpu.vector_store %arg15[%swap3A_176], %swap3A_179 {strides = array<i32>} : memref<16000xi32, #tpu.memory_space<vmem>>, vector<16xi32>,
      %add3A_180 = arith.constant 2000 : i32
      %add3A_181 = arith.addi %add3A_180, %mul3A_59 : i32
      %mul3A_182 = arith.constant 2 : i32
      %mul3A_183 = arith.muli %mul3A_182, %add3A_181 : i32
      %add3A_184 = arith.constant 16 : i32
      %add3A_185 = arith.addi %mul3A_183, %add3A_184 : i32
      %swap3A_186 = arith.index_cast %add3A_185 : i32 to index
      %swap3A_187 = tpu.vector_load %arg15[%swap3A_186] {strides = array<i32>} : memref<16000xi32, #tpu.memory_space<vmem>>, vector<16xi32>,
      %swap3A_188 = vector.shape_cast %swap3A_187 : vector<16xi32> to vector<16xi32>
      %swap3A_189 = vector.shape_cast %add3A_171 : vector<16xi32> to vector<16xi32>
      tpu.vector_store %arg15[%swap3A_186], %swap3A_189 {strides = array<i32>} : memref<16000xi32, #tpu.memory_space<vmem>>, vector<16xi32>,
      %add3A_190 = arith.constant 65536 : i32
      %add3A_191 = vector.broadcast %add3A_190 : i32 to vector<16xi32>
      %add3A_192 = arith.addi %add3A_127, %add3A_191 : vector<16xi32>
      %broadcast_in_dim3A_193 = vector.shape_cast %shift_right_arithmetic3A_2 : vector<16xi32> to vector<16x1xi32>
      %gather3A_194 = vector.shape_cast %broadcast_in_dim3A_193 : vector<16x1xi32> to vector<16xi32>
      %gather3A_195 = tpu.dynamic_gather %add3A_192[%gather3A_194] in [0] : vector<16xi32>, vector<16xi32> -> vector<16xi32>
      %add3A_196 = arith.addi %gather3A_195, %and3A_4 : vector<16xi32>
      %add3A_197 = arith.constant 8 : i32
      %add3A_198 = vector.broadcast %add3A_197 : i32 to vector<16xi32>
      %add3A_199 = arith.addi %shift_right_arithmetic3A_2, %add3A_198 : vector<16xi32>
      %broadcast_in_dim3A_200 = vector.shape_cast %add3A_199 : vector<16xi32> to vector<16x1xi32>
      %gather3A_201 = vector.shape_cast %broadcast_in_dim3A_200 : vector<16x1xi32> to vector<16xi32>
      %gather3A_202 = tpu.dynamic_gather %add3A_192[%gather3A_201] in [0] : vector<16xi32>, vector<16xi32> -> vector<16xi32>
      %add3A_203 = arith.addi %gather3A_202, %and3A_4 : vector<16xi32>
      %add3A_204 = arith.constant 4000 : i32
      %add3A_205 = arith.addi %add3A_204, %mul3A_59 : i32
      %mul3A_206 = arith.constant 2 : i32
      %mul3A_207 = arith.muli %mul3A_206, %add3A_205 : i32
      %swap3A_208 = arith.index_cast %mul3A_207 : i32 to index
      %swap3A_209 = tpu.vector_load %arg15[%swap3A_208] {strides = array<i32>} : memref<16000xi32, #tpu.memory_space<vmem>>, vector<16xi32>,
      %swap3A_210 = vector.shape_cast %swap3A_209 : vector<16xi32> to vector<16xi32>
      %swap3A_211 = vector.shape_cast %add3A_196 : vector<16xi32> to vector<16xi32>
      tpu.vector_store %arg15[%swap3A_208], %swap3A_211 {strides = array<i32>} : memref<16000xi32, #tpu.memory_space<vmem>>, vector<16xi32>,
      %add3A_212 = arith.constant 4000 : i32
      %add3A_213 = arith.addi %add3A_212, %mul3A_59 : i32
      %mul3A_214 = arith.constant 2 : i32
      %mul3A_215 = arith.muli %mul3A_214, %add3A_213 : i32
      %add3A_216 = arith.constant 16 : i32
      %add3A_217 = arith.addi %mul3A_215, %add3A_216 : i32
      %swap3A_218 = arith.index_cast %add3A_217 : i32 to index
      %swap3A_219 = tpu.vector_load %arg15[%swap3A_218] {strides = array<i32>} : memref<16000xi32, #tpu.memory_space<vmem>>, vector<16xi32>,
      %swap3A_220 = vector.shape_cast %swap3A_219 : vector<16xi32> to vector<16xi32>
      %swap3A_221 = vector.shape_cast %add3A_203 : vector<16xi32> to vector<16xi32>
      tpu.vector_store %arg15[%swap3A_218], %swap3A_221 {strides = array<i32>} : memref<16000xi32, #tpu.memory_space<vmem>>, vector<16xi32>,
      %add3A_222 = arith.constant 65792 : i32
      %add3A_223 = vector.broadcast %add3A_222 : i32 to vector<16xi32>
      %add3A_224 = arith.addi %add3A_127, %add3A_223 : vector<16xi32>
      %broadcast_in_dim3A_225 = vector.shape_cast %shift_right_arithmetic3A_2 : vector<16xi32> to vector<16x1xi32>
      %gather3A_226 = vector.shape_cast %broadcast_in_dim3A_225 : vector<16x1xi32> to vector<16xi32>
      %gather3A_227 = tpu.dynamic_gather %add3A_224[%gather3A_226] in [0] : vector<16xi32>, vector<16xi32> -> vector<16xi32>
      %add3A_228 = arith.addi %gather3A_227, %and3A_4 : vector<16xi32>
      %add3A_229 = arith.constant 8 : i32
      %add3A_230 = vector.broadcast %add3A_229 : i32 to vector<16xi32>
      %add3A_231 = arith.addi %shift_right_arithmetic3A_2, %add3A_230 : vector<16xi32>
      %broadcast_in_dim3A_232 = vector.shape_cast %add3A_231 : vector<16xi32> to vector<16x1xi32>
      %gather3A_233 = vector.shape_cast %broadcast_in_dim3A_232 : vector<16x1xi32> to vector<16xi32>
      %gather3A_234 = tpu.dynamic_gather %add3A_224[%gather3A_233] in [0] : vector<16xi32>, vector<16xi32> -> vector<16xi32>
      %add3A_235 = arith.addi %gather3A_234, %and3A_4 : vector<16xi32>
      %add3A_236 = arith.constant 6000 : i32
      %add3A_237 = arith.addi %add3A_236, %mul3A_59 : i32
      %mul3A_238 = arith.constant 2 : i32
      %mul3A_239 = arith.muli %mul3A_238, %add3A_237 : i32
      %swap3A_240 = arith.index_cast %mul3A_239 : i32 to index
      %swap3A_241 = tpu.vector_load %arg15[%swap3A_240] {strides = array<i32>} : memref<16000xi32, #tpu.memory_space<vmem>>, vector<16xi32>,
      %swap3A_242 = vector.shape_cast %swap3A_241 : vector<16xi32> to vector<16xi32>
      %swap3A_243 = vector.shape_cast %add3A_228 : vector<16xi32> to vector<16xi32>
      tpu.vector_store %arg15[%swap3A_240], %swap3A_243 {strides = array<i32>} : memref<16000xi32, #tpu.memory_space<vmem>>, vector<16xi32>,
      %add3A_244 = arith.constant 6000 : i32
      %add3A_245 = arith.addi %add3A_244, %mul3A_59 : i32
      %mul3A_246 = arith.constant 2 : i32
      %mul3A_247 = arith.muli %mul3A_246, %add3A_245 : i32
      %add3A_248 = arith.constant 16 : i32
      %add3A_249 = arith.addi %mul3A_247, %add3A_248 : i32
      %swap3A_250 = arith.index_cast %add3A_249 : i32 to index
      %swap3A_251 = tpu.vector_load %arg15[%swap3A_250] {strides = array<i32>} : memref<16000xi32, #tpu.memory_space<vmem>>, vector<16xi32>,
      %swap3A_252 = vector.shape_cast %swap3A_251 : vector<16xi32> to vector<16xi32>
      %swap3A_253 = vector.shape_cast %add3A_235 : vector<16xi32> to vector<16xi32>
      tpu.vector_store %arg15[%swap3A_250], %swap3A_253 {strides = array<i32>} : memref<16000xi32, #tpu.memory_space<vmem>>, vector<16xi32>,
      %scan3A_254 = arith.constant 0 : i32
      %scan3A_255 = arith.constant 125 : i32
      %dma_start3A = arith.constant 0 : i32
      %dma_start3A_256 = tpu.memref_slice %arg5[%dma_start3A] : memref<16777216xf32, #tpu.memory_space<hbm>> -> memref<16777216xf32, #tpu.memory_space<hbm>>
      tpu.enqueue_indirect_dma source(%dma_start3A_256 : memref<16777216xf32, #tpu.memory_space<hbm>>) target(%arg17 : memref<16000xf32, #tpu.memory_space<vmem>>) offsets(%arg15 : memref<16000xi32, #tpu.memory_space<vmem>>) semaphore(%arg21 : memref<!tpu.dma_semaphore, #tpu.memory_space<semaphore_mem>>)
    } else {
    }
    %scan3A = arith.constant 0 : i32
    %scan3A_37 = arith.constant 0 : i32
    %scan3A_38 = arith.constant 8 : i32
    %scan3A_39 = arith.addi %scan3A_37, %scan3A_38 : i32
    %scan3A_40 = arith.constant 1 : i32
    %scan3A_41 = scf.for %scan3A_43 = %scan3A_37 to %scan3A_39 step %scan3A_40 iter_args(%scan3A_44 = %scan3A) -> (i32)  : i32 {
      %mul3A_45 = arith.constant 2 : i32
      %mul3A_46 = arith.muli %mul3A_45, %scan3A_43 : i32
      %mul3A_47 = arith.constant 32 : i32
      %mul3A_48 = arith.muli %mul3A_46, %mul3A_47 : i32
      %add3A_49 = arith.addi %add3A, %mul3A_48 : i32
      %add3A_50 = arith.constant 64 : i32
      %add3A_51 = arith.addi %add3A_49, %add3A_50 : i32
      %lt3A_52 = arith.constant 500 : i32
      %lt3A_53 = arith.cmpi slt, %add3A_51, %lt3A_52 : i32
      %convert_element_type3A_54 = arith.extui %lt3A_53 : i1 to i32
      %cond3A_55 = arith.constant 0 : i32
      %cond3A_56 = arith.cmpi ne, %convert_element_type3A_54, %cond3A_55 : i32
      scf.if %cond3A_56 {
        %mul3A_91 = arith.constant 2000 : i32
        %mul3A_92 = arith.muli %add3A_51, %mul3A_91 : i32
        %dma_start3A = tpu.memref_slice %arg2[%mul3A_92] : memref<1000000xf32, #tpu.memory_space<hbm>> -> memref<2000xf32, #tpu.memory_space<hbm>>
        %dma_start3A_93 = tpu.memref_slice %arg2[%mul3A_92] : memref<1000000xf32, #tpu.memory_space<hbm>> -> memref<2000xf32, #tpu.memory_space<hbm>>
        tpu.enqueue_dma source(%dma_start3A_93 : memref<2000xf32, #tpu.memory_space<hbm>>) target(%arg7 : memref<2000xf32, #tpu.memory_space<vmem>>) target_semaphore(%arg23 : memref<!tpu.dma_semaphore, #tpu.memory_space<semaphore_mem>>)
        %dma_start3A_94 = tpu.memref_slice %arg3[%mul3A_92] : memref<1000000xf32, #tpu.memory_space<hbm>> -> memref<2000xf32, #tpu.memory_space<hbm>>
        %dma_start3A_95 = tpu.memref_slice %arg3[%mul3A_92] : memref<1000000xf32, #tpu.memory_space<hbm>> -> memref<2000xf32, #tpu.memory_space<hbm>>
        tpu.enqueue_dma source(%dma_start3A_95 : memref<2000xf32, #tpu.memory_space<hbm>>) target(%arg8 : memref<2000xf32, #tpu.memory_space<vmem>>) target_semaphore(%arg23 : memref<!tpu.dma_semaphore, #tpu.memory_space<semaphore_mem>>)
        %dma_start3A_96 = tpu.memref_slice %arg4[%mul3A_92] : memref<1000000xf32, #tpu.memory_space<hbm>> -> memref<2000xf32, #tpu.memory_space<hbm>>
        %dma_start3A_97 = tpu.memref_slice %arg4[%mul3A_92] : memref<1000000xf32, #tpu.memory_space<hbm>> -> memref<2000xf32, #tpu.memory_space<hbm>>
        tpu.enqueue_dma source(%dma_start3A_97 : memref<2000xf32, #tpu.memory_space<hbm>>) target(%arg9 : memref<2000xf32, #tpu.memory_space<vmem>>) target_semaphore(%arg23 : memref<!tpu.dma_semaphore, #tpu.memory_space<semaphore_mem>>)
      } else {
      }
      %add3A_57 = arith.constant 32 : i32
      %add3A_58 = arith.addi %add3A_49, %add3A_57 : i32
      %lt3A_59 = arith.constant 500 : i32
      %lt3A_60 = arith.cmpi slt, %add3A_58, %lt3A_59 : i32
      %convert_element_type3A_61 = arith.extui %lt3A_60 : i1 to i32
      %cond3A_62 = arith.constant 0 : i32
      %cond3A_63 = arith.cmpi ne, %convert_element_type3A_61, %cond3A_62 : i32
      scf.if %cond3A_63 {
        %mul3A_91 = arith.constant 2000 : i32
        %mul3A_92 = arith.muli %add3A_58, %mul3A_91 : i32
        %dma_wait3A = tpu.memref_slice %arg2[%mul3A_92] : memref<1000000xf32, #tpu.memory_space<hbm>> -> memref<2000xf32, #tpu.memory_space<hbm>>
        %dma_wait3A_93 = tpu.memref_slice %arg2[%mul3A_92] : memref<1000000xf32, #tpu.memory_space<hbm>> -> memref<2000xf32, #tpu.memory_space<hbm>>
        tpu.wait_dma2 semaphore(%arg24 : memref<!tpu.dma_semaphore, #tpu.memory_space<semaphore_mem>>) src(%dma_wait3A_93 : memref<2000xf32, #tpu.memory_space<hbm>>) dst(%arg10 : memref<2000xf32, #tpu.memory_space<vmem>>)
        %dma_wait3A_94 = tpu.memref_slice %arg3[%mul3A_92] : memref<1000000xf32, #tpu.memory_space<hbm>> -> memref<2000xf32, #tpu.memory_space<hbm>>
        %dma_wait3A_95 = tpu.memref_slice %arg3[%mul3A_92] : memref<1000000xf32, #tpu.memory_space<hbm>> -> memref<2000xf32, #tpu.memory_space<hbm>>
        tpu.wait_dma2 semaphore(%arg24 : memref<!tpu.dma_semaphore, #tpu.memory_space<semaphore_mem>>) src(%dma_wait3A_95 : memref<2000xf32, #tpu.memory_space<hbm>>) dst(%arg11 : memref<2000xf32, #tpu.memory_space<vmem>>)
        %dma_wait3A_96 = tpu.memref_slice %arg4[%mul3A_92] : memref<1000000xf32, #tpu.memory_space<hbm>> -> memref<2000xf32, #tpu.memory_space<hbm>>
        %dma_wait3A_97 = tpu.memref_slice %arg4[%mul3A_92] : memref<1000000xf32, #tpu.memory_space<hbm>> -> memref<2000xf32, #tpu.memory_space<hbm>>
        tpu.wait_dma2 semaphore(%arg24 : memref<!tpu.dma_semaphore, #tpu.memory_space<semaphore_mem>>) src(%dma_wait3A_97 : memref<2000xf32, #tpu.memory_space<hbm>>) dst(%arg12 : memref<2000xf32, #tpu.memory_space<vmem>>)
        %scan3A_98 = arith.constant 0 : i32
        %scan3A_99 = arith.constant 0 : i32
        %scan3A_100 = arith.constant 124 : i32
        %scan3A_101 = arith.addi %scan3A_99, %scan3A_100 : i32
        %scan3A_102 = arith.constant 2 : i32
        %scan3A_103 = scf.for %scan3A_305 = %scan3A_99 to %scan3A_101 step %scan3A_102 iter_args(%scan3A_306 = %scan3A_98) -> (i32)  : i32 {
          %mul3A_307 = arith.constant 16 : i32
          %mul3A_308 = arith.muli %mul3A_307, %scan3A_305 : i32
          %get3A_309 = arith.index_cast %mul3A_308 : i32 to index
          %get3A_310 = tpu.vector_load %arg10[%get3A_309] {strides = array<i32>} : memref<2000xf32, #tpu.memory_space<vmem>>, vector<16xf32>,
          %get3A_311 = vector.shape_cast %get3A_310 : vector<16xf32> to vector<16xf32>
          %add3A_312 = arith.constant 1.000000e+00 : f32
          %add3A_313 = vector.broadcast %add3A_312 : f32 to vector<16xf32>
          %add3A_314 = arith.addf %get3A_311, %add3A_313 : vector<16xf32>
          %mul3A_315 = arith.constant 5.000000e-01 : f32
          %mul3A_316 = vector.broadcast %mul3A_315 : f32 to vector<16xf32>
          %mul3A_317 = arith.mulf %add3A_314, %mul3A_316 : vector<16xf32>
          %mul3A_318 = arith.constant 2.550000e+02 : f32
          %mul3A_319 = vector.broadcast %mul3A_318 : f32 to vector<16xf32>
          %mul3A_320 = arith.mulf %mul3A_317, %mul3A_319 : vector<16xf32>
          %convert_element_type3A_321 = arith.fptosi %mul3A_320 : vector<16xf32> to vector<16xi32>
          %convert_element_type3A_322 = arith.sitofp %convert_element_type3A_321 : vector<16xi32> to vector<16xf32>
          %sub3A_323 = arith.subf %mul3A_320, %convert_element_type3A_322 : vector<16xf32>
          %add3A_324 = arith.constant 0 : i32
          %add3A_325 = arith.addi %add3A_324, %mul3A_308 : i32
          %swap3A_326 = arith.index_cast %add3A_325 : i32 to index
          %swap3A_327 = tpu.vector_load %arg14[%swap3A_326] {strides = array<i32>} : memref<6000xf32, #tpu.memory_space<vmem>>, vector<16xf32>,
          %swap3A_328 = vector.shape_cast %swap3A_327 : vector<16xf32> to vector<16xf32>
          %swap3A_329 = vector.shape_cast %sub3A_323 : vector<16xf32> to vector<16xf32>
          tpu.vector_store %arg14[%swap3A_326], %swap3A_329 {strides = array<i32>} : memref<6000xf32, #tpu.memory_space<vmem>>, vector<16xf32>,
          %get3A_330 = arith.index_cast %mul3A_308 : i32 to index
          %get3A_331 = tpu.vector_load %arg11[%get3A_330] {strides = array<i32>} : memref<2000xf32, #tpu.memory_space<vmem>>, vector<16xf32>,
          %get3A_332 = vector.shape_cast %get3A_331 : vector<16xf32> to vector<16xf32>
          %add3A_333 = arith.constant 1.000000e+00 : f32
          %add3A_334 = vector.broadcast %add3A_333 : f32 to vector<16xf32>
          %add3A_335 = arith.addf %get3A_332, %add3A_334 : vector<16xf32>
          %mul3A_336 = arith.constant 5.000000e-01 : f32
          %mul3A_337 = vector.broadcast %mul3A_336 : f32 to vector<16xf32>
          %mul3A_338 = arith.mulf %add3A_335, %mul3A_337 : vector<16xf32>
          %mul3A_339 = arith.constant 2.550000e+02 : f32
          %mul3A_340 = vector.broadcast %mul3A_339 : f32 to vector<16xf32>
          %mul3A_341 = arith.mulf %mul3A_338, %mul3A_340 : vector<16xf32>
          %convert_element_type3A_342 = arith.fptosi %mul3A_341 : vector<16xf32> to vector<16xi32>
          %convert_element_type3A_343 = arith.sitofp %convert_element_type3A_342 : vector<16xi32> to vector<16xf32>
          %sub3A_344 = arith.subf %mul3A_341, %convert_element_type3A_343 : vector<16xf32>
          %add3A_345 = arith.constant 2000 : i32
          %add3A_346 = arith.addi %add3A_345, %mul3A_308 : i32
          %swap3A_347 = arith.index_cast %add3A_346 : i32 to index
          %swap3A_348 = tpu.vector_load %arg14[%swap3A_347] {strides = array<i32>} : memref<6000xf32, #tpu.memory_space<vmem>>, vector<16xf32>,
          %swap3A_349 = vector.shape_cast %swap3A_348 : vector<16xf32> to vector<16xf32>
          %swap3A_350 = vector.shape_cast %sub3A_344 : vector<16xf32> to vector<16xf32>
          tpu.vector_store %arg14[%swap3A_347], %swap3A_350 {strides = array<i32>} : memref<6000xf32, #tpu.memory_space<vmem>>, vector<16xf32>,
          %get3A_351 = arith.index_cast %mul3A_308 : i32 to index
          %get3A_352 = tpu.vector_load %arg12[%get3A_351] {strides = array<i32>} : memref<2000xf32, #tpu.memory_space<vmem>>, vector<16xf32>,
          %get3A_353 = vector.shape_cast %get3A_352 : vector<16xf32> to vector<16xf32>
          %add3A_354 = arith.constant 1.000000e+00 : f32
          %add3A_355 = vector.broadcast %add3A_354 : f32 to vector<16xf32>
          %add3A_356 = arith.addf %get3A_353, %add3A_355 : vector<16xf32>
          %mul3A_357 = arith.constant 5.000000e-01 : f32
          %mul3A_358 = vector.broadcast %mul3A_357 : f32 to vector<16xf32>
          %mul3A_359 = arith.mulf %add3A_356, %mul3A_358 : vector<16xf32>
          %mul3A_360 = arith.constant 2.550000e+02 : f32
          %mul3A_361 = vector.broadcast %mul3A_360 : f32 to vector<16xf32>
          %mul3A_362 = arith.mulf %mul3A_359, %mul3A_361 : vector<16xf32>
          %convert_element_type3A_363 = arith.fptosi %mul3A_362 : vector<16xf32> to vector<16xi32>
          %convert_element_type3A_364 = arith.sitofp %convert_element_type3A_363 : vector<16xi32> to vector<16xf32>
          %sub3A_365 = arith.subf %mul3A_362, %convert_element_type3A_364 : vector<16xf32>
          %add3A_366 = arith.constant 4000 : i32
          %add3A_367 = arith.addi %add3A_366, %mul3A_308 : i32
          %swap3A_368 = arith.index_cast %add3A_367 : i32 to index
          %swap3A_369 = tpu.vector_load %arg14[%swap3A_368] {strides = array<i32>} : memref<6000xf32, #tpu.memory_space<vmem>>, vector<16xf32>,
          %swap3A_370 = vector.shape_cast %swap3A_369 : vector<16xf32> to vector<16xf32>
          %swap3A_371 = vector.shape_cast %sub3A_365 : vector<16xf32> to vector<16xf32>
          tpu.vector_store %arg14[%swap3A_368], %swap3A_371 {strides = array<i32>} : memref<6000xf32, #tpu.memory_space<vmem>>, vector<16xf32>,
          %mul3A_372 = arith.constant 256 : i32
          %mul3A_373 = vector.broadcast %mul3A_372 : i32 to vector<16xi32>
          %mul3A_374 = arith.muli %convert_element_type3A_321, %mul3A_373 : vector<16xi32>
          %add3A_375 = arith.addi %mul3A_374, %convert_element_type3A_342 : vector<16xi32>
          %mul3A_376 = arith.constant 256 : i32
          %mul3A_377 = vector.broadcast %mul3A_376 : i32 to vector<16xi32>
          %mul3A_378 = arith.muli %add3A_375, %mul3A_377 : vector<16xi32>
          %add3A_379 = arith.addi %mul3A_378, %convert_element_type3A_363 : vector<16xi32>
          %add3A_380 = arith.constant 0 : i32
          %add3A_381 = vector.broadcast %add3A_380 : i32 to vector<16xi32>
          %add3A_382 = arith.addi %add3A_379, %add3A_381 : vector<16xi32>
          %broadcast_in_dim3A_383 = vector.shape_cast %shift_right_arithmetic3A_2 : vector<16xi32> to vector<16x1xi32>
          %gather3A_384 = vector.shape_cast %broadcast_in_dim3A_383 : vector<16x1xi32> to vector<16xi32>
          %gather3A_385 = tpu.dynamic_gather %add3A_382[%gather3A_384] in [0] : vector<16xi32>, vector<16xi32> -> vector<16xi32>
          %add3A_386 = arith.addi %gather3A_385, %and3A_4 : vector<16xi32>
          %add3A_387 = arith.constant 8 : i32
          %add3A_388 = vector.broadcast %add3A_387 : i32 to vector<16xi32>
          %add3A_389 = arith.addi %shift_right_arithmetic3A_2, %add3A_388 : vector<16xi32>
          %broadcast_in_dim3A_390 = vector.shape_cast %add3A_389 : vector<16xi32> to vector<16x1xi32>
          %gather3A_391 = vector.shape_cast %broadcast_in_dim3A_390 : vector<16x1xi32> to vector<16xi32>
          %gather3A_392 = tpu.dynamic_gather %add3A_382[%gather3A_391] in [0] : vector<16xi32>, vector<16xi32> -> vector<16xi32>
          %add3A_393 = arith.addi %gather3A_392, %and3A_4 : vector<16xi32>
          %add3A_394 = arith.constant 0 : i32
          %add3A_395 = arith.addi %add3A_394, %mul3A_308 : i32
          %mul3A_396 = arith.constant 2 : i32
          %mul3A_397 = arith.muli %mul3A_396, %add3A_395 : i32
          %swap3A_398 = arith.index_cast %mul3A_397 : i32 to index
          %swap3A_399 = tpu.vector_load %arg16[%swap3A_398] {strides = array<i32>} : memref<16000xi32, #tpu.memory_space<vmem>>, vector<16xi32>,
          %swap3A_400 = vector.shape_cast %swap3A_399 : vector<16xi32> to vector<16xi32>
          %swap3A_401 = vector.shape_cast %add3A_386 : vector<16xi32> to vector<16xi32>
          tpu.vector_store %arg16[%swap3A_398], %swap3A_401 {strides = array<i32>} : memref<16000xi32, #tpu.memory_space<vmem>>, vector<16xi32>,
          %add3A_402 = arith.constant 0 : i32
          %add3A_403 = arith.addi %add3A_402, %mul3A_308 : i32
          %mul3A_404 = arith.constant 2 : i32
          %mul3A_405 = arith.muli %mul3A_404, %add3A_403 : i32
          %add3A_406 = arith.constant 16 : i32
          %add3A_407 = arith.addi %mul3A_405, %add3A_406 : i32
          %swap3A_408 = arith.index_cast %add3A_407 : i32 to index
          %swap3A_409 = tpu.vector_load %arg16[%swap3A_408] {strides = array<i32>} : memref<16000xi32, #tpu.memory_space<vmem>>, vector<16xi32>,
          %swap3A_410 = vector.shape_cast %swap3A_409 : vector<16xi32> to vector<16xi32>
          %swap3A_411 = vector.shape_cast %add3A_393 : vector<16xi32> to vector<16xi32>
          tpu.vector_store %arg16[%swap3A_408], %swap3A_411 {strides = array<i32>} : memref<16000xi32, #tpu.memory_space<vmem>>, vector<16xi32>,
          %add3A_412 = arith.constant 256 : i32
          %add3A_413 = vector.broadcast %add3A_412 : i32 to vector<16xi32>
          %add3A_414 = arith.addi %add3A_379, %add3A_413 : vector<16xi32>
          %broadcast_in_dim3A_415 = vector.shape_cast %shift_right_arithmetic3A_2 : vector<16xi32> to vector<16x1xi32>
          %gather3A_416 = vector.shape_cast %broadcast_in_dim3A_415 : vector<16x1xi32> to vector<16xi32>
          %gather3A_417 = tpu.dynamic_gather %add3A_414[%gather3A_416] in [0] : vector<16xi32>, vector<16xi32> -> vector<16xi32>
          %add3A_418 = arith.addi %gather3A_417, %and3A_4 : vector<16xi32>
          %add3A_419 = arith.constant 8 : i32
          %add3A_420 = vector.broadcast %add3A_419 : i32 to vector<16xi32>
          %add3A_421 = arith.addi %shift_right_arithmetic3A_2, %add3A_420 : vector<16xi32>
          %broadcast_in_dim3A_422 = vector.shape_cast %add3A_421 : vector<16xi32> to vector<16x1xi32>
          %gather3A_423 = vector.shape_cast %broadcast_in_dim3A_422 : vector<16x1xi32> to vector<16xi32>
          %gather3A_424 = tpu.dynamic_gather %add3A_414[%gather3A_423] in [0] : vector<16xi32>, vector<16xi32> -> vector<16xi32>
          %add3A_425 = arith.addi %gather3A_424, %and3A_4 : vector<16xi32>
          %add3A_426 = arith.constant 2000 : i32
          %add3A_427 = arith.addi %add3A_426, %mul3A_308 : i32
          %mul3A_428 = arith.constant 2 : i32
          %mul3A_429 = arith.muli %mul3A_428, %add3A_427 : i32
          %swap3A_430 = arith.index_cast %mul3A_429 : i32 to index
          %swap3A_431 = tpu.vector_load %arg16[%swap3A_430] {strides = array<i32>} : memref<16000xi32, #tpu.memory_space<vmem>>, vector<16xi32>,
          %swap3A_432 = vector.shape_cast %swap3A_431 : vector<16xi32> to vector<16xi32>
          %swap3A_433 = vector.shape_cast %add3A_418 : vector<16xi32> to vector<16xi32>
          tpu.vector_store %arg16[%swap3A_430], %swap3A_433 {strides = array<i32>} : memref<16000xi32, #tpu.memory_space<vmem>>, vector<16xi32>,
          %add3A_434 = arith.constant 2000 : i32
          %add3A_435 = arith.addi %add3A_434, %mul3A_308 : i32
          %mul3A_436 = arith.constant 2 : i32
          %mul3A_437 = arith.muli %mul3A_436, %add3A_435 : i32
          %add3A_438 = arith.constant 16 : i32
          %add3A_439 = arith.addi %mul3A_437, %add3A_438 : i32
          %swap3A_440 = arith.index_cast %add3A_439 : i32 to index
          %swap3A_441 = tpu.vector_load %arg16[%swap3A_440] {strides = array<i32>} : memref<16000xi32, #tpu.memory_space<vmem>>, vector<16xi32>,
          %swap3A_442 = vector.shape_cast %swap3A_441 : vector<16xi32> to vector<16xi32>
          %swap3A_443 = vector.shape_cast %add3A_425 : vector<16xi32> to vector<16xi32>
          tpu.vector_store %arg16[%swap3A_440], %swap3A_443 {strides = array<i32>} : memref<16000xi32, #tpu.memory_space<vmem>>, vector<16xi32>,
          %add3A_444 = arith.constant 65536 : i32
          %add3A_445 = vector.broadcast %add3A_444 : i32 to vector<16xi32>
          %add3A_446 = arith.addi %add3A_379, %add3A_445 : vector<16xi32>
          %broadcast_in_dim3A_447 = vector.shape_cast %shift_right_arithmetic3A_2 : vector<16xi32> to vector<16x1xi32>
          %gather3A_448 = vector.shape_cast %broadcast_in_dim3A_447 : vector<16x1xi32> to vector<16xi32>
          %gather3A_449 = tpu.dynamic_gather %add3A_446[%gather3A_448] in [0] : vector<16xi32>, vector<16xi32> -> vector<16xi32>
          %add3A_450 = arith.addi %gather3A_449, %and3A_4 : vector<16xi32>
          %add3A_451 = arith.constant 8 : i32
          %add3A_452 = vector.broadcast %add3A_451 : i32 to vector<16xi32>
          %add3A_453 = arith.addi %shift_right_arithmetic3A_2, %add3A_452 : vector<16xi32>
          %broadcast_in_dim3A_454 = vector.shape_cast %add3A_453 : vector<16xi32> to vector<16x1xi32>
          %gather3A_455 = vector.shape_cast %broadcast_in_dim3A_454 : vector<16x1xi32> to vector<16xi32>
          %gather3A_456 = tpu.dynamic_gather %add3A_446[%gather3A_455] in [0] : vector<16xi32>, vector<16xi32> -> vector<16xi32>
          %add3A_457 = arith.addi %gather3A_456, %and3A_4 : vector<16xi32>
          %add3A_458 = arith.constant 4000 : i32
          %add3A_459 = arith.addi %add3A_458, %mul3A_308 : i32
          %mul3A_460 = arith.constant 2 : i32
          %mul3A_461 = arith.muli %mul3A_460, %add3A_459 : i32
          %swap3A_462 = arith.index_cast %mul3A_461 : i32 to index
          %swap3A_463 = tpu.vector_load %arg16[%swap3A_462] {strides = array<i32>} : memref<16000xi32, #tpu.memory_space<vmem>>, vector<16xi32>,
          %swap3A_464 = vector.shape_cast %swap3A_463 : vector<16xi32> to vector<16xi32>
          %swap3A_465 = vector.shape_cast %add3A_450 : vector<16xi32> to vector<16xi32>
          tpu.vector_store %arg16[%swap3A_462], %swap3A_465 {strides = array<i32>} : memref<16000xi32, #tpu.memory_space<vmem>>, vector<16xi32>,
          %add3A_466 = arith.constant 4000 : i32
          %add3A_467 = arith.addi %add3A_466, %mul3A_308 : i32
          %mul3A_468 = arith.constant 2 : i32
          %mul3A_469 = arith.muli %mul3A_468, %add3A_467 : i32
          %add3A_470 = arith.constant 16 : i32
          %add3A_471 = arith.addi %mul3A_469, %add3A_470 : i32
          %swap3A_472 = arith.index_cast %add3A_471 : i32 to index
          %swap3A_473 = tpu.vector_load %arg16[%swap3A_472] {strides = array<i32>} : memref<16000xi32, #tpu.memory_space<vmem>>, vector<16xi32>,
          %swap3A_474 = vector.shape_cast %swap3A_473 : vector<16xi32> to vector<16xi32>
          %swap3A_475 = vector.shape_cast %add3A_457 : vector<16xi32> to vector<16xi32>
          tpu.vector_store %arg16[%swap3A_472], %swap3A_475 {strides = array<i32>} : memref<16000xi32, #tpu.memory_space<vmem>>, vector<16xi32>,
          %add3A_476 = arith.constant 65792 : i32
          %add3A_477 = vector.broadcast %add3A_476 : i32 to vector<16xi32>
          %add3A_478 = arith.addi %add3A_379, %add3A_477 : vector<16xi32>
          %broadcast_in_dim3A_479 = vector.shape_cast %shift_right_arithmetic3A_2 : vector<16xi32> to vector<16x1xi32>
          %gather3A_480 = vector.shape_cast %broadcast_in_dim3A_479 : vector<16x1xi32> to vector<16xi32>
          %gather3A_481 = tpu.dynamic_gather %add3A_478[%gather3A_480] in [0] : vector<16xi32>, vector<16xi32> -> vector<16xi32>
          %add3A_482 = arith.addi %gather3A_481, %and3A_4 : vector<16xi32>
          %add3A_483 = arith.constant 8 : i32
          %add3A_484 = vector.broadcast %add3A_483 : i32 to vector<16xi32>
          %add3A_485 = arith.addi %shift_right_arithmetic3A_2, %add3A_484 : vector<16xi32>
          %broadcast_in_dim3A_486 = vector.shape_cast %add3A_485 : vector<16xi32> to vector<16x1xi32>
          %gather3A_487 = vector.shape_cast %broadcast_in_dim3A_486 : vector<16x1xi32> to vector<16xi32>
          %gather3A_488 = tpu.dynamic_gather %add3A_478[%gather3A_487] in [0] : vector<16xi32>, vector<16xi32> -> vector<16xi32>
          %add3A_489 = arith.addi %gather3A_488, %and3A_4 : vector<16xi32>
          %add3A_490 = arith.constant 6000 : i32
          %add3A_491 = arith.addi %add3A_490, %mul3A_308 : i32
          %mul3A_492 = arith.constant 2 : i32
          %mul3A_493 = arith.muli %mul3A_492, %add3A_491 : i32
          %swap3A_494 = arith.index_cast %mul3A_493 : i32 to index
          %swap3A_495 = tpu.vector_load %arg16[%swap3A_494] {strides = array<i32>} : memref<16000xi32, #tpu.memory_space<vmem>>, vector<16xi32>,
          %swap3A_496 = vector.shape_cast %swap3A_495 : vector<16xi32> to vector<16xi32>
          %swap3A_497 = vector.shape_cast %add3A_482 : vector<16xi32> to vector<16xi32>
          tpu.vector_store %arg16[%swap3A_494], %swap3A_497 {strides = array<i32>} : memref<16000xi32, #tpu.memory_space<vmem>>, vector<16xi32>,
          %add3A_498 = arith.constant 6000 : i32
          %add3A_499 = arith.addi %add3A_498, %mul3A_308 : i32
          %mul3A_500 = arith.constant 2 : i32
          %mul3A_501 = arith.muli %mul3A_500, %add3A_499 : i32
          %add3A_502 = arith.constant 16 : i32
          %add3A_503 = arith.addi %mul3A_501, %add3A_502 : i32
          %swap3A_504 = arith.index_cast %add3A_503 : i32 to index
          %swap3A_505 = tpu.vector_load %arg16[%swap3A_504] {strides = array<i32>} : memref<16000xi32, #tpu.memory_space<vmem>>, vector<16xi32>,
          %swap3A_506 = vector.shape_cast %swap3A_505 : vector<16xi32> to vector<16xi32>
          %swap3A_507 = vector.shape_cast %add3A_489 : vector<16xi32> to vector<16xi32>
          tpu.vector_store %arg16[%swap3A_504], %swap3A_507 {strides = array<i32>} : memref<16000xi32, #tpu.memory_space<vmem>>, vector<16xi32>,
          %scan3A_508 = arith.constant 0 : i32
          %scan3A_509 = arith.constant 1 : i32
          %scan3A_510 = arith.addi %scan3A_305, %scan3A_509 : i32
          %mul3A_511 = arith.constant 16 : i32
          %mul3A_512 = arith.muli %mul3A_511, %scan3A_510 : i32
          %get3A_513 = arith.index_cast %mul3A_512 : i32 to index
          %get3A_514 = tpu.vector_load %arg10[%get3A_513] {strides = array<i32>} : memref<2000xf32, #tpu.memory_space<vmem>>, vector<16xf32>,
          %get3A_515 = vector.shape_cast %get3A_514 : vector<16xf32> to vector<16xf32>
          %add3A_516 = arith.constant 1.000000e+00 : f32
          %add3A_517 = vector.broadcast %add3A_516 : f32 to vector<16xf32>
          %add3A_518 = arith.addf %get3A_515, %add3A_517 : vector<16xf32>
          %mul3A_519 = arith.constant 5.000000e-01 : f32
          %mul3A_520 = vector.broadcast %mul3A_519 : f32 to vector<16xf32>
          %mul3A_521 = arith.mulf %add3A_518, %mul3A_520 : vector<16xf32>
          %mul3A_522 = arith.constant 2.550000e+02 : f32
          %mul3A_523 = vector.broadcast %mul3A_522 : f32 to vector<16xf32>
          %mul3A_524 = arith.mulf %mul3A_521, %mul3A_523 : vector<16xf32>
          %convert_element_type3A_525 = arith.fptosi %mul3A_524 : vector<16xf32> to vector<16xi32>
          %convert_element_type3A_526 = arith.sitofp %convert_element_type3A_525 : vector<16xi32> to vector<16xf32>
          %sub3A_527 = arith.subf %mul3A_524, %convert_element_type3A_526 : vector<16xf32>
          %add3A_528 = arith.constant 0 : i32
          %add3A_529 = arith.addi %add3A_528, %mul3A_512 : i32
          %swap3A_530 = arith.index_cast %add3A_529 : i32 to index
          %swap3A_531 = tpu.vector_load %arg14[%swap3A_530] {strides = array<i32>} : memref<6000xf32, #tpu.memory_space<vmem>>, vector<16xf32>,
          %swap3A_532 = vector.shape_cast %swap3A_531 : vector<16xf32> to vector<16xf32>
          %swap3A_533 = vector.shape_cast %sub3A_527 : vector<16xf32> to vector<16xf32>
          tpu.vector_store %arg14[%swap3A_530], %swap3A_533 {strides = array<i32>} : memref<6000xf32, #tpu.memory_space<vmem>>, vector<16xf32>,
          %get3A_534 = arith.index_cast %mul3A_512 : i32 to index
          %get3A_535 = tpu.vector_load %arg11[%get3A_534] {strides = array<i32>} : memref<2000xf32, #tpu.memory_space<vmem>>, vector<16xf32>,
          %get3A_536 = vector.shape_cast %get3A_535 : vector<16xf32> to vector<16xf32>
          %add3A_537 = arith.constant 1.000000e+00 : f32
          %add3A_538 = vector.broadcast %add3A_537 : f32 to vector<16xf32>
          %add3A_539 = arith.addf %get3A_536, %add3A_538 : vector<16xf32>
          %mul3A_540 = arith.constant 5.000000e-01 : f32
          %mul3A_541 = vector.broadcast %mul3A_540 : f32 to vector<16xf32>
          %mul3A_542 = arith.mulf %add3A_539, %mul3A_541 : vector<16xf32>
          %mul3A_543 = arith.constant 2.550000e+02 : f32
          %mul3A_544 = vector.broadcast %mul3A_543 : f32 to vector<16xf32>
          %mul3A_545 = arith.mulf %mul3A_542, %mul3A_544 : vector<16xf32>
          %convert_element_type3A_546 = arith.fptosi %mul3A_545 : vector<16xf32> to vector<16xi32>
          %convert_element_type3A_547 = arith.sitofp %convert_element_type3A_546 : vector<16xi32> to vector<16xf32>
          %sub3A_548 = arith.subf %mul3A_545, %convert_element_type3A_547 : vector<16xf32>
          %add3A_549 = arith.constant 2000 : i32
          %add3A_550 = arith.addi %add3A_549, %mul3A_512 : i32
          %swap3A_551 = arith.index_cast %add3A_550 : i32 to index
          %swap3A_552 = tpu.vector_load %arg14[%swap3A_551] {strides = array<i32>} : memref<6000xf32, #tpu.memory_space<vmem>>, vector<16xf32>,
          %swap3A_553 = vector.shape_cast %swap3A_552 : vector<16xf32> to vector<16xf32>
          %swap3A_554 = vector.shape_cast %sub3A_548 : vector<16xf32> to vector<16xf32>
          tpu.vector_store %arg14[%swap3A_551], %swap3A_554 {strides = array<i32>} : memref<6000xf32, #tpu.memory_space<vmem>>, vector<16xf32>,
          %get3A_555 = arith.index_cast %mul3A_512 : i32 to index
          %get3A_556 = tpu.vector_load %arg12[%get3A_555] {strides = array<i32>} : memref<2000xf32, #tpu.memory_space<vmem>>, vector<16xf32>,
          %get3A_557 = vector.shape_cast %get3A_556 : vector<16xf32> to vector<16xf32>
          %add3A_558 = arith.constant 1.000000e+00 : f32
          %add3A_559 = vector.broadcast %add3A_558 : f32 to vector<16xf32>
          %add3A_560 = arith.addf %get3A_557, %add3A_559 : vector<16xf32>
          %mul3A_561 = arith.constant 5.000000e-01 : f32
          %mul3A_562 = vector.broadcast %mul3A_561 : f32 to vector<16xf32>
          %mul3A_563 = arith.mulf %add3A_560, %mul3A_562 : vector<16xf32>
          %mul3A_564 = arith.constant 2.550000e+02 : f32
          %mul3A_565 = vector.broadcast %mul3A_564 : f32 to vector<16xf32>
          %mul3A_566 = arith.mulf %mul3A_563, %mul3A_565 : vector<16xf32>
          %convert_element_type3A_567 = arith.fptosi %mul3A_566 : vector<16xf32> to vector<16xi32>
          %convert_element_type3A_568 = arith.sitofp %convert_element_type3A_567 : vector<16xi32> to vector<16xf32>
          %sub3A_569 = arith.subf %mul3A_566, %convert_element_type3A_568 : vector<16xf32>
          %add3A_570 = arith.constant 4000 : i32
          %add3A_571 = arith.addi %add3A_570, %mul3A_512 : i32
          %swap3A_572 = arith.index_cast %add3A_571 : i32 to index
          %swap3A_573 = tpu.vector_load %arg14[%swap3A_572] {strides = array<i32>} : memref<6000xf32, #tpu.memory_space<vmem>>, vector<16xf32>,
          %swap3A_574 = vector.shape_cast %swap3A_573 : vector<16xf32> to vector<16xf32>
          %swap3A_575 = vector.shape_cast %sub3A_569 : vector<16xf32> to vector<16xf32>
          tpu.vector_store %arg14[%swap3A_572], %swap3A_575 {strides = array<i32>} : memref<6000xf32, #tpu.memory_space<vmem>>, vector<16xf32>,
          %mul3A_576 = arith.constant 256 : i32
          %mul3A_577 = vector.broadcast %mul3A_576 : i32 to vector<16xi32>
          %mul3A_578 = arith.muli %convert_element_type3A_525, %mul3A_577 : vector<16xi32>
          %add3A_579 = arith.addi %mul3A_578, %convert_element_type3A_546 : vector<16xi32>
          %mul3A_580 = arith.constant 256 : i32
          %mul3A_581 = vector.broadcast %mul3A_580 : i32 to vector<16xi32>
          %mul3A_582 = arith.muli %add3A_579, %mul3A_581 : vector<16xi32>
          %add3A_583 = arith.addi %mul3A_582, %convert_element_type3A_567 : vector<16xi32>
          %add3A_584 = arith.constant 0 : i32
          %add3A_585 = vector.broadcast %add3A_584 : i32 to vector<16xi32>
          %add3A_586 = arith.addi %add3A_583, %add3A_585 : vector<16xi32>
          %broadcast_in_dim3A_587 = vector.shape_cast %shift_right_arithmetic3A_2 : vector<16xi32> to vector<16x1xi32>
          %gather3A_588 = vector.shape_cast %broadcast_in_dim3A_587 : vector<16x1xi32> to vector<16xi32>
          %gather3A_589 = tpu.dynamic_gather %add3A_586[%gather3A_588] in [0] : vector<16xi32>, vector<16xi32> -> vector<16xi32>
          %add3A_590 = arith.addi %gather3A_589, %and3A_4 : vector<16xi32>
          %add3A_591 = arith.constant 8 : i32
          %add3A_592 = vector.broadcast %add3A_591 : i32 to vector<16xi32>
          %add3A_593 = arith.addi %shift_right_arithmetic3A_2, %add3A_592 : vector<16xi32>
          %broadcast_in_dim3A_594 = vector.shape_cast %add3A_593 : vector<16xi32> to vector<16x1xi32>
          %gather3A_595 = vector.shape_cast %broadcast_in_dim3A_594 : vector<16x1xi32> to vector<16xi32>
          %gather3A_596 = tpu.dynamic_gather %add3A_586[%gather3A_595] in [0] : vector<16xi32>, vector<16xi32> -> vector<16xi32>
          %add3A_597 = arith.addi %gather3A_596, %and3A_4 : vector<16xi32>
          %add3A_598 = arith.constant 0 : i32
          %add3A_599 = arith.addi %add3A_598, %mul3A_512 : i32
          %mul3A_600 = arith.constant 2 : i32
          %mul3A_601 = arith.muli %mul3A_600, %add3A_599 : i32
          %swap3A_602 = arith.index_cast %mul3A_601 : i32 to index
          %swap3A_603 = tpu.vector_load %arg16[%swap3A_602] {strides = array<i32>} : memref<16000xi32, #tpu.memory_space<vmem>>, vector<16xi32>,
          %swap3A_604 = vector.shape_cast %swap3A_603 : vector<16xi32> to vector<16xi32>
          %swap3A_605 = vector.shape_cast %add3A_590 : vector<16xi32> to vector<16xi32>
          tpu.vector_store %arg16[%swap3A_602], %swap3A_605 {strides = array<i32>} : memref<16000xi32, #tpu.memory_space<vmem>>, vector<16xi32>,
          %add3A_606 = arith.constant 0 : i32
          %add3A_607 = arith.addi %add3A_606, %mul3A_512 : i32
          %mul3A_608 = arith.constant 2 : i32
          %mul3A_609 = arith.muli %mul3A_608, %add3A_607 : i32
          %add3A_610 = arith.constant 16 : i32
          %add3A_611 = arith.addi %mul3A_609, %add3A_610 : i32
          %swap3A_612 = arith.index_cast %add3A_611 : i32 to index
          %swap3A_613 = tpu.vector_load %arg16[%swap3A_612] {strides = array<i32>} : memref<16000xi32, #tpu.memory_space<vmem>>, vector<16xi32>,
          %swap3A_614 = vector.shape_cast %swap3A_613 : vector<16xi32> to vector<16xi32>
          %swap3A_615 = vector.shape_cast %add3A_597 : vector<16xi32> to vector<16xi32>
          tpu.vector_store %arg16[%swap3A_612], %swap3A_615 {strides = array<i32>} : memref<16000xi32, #tpu.memory_space<vmem>>, vector<16xi32>,
          %add3A_616 = arith.constant 256 : i32
          %add3A_617 = vector.broadcast %add3A_616 : i32 to vector<16xi32>
          %add3A_618 = arith.addi %add3A_583, %add3A_617 : vector<16xi32>
          %broadcast_in_dim3A_619 = vector.shape_cast %shift_right_arithmetic3A_2 : vector<16xi32> to vector<16x1xi32>
          %gather3A_620 = vector.shape_cast %broadcast_in_dim3A_619 : vector<16x1xi32> to vector<16xi32>
          %gather3A_621 = tpu.dynamic_gather %add3A_618[%gather3A_620] in [0] : vector<16xi32>, vector<16xi32> -> vector<16xi32>
          %add3A_622 = arith.addi %gather3A_621, %and3A_4 : vector<16xi32>
          %add3A_623 = arith.constant 8 : i32
          %add3A_624 = vector.broadcast %add3A_623 : i32 to vector<16xi32>
          %add3A_625 = arith.addi %shift_right_arithmetic3A_2, %add3A_624 : vector<16xi32>
          %broadcast_in_dim3A_626 = vector.shape_cast %add3A_625 : vector<16xi32> to vector<16x1xi32>
          %gather3A_627 = vector.shape_cast %broadcast_in_dim3A_626 : vector<16x1xi32> to vector<16xi32>
          %gather3A_628 = tpu.dynamic_gather %add3A_618[%gather3A_627] in [0] : vector<16xi32>, vector<16xi32> -> vector<16xi32>
          %add3A_629 = arith.addi %gather3A_628, %and3A_4 : vector<16xi32>
          %add3A_630 = arith.constant 2000 : i32
          %add3A_631 = arith.addi %add3A_630, %mul3A_512 : i32
          %mul3A_632 = arith.constant 2 : i32
          %mul3A_633 = arith.muli %mul3A_632, %add3A_631 : i32
          %swap3A_634 = arith.index_cast %mul3A_633 : i32 to index
          %swap3A_635 = tpu.vector_load %arg16[%swap3A_634] {strides = array<i32>} : memref<16000xi32, #tpu.memory_space<vmem>>, vector<16xi32>,
          %swap3A_636 = vector.shape_cast %swap3A_635 : vector<16xi32> to vector<16xi32>
          %swap3A_637 = vector.shape_cast %add3A_622 : vector<16xi32> to vector<16xi32>
          tpu.vector_store %arg16[%swap3A_634], %swap3A_637 {strides = array<i32>} : memref<16000xi32, #tpu.memory_space<vmem>>, vector<16xi32>,
          %add3A_638 = arith.constant 2000 : i32
          %add3A_639 = arith.addi %add3A_638, %mul3A_512 : i32
          %mul3A_640 = arith.constant 2 : i32
          %mul3A_641 = arith.muli %mul3A_640, %add3A_639 : i32
          %add3A_642 = arith.constant 16 : i32
          %add3A_643 = arith.addi %mul3A_641, %add3A_642 : i32
          %swap3A_644 = arith.index_cast %add3A_643 : i32 to index
          %swap3A_645 = tpu.vector_load %arg16[%swap3A_644] {strides = array<i32>} : memref<16000xi32, #tpu.memory_space<vmem>>, vector<16xi32>,
          %swap3A_646 = vector.shape_cast %swap3A_645 : vector<16xi32> to vector<16xi32>
          %swap3A_647 = vector.shape_cast %add3A_629 : vector<16xi32> to vector<16xi32>
          tpu.vector_store %arg16[%swap3A_644], %swap3A_647 {strides = array<i32>} : memref<16000xi32, #tpu.memory_space<vmem>>, vector<16xi32>,
          %add3A_648 = arith.constant 65536 : i32
          %add3A_649 = vector.broadcast %add3A_648 : i32 to vector<16xi32>
          %add3A_650 = arith.addi %add3A_583, %add3A_649 : vector<16xi32>
          %broadcast_in_dim3A_651 = vector.shape_cast %shift_right_arithmetic3A_2 : vector<16xi32> to vector<16x1xi32>
          %gather3A_652 = vector.shape_cast %broadcast_in_dim3A_651 : vector<16x1xi32> to vector<16xi32>
          %gather3A_653 = tpu.dynamic_gather %add3A_650[%gather3A_652] in [0] : vector<16xi32>, vector<16xi32> -> vector<16xi32>
          %add3A_654 = arith.addi %gather3A_653, %and3A_4 : vector<16xi32>
          %add3A_655 = arith.constant 8 : i32
          %add3A_656 = vector.broadcast %add3A_655 : i32 to vector<16xi32>
          %add3A_657 = arith.addi %shift_right_arithmetic3A_2, %add3A_656 : vector<16xi32>
          %broadcast_in_dim3A_658 = vector.shape_cast %add3A_657 : vector<16xi32> to vector<16x1xi32>
          %gather3A_659 = vector.shape_cast %broadcast_in_dim3A_658 : vector<16x1xi32> to vector<16xi32>
          %gather3A_660 = tpu.dynamic_gather %add3A_650[%gather3A_659] in [0] : vector<16xi32>, vector<16xi32> -> vector<16xi32>
          %add3A_661 = arith.addi %gather3A_660, %and3A_4 : vector<16xi32>
          %add3A_662 = arith.constant 4000 : i32
          %add3A_663 = arith.addi %add3A_662, %mul3A_512 : i32
          %mul3A_664 = arith.constant 2 : i32
          %mul3A_665 = arith.muli %mul3A_664, %add3A_663 : i32
          %swap3A_666 = arith.index_cast %mul3A_665 : i32 to index
          %swap3A_667 = tpu.vector_load %arg16[%swap3A_666] {strides = array<i32>} : memref<16000xi32, #tpu.memory_space<vmem>>, vector<16xi32>,
          %swap3A_668 = vector.shape_cast %swap3A_667 : vector<16xi32> to vector<16xi32>
          %swap3A_669 = vector.shape_cast %add3A_654 : vector<16xi32> to vector<16xi32>
          tpu.vector_store %arg16[%swap3A_666], %swap3A_669 {strides = array<i32>} : memref<16000xi32, #tpu.memory_space<vmem>>, vector<16xi32>,
          %add3A_670 = arith.constant 4000 : i32
          %add3A_671 = arith.addi %add3A_670, %mul3A_512 : i32
          %mul3A_672 = arith.constant 2 : i32
          %mul3A_673 = arith.muli %mul3A_672, %add3A_671 : i32
          %add3A_674 = arith.constant 16 : i32
          %add3A_675 = arith.addi %mul3A_673, %add3A_674 : i32
          %swap3A_676 = arith.index_cast %add3A_675 : i32 to index
          %swap3A_677 = tpu.vector_load %arg16[%swap3A_676] {strides = array<i32>} : memref<16000xi32, #tpu.memory_space<vmem>>, vector<16xi32>,
          %swap3A_678 = vector.shape_cast %swap3A_677 : vector<16xi32> to vector<16xi32>
          %swap3A_679 = vector.shape_cast %add3A_661 : vector<16xi32> to vector<16xi32>
          tpu.vector_store %arg16[%swap3A_676], %swap3A_679 {strides = array<i32>} : memref<16000xi32, #tpu.memory_space<vmem>>, vector<16xi32>,
          %add3A_680 = arith.constant 65792 : i32
          %add3A_681 = vector.broadcast %add3A_680 : i32 to vector<16xi32>
          %add3A_682 = arith.addi %add3A_583, %add3A_681 : vector<16xi32>
          %broadcast_in_dim3A_683 = vector.shape_cast %shift_right_arithmetic3A_2 : vector<16xi32> to vector<16x1xi32>
          %gather3A_684 = vector.shape_cast %broadcast_in_dim3A_683 : vector<16x1xi32> to vector<16xi32>
          %gather3A_685 = tpu.dynamic_gather %add3A_682[%gather3A_684] in [0] : vector<16xi32>, vector<16xi32> -> vector<16xi32>
          %add3A_686 = arith.addi %gather3A_685, %and3A_4 : vector<16xi32>
          %add3A_687 = arith.constant 8 : i32
          %add3A_688 = vector.broadcast %add3A_687 : i32 to vector<16xi32>
          %add3A_689 = arith.addi %shift_right_arithmetic3A_2, %add3A_688 : vector<16xi32>
          %broadcast_in_dim3A_690 = vector.shape_cast %add3A_689 : vector<16xi32> to vector<16x1xi32>
          %gather3A_691 = vector.shape_cast %broadcast_in_dim3A_690 : vector<16x1xi32> to vector<16xi32>
          %gather3A_692 = tpu.dynamic_gather %add3A_682[%gather3A_691] in [0] : vector<16xi32>, vector<16xi32> -> vector<16xi32>
          %add3A_693 = arith.addi %gather3A_692, %and3A_4 : vector<16xi32>
          %add3A_694 = arith.constant 6000 : i32
          %add3A_695 = arith.addi %add3A_694, %mul3A_512 : i32
          %mul3A_696 = arith.constant 2 : i32
          %mul3A_697 = arith.muli %mul3A_696, %add3A_695 : i32
          %swap3A_698 = arith.index_cast %mul3A_697 : i32 to index
          %swap3A_699 = tpu.vector_load %arg16[%swap3A_698] {strides = array<i32>} : memref<16000xi32, #tpu.memory_space<vmem>>, vector<16xi32>,
          %swap3A_700 = vector.shape_cast %swap3A_699 : vector<16xi32> to vector<16xi32>
          %swap3A_701 = vector.shape_cast %add3A_686 : vector<16xi32> to vector<16xi32>
          tpu.vector_store %arg16[%swap3A_698], %swap3A_701 {strides = array<i32>} : memref<16000xi32, #tpu.memory_space<vmem>>, vector<16xi32>,
          %add3A_702 = arith.constant 6000 : i32
          %add3A_703 = arith.addi %add3A_702, %mul3A_512 : i32
          %mul3A_704 = arith.constant 2 : i32
          %mul3A_705 = arith.muli %mul3A_704, %add3A_703 : i32
          %add3A_706 = arith.constant 16 : i32
          %add3A_707 = arith.addi %mul3A_705, %add3A_706 : i32
          %swap3A_708 = arith.index_cast %add3A_707 : i32 to index
          %swap3A_709 = tpu.vector_load %arg16[%swap3A_708] {strides = array<i32>} : memref<16000xi32, #tpu.memory_space<vmem>>, vector<16xi32>,
          %swap3A_710 = vector.shape_cast %swap3A_709 : vector<16xi32> to vector<16xi32>
          %swap3A_711 = vector.shape_cast %add3A_693 : vector<16xi32> to vector<16xi32>
          tpu.vector_store %arg16[%swap3A_708], %swap3A_711 {strides = array<i32>} : memref<16000xi32, #tpu.memory_space<vmem>>, vector<16xi32>,
          %scan3A_712 = arith.constant 0 : i32
          scf.yield %scan3A_712 : i32
        }
        %scan3A_104 = arith.constant 124 : i32
        %scan3A_105 = arith.addi %scan3A_99, %scan3A_104 : i32
        %mul3A_106 = arith.constant 16 : i32
        %mul3A_107 = arith.muli %mul3A_106, %scan3A_105 : i32
        %get3A = arith.index_cast %mul3A_107 : i32 to index
        %get3A_108 = tpu.vector_load %arg10[%get3A] {strides = array<i32>} : memref<2000xf32, #tpu.memory_space<vmem>>, vector<16xf32>,
        %get3A_109 = vector.shape_cast %get3A_108 : vector<16xf32> to vector<16xf32>
        %add3A_110 = arith.constant 1.000000e+00 : f32
        %add3A_111 = vector.broadcast %add3A_110 : f32 to vector<16xf32>
        %add3A_112 = arith.addf %get3A_109, %add3A_111 : vector<16xf32>
        %mul3A_113 = arith.constant 5.000000e-01 : f32
        %mul3A_114 = vector.broadcast %mul3A_113 : f32 to vector<16xf32>
        %mul3A_115 = arith.mulf %add3A_112, %mul3A_114 : vector<16xf32>
        %mul3A_116 = arith.constant 2.550000e+02 : f32
        %mul3A_117 = vector.broadcast %mul3A_116 : f32 to vector<16xf32>
        %mul3A_118 = arith.mulf %mul3A_115, %mul3A_117 : vector<16xf32>
        %convert_element_type3A_119 = arith.fptosi %mul3A_118 : vector<16xf32> to vector<16xi32>
        %convert_element_type3A_120 = arith.sitofp %convert_element_type3A_119 : vector<16xi32> to vector<16xf32>
        %sub3A = arith.subf %mul3A_118, %convert_element_type3A_120 : vector<16xf32>
        %add3A_121 = arith.constant 0 : i32
        %add3A_122 = arith.addi %add3A_121, %mul3A_107 : i32
        %swap3A = arith.index_cast %add3A_122 : i32 to index
        %swap3A_123 = tpu.vector_load %arg14[%swap3A] {strides = array<i32>} : memref<6000xf32, #tpu.memory_space<vmem>>, vector<16xf32>,
        %swap3A_124 = vector.shape_cast %swap3A_123 : vector<16xf32> to vector<16xf32>
        %swap3A_125 = vector.shape_cast %sub3A : vector<16xf32> to vector<16xf32>
        tpu.vector_store %arg14[%swap3A], %swap3A_125 {strides = array<i32>} : memref<6000xf32, #tpu.memory_space<vmem>>, vector<16xf32>,
        %get3A_126 = arith.index_cast %mul3A_107 : i32 to index
        %get3A_127 = tpu.vector_load %arg11[%get3A_126] {strides = array<i32>} : memref<2000xf32, #tpu.memory_space<vmem>>, vector<16xf32>,
        %get3A_128 = vector.shape_cast %get3A_127 : vector<16xf32> to vector<16xf32>
        %add3A_129 = arith.constant 1.000000e+00 : f32
        %add3A_130 = vector.broadcast %add3A_129 : f32 to vector<16xf32>
        %add3A_131 = arith.addf %get3A_128, %add3A_130 : vector<16xf32>
        %mul3A_132 = arith.constant 5.000000e-01 : f32
        %mul3A_133 = vector.broadcast %mul3A_132 : f32 to vector<16xf32>
        %mul3A_134 = arith.mulf %add3A_131, %mul3A_133 : vector<16xf32>
        %mul3A_135 = arith.constant 2.550000e+02 : f32
        %mul3A_136 = vector.broadcast %mul3A_135 : f32 to vector<16xf32>
        %mul3A_137 = arith.mulf %mul3A_134, %mul3A_136 : vector<16xf32>
        %convert_element_type3A_138 = arith.fptosi %mul3A_137 : vector<16xf32> to vector<16xi32>
        %convert_element_type3A_139 = arith.sitofp %convert_element_type3A_138 : vector<16xi32> to vector<16xf32>
        %sub3A_140 = arith.subf %mul3A_137, %convert_element_type3A_139 : vector<16xf32>
        %add3A_141 = arith.constant 2000 : i32
        %add3A_142 = arith.addi %add3A_141, %mul3A_107 : i32
        %swap3A_143 = arith.index_cast %add3A_142 : i32 to index
        %swap3A_144 = tpu.vector_load %arg14[%swap3A_143] {strides = array<i32>} : memref<6000xf32, #tpu.memory_space<vmem>>, vector<16xf32>,
        %swap3A_145 = vector.shape_cast %swap3A_144 : vector<16xf32> to vector<16xf32>
        %swap3A_146 = vector.shape_cast %sub3A_140 : vector<16xf32> to vector<16xf32>
        tpu.vector_store %arg14[%swap3A_143], %swap3A_146 {strides = array<i32>} : memref<6000xf32, #tpu.memory_space<vmem>>, vector<16xf32>,
        %get3A_147 = arith.index_cast %mul3A_107 : i32 to index
        %get3A_148 = tpu.vector_load %arg12[%get3A_147] {strides = array<i32>} : memref<2000xf32, #tpu.memory_space<vmem>>, vector<16xf32>,
        %get3A_149 = vector.shape_cast %get3A_148 : vector<16xf32> to vector<16xf32>
        %add3A_150 = arith.constant 1.000000e+00 : f32
        %add3A_151 = vector.broadcast %add3A_150 : f32 to vector<16xf32>
        %add3A_152 = arith.addf %get3A_149, %add3A_151 : vector<16xf32>
        %mul3A_153 = arith.constant 5.000000e-01 : f32
        %mul3A_154 = vector.broadcast %mul3A_153 : f32 to vector<16xf32>
        %mul3A_155 = arith.mulf %add3A_152, %mul3A_154 : vector<16xf32>
        %mul3A_156 = arith.constant 2.550000e+02 : f32
        %mul3A_157 = vector.broadcast %mul3A_156 : f32 to vector<16xf32>
        %mul3A_158 = arith.mulf %mul3A_155, %mul3A_157 : vector<16xf32>
        %convert_element_type3A_159 = arith.fptosi %mul3A_158 : vector<16xf32> to vector<16xi32>
        %convert_element_type3A_160 = arith.sitofp %convert_element_type3A_159 : vector<16xi32> to vector<16xf32>
        %sub3A_161 = arith.subf %mul3A_158, %convert_element_type3A_160 : vector<16xf32>
        %add3A_162 = arith.constant 4000 : i32
        %add3A_163 = arith.addi %add3A_162, %mul3A_107 : i32
        %swap3A_164 = arith.index_cast %add3A_163 : i32 to index
        %swap3A_165 = tpu.vector_load %arg14[%swap3A_164] {strides = array<i32>} : memref<6000xf32, #tpu.memory_space<vmem>>, vector<16xf32>,
        %swap3A_166 = vector.shape_cast %swap3A_165 : vector<16xf32> to vector<16xf32>
        %swap3A_167 = vector.shape_cast %sub3A_161 : vector<16xf32> to vector<16xf32>
        tpu.vector_store %arg14[%swap3A_164], %swap3A_167 {strides = array<i32>} : memref<6000xf32, #tpu.memory_space<vmem>>, vector<16xf32>,
        %mul3A_168 = arith.constant 256 : i32
        %mul3A_169 = vector.broadcast %mul3A_168 : i32 to vector<16xi32>
        %mul3A_170 = arith.muli %convert_element_type3A_119, %mul3A_169 : vector<16xi32>
        %add3A_171 = arith.addi %mul3A_170, %convert_element_type3A_138 : vector<16xi32>
        %mul3A_172 = arith.constant 256 : i32
        %mul3A_173 = vector.broadcast %mul3A_172 : i32 to vector<16xi32>
        %mul3A_174 = arith.muli %add3A_171, %mul3A_173 : vector<16xi32>
        %add3A_175 = arith.addi %mul3A_174, %convert_element_type3A_159 : vector<16xi32>
        %add3A_176 = arith.constant 0 : i32
        %add3A_177 = vector.broadcast %add3A_176 : i32 to vector<16xi32>
        %add3A_178 = arith.addi %add3A_175, %add3A_177 : vector<16xi32>
        %broadcast_in_dim3A = vector.shape_cast %shift_right_arithmetic3A_2 : vector<16xi32> to vector<16x1xi32>
        %gather3A = vector.shape_cast %broadcast_in_dim3A : vector<16x1xi32> to vector<16xi32>
        %gather3A_179 = tpu.dynamic_gather %add3A_178[%gather3A] in [0] : vector<16xi32>, vector<16xi32> -> vector<16xi32>
        %add3A_180 = arith.addi %gather3A_179, %and3A_4 : vector<16xi32>
        %add3A_181 = arith.constant 8 : i32
        %add3A_182 = vector.broadcast %add3A_181 : i32 to vector<16xi32>
        %add3A_183 = arith.addi %shift_right_arithmetic3A_2, %add3A_182 : vector<16xi32>
        %broadcast_in_dim3A_184 = vector.shape_cast %add3A_183 : vector<16xi32> to vector<16x1xi32>
        %gather3A_185 = vector.shape_cast %broadcast_in_dim3A_184 : vector<16x1xi32> to vector<16xi32>
        %gather3A_186 = tpu.dynamic_gather %add3A_178[%gather3A_185] in [0] : vector<16xi32>, vector<16xi32> -> vector<16xi32>
        %add3A_187 = arith.addi %gather3A_186, %and3A_4 : vector<16xi32>
        %add3A_188 = arith.constant 0 : i32
        %add3A_189 = arith.addi %add3A_188, %mul3A_107 : i32
        %mul3A_190 = arith.constant 2 : i32
        %mul3A_191 = arith.muli %mul3A_190, %add3A_189 : i32
        %swap3A_192 = arith.index_cast %mul3A_191 : i32 to index
        %swap3A_193 = tpu.vector_load %arg16[%swap3A_192] {strides = array<i32>} : memref<16000xi32, #tpu.memory_space<vmem>>, vector<16xi32>,
        %swap3A_194 = vector.shape_cast %swap3A_193 : vector<16xi32> to vector<16xi32>
        %swap3A_195 = vector.shape_cast %add3A_180 : vector<16xi32> to vector<16xi32>
        tpu.vector_store %arg16[%swap3A_192], %swap3A_195 {strides = array<i32>} : memref<16000xi32, #tpu.memory_space<vmem>>, vector<16xi32>,
        %add3A_196 = arith.constant 0 : i32
        %add3A_197 = arith.addi %add3A_196, %mul3A_107 : i32
        %mul3A_198 = arith.constant 2 : i32
        %mul3A_199 = arith.muli %mul3A_198, %add3A_197 : i32
        %add3A_200 = arith.constant 16 : i32
        %add3A_201 = arith.addi %mul3A_199, %add3A_200 : i32
        %swap3A_202 = arith.index_cast %add3A_201 : i32 to index
        %swap3A_203 = tpu.vector_load %arg16[%swap3A_202] {strides = array<i32>} : memref<16000xi32, #tpu.memory_space<vmem>>, vector<16xi32>,
        %swap3A_204 = vector.shape_cast %swap3A_203 : vector<16xi32> to vector<16xi32>
        %swap3A_205 = vector.shape_cast %add3A_187 : vector<16xi32> to vector<16xi32>
        tpu.vector_store %arg16[%swap3A_202], %swap3A_205 {strides = array<i32>} : memref<16000xi32, #tpu.memory_space<vmem>>, vector<16xi32>,
        %add3A_206 = arith.constant 256 : i32
        %add3A_207 = vector.broadcast %add3A_206 : i32 to vector<16xi32>
        %add3A_208 = arith.addi %add3A_175, %add3A_207 : vector<16xi32>
        %broadcast_in_dim3A_209 = vector.shape_cast %shift_right_arithmetic3A_2 : vector<16xi32> to vector<16x1xi32>
        %gather3A_210 = vector.shape_cast %broadcast_in_dim3A_209 : vector<16x1xi32> to vector<16xi32>
        %gather3A_211 = tpu.dynamic_gather %add3A_208[%gather3A_210] in [0] : vector<16xi32>, vector<16xi32> -> vector<16xi32>
        %add3A_212 = arith.addi %gather3A_211, %and3A_4 : vector<16xi32>
        %add3A_213 = arith.constant 8 : i32
        %add3A_214 = vector.broadcast %add3A_213 : i32 to vector<16xi32>
        %add3A_215 = arith.addi %shift_right_arithmetic3A_2, %add3A_214 : vector<16xi32>
        %broadcast_in_dim3A_216 = vector.shape_cast %add3A_215 : vector<16xi32> to vector<16x1xi32>
        %gather3A_217 = vector.shape_cast %broadcast_in_dim3A_216 : vector<16x1xi32> to vector<16xi32>
        %gather3A_218 = tpu.dynamic_gather %add3A_208[%gather3A_217] in [0] : vector<16xi32>, vector<16xi32> -> vector<16xi32>
        %add3A_219 = arith.addi %gather3A_218, %and3A_4 : vector<16xi32>
        %add3A_220 = arith.constant 2000 : i32
        %add3A_221 = arith.addi %add3A_220, %mul3A_107 : i32
        %mul3A_222 = arith.constant 2 : i32
        %mul3A_223 = arith.muli %mul3A_222, %add3A_221 : i32
        %swap3A_224 = arith.index_cast %mul3A_223 : i32 to index
        %swap3A_225 = tpu.vector_load %arg16[%swap3A_224] {strides = array<i32>} : memref<16000xi32, #tpu.memory_space<vmem>>, vector<16xi32>,
        %swap3A_226 = vector.shape_cast %swap3A_225 : vector<16xi32> to vector<16xi32>
        %swap3A_227 = vector.shape_cast %add3A_212 : vector<16xi32> to vector<16xi32>
        tpu.vector_store %arg16[%swap3A_224], %swap3A_227 {strides = array<i32>} : memref<16000xi32, #tpu.memory_space<vmem>>, vector<16xi32>,
        %add3A_228 = arith.constant 2000 : i32
        %add3A_229 = arith.addi %add3A_228, %mul3A_107 : i32
        %mul3A_230 = arith.constant 2 : i32
        %mul3A_231 = arith.muli %mul3A_230, %add3A_229 : i32
        %add3A_232 = arith.constant 16 : i32
        %add3A_233 = arith.addi %mul3A_231, %add3A_232 : i32
        %swap3A_234 = arith.index_cast %add3A_233 : i32 to index
        %swap3A_235 = tpu.vector_load %arg16[%swap3A_234] {strides = array<i32>} : memref<16000xi32, #tpu.memory_space<vmem>>, vector<16xi32>,
        %swap3A_236 = vector.shape_cast %swap3A_235 : vector<16xi32> to vector<16xi32>
        %swap3A_237 = vector.shape_cast %add3A_219 : vector<16xi32> to vector<16xi32>
        tpu.vector_store %arg16[%swap3A_234], %swap3A_237 {strides = array<i32>} : memref<16000xi32, #tpu.memory_space<vmem>>, vector<16xi32>,
        %add3A_238 = arith.constant 65536 : i32
        %add3A_239 = vector.broadcast %add3A_238 : i32 to vector<16xi32>
        %add3A_240 = arith.addi %add3A_175, %add3A_239 : vector<16xi32>
        %broadcast_in_dim3A_241 = vector.shape_cast %shift_right_arithmetic3A_2 : vector<16xi32> to vector<16x1xi32>
        %gather3A_242 = vector.shape_cast %broadcast_in_dim3A_241 : vector<16x1xi32> to vector<16xi32>
        %gather3A_243 = tpu.dynamic_gather %add3A_240[%gather3A_242] in [0] : vector<16xi32>, vector<16xi32> -> vector<16xi32>
        %add3A_244 = arith.addi %gather3A_243, %and3A_4 : vector<16xi32>
        %add3A_245 = arith.constant 8 : i32
        %add3A_246 = vector.broadcast %add3A_245 : i32 to vector<16xi32>
        %add3A_247 = arith.addi %shift_right_arithmetic3A_2, %add3A_246 : vector<16xi32>
        %broadcast_in_dim3A_248 = vector.shape_cast %add3A_247 : vector<16xi32> to vector<16x1xi32>
        %gather3A_249 = vector.shape_cast %broadcast_in_dim3A_248 : vector<16x1xi32> to vector<16xi32>
        %gather3A_250 = tpu.dynamic_gather %add3A_240[%gather3A_249] in [0] : vector<16xi32>, vector<16xi32> -> vector<16xi32>
        %add3A_251 = arith.addi %gather3A_250, %and3A_4 : vector<16xi32>
        %add3A_252 = arith.constant 4000 : i32
        %add3A_253 = arith.addi %add3A_252, %mul3A_107 : i32
        %mul3A_254 = arith.constant 2 : i32
        %mul3A_255 = arith.muli %mul3A_254, %add3A_253 : i32
        %swap3A_256 = arith.index_cast %mul3A_255 : i32 to index
        %swap3A_257 = tpu.vector_load %arg16[%swap3A_256] {strides = array<i32>} : memref<16000xi32, #tpu.memory_space<vmem>>, vector<16xi32>,
        %swap3A_258 = vector.shape_cast %swap3A_257 : vector<16xi32> to vector<16xi32>
        %swap3A_259 = vector.shape_cast %add3A_244 : vector<16xi32> to vector<16xi32>
        tpu.vector_store %arg16[%swap3A_256], %swap3A_259 {strides = array<i32>} : memref<16000xi32, #tpu.memory_space<vmem>>, vector<16xi32>,
        %add3A_260 = arith.constant 4000 : i32
        %add3A_261 = arith.addi %add3A_260, %mul3A_107 : i32
        %mul3A_262 = arith.constant 2 : i32
        %mul3A_263 = arith.muli %mul3A_262, %add3A_261 : i32
        %add3A_264 = arith.constant 16 : i32
        %add3A_265 = arith.addi %mul3A_263, %add3A_264 : i32
        %swap3A_266 = arith.index_cast %add3A_265 : i32 to index
        %swap3A_267 = tpu.vector_load %arg16[%swap3A_266] {strides = array<i32>} : memref<16000xi32, #tpu.memory_space<vmem>>, vector<16xi32>,
        %swap3A_268 = vector.shape_cast %swap3A_267 : vector<16xi32> to vector<16xi32>
        %swap3A_269 = vector.shape_cast %add3A_251 : vector<16xi32> to vector<16xi32>
        tpu.vector_store %arg16[%swap3A_266], %swap3A_269 {strides = array<i32>} : memref<16000xi32, #tpu.memory_space<vmem>>, vector<16xi32>,
        %add3A_270 = arith.constant 65792 : i32
        %add3A_271 = vector.broadcast %add3A_270 : i32 to vector<16xi32>
        %add3A_272 = arith.addi %add3A_175, %add3A_271 : vector<16xi32>
        %broadcast_in_dim3A_273 = vector.shape_cast %shift_right_arithmetic3A_2 : vector<16xi32> to vector<16x1xi32>
        %gather3A_274 = vector.shape_cast %broadcast_in_dim3A_273 : vector<16x1xi32> to vector<16xi32>
        %gather3A_275 = tpu.dynamic_gather %add3A_272[%gather3A_274] in [0] : vector<16xi32>, vector<16xi32> -> vector<16xi32>
        %add3A_276 = arith.addi %gather3A_275, %and3A_4 : vector<16xi32>
        %add3A_277 = arith.constant 8 : i32
        %add3A_278 = vector.broadcast %add3A_277 : i32 to vector<16xi32>
        %add3A_279 = arith.addi %shift_right_arithmetic3A_2, %add3A_278 : vector<16xi32>
        %broadcast_in_dim3A_280 = vector.shape_cast %add3A_279 : vector<16xi32> to vector<16x1xi32>
        %gather3A_281 = vector.shape_cast %broadcast_in_dim3A_280 : vector<16x1xi32> to vector<16xi32>
        %gather3A_282 = tpu.dynamic_gather %add3A_272[%gather3A_281] in [0] : vector<16xi32>, vector<16xi32> -> vector<16xi32>
        %add3A_283 = arith.addi %gather3A_282, %and3A_4 : vector<16xi32>
        %add3A_284 = arith.constant 6000 : i32
        %add3A_285 = arith.addi %add3A_284, %mul3A_107 : i32
        %mul3A_286 = arith.constant 2 : i32
        %mul3A_287 = arith.muli %mul3A_286, %add3A_285 : i32
        %swap3A_288 = arith.index_cast %mul3A_287 : i32 to index
        %swap3A_289 = tpu.vector_load %arg16[%swap3A_288] {strides = array<i32>} : memref<16000xi32, #tpu.memory_space<vmem>>, vector<16xi32>,
        %swap3A_290 = vector.shape_cast %swap3A_289 : vector<16xi32> to vector<16xi32>
        %swap3A_291 = vector.shape_cast %add3A_276 : vector<16xi32> to vector<16xi32>
        tpu.vector_store %arg16[%swap3A_288], %swap3A_291 {strides = array<i32>} : memref<16000xi32, #tpu.memory_space<vmem>>, vector<16xi32>,
        %add3A_292 = arith.constant 6000 : i32
        %add3A_293 = arith.addi %add3A_292, %mul3A_107 : i32
        %mul3A_294 = arith.constant 2 : i32
        %mul3A_295 = arith.muli %mul3A_294, %add3A_293 : i32
        %add3A_296 = arith.constant 16 : i32
        %add3A_297 = arith.addi %mul3A_295, %add3A_296 : i32
        %swap3A_298 = arith.index_cast %add3A_297 : i32 to index
        %swap3A_299 = tpu.vector_load %arg16[%swap3A_298] {strides = array<i32>} : memref<16000xi32, #tpu.memory_space<vmem>>, vector<16xi32>,
        %swap3A_300 = vector.shape_cast %swap3A_299 : vector<16xi32> to vector<16xi32>
        %swap3A_301 = vector.shape_cast %add3A_283 : vector<16xi32> to vector<16xi32>
        tpu.vector_store %arg16[%swap3A_298], %swap3A_301 {strides = array<i32>} : memref<16000xi32, #tpu.memory_space<vmem>>, vector<16xi32>,
        %scan3A_302 = arith.constant 0 : i32
        %scan3A_303 = arith.constant 125 : i32
        %dma_start3A = arith.constant 0 : i32
        %dma_start3A_304 = tpu.memref_slice %arg5[%dma_start3A] : memref<16777216xf32, #tpu.memory_space<hbm>> -> memref<16777216xf32, #tpu.memory_space<hbm>>
        tpu.enqueue_indirect_dma source(%dma_start3A_304 : memref<16777216xf32, #tpu.memory_space<hbm>>) target(%arg18 : memref<16000xf32, #tpu.memory_space<vmem>>) offsets(%arg16 : memref<16000xi32, #tpu.memory_space<vmem>>) semaphore(%arg22 : memref<!tpu.dma_semaphore, #tpu.memory_space<semaphore_mem>>)
      } else {
      }
      %lt3A_64 = arith.constant 500 : i32
      %lt3A_65 = arith.cmpi slt, %add3A_49, %lt3A_64 : i32
      %convert_element_type3A_66 = arith.extui %lt3A_65 : i1 to i32
      %cond3A_67 = arith.constant 0 : i32
      %cond3A_68 = arith.cmpi ne, %convert_element_type3A_66, %cond3A_67 : i32
      scf.if %cond3A_68 {
        %dma_wait3A = arith.constant 0 : i32
        %dma_wait3A_91 = tpu.memref_slice %arg5[%dma_wait3A] : memref<16777216xf32, #tpu.memory_space<hbm>> -> memref<16777216xf32, #tpu.memory_space<hbm>>
        tpu.wait_indirect_dma semaphore(%arg21 : memref<!tpu.dma_semaphore, #tpu.memory_space<semaphore_mem>>) src(%dma_wait3A_91 : memref<16777216xf32, #tpu.memory_space<hbm>>) dst(%arg17 : memref<16000xf32, #tpu.memory_space<vmem>>)
        %scan3A_92 = arith.constant 0 : i32
        %scan3A_93 = arith.constant 0 : i32
        %scan3A_94 = arith.constant 124 : i32
        %scan3A_95 = arith.addi %scan3A_93, %scan3A_94 : i32
        %scan3A_96 = arith.constant 2 : i32
        %scan3A_97 = scf.for %scan3A_260 = %scan3A_93 to %scan3A_95 step %scan3A_96 iter_args(%scan3A_261 = %scan3A_92) -> (i32)  : i32 {
          %mul3A_262 = arith.constant 16 : i32
          %mul3A_263 = arith.muli %mul3A_262, %scan3A_260 : i32
          %add3A_264 = arith.constant 0 : i32
          %add3A_265 = arith.addi %add3A_264, %mul3A_263 : i32
          %get3A_266 = arith.index_cast %add3A_265 : i32 to index
          %get3A_267 = tpu.vector_load %arg13[%get3A_266] {strides = array<i32>} : memref<6000xf32, #tpu.memory_space<vmem>>, vector<16xf32>,
          %get3A_268 = vector.shape_cast %get3A_267 : vector<16xf32> to vector<16xf32>
          %add3A_269 = arith.constant 2000 : i32
          %add3A_270 = arith.addi %add3A_269, %mul3A_263 : i32
          %get3A_271 = arith.index_cast %add3A_270 : i32 to index
          %get3A_272 = tpu.vector_load %arg13[%get3A_271] {strides = array<i32>} : memref<6000xf32, #tpu.memory_space<vmem>>, vector<16xf32>,
          %get3A_273 = vector.shape_cast %get3A_272 : vector<16xf32> to vector<16xf32>
          %add3A_274 = arith.constant 4000 : i32
          %add3A_275 = arith.addi %add3A_274, %mul3A_263 : i32
          %get3A_276 = arith.index_cast %add3A_275 : i32 to index
          %get3A_277 = tpu.vector_load %arg13[%get3A_276] {strides = array<i32>} : memref<6000xf32, #tpu.memory_space<vmem>>, vector<16xf32>,
          %get3A_278 = vector.shape_cast %get3A_277 : vector<16xf32> to vector<16xf32>
          %add3A_279 = arith.constant 0 : i32
          %add3A_280 = arith.addi %add3A_279, %mul3A_263 : i32
          %mul3A_281 = arith.constant 2 : i32
          %mul3A_282 = arith.muli %mul3A_281, %add3A_280 : i32
          %get3A_283 = arith.index_cast %mul3A_282 : i32 to index
          %get3A_284 = tpu.vector_load %arg17[%get3A_283] {strides = array<i32>} : memref<16000xf32, #tpu.memory_space<vmem>>, vector<16xf32>,
          %get3A_285 = vector.shape_cast %get3A_284 : vector<16xf32> to vector<16xf32>
          %add3A_286 = arith.constant 0 : i32
          %add3A_287 = arith.addi %add3A_286, %mul3A_263 : i32
          %mul3A_288 = arith.constant 2 : i32
          %mul3A_289 = arith.muli %mul3A_288, %add3A_287 : i32
          %add3A_290 = arith.constant 16 : i32
          %add3A_291 = arith.addi %mul3A_289, %add3A_290 : i32
          %get3A_292 = arith.index_cast %add3A_291 : i32 to index
          %get3A_293 = tpu.vector_load %arg17[%get3A_292] {strides = array<i32>} : memref<16000xf32, #tpu.memory_space<vmem>>, vector<16xf32>,
          %get3A_294 = vector.shape_cast %get3A_293 : vector<16xf32> to vector<16xf32>
          %broadcast_in_dim3A_295 = vector.shape_cast %and3A_10 : vector<16xi32> to vector<16x1xi32>
          %gather3A_296 = vector.shape_cast %broadcast_in_dim3A_295 : vector<16x1xi32> to vector<16xi32>
          %gather3A_297 = tpu.dynamic_gather %get3A_285[%gather3A_296] in [0] : vector<16xf32>, vector<16xi32> -> vector<16xf32>
          %broadcast_in_dim3A_298 = vector.shape_cast %and3A_10 : vector<16xi32> to vector<16x1xi32>
          %gather3A_299 = vector.shape_cast %broadcast_in_dim3A_298 : vector<16x1xi32> to vector<16xi32>
          %gather3A_300 = tpu.dynamic_gather %get3A_294[%gather3A_299] in [0] : vector<16xf32>, vector<16xi32> -> vector<16xf32>
          %select_n3A_301 = arith.select %lt3A_21, %gather3A_297, %gather3A_300 : vector<16xi1>, vector<16xf32>
          %broadcast_in_dim3A_302 = vector.shape_cast %and3A_19 : vector<16xi32> to vector<16x1xi32>
          %gather3A_303 = vector.shape_cast %broadcast_in_dim3A_302 : vector<16x1xi32> to vector<16xi32>
          %gather3A_304 = tpu.dynamic_gather %get3A_285[%gather3A_303] in [0] : vector<16xf32>, vector<16xi32> -> vector<16xf32>
          %broadcast_in_dim3A_305 = vector.shape_cast %and3A_19 : vector<16xi32> to vector<16x1xi32>
          %gather3A_306 = vector.shape_cast %broadcast_in_dim3A_305 : vector<16x1xi32> to vector<16xi32>
          %gather3A_307 = tpu.dynamic_gather %get3A_294[%gather3A_306] in [0] : vector<16xf32>, vector<16xi32> -> vector<16xf32>
          %select_n3A_308 = arith.select %lt3A_21, %gather3A_304, %gather3A_307 : vector<16xi1>, vector<16xf32>
          %sub3A_309 = arith.subf %select_n3A_308, %select_n3A_301 : vector<16xf32>
          %mul3A_310 = arith.mulf %get3A_278, %sub3A_309 : vector<16xf32>
          %add3A_311 = arith.addf %select_n3A_301, %mul3A_310 : vector<16xf32>
          %add3A_312 = arith.constant 2000 : i32
          %add3A_313 = arith.addi %add3A_312, %mul3A_263 : i32
          %mul3A_314 = arith.constant 2 : i32
          %mul3A_315 = arith.muli %mul3A_314, %add3A_313 : i32
          %get3A_316 = arith.index_cast %mul3A_315 : i32 to index
          %get3A_317 = tpu.vector_load %arg17[%get3A_316] {strides = array<i32>} : memref<16000xf32, #tpu.memory_space<vmem>>, vector<16xf32>,
          %get3A_318 = vector.shape_cast %get3A_317 : vector<16xf32> to vector<16xf32>
          %add3A_319 = arith.constant 2000 : i32
          %add3A_320 = arith.addi %add3A_319, %mul3A_263 : i32
          %mul3A_321 = arith.constant 2 : i32
          %mul3A_322 = arith.muli %mul3A_321, %add3A_320 : i32
          %add3A_323 = arith.constant 16 : i32
          %add3A_324 = arith.addi %mul3A_322, %add3A_323 : i32
          %get3A_325 = arith.index_cast %add3A_324 : i32 to index
          %get3A_326 = tpu.vector_load %arg17[%get3A_325] {strides = array<i32>} : memref<16000xf32, #tpu.memory_space<vmem>>, vector<16xf32>,
          %get3A_327 = vector.shape_cast %get3A_326 : vector<16xf32> to vector<16xf32>
          %broadcast_in_dim3A_328 = vector.shape_cast %and3A_10 : vector<16xi32> to vector<16x1xi32>
          %gather3A_329 = vector.shape_cast %broadcast_in_dim3A_328 : vector<16x1xi32> to vector<16xi32>
          %gather3A_330 = tpu.dynamic_gather %get3A_318[%gather3A_329] in [0] : vector<16xf32>, vector<16xi32> -> vector<16xf32>
          %broadcast_in_dim3A_331 = vector.shape_cast %and3A_10 : vector<16xi32> to vector<16x1xi32>
          %gather3A_332 = vector.shape_cast %broadcast_in_dim3A_331 : vector<16x1xi32> to vector<16xi32>
          %gather3A_333 = tpu.dynamic_gather %get3A_327[%gather3A_332] in [0] : vector<16xf32>, vector<16xi32> -> vector<16xf32>
          %select_n3A_334 = arith.select %lt3A_21, %gather3A_330, %gather3A_333 : vector<16xi1>, vector<16xf32>
          %broadcast_in_dim3A_335 = vector.shape_cast %and3A_19 : vector<16xi32> to vector<16x1xi32>
          %gather3A_336 = vector.shape_cast %broadcast_in_dim3A_335 : vector<16x1xi32> to vector<16xi32>
          %gather3A_337 = tpu.dynamic_gather %get3A_318[%gather3A_336] in [0] : vector<16xf32>, vector<16xi32> -> vector<16xf32>
          %broadcast_in_dim3A_338 = vector.shape_cast %and3A_19 : vector<16xi32> to vector<16x1xi32>
          %gather3A_339 = vector.shape_cast %broadcast_in_dim3A_338 : vector<16x1xi32> to vector<16xi32>
          %gather3A_340 = tpu.dynamic_gather %get3A_327[%gather3A_339] in [0] : vector<16xf32>, vector<16xi32> -> vector<16xf32>
          %select_n3A_341 = arith.select %lt3A_21, %gather3A_337, %gather3A_340 : vector<16xi1>, vector<16xf32>
          %sub3A_342 = arith.subf %select_n3A_341, %select_n3A_334 : vector<16xf32>
          %mul3A_343 = arith.mulf %get3A_278, %sub3A_342 : vector<16xf32>
          %add3A_344 = arith.addf %select_n3A_334, %mul3A_343 : vector<16xf32>
          %add3A_345 = arith.constant 4000 : i32
          %add3A_346 = arith.addi %add3A_345, %mul3A_263 : i32
          %mul3A_347 = arith.constant 2 : i32
          %mul3A_348 = arith.muli %mul3A_347, %add3A_346 : i32
          %get3A_349 = arith.index_cast %mul3A_348 : i32 to index
          %get3A_350 = tpu.vector_load %arg17[%get3A_349] {strides = array<i32>} : memref<16000xf32, #tpu.memory_space<vmem>>, vector<16xf32>,
          %get3A_351 = vector.shape_cast %get3A_350 : vector<16xf32> to vector<16xf32>
          %add3A_352 = arith.constant 4000 : i32
          %add3A_353 = arith.addi %add3A_352, %mul3A_263 : i32
          %mul3A_354 = arith.constant 2 : i32
          %mul3A_355 = arith.muli %mul3A_354, %add3A_353 : i32
          %add3A_356 = arith.constant 16 : i32
          %add3A_357 = arith.addi %mul3A_355, %add3A_356 : i32
          %get3A_358 = arith.index_cast %add3A_357 : i32 to index
          %get3A_359 = tpu.vector_load %arg17[%get3A_358] {strides = array<i32>} : memref<16000xf32, #tpu.memory_space<vmem>>, vector<16xf32>,
          %get3A_360 = vector.shape_cast %get3A_359 : vector<16xf32> to vector<16xf32>
          %broadcast_in_dim3A_361 = vector.shape_cast %and3A_10 : vector<16xi32> to vector<16x1xi32>
          %gather3A_362 = vector.shape_cast %broadcast_in_dim3A_361 : vector<16x1xi32> to vector<16xi32>
          %gather3A_363 = tpu.dynamic_gather %get3A_351[%gather3A_362] in [0] : vector<16xf32>, vector<16xi32> -> vector<16xf32>
          %broadcast_in_dim3A_364 = vector.shape_cast %and3A_10 : vector<16xi32> to vector<16x1xi32>
          %gather3A_365 = vector.shape_cast %broadcast_in_dim3A_364 : vector<16x1xi32> to vector<16xi32>
          %gather3A_366 = tpu.dynamic_gather %get3A_360[%gather3A_365] in [0] : vector<16xf32>, vector<16xi32> -> vector<16xf32>
          %select_n3A_367 = arith.select %lt3A_21, %gather3A_363, %gather3A_366 : vector<16xi1>, vector<16xf32>
          %broadcast_in_dim3A_368 = vector.shape_cast %and3A_19 : vector<16xi32> to vector<16x1xi32>
          %gather3A_369 = vector.shape_cast %broadcast_in_dim3A_368 : vector<16x1xi32> to vector<16xi32>
          %gather3A_370 = tpu.dynamic_gather %get3A_351[%gather3A_369] in [0] : vector<16xf32>, vector<16xi32> -> vector<16xf32>
          %broadcast_in_dim3A_371 = vector.shape_cast %and3A_19 : vector<16xi32> to vector<16x1xi32>
          %gather3A_372 = vector.shape_cast %broadcast_in_dim3A_371 : vector<16x1xi32> to vector<16xi32>
          %gather3A_373 = tpu.dynamic_gather %get3A_360[%gather3A_372] in [0] : vector<16xf32>, vector<16xi32> -> vector<16xf32>
          %select_n3A_374 = arith.select %lt3A_21, %gather3A_370, %gather3A_373 : vector<16xi1>, vector<16xf32>
          %sub3A_375 = arith.subf %select_n3A_374, %select_n3A_367 : vector<16xf32>
          %mul3A_376 = arith.mulf %get3A_278, %sub3A_375 : vector<16xf32>
          %add3A_377 = arith.addf %select_n3A_367, %mul3A_376 : vector<16xf32>
          %add3A_378 = arith.constant 6000 : i32
          %add3A_379 = arith.addi %add3A_378, %mul3A_263 : i32
          %mul3A_380 = arith.constant 2 : i32
          %mul3A_381 = arith.muli %mul3A_380, %add3A_379 : i32
          %get3A_382 = arith.index_cast %mul3A_381 : i32 to index
          %get3A_383 = tpu.vector_load %arg17[%get3A_382] {strides = array<i32>} : memref<16000xf32, #tpu.memory_space<vmem>>, vector<16xf32>,
          %get3A_384 = vector.shape_cast %get3A_383 : vector<16xf32> to vector<16xf32>
          %add3A_385 = arith.constant 6000 : i32
          %add3A_386 = arith.addi %add3A_385, %mul3A_263 : i32
          %mul3A_387 = arith.constant 2 : i32
          %mul3A_388 = arith.muli %mul3A_387, %add3A_386 : i32
          %add3A_389 = arith.constant 16 : i32
          %add3A_390 = arith.addi %mul3A_388, %add3A_389 : i32
          %get3A_391 = arith.index_cast %add3A_390 : i32 to index
          %get3A_392 = tpu.vector_load %arg17[%get3A_391] {strides = array<i32>} : memref<16000xf32, #tpu.memory_space<vmem>>, vector<16xf32>,
          %get3A_393 = vector.shape_cast %get3A_392 : vector<16xf32> to vector<16xf32>
          %broadcast_in_dim3A_394 = vector.shape_cast %and3A_10 : vector<16xi32> to vector<16x1xi32>
          %gather3A_395 = vector.shape_cast %broadcast_in_dim3A_394 : vector<16x1xi32> to vector<16xi32>
          %gather3A_396 = tpu.dynamic_gather %get3A_384[%gather3A_395] in [0] : vector<16xf32>, vector<16xi32> -> vector<16xf32>
          %broadcast_in_dim3A_397 = vector.shape_cast %and3A_10 : vector<16xi32> to vector<16x1xi32>
          %gather3A_398 = vector.shape_cast %broadcast_in_dim3A_397 : vector<16x1xi32> to vector<16xi32>
          %gather3A_399 = tpu.dynamic_gather %get3A_393[%gather3A_398] in [0] : vector<16xf32>, vector<16xi32> -> vector<16xf32>
          %select_n3A_400 = arith.select %lt3A_21, %gather3A_396, %gather3A_399 : vector<16xi1>, vector<16xf32>
          %broadcast_in_dim3A_401 = vector.shape_cast %and3A_19 : vector<16xi32> to vector<16x1xi32>
          %gather3A_402 = vector.shape_cast %broadcast_in_dim3A_401 : vector<16x1xi32> to vector<16xi32>
          %gather3A_403 = tpu.dynamic_gather %get3A_384[%gather3A_402] in [0] : vector<16xf32>, vector<16xi32> -> vector<16xf32>
          %broadcast_in_dim3A_404 = vector.shape_cast %and3A_19 : vector<16xi32> to vector<16x1xi32>
          %gather3A_405 = vector.shape_cast %broadcast_in_dim3A_404 : vector<16x1xi32> to vector<16xi32>
          %gather3A_406 = tpu.dynamic_gather %get3A_393[%gather3A_405] in [0] : vector<16xf32>, vector<16xi32> -> vector<16xf32>
          %select_n3A_407 = arith.select %lt3A_21, %gather3A_403, %gather3A_406 : vector<16xi1>, vector<16xf32>
          %sub3A_408 = arith.subf %select_n3A_407, %select_n3A_400 : vector<16xf32>
          %mul3A_409 = arith.mulf %get3A_278, %sub3A_408 : vector<16xf32>
          %add3A_410 = arith.addf %select_n3A_400, %mul3A_409 : vector<16xf32>
          %sub3A_411 = arith.subf %add3A_344, %add3A_311 : vector<16xf32>
          %mul3A_412 = arith.mulf %get3A_273, %sub3A_411 : vector<16xf32>
          %add3A_413 = arith.addf %add3A_311, %mul3A_412 : vector<16xf32>
          %sub3A_414 = arith.subf %add3A_410, %add3A_377 : vector<16xf32>
          %mul3A_415 = arith.mulf %get3A_273, %sub3A_414 : vector<16xf32>
          %add3A_416 = arith.addf %add3A_377, %mul3A_415 : vector<16xf32>
          %sub3A_417 = arith.subf %add3A_416, %add3A_413 : vector<16xf32>
          %mul3A_418 = arith.mulf %get3A_268, %sub3A_417 : vector<16xf32>
          %add3A_419 = arith.addf %add3A_413, %mul3A_418 : vector<16xf32>
          %swap3A_420 = arith.index_cast %mul3A_263 : i32 to index
          %swap3A_421 = tpu.vector_load %arg19[%swap3A_420] {strides = array<i32>} : memref<2000xf32, #tpu.memory_space<vmem>>, vector<16xf32>,
          %swap3A_422 = vector.shape_cast %swap3A_421 : vector<16xf32> to vector<16xf32>
          %swap3A_423 = vector.shape_cast %add3A_419 : vector<16xf32> to vector<16xf32>
          tpu.vector_store %arg19[%swap3A_420], %swap3A_423 {strides = array<i32>} : memref<2000xf32, #tpu.memory_space<vmem>>, vector<16xf32>,
          %scan3A_424 = arith.constant 0 : i32
          %scan3A_425 = arith.constant 1 : i32
          %scan3A_426 = arith.addi %scan3A_260, %scan3A_425 : i32
          %mul3A_427 = arith.constant 16 : i32
          %mul3A_428 = arith.muli %mul3A_427, %scan3A_426 : i32
          %add3A_429 = arith.constant 0 : i32
          %add3A_430 = arith.addi %add3A_429, %mul3A_428 : i32
          %get3A_431 = arith.index_cast %add3A_430 : i32 to index
          %get3A_432 = tpu.vector_load %arg13[%get3A_431] {strides = array<i32>} : memref<6000xf32, #tpu.memory_space<vmem>>, vector<16xf32>,
          %get3A_433 = vector.shape_cast %get3A_432 : vector<16xf32> to vector<16xf32>
          %add3A_434 = arith.constant 2000 : i32
          %add3A_435 = arith.addi %add3A_434, %mul3A_428 : i32
          %get3A_436 = arith.index_cast %add3A_435 : i32 to index
          %get3A_437 = tpu.vector_load %arg13[%get3A_436] {strides = array<i32>} : memref<6000xf32, #tpu.memory_space<vmem>>, vector<16xf32>,
          %get3A_438 = vector.shape_cast %get3A_437 : vector<16xf32> to vector<16xf32>
          %add3A_439 = arith.constant 4000 : i32
          %add3A_440 = arith.addi %add3A_439, %mul3A_428 : i32
          %get3A_441 = arith.index_cast %add3A_440 : i32 to index
          %get3A_442 = tpu.vector_load %arg13[%get3A_441] {strides = array<i32>} : memref<6000xf32, #tpu.memory_space<vmem>>, vector<16xf32>,
          %get3A_443 = vector.shape_cast %get3A_442 : vector<16xf32> to vector<16xf32>
          %add3A_444 = arith.constant 0 : i32
          %add3A_445 = arith.addi %add3A_444, %mul3A_428 : i32
          %mul3A_446 = arith.constant 2 : i32
          %mul3A_447 = arith.muli %mul3A_446, %add3A_445 : i32
          %get3A_448 = arith.index_cast %mul3A_447 : i32 to index
          %get3A_449 = tpu.vector_load %arg17[%get3A_448] {strides = array<i32>} : memref<16000xf32, #tpu.memory_space<vmem>>, vector<16xf32>,
          %get3A_450 = vector.shape_cast %get3A_449 : vector<16xf32> to vector<16xf32>
          %add3A_451 = arith.constant 0 : i32
          %add3A_452 = arith.addi %add3A_451, %mul3A_428 : i32
          %mul3A_453 = arith.constant 2 : i32
          %mul3A_454 = arith.muli %mul3A_453, %add3A_452 : i32
          %add3A_455 = arith.constant 16 : i32
          %add3A_456 = arith.addi %mul3A_454, %add3A_455 : i32
          %get3A_457 = arith.index_cast %add3A_456 : i32 to index
          %get3A_458 = tpu.vector_load %arg17[%get3A_457] {strides = array<i32>} : memref<16000xf32, #tpu.memory_space<vmem>>, vector<16xf32>,
          %get3A_459 = vector.shape_cast %get3A_458 : vector<16xf32> to vector<16xf32>
          %broadcast_in_dim3A_460 = vector.shape_cast %and3A_10 : vector<16xi32> to vector<16x1xi32>
          %gather3A_461 = vector.shape_cast %broadcast_in_dim3A_460 : vector<16x1xi32> to vector<16xi32>
          %gather3A_462 = tpu.dynamic_gather %get3A_450[%gather3A_461] in [0] : vector<16xf32>, vector<16xi32> -> vector<16xf32>
          %broadcast_in_dim3A_463 = vector.shape_cast %and3A_10 : vector<16xi32> to vector<16x1xi32>
          %gather3A_464 = vector.shape_cast %broadcast_in_dim3A_463 : vector<16x1xi32> to vector<16xi32>
          %gather3A_465 = tpu.dynamic_gather %get3A_459[%gather3A_464] in [0] : vector<16xf32>, vector<16xi32> -> vector<16xf32>
          %select_n3A_466 = arith.select %lt3A_21, %gather3A_462, %gather3A_465 : vector<16xi1>, vector<16xf32>
          %broadcast_in_dim3A_467 = vector.shape_cast %and3A_19 : vector<16xi32> to vector<16x1xi32>
          %gather3A_468 = vector.shape_cast %broadcast_in_dim3A_467 : vector<16x1xi32> to vector<16xi32>
          %gather3A_469 = tpu.dynamic_gather %get3A_450[%gather3A_468] in [0] : vector<16xf32>, vector<16xi32> -> vector<16xf32>
          %broadcast_in_dim3A_470 = vector.shape_cast %and3A_19 : vector<16xi32> to vector<16x1xi32>
          %gather3A_471 = vector.shape_cast %broadcast_in_dim3A_470 : vector<16x1xi32> to vector<16xi32>
          %gather3A_472 = tpu.dynamic_gather %get3A_459[%gather3A_471] in [0] : vector<16xf32>, vector<16xi32> -> vector<16xf32>
          %select_n3A_473 = arith.select %lt3A_21, %gather3A_469, %gather3A_472 : vector<16xi1>, vector<16xf32>
          %sub3A_474 = arith.subf %select_n3A_473, %select_n3A_466 : vector<16xf32>
          %mul3A_475 = arith.mulf %get3A_443, %sub3A_474 : vector<16xf32>
          %add3A_476 = arith.addf %select_n3A_466, %mul3A_475 : vector<16xf32>
          %add3A_477 = arith.constant 2000 : i32
          %add3A_478 = arith.addi %add3A_477, %mul3A_428 : i32
          %mul3A_479 = arith.constant 2 : i32
          %mul3A_480 = arith.muli %mul3A_479, %add3A_478 : i32
          %get3A_481 = arith.index_cast %mul3A_480 : i32 to index
          %get3A_482 = tpu.vector_load %arg17[%get3A_481] {strides = array<i32>} : memref<16000xf32, #tpu.memory_space<vmem>>, vector<16xf32>,
          %get3A_483 = vector.shape_cast %get3A_482 : vector<16xf32> to vector<16xf32>
          %add3A_484 = arith.constant 2000 : i32
          %add3A_485 = arith.addi %add3A_484, %mul3A_428 : i32
          %mul3A_486 = arith.constant 2 : i32
          %mul3A_487 = arith.muli %mul3A_486, %add3A_485 : i32
          %add3A_488 = arith.constant 16 : i32
          %add3A_489 = arith.addi %mul3A_487, %add3A_488 : i32
          %get3A_490 = arith.index_cast %add3A_489 : i32 to index
          %get3A_491 = tpu.vector_load %arg17[%get3A_490] {strides = array<i32>} : memref<16000xf32, #tpu.memory_space<vmem>>, vector<16xf32>,
          %get3A_492 = vector.shape_cast %get3A_491 : vector<16xf32> to vector<16xf32>
          %broadcast_in_dim3A_493 = vector.shape_cast %and3A_10 : vector<16xi32> to vector<16x1xi32>
          %gather3A_494 = vector.shape_cast %broadcast_in_dim3A_493 : vector<16x1xi32> to vector<16xi32>
          %gather3A_495 = tpu.dynamic_gather %get3A_483[%gather3A_494] in [0] : vector<16xf32>, vector<16xi32> -> vector<16xf32>
          %broadcast_in_dim3A_496 = vector.shape_cast %and3A_10 : vector<16xi32> to vector<16x1xi32>
          %gather3A_497 = vector.shape_cast %broadcast_in_dim3A_496 : vector<16x1xi32> to vector<16xi32>
          %gather3A_498 = tpu.dynamic_gather %get3A_492[%gather3A_497] in [0] : vector<16xf32>, vector<16xi32> -> vector<16xf32>
          %select_n3A_499 = arith.select %lt3A_21, %gather3A_495, %gather3A_498 : vector<16xi1>, vector<16xf32>
          %broadcast_in_dim3A_500 = vector.shape_cast %and3A_19 : vector<16xi32> to vector<16x1xi32>
          %gather3A_501 = vector.shape_cast %broadcast_in_dim3A_500 : vector<16x1xi32> to vector<16xi32>
          %gather3A_502 = tpu.dynamic_gather %get3A_483[%gather3A_501] in [0] : vector<16xf32>, vector<16xi32> -> vector<16xf32>
          %broadcast_in_dim3A_503 = vector.shape_cast %and3A_19 : vector<16xi32> to vector<16x1xi32>
          %gather3A_504 = vector.shape_cast %broadcast_in_dim3A_503 : vector<16x1xi32> to vector<16xi32>
          %gather3A_505 = tpu.dynamic_gather %get3A_492[%gather3A_504] in [0] : vector<16xf32>, vector<16xi32> -> vector<16xf32>
          %select_n3A_506 = arith.select %lt3A_21, %gather3A_502, %gather3A_505 : vector<16xi1>, vector<16xf32>
          %sub3A_507 = arith.subf %select_n3A_506, %select_n3A_499 : vector<16xf32>
          %mul3A_508 = arith.mulf %get3A_443, %sub3A_507 : vector<16xf32>
          %add3A_509 = arith.addf %select_n3A_499, %mul3A_508 : vector<16xf32>
          %add3A_510 = arith.constant 4000 : i32
          %add3A_511 = arith.addi %add3A_510, %mul3A_428 : i32
          %mul3A_512 = arith.constant 2 : i32
          %mul3A_513 = arith.muli %mul3A_512, %add3A_511 : i32
          %get3A_514 = arith.index_cast %mul3A_513 : i32 to index
          %get3A_515 = tpu.vector_load %arg17[%get3A_514] {strides = array<i32>} : memref<16000xf32, #tpu.memory_space<vmem>>, vector<16xf32>,
          %get3A_516 = vector.shape_cast %get3A_515 : vector<16xf32> to vector<16xf32>
          %add3A_517 = arith.constant 4000 : i32
          %add3A_518 = arith.addi %add3A_517, %mul3A_428 : i32
          %mul3A_519 = arith.constant 2 : i32
          %mul3A_520 = arith.muli %mul3A_519, %add3A_518 : i32
          %add3A_521 = arith.constant 16 : i32
          %add3A_522 = arith.addi %mul3A_520, %add3A_521 : i32
          %get3A_523 = arith.index_cast %add3A_522 : i32 to index
          %get3A_524 = tpu.vector_load %arg17[%get3A_523] {strides = array<i32>} : memref<16000xf32, #tpu.memory_space<vmem>>, vector<16xf32>,
          %get3A_525 = vector.shape_cast %get3A_524 : vector<16xf32> to vector<16xf32>
          %broadcast_in_dim3A_526 = vector.shape_cast %and3A_10 : vector<16xi32> to vector<16x1xi32>
          %gather3A_527 = vector.shape_cast %broadcast_in_dim3A_526 : vector<16x1xi32> to vector<16xi32>
          %gather3A_528 = tpu.dynamic_gather %get3A_516[%gather3A_527] in [0] : vector<16xf32>, vector<16xi32> -> vector<16xf32>
          %broadcast_in_dim3A_529 = vector.shape_cast %and3A_10 : vector<16xi32> to vector<16x1xi32>
          %gather3A_530 = vector.shape_cast %broadcast_in_dim3A_529 : vector<16x1xi32> to vector<16xi32>
          %gather3A_531 = tpu.dynamic_gather %get3A_525[%gather3A_530] in [0] : vector<16xf32>, vector<16xi32> -> vector<16xf32>
          %select_n3A_532 = arith.select %lt3A_21, %gather3A_528, %gather3A_531 : vector<16xi1>, vector<16xf32>
          %broadcast_in_dim3A_533 = vector.shape_cast %and3A_19 : vector<16xi32> to vector<16x1xi32>
          %gather3A_534 = vector.shape_cast %broadcast_in_dim3A_533 : vector<16x1xi32> to vector<16xi32>
          %gather3A_535 = tpu.dynamic_gather %get3A_516[%gather3A_534] in [0] : vector<16xf32>, vector<16xi32> -> vector<16xf32>
          %broadcast_in_dim3A_536 = vector.shape_cast %and3A_19 : vector<16xi32> to vector<16x1xi32>
          %gather3A_537 = vector.shape_cast %broadcast_in_dim3A_536 : vector<16x1xi32> to vector<16xi32>
          %gather3A_538 = tpu.dynamic_gather %get3A_525[%gather3A_537] in [0] : vector<16xf32>, vector<16xi32> -> vector<16xf32>
          %select_n3A_539 = arith.select %lt3A_21, %gather3A_535, %gather3A_538 : vector<16xi1>, vector<16xf32>
          %sub3A_540 = arith.subf %select_n3A_539, %select_n3A_532 : vector<16xf32>
          %mul3A_541 = arith.mulf %get3A_443, %sub3A_540 : vector<16xf32>
          %add3A_542 = arith.addf %select_n3A_532, %mul3A_541 : vector<16xf32>
          %add3A_543 = arith.constant 6000 : i32
          %add3A_544 = arith.addi %add3A_543, %mul3A_428 : i32
          %mul3A_545 = arith.constant 2 : i32
          %mul3A_546 = arith.muli %mul3A_545, %add3A_544 : i32
          %get3A_547 = arith.index_cast %mul3A_546 : i32 to index
          %get3A_548 = tpu.vector_load %arg17[%get3A_547] {strides = array<i32>} : memref<16000xf32, #tpu.memory_space<vmem>>, vector<16xf32>,
          %get3A_549 = vector.shape_cast %get3A_548 : vector<16xf32> to vector<16xf32>
          %add3A_550 = arith.constant 6000 : i32
          %add3A_551 = arith.addi %add3A_550, %mul3A_428 : i32
          %mul3A_552 = arith.constant 2 : i32
          %mul3A_553 = arith.muli %mul3A_552, %add3A_551 : i32
          %add3A_554 = arith.constant 16 : i32
          %add3A_555 = arith.addi %mul3A_553, %add3A_554 : i32
          %get3A_556 = arith.index_cast %add3A_555 : i32 to index
          %get3A_557 = tpu.vector_load %arg17[%get3A_556] {strides = array<i32>} : memref<16000xf32, #tpu.memory_space<vmem>>, vector<16xf32>,
          %get3A_558 = vector.shape_cast %get3A_557 : vector<16xf32> to vector<16xf32>
          %broadcast_in_dim3A_559 = vector.shape_cast %and3A_10 : vector<16xi32> to vector<16x1xi32>
          %gather3A_560 = vector.shape_cast %broadcast_in_dim3A_559 : vector<16x1xi32> to vector<16xi32>
          %gather3A_561 = tpu.dynamic_gather %get3A_549[%gather3A_560] in [0] : vector<16xf32>, vector<16xi32> -> vector<16xf32>
          %broadcast_in_dim3A_562 = vector.shape_cast %and3A_10 : vector<16xi32> to vector<16x1xi32>
          %gather3A_563 = vector.shape_cast %broadcast_in_dim3A_562 : vector<16x1xi32> to vector<16xi32>
          %gather3A_564 = tpu.dynamic_gather %get3A_558[%gather3A_563] in [0] : vector<16xf32>, vector<16xi32> -> vector<16xf32>
          %select_n3A_565 = arith.select %lt3A_21, %gather3A_561, %gather3A_564 : vector<16xi1>, vector<16xf32>
          %broadcast_in_dim3A_566 = vector.shape_cast %and3A_19 : vector<16xi32> to vector<16x1xi32>
          %gather3A_567 = vector.shape_cast %broadcast_in_dim3A_566 : vector<16x1xi32> to vector<16xi32>
          %gather3A_568 = tpu.dynamic_gather %get3A_549[%gather3A_567] in [0] : vector<16xf32>, vector<16xi32> -> vector<16xf32>
          %broadcast_in_dim3A_569 = vector.shape_cast %and3A_19 : vector<16xi32> to vector<16x1xi32>
          %gather3A_570 = vector.shape_cast %broadcast_in_dim3A_569 : vector<16x1xi32> to vector<16xi32>
          %gather3A_571 = tpu.dynamic_gather %get3A_558[%gather3A_570] in [0] : vector<16xf32>, vector<16xi32> -> vector<16xf32>
          %select_n3A_572 = arith.select %lt3A_21, %gather3A_568, %gather3A_571 : vector<16xi1>, vector<16xf32>
          %sub3A_573 = arith.subf %select_n3A_572, %select_n3A_565 : vector<16xf32>
          %mul3A_574 = arith.mulf %get3A_443, %sub3A_573 : vector<16xf32>
          %add3A_575 = arith.addf %select_n3A_565, %mul3A_574 : vector<16xf32>
          %sub3A_576 = arith.subf %add3A_509, %add3A_476 : vector<16xf32>
          %mul3A_577 = arith.mulf %get3A_438, %sub3A_576 : vector<16xf32>
          %add3A_578 = arith.addf %add3A_476, %mul3A_577 : vector<16xf32>
          %sub3A_579 = arith.subf %add3A_575, %add3A_542 : vector<16xf32>
          %mul3A_580 = arith.mulf %get3A_438, %sub3A_579 : vector<16xf32>
          %add3A_581 = arith.addf %add3A_542, %mul3A_580 : vector<16xf32>
          %sub3A_582 = arith.subf %add3A_581, %add3A_578 : vector<16xf32>
          %mul3A_583 = arith.mulf %get3A_433, %sub3A_582 : vector<16xf32>
          %add3A_584 = arith.addf %add3A_578, %mul3A_583 : vector<16xf32>
          %swap3A_585 = arith.index_cast %mul3A_428 : i32 to index
          %swap3A_586 = tpu.vector_load %arg19[%swap3A_585] {strides = array<i32>} : memref<2000xf32, #tpu.memory_space<vmem>>, vector<16xf32>,
          %swap3A_587 = vector.shape_cast %swap3A_586 : vector<16xf32> to vector<16xf32>
          %swap3A_588 = vector.shape_cast %add3A_584 : vector<16xf32> to vector<16xf32>
          tpu.vector_store %arg19[%swap3A_585], %swap3A_588 {strides = array<i32>} : memref<2000xf32, #tpu.memory_space<vmem>>, vector<16xf32>,
          %scan3A_589 = arith.constant 0 : i32
          scf.yield %scan3A_589 : i32
        }
        %scan3A_98 = arith.constant 124 : i32
        %scan3A_99 = arith.addi %scan3A_93, %scan3A_98 : i32
        %mul3A_100 = arith.constant 16 : i32
        %mul3A_101 = arith.muli %mul3A_100, %scan3A_99 : i32
        %add3A_102 = arith.constant 0 : i32
        %add3A_103 = arith.addi %add3A_102, %mul3A_101 : i32
        %get3A = arith.index_cast %add3A_103 : i32 to index
        %get3A_104 = tpu.vector_load %arg13[%get3A] {strides = array<i32>} : memref<6000xf32, #tpu.memory_space<vmem>>, vector<16xf32>,
        %get3A_105 = vector.shape_cast %get3A_104 : vector<16xf32> to vector<16xf32>
        %add3A_106 = arith.constant 2000 : i32
        %add3A_107 = arith.addi %add3A_106, %mul3A_101 : i32
        %get3A_108 = arith.index_cast %add3A_107 : i32 to index
        %get3A_109 = tpu.vector_load %arg13[%get3A_108] {strides = array<i32>} : memref<6000xf32, #tpu.memory_space<vmem>>, vector<16xf32>,
        %get3A_110 = vector.shape_cast %get3A_109 : vector<16xf32> to vector<16xf32>
        %add3A_111 = arith.constant 4000 : i32
        %add3A_112 = arith.addi %add3A_111, %mul3A_101 : i32
        %get3A_113 = arith.index_cast %add3A_112 : i32 to index
        %get3A_114 = tpu.vector_load %arg13[%get3A_113] {strides = array<i32>} : memref<6000xf32, #tpu.memory_space<vmem>>, vector<16xf32>,
        %get3A_115 = vector.shape_cast %get3A_114 : vector<16xf32> to vector<16xf32>
        %add3A_116 = arith.constant 0 : i32
        %add3A_117 = arith.addi %add3A_116, %mul3A_101 : i32
        %mul3A_118 = arith.constant 2 : i32
        %mul3A_119 = arith.muli %mul3A_118, %add3A_117 : i32
        %get3A_120 = arith.index_cast %mul3A_119 : i32 to index
        %get3A_121 = tpu.vector_load %arg17[%get3A_120] {strides = array<i32>} : memref<16000xf32, #tpu.memory_space<vmem>>, vector<16xf32>,
        %get3A_122 = vector.shape_cast %get3A_121 : vector<16xf32> to vector<16xf32>
        %add3A_123 = arith.constant 0 : i32
        %add3A_124 = arith.addi %add3A_123, %mul3A_101 : i32
        %mul3A_125 = arith.constant 2 : i32
        %mul3A_126 = arith.muli %mul3A_125, %add3A_124 : i32
        %add3A_127 = arith.constant 16 : i32
        %add3A_128 = arith.addi %mul3A_126, %add3A_127 : i32
        %get3A_129 = arith.index_cast %add3A_128 : i32 to index
        %get3A_130 = tpu.vector_load %arg17[%get3A_129] {strides = array<i32>} : memref<16000xf32, #tpu.memory_space<vmem>>, vector<16xf32>,
        %get3A_131 = vector.shape_cast %get3A_130 : vector<16xf32> to vector<16xf32>
        %broadcast_in_dim3A = vector.shape_cast %and3A_10 : vector<16xi32> to vector<16x1xi32>
        %gather3A = vector.shape_cast %broadcast_in_dim3A : vector<16x1xi32> to vector<16xi32>
        %gather3A_132 = tpu.dynamic_gather %get3A_122[%gather3A] in [0] : vector<16xf32>, vector<16xi32> -> vector<16xf32>
        %broadcast_in_dim3A_133 = vector.shape_cast %and3A_10 : vector<16xi32> to vector<16x1xi32>
        %gather3A_134 = vector.shape_cast %broadcast_in_dim3A_133 : vector<16x1xi32> to vector<16xi32>
        %gather3A_135 = tpu.dynamic_gather %get3A_131[%gather3A_134] in [0] : vector<16xf32>, vector<16xi32> -> vector<16xf32>
        %select_n3A = arith.select %lt3A_21, %gather3A_132, %gather3A_135 : vector<16xi1>, vector<16xf32>
        %broadcast_in_dim3A_136 = vector.shape_cast %and3A_19 : vector<16xi32> to vector<16x1xi32>
        %gather3A_137 = vector.shape_cast %broadcast_in_dim3A_136 : vector<16x1xi32> to vector<16xi32>
        %gather3A_138 = tpu.dynamic_gather %get3A_122[%gather3A_137] in [0] : vector<16xf32>, vector<16xi32> -> vector<16xf32>
        %broadcast_in_dim3A_139 = vector.shape_cast %and3A_19 : vector<16xi32> to vector<16x1xi32>
        %gather3A_140 = vector.shape_cast %broadcast_in_dim3A_139 : vector<16x1xi32> to vector<16xi32>
        %gather3A_141 = tpu.dynamic_gather %get3A_131[%gather3A_140] in [0] : vector<16xf32>, vector<16xi32> -> vector<16xf32>
        %select_n3A_142 = arith.select %lt3A_21, %gather3A_138, %gather3A_141 : vector<16xi1>, vector<16xf32>
        %sub3A = arith.subf %select_n3A_142, %select_n3A : vector<16xf32>
        %mul3A_143 = arith.mulf %get3A_115, %sub3A : vector<16xf32>
        %add3A_144 = arith.addf %select_n3A, %mul3A_143 : vector<16xf32>
        %add3A_145 = arith.constant 2000 : i32
        %add3A_146 = arith.addi %add3A_145, %mul3A_101 : i32
        %mul3A_147 = arith.constant 2 : i32
        %mul3A_148 = arith.muli %mul3A_147, %add3A_146 : i32
        %get3A_149 = arith.index_cast %mul3A_148 : i32 to index
        %get3A_150 = tpu.vector_load %arg17[%get3A_149] {strides = array<i32>} : memref<16000xf32, #tpu.memory_space<vmem>>, vector<16xf32>,
        %get3A_151 = vector.shape_cast %get3A_150 : vector<16xf32> to vector<16xf32>
        %add3A_152 = arith.constant 2000 : i32
        %add3A_153 = arith.addi %add3A_152, %mul3A_101 : i32
        %mul3A_154 = arith.constant 2 : i32
        %mul3A_155 = arith.muli %mul3A_154, %add3A_153 : i32
        %add3A_156 = arith.constant 16 : i32
        %add3A_157 = arith.addi %mul3A_155, %add3A_156 : i32
        %get3A_158 = arith.index_cast %add3A_157 : i32 to index
        %get3A_159 = tpu.vector_load %arg17[%get3A_158] {strides = array<i32>} : memref<16000xf32, #tpu.memory_space<vmem>>, vector<16xf32>,
        %get3A_160 = vector.shape_cast %get3A_159 : vector<16xf32> to vector<16xf32>
        %broadcast_in_dim3A_161 = vector.shape_cast %and3A_10 : vector<16xi32> to vector<16x1xi32>
        %gather3A_162 = vector.shape_cast %broadcast_in_dim3A_161 : vector<16x1xi32> to vector<16xi32>
        %gather3A_163 = tpu.dynamic_gather %get3A_151[%gather3A_162] in [0] : vector<16xf32>, vector<16xi32> -> vector<16xf32>
        %broadcast_in_dim3A_164 = vector.shape_cast %and3A_10 : vector<16xi32> to vector<16x1xi32>
        %gather3A_165 = vector.shape_cast %broadcast_in_dim3A_164 : vector<16x1xi32> to vector<16xi32>
        %gather3A_166 = tpu.dynamic_gather %get3A_160[%gather3A_165] in [0] : vector<16xf32>, vector<16xi32> -> vector<16xf32>
        %select_n3A_167 = arith.select %lt3A_21, %gather3A_163, %gather3A_166 : vector<16xi1>, vector<16xf32>
        %broadcast_in_dim3A_168 = vector.shape_cast %and3A_19 : vector<16xi32> to vector<16x1xi32>
        %gather3A_169 = vector.shape_cast %broadcast_in_dim3A_168 : vector<16x1xi32> to vector<16xi32>
        %gather3A_170 = tpu.dynamic_gather %get3A_151[%gather3A_169] in [0] : vector<16xf32>, vector<16xi32> -> vector<16xf32>
        %broadcast_in_dim3A_171 = vector.shape_cast %and3A_19 : vector<16xi32> to vector<16x1xi32>
        %gather3A_172 = vector.shape_cast %broadcast_in_dim3A_171 : vector<16x1xi32> to vector<16xi32>
        %gather3A_173 = tpu.dynamic_gather %get3A_160[%gather3A_172] in [0] : vector<16xf32>, vector<16xi32> -> vector<16xf32>
        %select_n3A_174 = arith.select %lt3A_21, %gather3A_170, %gather3A_173 : vector<16xi1>, vector<16xf32>
        %sub3A_175 = arith.subf %select_n3A_174, %select_n3A_167 : vector<16xf32>
        %mul3A_176 = arith.mulf %get3A_115, %sub3A_175 : vector<16xf32>
        %add3A_177 = arith.addf %select_n3A_167, %mul3A_176 : vector<16xf32>
        %add3A_178 = arith.constant 4000 : i32
        %add3A_179 = arith.addi %add3A_178, %mul3A_101 : i32
        %mul3A_180 = arith.constant 2 : i32
        %mul3A_181 = arith.muli %mul3A_180, %add3A_179 : i32
        %get3A_182 = arith.index_cast %mul3A_181 : i32 to index
        %get3A_183 = tpu.vector_load %arg17[%get3A_182] {strides = array<i32>} : memref<16000xf32, #tpu.memory_space<vmem>>, vector<16xf32>,
        %get3A_184 = vector.shape_cast %get3A_183 : vector<16xf32> to vector<16xf32>
        %add3A_185 = arith.constant 4000 : i32
        %add3A_186 = arith.addi %add3A_185, %mul3A_101 : i32
        %mul3A_187 = arith.constant 2 : i32
        %mul3A_188 = arith.muli %mul3A_187, %add3A_186 : i32
        %add3A_189 = arith.constant 16 : i32
        %add3A_190 = arith.addi %mul3A_188, %add3A_189 : i32
        %get3A_191 = arith.index_cast %add3A_190 : i32 to index
        %get3A_192 = tpu.vector_load %arg17[%get3A_191] {strides = array<i32>} : memref<16000xf32, #tpu.memory_space<vmem>>, vector<16xf32>,
        %get3A_193 = vector.shape_cast %get3A_192 : vector<16xf32> to vector<16xf32>
        %broadcast_in_dim3A_194 = vector.shape_cast %and3A_10 : vector<16xi32> to vector<16x1xi32>
        %gather3A_195 = vector.shape_cast %broadcast_in_dim3A_194 : vector<16x1xi32> to vector<16xi32>
        %gather3A_196 = tpu.dynamic_gather %get3A_184[%gather3A_195] in [0] : vector<16xf32>, vector<16xi32> -> vector<16xf32>
        %broadcast_in_dim3A_197 = vector.shape_cast %and3A_10 : vector<16xi32> to vector<16x1xi32>
        %gather3A_198 = vector.shape_cast %broadcast_in_dim3A_197 : vector<16x1xi32> to vector<16xi32>
        %gather3A_199 = tpu.dynamic_gather %get3A_193[%gather3A_198] in [0] : vector<16xf32>, vector<16xi32> -> vector<16xf32>
        %select_n3A_200 = arith.select %lt3A_21, %gather3A_196, %gather3A_199 : vector<16xi1>, vector<16xf32>
        %broadcast_in_dim3A_201 = vector.shape_cast %and3A_19 : vector<16xi32> to vector<16x1xi32>
        %gather3A_202 = vector.shape_cast %broadcast_in_dim3A_201 : vector<16x1xi32> to vector<16xi32>
        %gather3A_203 = tpu.dynamic_gather %get3A_184[%gather3A_202] in [0] : vector<16xf32>, vector<16xi32> -> vector<16xf32>
        %broadcast_in_dim3A_204 = vector.shape_cast %and3A_19 : vector<16xi32> to vector<16x1xi32>
        %gather3A_205 = vector.shape_cast %broadcast_in_dim3A_204 : vector<16x1xi32> to vector<16xi32>
        %gather3A_206 = tpu.dynamic_gather %get3A_193[%gather3A_205] in [0] : vector<16xf32>, vector<16xi32> -> vector<16xf32>
        %select_n3A_207 = arith.select %lt3A_21, %gather3A_203, %gather3A_206 : vector<16xi1>, vector<16xf32>
        %sub3A_208 = arith.subf %select_n3A_207, %select_n3A_200 : vector<16xf32>
        %mul3A_209 = arith.mulf %get3A_115, %sub3A_208 : vector<16xf32>
        %add3A_210 = arith.addf %select_n3A_200, %mul3A_209 : vector<16xf32>
        %add3A_211 = arith.constant 6000 : i32
        %add3A_212 = arith.addi %add3A_211, %mul3A_101 : i32
        %mul3A_213 = arith.constant 2 : i32
        %mul3A_214 = arith.muli %mul3A_213, %add3A_212 : i32
        %get3A_215 = arith.index_cast %mul3A_214 : i32 to index
        %get3A_216 = tpu.vector_load %arg17[%get3A_215] {strides = array<i32>} : memref<16000xf32, #tpu.memory_space<vmem>>, vector<16xf32>,
        %get3A_217 = vector.shape_cast %get3A_216 : vector<16xf32> to vector<16xf32>
        %add3A_218 = arith.constant 6000 : i32
        %add3A_219 = arith.addi %add3A_218, %mul3A_101 : i32
        %mul3A_220 = arith.constant 2 : i32
        %mul3A_221 = arith.muli %mul3A_220, %add3A_219 : i32
        %add3A_222 = arith.constant 16 : i32
        %add3A_223 = arith.addi %mul3A_221, %add3A_222 : i32
        %get3A_224 = arith.index_cast %add3A_223 : i32 to index
        %get3A_225 = tpu.vector_load %arg17[%get3A_224] {strides = array<i32>} : memref<16000xf32, #tpu.memory_space<vmem>>, vector<16xf32>,
        %get3A_226 = vector.shape_cast %get3A_225 : vector<16xf32> to vector<16xf32>
        %broadcast_in_dim3A_227 = vector.shape_cast %and3A_10 : vector<16xi32> to vector<16x1xi32>
        %gather3A_228 = vector.shape_cast %broadcast_in_dim3A_227 : vector<16x1xi32> to vector<16xi32>
        %gather3A_229 = tpu.dynamic_gather %get3A_217[%gather3A_228] in [0] : vector<16xf32>, vector<16xi32> -> vector<16xf32>
        %broadcast_in_dim3A_230 = vector.shape_cast %and3A_10 : vector<16xi32> to vector<16x1xi32>
        %gather3A_231 = vector.shape_cast %broadcast_in_dim3A_230 : vector<16x1xi32> to vector<16xi32>
        %gather3A_232 = tpu.dynamic_gather %get3A_226[%gather3A_231] in [0] : vector<16xf32>, vector<16xi32> -> vector<16xf32>
        %select_n3A_233 = arith.select %lt3A_21, %gather3A_229, %gather3A_232 : vector<16xi1>, vector<16xf32>
        %broadcast_in_dim3A_234 = vector.shape_cast %and3A_19 : vector<16xi32> to vector<16x1xi32>
        %gather3A_235 = vector.shape_cast %broadcast_in_dim3A_234 : vector<16x1xi32> to vector<16xi32>
        %gather3A_236 = tpu.dynamic_gather %get3A_217[%gather3A_235] in [0] : vector<16xf32>, vector<16xi32> -> vector<16xf32>
        %broadcast_in_dim3A_237 = vector.shape_cast %and3A_19 : vector<16xi32> to vector<16x1xi32>
        %gather3A_238 = vector.shape_cast %broadcast_in_dim3A_237 : vector<16x1xi32> to vector<16xi32>
        %gather3A_239 = tpu.dynamic_gather %get3A_226[%gather3A_238] in [0] : vector<16xf32>, vector<16xi32> -> vector<16xf32>
        %select_n3A_240 = arith.select %lt3A_21, %gather3A_236, %gather3A_239 : vector<16xi1>, vector<16xf32>
        %sub3A_241 = arith.subf %select_n3A_240, %select_n3A_233 : vector<16xf32>
        %mul3A_242 = arith.mulf %get3A_115, %sub3A_241 : vector<16xf32>
        %add3A_243 = arith.addf %select_n3A_233, %mul3A_242 : vector<16xf32>
        %sub3A_244 = arith.subf %add3A_177, %add3A_144 : vector<16xf32>
        %mul3A_245 = arith.mulf %get3A_110, %sub3A_244 : vector<16xf32>
        %add3A_246 = arith.addf %add3A_144, %mul3A_245 : vector<16xf32>
        %sub3A_247 = arith.subf %add3A_243, %add3A_210 : vector<16xf32>
        %mul3A_248 = arith.mulf %get3A_110, %sub3A_247 : vector<16xf32>
        %add3A_249 = arith.addf %add3A_210, %mul3A_248 : vector<16xf32>
        %sub3A_250 = arith.subf %add3A_249, %add3A_246 : vector<16xf32>
        %mul3A_251 = arith.mulf %get3A_105, %sub3A_250 : vector<16xf32>
        %add3A_252 = arith.addf %add3A_246, %mul3A_251 : vector<16xf32>
        %swap3A = arith.index_cast %mul3A_101 : i32 to index
        %swap3A_253 = tpu.vector_load %arg19[%swap3A] {strides = array<i32>} : memref<2000xf32, #tpu.memory_space<vmem>>, vector<16xf32>,
        %swap3A_254 = vector.shape_cast %swap3A_253 : vector<16xf32> to vector<16xf32>
        %swap3A_255 = vector.shape_cast %add3A_252 : vector<16xf32> to vector<16xf32>
        tpu.vector_store %arg19[%swap3A], %swap3A_255 {strides = array<i32>} : memref<2000xf32, #tpu.memory_space<vmem>>, vector<16xf32>,
        %scan3A_256 = arith.constant 0 : i32
        %scan3A_257 = arith.constant 125 : i32
        %mul3A_258 = arith.constant 2000 : i32
        %mul3A_259 = arith.muli %add3A_49, %mul3A_258 : i32
        "tpu.region"() ({
          %run_scoped3A = tpu.sem_alloc : memref<!tpu.dma_semaphore, #tpu.memory_space<semaphore_mem>>
          %dma_start3A = tpu.memref_slice %arg6[%mul3A_259] : memref<1000000xf32, #tpu.memory_space<hbm>> -> memref<2000xf32, #tpu.memory_space<hbm>>
          %dma_start3A_260 = tpu.memref_slice %arg6[%mul3A_259] : memref<1000000xf32, #tpu.memory_space<hbm>> -> memref<2000xf32, #tpu.memory_space<hbm>>
          tpu.enqueue_dma source(%arg19 : memref<2000xf32, #tpu.memory_space<vmem>>) target(%dma_start3A_260 : memref<2000xf32, #tpu.memory_space<hbm>>) target_semaphore(%run_scoped3A : memref<!tpu.dma_semaphore, #tpu.memory_space<semaphore_mem>>)
          %dma_wait3A_261 = tpu.memref_slice %arg6[%mul3A_259] : memref<1000000xf32, #tpu.memory_space<hbm>> -> memref<2000xf32, #tpu.memory_space<hbm>>
          %dma_wait3A_262 = tpu.memref_slice %arg6[%mul3A_259] : memref<1000000xf32, #tpu.memory_space<hbm>> -> memref<2000xf32, #tpu.memory_space<hbm>>
          tpu.wait_dma2 semaphore(%run_scoped3A : memref<!tpu.dma_semaphore, #tpu.memory_space<semaphore_mem>>) src(%arg19 : memref<2000xf32, #tpu.memory_space<vmem>>) dst(%dma_wait3A_262 : memref<2000xf32, #tpu.memory_space<hbm>>)
          tpu.yield
        }) : () -> ()
      } else {
      }
      %add3A_69 = arith.constant 96 : i32
      %add3A_70 = arith.addi %add3A_49, %add3A_69 : i32
      %lt3A_71 = arith.constant 500 : i32
      %lt3A_72 = arith.cmpi slt, %add3A_70, %lt3A_71 : i32
      %convert_element_type3A_73 = arith.extui %lt3A_72 : i1 to i32
      %cond3A_74 = arith.constant 0 : i32
      %cond3A_75 = arith.cmpi ne, %convert_element_type3A_73, %cond3A_74 : i32
      scf.if %cond3A_75 {
        %mul3A_91 = arith.constant 2000 : i32
        %mul3A_92 = arith.muli %add3A_70, %mul3A_91 : i32
        %dma_start3A = tpu.memref_slice %arg2[%mul3A_92] : memref<1000000xf32, #tpu.memory_space<hbm>> -> memref<2000xf32, #tpu.memory_space<hbm>>
        %dma_start3A_93 = tpu.memref_slice %arg2[%mul3A_92] : memref<1000000xf32, #tpu.memory_space<hbm>> -> memref<2000xf32, #tpu.memory_space<hbm>>
        tpu.enqueue_dma source(%dma_start3A_93 : memref<2000xf32, #tpu.memory_space<hbm>>) target(%arg10 : memref<2000xf32, #tpu.memory_space<vmem>>) target_semaphore(%arg24 : memref<!tpu.dma_semaphore, #tpu.memory_space<semaphore_mem>>)
        %dma_start3A_94 = tpu.memref_slice %arg3[%mul3A_92] : memref<1000000xf32, #tpu.memory_space<hbm>> -> memref<2000xf32, #tpu.memory_space<hbm>>
        %dma_start3A_95 = tpu.memref_slice %arg3[%mul3A_92] : memref<1000000xf32, #tpu.memory_space<hbm>> -> memref<2000xf32, #tpu.memory_space<hbm>>
        tpu.enqueue_dma source(%dma_start3A_95 : memref<2000xf32, #tpu.memory_space<hbm>>) target(%arg11 : memref<2000xf32, #tpu.memory_space<vmem>>) target_semaphore(%arg24 : memref<!tpu.dma_semaphore, #tpu.memory_space<semaphore_mem>>)
        %dma_start3A_96 = tpu.memref_slice %arg4[%mul3A_92] : memref<1000000xf32, #tpu.memory_space<hbm>> -> memref<2000xf32, #tpu.memory_space<hbm>>
        %dma_start3A_97 = tpu.memref_slice %arg4[%mul3A_92] : memref<1000000xf32, #tpu.memory_space<hbm>> -> memref<2000xf32, #tpu.memory_space<hbm>>
        tpu.enqueue_dma source(%dma_start3A_97 : memref<2000xf32, #tpu.memory_space<hbm>>) target(%arg12 : memref<2000xf32, #tpu.memory_space<vmem>>) target_semaphore(%arg24 : memref<!tpu.dma_semaphore, #tpu.memory_space<semaphore_mem>>)
      } else {
      }
      %add3A_76 = arith.constant 64 : i32
      %add3A_77 = arith.addi %add3A_49, %add3A_76 : i32
      %lt3A_78 = arith.constant 500 : i32
      %lt3A_79 = arith.cmpi slt, %add3A_77, %lt3A_78 : i32
      %convert_element_type3A_80 = arith.extui %lt3A_79 : i1 to i32
      %cond3A_81 = arith.constant 0 : i32
      %cond3A_82 = arith.cmpi ne, %convert_element_type3A_80, %cond3A_81 : i32
      scf.if %cond3A_82 {
        %mul3A_91 = arith.constant 2000 : i32
        %mul3A_92 = arith.muli %add3A_77, %mul3A_91 : i32
        %dma_wait3A = tpu.memref_slice %arg2[%mul3A_92] : memref<1000000xf32, #tpu.memory_space<hbm>> -> memref<2000xf32, #tpu.memory_space<hbm>>
        %dma_wait3A_93 = tpu.memref_slice %arg2[%mul3A_92] : memref<1000000xf32, #tpu.memory_space<hbm>> -> memref<2000xf32, #tpu.memory_space<hbm>>
        tpu.wait_dma2 semaphore(%arg23 : memref<!tpu.dma_semaphore, #tpu.memory_space<semaphore_mem>>) src(%dma_wait3A_93 : memref<2000xf32, #tpu.memory_space<hbm>>) dst(%arg7 : memref<2000xf32, #tpu.memory_space<vmem>>)
        %dma_wait3A_94 = tpu.memref_slice %arg3[%mul3A_92] : memref<1000000xf32, #tpu.memory_space<hbm>> -> memref<2000xf32, #tpu.memory_space<hbm>>
        %dma_wait3A_95 = tpu.memref_slice %arg3[%mul3A_92] : memref<1000000xf32, #tpu.memory_space<hbm>> -> memref<2000xf32, #tpu.memory_space<hbm>>
        tpu.wait_dma2 semaphore(%arg23 : memref<!tpu.dma_semaphore, #tpu.memory_space<semaphore_mem>>) src(%dma_wait3A_95 : memref<2000xf32, #tpu.memory_space<hbm>>) dst(%arg8 : memref<2000xf32, #tpu.memory_space<vmem>>)
        %dma_wait3A_96 = tpu.memref_slice %arg4[%mul3A_92] : memref<1000000xf32, #tpu.memory_space<hbm>> -> memref<2000xf32, #tpu.memory_space<hbm>>
        %dma_wait3A_97 = tpu.memref_slice %arg4[%mul3A_92] : memref<1000000xf32, #tpu.memory_space<hbm>> -> memref<2000xf32, #tpu.memory_space<hbm>>
        tpu.wait_dma2 semaphore(%arg23 : memref<!tpu.dma_semaphore, #tpu.memory_space<semaphore_mem>>) src(%dma_wait3A_97 : memref<2000xf32, #tpu.memory_space<hbm>>) dst(%arg9 : memref<2000xf32, #tpu.memory_space<vmem>>)
        %scan3A_98 = arith.constant 0 : i32
        %scan3A_99 = arith.constant 0 : i32
        %scan3A_100 = arith.constant 124 : i32
        %scan3A_101 = arith.addi %scan3A_99, %scan3A_100 : i32
        %scan3A_102 = arith.constant 2 : i32
        %scan3A_103 = scf.for %scan3A_305 = %scan3A_99 to %scan3A_101 step %scan3A_102 iter_args(%scan3A_306 = %scan3A_98) -> (i32)  : i32 {
          %mul3A_307 = arith.constant 16 : i32
          %mul3A_308 = arith.muli %mul3A_307, %scan3A_305 : i32
          %get3A_309 = arith.index_cast %mul3A_308 : i32 to index
          %get3A_310 = tpu.vector_load %arg7[%get3A_309] {strides = array<i32>} : memref<2000xf32, #tpu.memory_space<vmem>>, vector<16xf32>,
          %get3A_311 = vector.shape_cast %get3A_310 : vector<16xf32> to vector<16xf32>
          %add3A_312 = arith.constant 1.000000e+00 : f32
          %add3A_313 = vector.broadcast %add3A_312 : f32 to vector<16xf32>
          %add3A_314 = arith.addf %get3A_311, %add3A_313 : vector<16xf32>
          %mul3A_315 = arith.constant 5.000000e-01 : f32
          %mul3A_316 = vector.broadcast %mul3A_315 : f32 to vector<16xf32>
          %mul3A_317 = arith.mulf %add3A_314, %mul3A_316 : vector<16xf32>
          %mul3A_318 = arith.constant 2.550000e+02 : f32
          %mul3A_319 = vector.broadcast %mul3A_318 : f32 to vector<16xf32>
          %mul3A_320 = arith.mulf %mul3A_317, %mul3A_319 : vector<16xf32>
          %convert_element_type3A_321 = arith.fptosi %mul3A_320 : vector<16xf32> to vector<16xi32>
          %convert_element_type3A_322 = arith.sitofp %convert_element_type3A_321 : vector<16xi32> to vector<16xf32>
          %sub3A_323 = arith.subf %mul3A_320, %convert_element_type3A_322 : vector<16xf32>
          %add3A_324 = arith.constant 0 : i32
          %add3A_325 = arith.addi %add3A_324, %mul3A_308 : i32
          %swap3A_326 = arith.index_cast %add3A_325 : i32 to index
          %swap3A_327 = tpu.vector_load %arg13[%swap3A_326] {strides = array<i32>} : memref<6000xf32, #tpu.memory_space<vmem>>, vector<16xf32>,
          %swap3A_328 = vector.shape_cast %swap3A_327 : vector<16xf32> to vector<16xf32>
          %swap3A_329 = vector.shape_cast %sub3A_323 : vector<16xf32> to vector<16xf32>
          tpu.vector_store %arg13[%swap3A_326], %swap3A_329 {strides = array<i32>} : memref<6000xf32, #tpu.memory_space<vmem>>, vector<16xf32>,
          %get3A_330 = arith.index_cast %mul3A_308 : i32 to index
          %get3A_331 = tpu.vector_load %arg8[%get3A_330] {strides = array<i32>} : memref<2000xf32, #tpu.memory_space<vmem>>, vector<16xf32>,
          %get3A_332 = vector.shape_cast %get3A_331 : vector<16xf32> to vector<16xf32>
          %add3A_333 = arith.constant 1.000000e+00 : f32
          %add3A_334 = vector.broadcast %add3A_333 : f32 to vector<16xf32>
          %add3A_335 = arith.addf %get3A_332, %add3A_334 : vector<16xf32>
          %mul3A_336 = arith.constant 5.000000e-01 : f32
          %mul3A_337 = vector.broadcast %mul3A_336 : f32 to vector<16xf32>
          %mul3A_338 = arith.mulf %add3A_335, %mul3A_337 : vector<16xf32>
          %mul3A_339 = arith.constant 2.550000e+02 : f32
          %mul3A_340 = vector.broadcast %mul3A_339 : f32 to vector<16xf32>
          %mul3A_341 = arith.mulf %mul3A_338, %mul3A_340 : vector<16xf32>
          %convert_element_type3A_342 = arith.fptosi %mul3A_341 : vector<16xf32> to vector<16xi32>
          %convert_element_type3A_343 = arith.sitofp %convert_element_type3A_342 : vector<16xi32> to vector<16xf32>
          %sub3A_344 = arith.subf %mul3A_341, %convert_element_type3A_343 : vector<16xf32>
          %add3A_345 = arith.constant 2000 : i32
          %add3A_346 = arith.addi %add3A_345, %mul3A_308 : i32
          %swap3A_347 = arith.index_cast %add3A_346 : i32 to index
          %swap3A_348 = tpu.vector_load %arg13[%swap3A_347] {strides = array<i32>} : memref<6000xf32, #tpu.memory_space<vmem>>, vector<16xf32>,
          %swap3A_349 = vector.shape_cast %swap3A_348 : vector<16xf32> to vector<16xf32>
          %swap3A_350 = vector.shape_cast %sub3A_344 : vector<16xf32> to vector<16xf32>
          tpu.vector_store %arg13[%swap3A_347], %swap3A_350 {strides = array<i32>} : memref<6000xf32, #tpu.memory_space<vmem>>, vector<16xf32>,
          %get3A_351 = arith.index_cast %mul3A_308 : i32 to index
          %get3A_352 = tpu.vector_load %arg9[%get3A_351] {strides = array<i32>} : memref<2000xf32, #tpu.memory_space<vmem>>, vector<16xf32>,
          %get3A_353 = vector.shape_cast %get3A_352 : vector<16xf32> to vector<16xf32>
          %add3A_354 = arith.constant 1.000000e+00 : f32
          %add3A_355 = vector.broadcast %add3A_354 : f32 to vector<16xf32>
          %add3A_356 = arith.addf %get3A_353, %add3A_355 : vector<16xf32>
          %mul3A_357 = arith.constant 5.000000e-01 : f32
          %mul3A_358 = vector.broadcast %mul3A_357 : f32 to vector<16xf32>
          %mul3A_359 = arith.mulf %add3A_356, %mul3A_358 : vector<16xf32>
          %mul3A_360 = arith.constant 2.550000e+02 : f32
          %mul3A_361 = vector.broadcast %mul3A_360 : f32 to vector<16xf32>
          %mul3A_362 = arith.mulf %mul3A_359, %mul3A_361 : vector<16xf32>
          %convert_element_type3A_363 = arith.fptosi %mul3A_362 : vector<16xf32> to vector<16xi32>
          %convert_element_type3A_364 = arith.sitofp %convert_element_type3A_363 : vector<16xi32> to vector<16xf32>
          %sub3A_365 = arith.subf %mul3A_362, %convert_element_type3A_364 : vector<16xf32>
          %add3A_366 = arith.constant 4000 : i32
          %add3A_367 = arith.addi %add3A_366, %mul3A_308 : i32
          %swap3A_368 = arith.index_cast %add3A_367 : i32 to index
          %swap3A_369 = tpu.vector_load %arg13[%swap3A_368] {strides = array<i32>} : memref<6000xf32, #tpu.memory_space<vmem>>, vector<16xf32>,
          %swap3A_370 = vector.shape_cast %swap3A_369 : vector<16xf32> to vector<16xf32>
          %swap3A_371 = vector.shape_cast %sub3A_365 : vector<16xf32> to vector<16xf32>
          tpu.vector_store %arg13[%swap3A_368], %swap3A_371 {strides = array<i32>} : memref<6000xf32, #tpu.memory_space<vmem>>, vector<16xf32>,
          %mul3A_372 = arith.constant 256 : i32
          %mul3A_373 = vector.broadcast %mul3A_372 : i32 to vector<16xi32>
          %mul3A_374 = arith.muli %convert_element_type3A_321, %mul3A_373 : vector<16xi32>
          %add3A_375 = arith.addi %mul3A_374, %convert_element_type3A_342 : vector<16xi32>
          %mul3A_376 = arith.constant 256 : i32
          %mul3A_377 = vector.broadcast %mul3A_376 : i32 to vector<16xi32>
          %mul3A_378 = arith.muli %add3A_375, %mul3A_377 : vector<16xi32>
          %add3A_379 = arith.addi %mul3A_378, %convert_element_type3A_363 : vector<16xi32>
          %add3A_380 = arith.constant 0 : i32
          %add3A_381 = vector.broadcast %add3A_380 : i32 to vector<16xi32>
          %add3A_382 = arith.addi %add3A_379, %add3A_381 : vector<16xi32>
          %broadcast_in_dim3A_383 = vector.shape_cast %shift_right_arithmetic3A_2 : vector<16xi32> to vector<16x1xi32>
          %gather3A_384 = vector.shape_cast %broadcast_in_dim3A_383 : vector<16x1xi32> to vector<16xi32>
          %gather3A_385 = tpu.dynamic_gather %add3A_382[%gather3A_384] in [0] : vector<16xi32>, vector<16xi32> -> vector<16xi32>
          %add3A_386 = arith.addi %gather3A_385, %and3A_4 : vector<16xi32>
          %add3A_387 = arith.constant 8 : i32
          %add3A_388 = vector.broadcast %add3A_387 : i32 to vector<16xi32>
          %add3A_389 = arith.addi %shift_right_arithmetic3A_2, %add3A_388 : vector<16xi32>
          %broadcast_in_dim3A_390 = vector.shape_cast %add3A_389 : vector<16xi32> to vector<16x1xi32>
          %gather3A_391 = vector.shape_cast %broadcast_in_dim3A_390 : vector<16x1xi32> to vector<16xi32>
          %gather3A_392 = tpu.dynamic_gather %add3A_382[%gather3A_391] in [0] : vector<16xi32>, vector<16xi32> -> vector<16xi32>
          %add3A_393 = arith.addi %gather3A_392, %and3A_4 : vector<16xi32>
          %add3A_394 = arith.constant 0 : i32
          %add3A_395 = arith.addi %add3A_394, %mul3A_308 : i32
          %mul3A_396 = arith.constant 2 : i32
          %mul3A_397 = arith.muli %mul3A_396, %add3A_395 : i32
          %swap3A_398 = arith.index_cast %mul3A_397 : i32 to index
          %swap3A_399 = tpu.vector_load %arg15[%swap3A_398] {strides = array<i32>} : memref<16000xi32, #tpu.memory_space<vmem>>, vector<16xi32>,
          %swap3A_400 = vector.shape_cast %swap3A_399 : vector<16xi32> to vector<16xi32>
          %swap3A_401 = vector.shape_cast %add3A_386 : vector<16xi32> to vector<16xi32>
          tpu.vector_store %arg15[%swap3A_398], %swap3A_401 {strides = array<i32>} : memref<16000xi32, #tpu.memory_space<vmem>>, vector<16xi32>,
          %add3A_402 = arith.constant 0 : i32
          %add3A_403 = arith.addi %add3A_402, %mul3A_308 : i32
          %mul3A_404 = arith.constant 2 : i32
          %mul3A_405 = arith.muli %mul3A_404, %add3A_403 : i32
          %add3A_406 = arith.constant 16 : i32
          %add3A_407 = arith.addi %mul3A_405, %add3A_406 : i32
          %swap3A_408 = arith.index_cast %add3A_407 : i32 to index
          %swap3A_409 = tpu.vector_load %arg15[%swap3A_408] {strides = array<i32>} : memref<16000xi32, #tpu.memory_space<vmem>>, vector<16xi32>,
          %swap3A_410 = vector.shape_cast %swap3A_409 : vector<16xi32> to vector<16xi32>
          %swap3A_411 = vector.shape_cast %add3A_393 : vector<16xi32> to vector<16xi32>
          tpu.vector_store %arg15[%swap3A_408], %swap3A_411 {strides = array<i32>} : memref<16000xi32, #tpu.memory_space<vmem>>, vector<16xi32>,
          %add3A_412 = arith.constant 256 : i32
          %add3A_413 = vector.broadcast %add3A_412 : i32 to vector<16xi32>
          %add3A_414 = arith.addi %add3A_379, %add3A_413 : vector<16xi32>
          %broadcast_in_dim3A_415 = vector.shape_cast %shift_right_arithmetic3A_2 : vector<16xi32> to vector<16x1xi32>
          %gather3A_416 = vector.shape_cast %broadcast_in_dim3A_415 : vector<16x1xi32> to vector<16xi32>
          %gather3A_417 = tpu.dynamic_gather %add3A_414[%gather3A_416] in [0] : vector<16xi32>, vector<16xi32> -> vector<16xi32>
          %add3A_418 = arith.addi %gather3A_417, %and3A_4 : vector<16xi32>
          %add3A_419 = arith.constant 8 : i32
          %add3A_420 = vector.broadcast %add3A_419 : i32 to vector<16xi32>
          %add3A_421 = arith.addi %shift_right_arithmetic3A_2, %add3A_420 : vector<16xi32>
          %broadcast_in_dim3A_422 = vector.shape_cast %add3A_421 : vector<16xi32> to vector<16x1xi32>
          %gather3A_423 = vector.shape_cast %broadcast_in_dim3A_422 : vector<16x1xi32> to vector<16xi32>
          %gather3A_424 = tpu.dynamic_gather %add3A_414[%gather3A_423] in [0] : vector<16xi32>, vector<16xi32> -> vector<16xi32>
          %add3A_425 = arith.addi %gather3A_424, %and3A_4 : vector<16xi32>
          %add3A_426 = arith.constant 2000 : i32
          %add3A_427 = arith.addi %add3A_426, %mul3A_308 : i32
          %mul3A_428 = arith.constant 2 : i32
          %mul3A_429 = arith.muli %mul3A_428, %add3A_427 : i32
          %swap3A_430 = arith.index_cast %mul3A_429 : i32 to index
          %swap3A_431 = tpu.vector_load %arg15[%swap3A_430] {strides = array<i32>} : memref<16000xi32, #tpu.memory_space<vmem>>, vector<16xi32>,
          %swap3A_432 = vector.shape_cast %swap3A_431 : vector<16xi32> to vector<16xi32>
          %swap3A_433 = vector.shape_cast %add3A_418 : vector<16xi32> to vector<16xi32>
          tpu.vector_store %arg15[%swap3A_430], %swap3A_433 {strides = array<i32>} : memref<16000xi32, #tpu.memory_space<vmem>>, vector<16xi32>,
          %add3A_434 = arith.constant 2000 : i32
          %add3A_435 = arith.addi %add3A_434, %mul3A_308 : i32
          %mul3A_436 = arith.constant 2 : i32
          %mul3A_437 = arith.muli %mul3A_436, %add3A_435 : i32
          %add3A_438 = arith.constant 16 : i32
          %add3A_439 = arith.addi %mul3A_437, %add3A_438 : i32
          %swap3A_440 = arith.index_cast %add3A_439 : i32 to index
          %swap3A_441 = tpu.vector_load %arg15[%swap3A_440] {strides = array<i32>} : memref<16000xi32, #tpu.memory_space<vmem>>, vector<16xi32>,
          %swap3A_442 = vector.shape_cast %swap3A_441 : vector<16xi32> to vector<16xi32>
          %swap3A_443 = vector.shape_cast %add3A_425 : vector<16xi32> to vector<16xi32>
          tpu.vector_store %arg15[%swap3A_440], %swap3A_443 {strides = array<i32>} : memref<16000xi32, #tpu.memory_space<vmem>>, vector<16xi32>,
          %add3A_444 = arith.constant 65536 : i32
          %add3A_445 = vector.broadcast %add3A_444 : i32 to vector<16xi32>
          %add3A_446 = arith.addi %add3A_379, %add3A_445 : vector<16xi32>
          %broadcast_in_dim3A_447 = vector.shape_cast %shift_right_arithmetic3A_2 : vector<16xi32> to vector<16x1xi32>
          %gather3A_448 = vector.shape_cast %broadcast_in_dim3A_447 : vector<16x1xi32> to vector<16xi32>
          %gather3A_449 = tpu.dynamic_gather %add3A_446[%gather3A_448] in [0] : vector<16xi32>, vector<16xi32> -> vector<16xi32>
          %add3A_450 = arith.addi %gather3A_449, %and3A_4 : vector<16xi32>
          %add3A_451 = arith.constant 8 : i32
          %add3A_452 = vector.broadcast %add3A_451 : i32 to vector<16xi32>
          %add3A_453 = arith.addi %shift_right_arithmetic3A_2, %add3A_452 : vector<16xi32>
          %broadcast_in_dim3A_454 = vector.shape_cast %add3A_453 : vector<16xi32> to vector<16x1xi32>
          %gather3A_455 = vector.shape_cast %broadcast_in_dim3A_454 : vector<16x1xi32> to vector<16xi32>
          %gather3A_456 = tpu.dynamic_gather %add3A_446[%gather3A_455] in [0] : vector<16xi32>, vector<16xi32> -> vector<16xi32>
          %add3A_457 = arith.addi %gather3A_456, %and3A_4 : vector<16xi32>
          %add3A_458 = arith.constant 4000 : i32
          %add3A_459 = arith.addi %add3A_458, %mul3A_308 : i32
          %mul3A_460 = arith.constant 2 : i32
          %mul3A_461 = arith.muli %mul3A_460, %add3A_459 : i32
          %swap3A_462 = arith.index_cast %mul3A_461 : i32 to index
          %swap3A_463 = tpu.vector_load %arg15[%swap3A_462] {strides = array<i32>} : memref<16000xi32, #tpu.memory_space<vmem>>, vector<16xi32>,
          %swap3A_464 = vector.shape_cast %swap3A_463 : vector<16xi32> to vector<16xi32>
          %swap3A_465 = vector.shape_cast %add3A_450 : vector<16xi32> to vector<16xi32>
          tpu.vector_store %arg15[%swap3A_462], %swap3A_465 {strides = array<i32>} : memref<16000xi32, #tpu.memory_space<vmem>>, vector<16xi32>,
          %add3A_466 = arith.constant 4000 : i32
          %add3A_467 = arith.addi %add3A_466, %mul3A_308 : i32
          %mul3A_468 = arith.constant 2 : i32
          %mul3A_469 = arith.muli %mul3A_468, %add3A_467 : i32
          %add3A_470 = arith.constant 16 : i32
          %add3A_471 = arith.addi %mul3A_469, %add3A_470 : i32
          %swap3A_472 = arith.index_cast %add3A_471 : i32 to index
          %swap3A_473 = tpu.vector_load %arg15[%swap3A_472] {strides = array<i32>} : memref<16000xi32, #tpu.memory_space<vmem>>, vector<16xi32>,
          %swap3A_474 = vector.shape_cast %swap3A_473 : vector<16xi32> to vector<16xi32>
          %swap3A_475 = vector.shape_cast %add3A_457 : vector<16xi32> to vector<16xi32>
          tpu.vector_store %arg15[%swap3A_472], %swap3A_475 {strides = array<i32>} : memref<16000xi32, #tpu.memory_space<vmem>>, vector<16xi32>,
          %add3A_476 = arith.constant 65792 : i32
          %add3A_477 = vector.broadcast %add3A_476 : i32 to vector<16xi32>
          %add3A_478 = arith.addi %add3A_379, %add3A_477 : vector<16xi32>
          %broadcast_in_dim3A_479 = vector.shape_cast %shift_right_arithmetic3A_2 : vector<16xi32> to vector<16x1xi32>
          %gather3A_480 = vector.shape_cast %broadcast_in_dim3A_479 : vector<16x1xi32> to vector<16xi32>
          %gather3A_481 = tpu.dynamic_gather %add3A_478[%gather3A_480] in [0] : vector<16xi32>, vector<16xi32> -> vector<16xi32>
          %add3A_482 = arith.addi %gather3A_481, %and3A_4 : vector<16xi32>
          %add3A_483 = arith.constant 8 : i32
          %add3A_484 = vector.broadcast %add3A_483 : i32 to vector<16xi32>
          %add3A_485 = arith.addi %shift_right_arithmetic3A_2, %add3A_484 : vector<16xi32>
          %broadcast_in_dim3A_486 = vector.shape_cast %add3A_485 : vector<16xi32> to vector<16x1xi32>
          %gather3A_487 = vector.shape_cast %broadcast_in_dim3A_486 : vector<16x1xi32> to vector<16xi32>
          %gather3A_488 = tpu.dynamic_gather %add3A_478[%gather3A_487] in [0] : vector<16xi32>, vector<16xi32> -> vector<16xi32>
          %add3A_489 = arith.addi %gather3A_488, %and3A_4 : vector<16xi32>
          %add3A_490 = arith.constant 6000 : i32
          %add3A_491 = arith.addi %add3A_490, %mul3A_308 : i32
          %mul3A_492 = arith.constant 2 : i32
          %mul3A_493 = arith.muli %mul3A_492, %add3A_491 : i32
          %swap3A_494 = arith.index_cast %mul3A_493 : i32 to index
          %swap3A_495 = tpu.vector_load %arg15[%swap3A_494] {strides = array<i32>} : memref<16000xi32, #tpu.memory_space<vmem>>, vector<16xi32>,
          %swap3A_496 = vector.shape_cast %swap3A_495 : vector<16xi32> to vector<16xi32>
          %swap3A_497 = vector.shape_cast %add3A_482 : vector<16xi32> to vector<16xi32>
          tpu.vector_store %arg15[%swap3A_494], %swap3A_497 {strides = array<i32>} : memref<16000xi32, #tpu.memory_space<vmem>>, vector<16xi32>,
          %add3A_498 = arith.constant 6000 : i32
          %add3A_499 = arith.addi %add3A_498, %mul3A_308 : i32
          %mul3A_500 = arith.constant 2 : i32
          %mul3A_501 = arith.muli %mul3A_500, %add3A_499 : i32
          %add3A_502 = arith.constant 16 : i32
          %add3A_503 = arith.addi %mul3A_501, %add3A_502 : i32
          %swap3A_504 = arith.index_cast %add3A_503 : i32 to index
          %swap3A_505 = tpu.vector_load %arg15[%swap3A_504] {strides = array<i32>} : memref<16000xi32, #tpu.memory_space<vmem>>, vector<16xi32>,
          %swap3A_506 = vector.shape_cast %swap3A_505 : vector<16xi32> to vector<16xi32>
          %swap3A_507 = vector.shape_cast %add3A_489 : vector<16xi32> to vector<16xi32>
          tpu.vector_store %arg15[%swap3A_504], %swap3A_507 {strides = array<i32>} : memref<16000xi32, #tpu.memory_space<vmem>>, vector<16xi32>,
          %scan3A_508 = arith.constant 0 : i32
          %scan3A_509 = arith.constant 1 : i32
          %scan3A_510 = arith.addi %scan3A_305, %scan3A_509 : i32
          %mul3A_511 = arith.constant 16 : i32
          %mul3A_512 = arith.muli %mul3A_511, %scan3A_510 : i32
          %get3A_513 = arith.index_cast %mul3A_512 : i32 to index
          %get3A_514 = tpu.vector_load %arg7[%get3A_513] {strides = array<i32>} : memref<2000xf32, #tpu.memory_space<vmem>>, vector<16xf32>,
          %get3A_515 = vector.shape_cast %get3A_514 : vector<16xf32> to vector<16xf32>
          %add3A_516 = arith.constant 1.000000e+00 : f32
          %add3A_517 = vector.broadcast %add3A_516 : f32 to vector<16xf32>
          %add3A_518 = arith.addf %get3A_515, %add3A_517 : vector<16xf32>
          %mul3A_519 = arith.constant 5.000000e-01 : f32
          %mul3A_520 = vector.broadcast %mul3A_519 : f32 to vector<16xf32>
          %mul3A_521 = arith.mulf %add3A_518, %mul3A_520 : vector<16xf32>
          %mul3A_522 = arith.constant 2.550000e+02 : f32
          %mul3A_523 = vector.broadcast %mul3A_522 : f32 to vector<16xf32>
          %mul3A_524 = arith.mulf %mul3A_521, %mul3A_523 : vector<16xf32>
          %convert_element_type3A_525 = arith.fptosi %mul3A_524 : vector<16xf32> to vector<16xi32>
          %convert_element_type3A_526 = arith.sitofp %convert_element_type3A_525 : vector<16xi32> to vector<16xf32>
          %sub3A_527 = arith.subf %mul3A_524, %convert_element_type3A_526 : vector<16xf32>
          %add3A_528 = arith.constant 0 : i32
          %add3A_529 = arith.addi %add3A_528, %mul3A_512 : i32
          %swap3A_530 = arith.index_cast %add3A_529 : i32 to index
          %swap3A_531 = tpu.vector_load %arg13[%swap3A_530] {strides = array<i32>} : memref<6000xf32, #tpu.memory_space<vmem>>, vector<16xf32>,
          %swap3A_532 = vector.shape_cast %swap3A_531 : vector<16xf32> to vector<16xf32>
          %swap3A_533 = vector.shape_cast %sub3A_527 : vector<16xf32> to vector<16xf32>
          tpu.vector_store %arg13[%swap3A_530], %swap3A_533 {strides = array<i32>} : memref<6000xf32, #tpu.memory_space<vmem>>, vector<16xf32>,
          %get3A_534 = arith.index_cast %mul3A_512 : i32 to index
          %get3A_535 = tpu.vector_load %arg8[%get3A_534] {strides = array<i32>} : memref<2000xf32, #tpu.memory_space<vmem>>, vector<16xf32>,
          %get3A_536 = vector.shape_cast %get3A_535 : vector<16xf32> to vector<16xf32>
          %add3A_537 = arith.constant 1.000000e+00 : f32
          %add3A_538 = vector.broadcast %add3A_537 : f32 to vector<16xf32>
          %add3A_539 = arith.addf %get3A_536, %add3A_538 : vector<16xf32>
          %mul3A_540 = arith.constant 5.000000e-01 : f32
          %mul3A_541 = vector.broadcast %mul3A_540 : f32 to vector<16xf32>
          %mul3A_542 = arith.mulf %add3A_539, %mul3A_541 : vector<16xf32>
          %mul3A_543 = arith.constant 2.550000e+02 : f32
          %mul3A_544 = vector.broadcast %mul3A_543 : f32 to vector<16xf32>
          %mul3A_545 = arith.mulf %mul3A_542, %mul3A_544 : vector<16xf32>
          %convert_element_type3A_546 = arith.fptosi %mul3A_545 : vector<16xf32> to vector<16xi32>
          %convert_element_type3A_547 = arith.sitofp %convert_element_type3A_546 : vector<16xi32> to vector<16xf32>
          %sub3A_548 = arith.subf %mul3A_545, %convert_element_type3A_547 : vector<16xf32>
          %add3A_549 = arith.constant 2000 : i32
          %add3A_550 = arith.addi %add3A_549, %mul3A_512 : i32
          %swap3A_551 = arith.index_cast %add3A_550 : i32 to index
          %swap3A_552 = tpu.vector_load %arg13[%swap3A_551] {strides = array<i32>} : memref<6000xf32, #tpu.memory_space<vmem>>, vector<16xf32>,
          %swap3A_553 = vector.shape_cast %swap3A_552 : vector<16xf32> to vector<16xf32>
          %swap3A_554 = vector.shape_cast %sub3A_548 : vector<16xf32> to vector<16xf32>
          tpu.vector_store %arg13[%swap3A_551], %swap3A_554 {strides = array<i32>} : memref<6000xf32, #tpu.memory_space<vmem>>, vector<16xf32>,
          %get3A_555 = arith.index_cast %mul3A_512 : i32 to index
          %get3A_556 = tpu.vector_load %arg9[%get3A_555] {strides = array<i32>} : memref<2000xf32, #tpu.memory_space<vmem>>, vector<16xf32>,
          %get3A_557 = vector.shape_cast %get3A_556 : vector<16xf32> to vector<16xf32>
          %add3A_558 = arith.constant 1.000000e+00 : f32
          %add3A_559 = vector.broadcast %add3A_558 : f32 to vector<16xf32>
          %add3A_560 = arith.addf %get3A_557, %add3A_559 : vector<16xf32>
          %mul3A_561 = arith.constant 5.000000e-01 : f32
          %mul3A_562 = vector.broadcast %mul3A_561 : f32 to vector<16xf32>
          %mul3A_563 = arith.mulf %add3A_560, %mul3A_562 : vector<16xf32>
          %mul3A_564 = arith.constant 2.550000e+02 : f32
          %mul3A_565 = vector.broadcast %mul3A_564 : f32 to vector<16xf32>
          %mul3A_566 = arith.mulf %mul3A_563, %mul3A_565 : vector<16xf32>
          %convert_element_type3A_567 = arith.fptosi %mul3A_566 : vector<16xf32> to vector<16xi32>
          %convert_element_type3A_568 = arith.sitofp %convert_element_type3A_567 : vector<16xi32> to vector<16xf32>
          %sub3A_569 = arith.subf %mul3A_566, %convert_element_type3A_568 : vector<16xf32>
          %add3A_570 = arith.constant 4000 : i32
          %add3A_571 = arith.addi %add3A_570, %mul3A_512 : i32
          %swap3A_572 = arith.index_cast %add3A_571 : i32 to index
          %swap3A_573 = tpu.vector_load %arg13[%swap3A_572] {strides = array<i32>} : memref<6000xf32, #tpu.memory_space<vmem>>, vector<16xf32>,
          %swap3A_574 = vector.shape_cast %swap3A_573 : vector<16xf32> to vector<16xf32>
          %swap3A_575 = vector.shape_cast %sub3A_569 : vector<16xf32> to vector<16xf32>
          tpu.vector_store %arg13[%swap3A_572], %swap3A_575 {strides = array<i32>} : memref<6000xf32, #tpu.memory_space<vmem>>, vector<16xf32>,
          %mul3A_576 = arith.constant 256 : i32
          %mul3A_577 = vector.broadcast %mul3A_576 : i32 to vector<16xi32>
          %mul3A_578 = arith.muli %convert_element_type3A_525, %mul3A_577 : vector<16xi32>
          %add3A_579 = arith.addi %mul3A_578, %convert_element_type3A_546 : vector<16xi32>
          %mul3A_580 = arith.constant 256 : i32
          %mul3A_581 = vector.broadcast %mul3A_580 : i32 to vector<16xi32>
          %mul3A_582 = arith.muli %add3A_579, %mul3A_581 : vector<16xi32>
          %add3A_583 = arith.addi %mul3A_582, %convert_element_type3A_567 : vector<16xi32>
          %add3A_584 = arith.constant 0 : i32
          %add3A_585 = vector.broadcast %add3A_584 : i32 to vector<16xi32>
          %add3A_586 = arith.addi %add3A_583, %add3A_585 : vector<16xi32>
          %broadcast_in_dim3A_587 = vector.shape_cast %shift_right_arithmetic3A_2 : vector<16xi32> to vector<16x1xi32>
          %gather3A_588 = vector.shape_cast %broadcast_in_dim3A_587 : vector<16x1xi32> to vector<16xi32>
          %gather3A_589 = tpu.dynamic_gather %add3A_586[%gather3A_588] in [0] : vector<16xi32>, vector<16xi32> -> vector<16xi32>
          %add3A_590 = arith.addi %gather3A_589, %and3A_4 : vector<16xi32>
          %add3A_591 = arith.constant 8 : i32
          %add3A_592 = vector.broadcast %add3A_591 : i32 to vector<16xi32>
          %add3A_593 = arith.addi %shift_right_arithmetic3A_2, %add3A_592 : vector<16xi32>
          %broadcast_in_dim3A_594 = vector.shape_cast %add3A_593 : vector<16xi32> to vector<16x1xi32>
          %gather3A_595 = vector.shape_cast %broadcast_in_dim3A_594 : vector<16x1xi32> to vector<16xi32>
          %gather3A_596 = tpu.dynamic_gather %add3A_586[%gather3A_595] in [0] : vector<16xi32>, vector<16xi32> -> vector<16xi32>
          %add3A_597 = arith.addi %gather3A_596, %and3A_4 : vector<16xi32>
          %add3A_598 = arith.constant 0 : i32
          %add3A_599 = arith.addi %add3A_598, %mul3A_512 : i32
          %mul3A_600 = arith.constant 2 : i32
          %mul3A_601 = arith.muli %mul3A_600, %add3A_599 : i32
          %swap3A_602 = arith.index_cast %mul3A_601 : i32 to index
          %swap3A_603 = tpu.vector_load %arg15[%swap3A_602] {strides = array<i32>} : memref<16000xi32, #tpu.memory_space<vmem>>, vector<16xi32>,
          %swap3A_604 = vector.shape_cast %swap3A_603 : vector<16xi32> to vector<16xi32>
          %swap3A_605 = vector.shape_cast %add3A_590 : vector<16xi32> to vector<16xi32>
          tpu.vector_store %arg15[%swap3A_602], %swap3A_605 {strides = array<i32>} : memref<16000xi32, #tpu.memory_space<vmem>>, vector<16xi32>,
          %add3A_606 = arith.constant 0 : i32
          %add3A_607 = arith.addi %add3A_606, %mul3A_512 : i32
          %mul3A_608 = arith.constant 2 : i32
          %mul3A_609 = arith.muli %mul3A_608, %add3A_607 : i32
          %add3A_610 = arith.constant 16 : i32
          %add3A_611 = arith.addi %mul3A_609, %add3A_610 : i32
          %swap3A_612 = arith.index_cast %add3A_611 : i32 to index
          %swap3A_613 = tpu.vector_load %arg15[%swap3A_612] {strides = array<i32>} : memref<16000xi32, #tpu.memory_space<vmem>>, vector<16xi32>,
          %swap3A_614 = vector.shape_cast %swap3A_613 : vector<16xi32> to vector<16xi32>
          %swap3A_615 = vector.shape_cast %add3A_597 : vector<16xi32> to vector<16xi32>
          tpu.vector_store %arg15[%swap3A_612], %swap3A_615 {strides = array<i32>} : memref<16000xi32, #tpu.memory_space<vmem>>, vector<16xi32>,
          %add3A_616 = arith.constant 256 : i32
          %add3A_617 = vector.broadcast %add3A_616 : i32 to vector<16xi32>
          %add3A_618 = arith.addi %add3A_583, %add3A_617 : vector<16xi32>
          %broadcast_in_dim3A_619 = vector.shape_cast %shift_right_arithmetic3A_2 : vector<16xi32> to vector<16x1xi32>
          %gather3A_620 = vector.shape_cast %broadcast_in_dim3A_619 : vector<16x1xi32> to vector<16xi32>
          %gather3A_621 = tpu.dynamic_gather %add3A_618[%gather3A_620] in [0] : vector<16xi32>, vector<16xi32> -> vector<16xi32>
          %add3A_622 = arith.addi %gather3A_621, %and3A_4 : vector<16xi32>
          %add3A_623 = arith.constant 8 : i32
          %add3A_624 = vector.broadcast %add3A_623 : i32 to vector<16xi32>
          %add3A_625 = arith.addi %shift_right_arithmetic3A_2, %add3A_624 : vector<16xi32>
          %broadcast_in_dim3A_626 = vector.shape_cast %add3A_625 : vector<16xi32> to vector<16x1xi32>
          %gather3A_627 = vector.shape_cast %broadcast_in_dim3A_626 : vector<16x1xi32> to vector<16xi32>
          %gather3A_628 = tpu.dynamic_gather %add3A_618[%gather3A_627] in [0] : vector<16xi32>, vector<16xi32> -> vector<16xi32>
          %add3A_629 = arith.addi %gather3A_628, %and3A_4 : vector<16xi32>
          %add3A_630 = arith.constant 2000 : i32
          %add3A_631 = arith.addi %add3A_630, %mul3A_512 : i32
          %mul3A_632 = arith.constant 2 : i32
          %mul3A_633 = arith.muli %mul3A_632, %add3A_631 : i32
          %swap3A_634 = arith.index_cast %mul3A_633 : i32 to index
          %swap3A_635 = tpu.vector_load %arg15[%swap3A_634] {strides = array<i32>} : memref<16000xi32, #tpu.memory_space<vmem>>, vector<16xi32>,
          %swap3A_636 = vector.shape_cast %swap3A_635 : vector<16xi32> to vector<16xi32>
          %swap3A_637 = vector.shape_cast %add3A_622 : vector<16xi32> to vector<16xi32>
          tpu.vector_store %arg15[%swap3A_634], %swap3A_637 {strides = array<i32>} : memref<16000xi32, #tpu.memory_space<vmem>>, vector<16xi32>,
          %add3A_638 = arith.constant 2000 : i32
          %add3A_639 = arith.addi %add3A_638, %mul3A_512 : i32
          %mul3A_640 = arith.constant 2 : i32
          %mul3A_641 = arith.muli %mul3A_640, %add3A_639 : i32
          %add3A_642 = arith.constant 16 : i32
          %add3A_643 = arith.addi %mul3A_641, %add3A_642 : i32
          %swap3A_644 = arith.index_cast %add3A_643 : i32 to index
          %swap3A_645 = tpu.vector_load %arg15[%swap3A_644] {strides = array<i32>} : memref<16000xi32, #tpu.memory_space<vmem>>, vector<16xi32>,
          %swap3A_646 = vector.shape_cast %swap3A_645 : vector<16xi32> to vector<16xi32>
          %swap3A_647 = vector.shape_cast %add3A_629 : vector<16xi32> to vector<16xi32>
          tpu.vector_store %arg15[%swap3A_644], %swap3A_647 {strides = array<i32>} : memref<16000xi32, #tpu.memory_space<vmem>>, vector<16xi32>,
          %add3A_648 = arith.constant 65536 : i32
          %add3A_649 = vector.broadcast %add3A_648 : i32 to vector<16xi32>
          %add3A_650 = arith.addi %add3A_583, %add3A_649 : vector<16xi32>
          %broadcast_in_dim3A_651 = vector.shape_cast %shift_right_arithmetic3A_2 : vector<16xi32> to vector<16x1xi32>
          %gather3A_652 = vector.shape_cast %broadcast_in_dim3A_651 : vector<16x1xi32> to vector<16xi32>
          %gather3A_653 = tpu.dynamic_gather %add3A_650[%gather3A_652] in [0] : vector<16xi32>, vector<16xi32> -> vector<16xi32>
          %add3A_654 = arith.addi %gather3A_653, %and3A_4 : vector<16xi32>
          %add3A_655 = arith.constant 8 : i32
          %add3A_656 = vector.broadcast %add3A_655 : i32 to vector<16xi32>
          %add3A_657 = arith.addi %shift_right_arithmetic3A_2, %add3A_656 : vector<16xi32>
          %broadcast_in_dim3A_658 = vector.shape_cast %add3A_657 : vector<16xi32> to vector<16x1xi32>
          %gather3A_659 = vector.shape_cast %broadcast_in_dim3A_658 : vector<16x1xi32> to vector<16xi32>
          %gather3A_660 = tpu.dynamic_gather %add3A_650[%gather3A_659] in [0] : vector<16xi32>, vector<16xi32> -> vector<16xi32>
          %add3A_661 = arith.addi %gather3A_660, %and3A_4 : vector<16xi32>
          %add3A_662 = arith.constant 4000 : i32
          %add3A_663 = arith.addi %add3A_662, %mul3A_512 : i32
          %mul3A_664 = arith.constant 2 : i32
          %mul3A_665 = arith.muli %mul3A_664, %add3A_663 : i32
          %swap3A_666 = arith.index_cast %mul3A_665 : i32 to index
          %swap3A_667 = tpu.vector_load %arg15[%swap3A_666] {strides = array<i32>} : memref<16000xi32, #tpu.memory_space<vmem>>, vector<16xi32>,
          %swap3A_668 = vector.shape_cast %swap3A_667 : vector<16xi32> to vector<16xi32>
          %swap3A_669 = vector.shape_cast %add3A_654 : vector<16xi32> to vector<16xi32>
          tpu.vector_store %arg15[%swap3A_666], %swap3A_669 {strides = array<i32>} : memref<16000xi32, #tpu.memory_space<vmem>>, vector<16xi32>,
          %add3A_670 = arith.constant 4000 : i32
          %add3A_671 = arith.addi %add3A_670, %mul3A_512 : i32
          %mul3A_672 = arith.constant 2 : i32
          %mul3A_673 = arith.muli %mul3A_672, %add3A_671 : i32
          %add3A_674 = arith.constant 16 : i32
          %add3A_675 = arith.addi %mul3A_673, %add3A_674 : i32
          %swap3A_676 = arith.index_cast %add3A_675 : i32 to index
          %swap3A_677 = tpu.vector_load %arg15[%swap3A_676] {strides = array<i32>} : memref<16000xi32, #tpu.memory_space<vmem>>, vector<16xi32>,
          %swap3A_678 = vector.shape_cast %swap3A_677 : vector<16xi32> to vector<16xi32>
          %swap3A_679 = vector.shape_cast %add3A_661 : vector<16xi32> to vector<16xi32>
          tpu.vector_store %arg15[%swap3A_676], %swap3A_679 {strides = array<i32>} : memref<16000xi32, #tpu.memory_space<vmem>>, vector<16xi32>,
          %add3A_680 = arith.constant 65792 : i32
          %add3A_681 = vector.broadcast %add3A_680 : i32 to vector<16xi32>
          %add3A_682 = arith.addi %add3A_583, %add3A_681 : vector<16xi32>
          %broadcast_in_dim3A_683 = vector.shape_cast %shift_right_arithmetic3A_2 : vector<16xi32> to vector<16x1xi32>
          %gather3A_684 = vector.shape_cast %broadcast_in_dim3A_683 : vector<16x1xi32> to vector<16xi32>
          %gather3A_685 = tpu.dynamic_gather %add3A_682[%gather3A_684] in [0] : vector<16xi32>, vector<16xi32> -> vector<16xi32>
          %add3A_686 = arith.addi %gather3A_685, %and3A_4 : vector<16xi32>
          %add3A_687 = arith.constant 8 : i32
          %add3A_688 = vector.broadcast %add3A_687 : i32 to vector<16xi32>
          %add3A_689 = arith.addi %shift_right_arithmetic3A_2, %add3A_688 : vector<16xi32>
          %broadcast_in_dim3A_690 = vector.shape_cast %add3A_689 : vector<16xi32> to vector<16x1xi32>
          %gather3A_691 = vector.shape_cast %broadcast_in_dim3A_690 : vector<16x1xi32> to vector<16xi32>
          %gather3A_692 = tpu.dynamic_gather %add3A_682[%gather3A_691] in [0] : vector<16xi32>, vector<16xi32> -> vector<16xi32>
          %add3A_693 = arith.addi %gather3A_692, %and3A_4 : vector<16xi32>
          %add3A_694 = arith.constant 6000 : i32
          %add3A_695 = arith.addi %add3A_694, %mul3A_512 : i32
          %mul3A_696 = arith.constant 2 : i32
          %mul3A_697 = arith.muli %mul3A_696, %add3A_695 : i32
          %swap3A_698 = arith.index_cast %mul3A_697 : i32 to index
          %swap3A_699 = tpu.vector_load %arg15[%swap3A_698] {strides = array<i32>} : memref<16000xi32, #tpu.memory_space<vmem>>, vector<16xi32>,
          %swap3A_700 = vector.shape_cast %swap3A_699 : vector<16xi32> to vector<16xi32>
          %swap3A_701 = vector.shape_cast %add3A_686 : vector<16xi32> to vector<16xi32>
          tpu.vector_store %arg15[%swap3A_698], %swap3A_701 {strides = array<i32>} : memref<16000xi32, #tpu.memory_space<vmem>>, vector<16xi32>,
          %add3A_702 = arith.constant 6000 : i32
          %add3A_703 = arith.addi %add3A_702, %mul3A_512 : i32
          %mul3A_704 = arith.constant 2 : i32
          %mul3A_705 = arith.muli %mul3A_704, %add3A_703 : i32
          %add3A_706 = arith.constant 16 : i32
          %add3A_707 = arith.addi %mul3A_705, %add3A_706 : i32
          %swap3A_708 = arith.index_cast %add3A_707 : i32 to index
          %swap3A_709 = tpu.vector_load %arg15[%swap3A_708] {strides = array<i32>} : memref<16000xi32, #tpu.memory_space<vmem>>, vector<16xi32>,
          %swap3A_710 = vector.shape_cast %swap3A_709 : vector<16xi32> to vector<16xi32>
          %swap3A_711 = vector.shape_cast %add3A_693 : vector<16xi32> to vector<16xi32>
          tpu.vector_store %arg15[%swap3A_708], %swap3A_711 {strides = array<i32>} : memref<16000xi32, #tpu.memory_space<vmem>>, vector<16xi32>,
          %scan3A_712 = arith.constant 0 : i32
          scf.yield %scan3A_712 : i32
        }
        %scan3A_104 = arith.constant 124 : i32
        %scan3A_105 = arith.addi %scan3A_99, %scan3A_104 : i32
        %mul3A_106 = arith.constant 16 : i32
        %mul3A_107 = arith.muli %mul3A_106, %scan3A_105 : i32
        %get3A = arith.index_cast %mul3A_107 : i32 to index
        %get3A_108 = tpu.vector_load %arg7[%get3A] {strides = array<i32>} : memref<2000xf32, #tpu.memory_space<vmem>>, vector<16xf32>,
        %get3A_109 = vector.shape_cast %get3A_108 : vector<16xf32> to vector<16xf32>
        %add3A_110 = arith.constant 1.000000e+00 : f32
        %add3A_111 = vector.broadcast %add3A_110 : f32 to vector<16xf32>
        %add3A_112 = arith.addf %get3A_109, %add3A_111 : vector<16xf32>
        %mul3A_113 = arith.constant 5.000000e-01 : f32
        %mul3A_114 = vector.broadcast %mul3A_113 : f32 to vector<16xf32>
        %mul3A_115 = arith.mulf %add3A_112, %mul3A_114 : vector<16xf32>
        %mul3A_116 = arith.constant 2.550000e+02 : f32
        %mul3A_117 = vector.broadcast %mul3A_116 : f32 to vector<16xf32>
        %mul3A_118 = arith.mulf %mul3A_115, %mul3A_117 : vector<16xf32>
        %convert_element_type3A_119 = arith.fptosi %mul3A_118 : vector<16xf32> to vector<16xi32>
        %convert_element_type3A_120 = arith.sitofp %convert_element_type3A_119 : vector<16xi32> to vector<16xf32>
        %sub3A = arith.subf %mul3A_118, %convert_element_type3A_120 : vector<16xf32>
        %add3A_121 = arith.constant 0 : i32
        %add3A_122 = arith.addi %add3A_121, %mul3A_107 : i32
        %swap3A = arith.index_cast %add3A_122 : i32 to index
        %swap3A_123 = tpu.vector_load %arg13[%swap3A] {strides = array<i32>} : memref<6000xf32, #tpu.memory_space<vmem>>, vector<16xf32>,
        %swap3A_124 = vector.shape_cast %swap3A_123 : vector<16xf32> to vector<16xf32>
        %swap3A_125 = vector.shape_cast %sub3A : vector<16xf32> to vector<16xf32>
        tpu.vector_store %arg13[%swap3A], %swap3A_125 {strides = array<i32>} : memref<6000xf32, #tpu.memory_space<vmem>>, vector<16xf32>,
        %get3A_126 = arith.index_cast %mul3A_107 : i32 to index
        %get3A_127 = tpu.vector_load %arg8[%get3A_126] {strides = array<i32>} : memref<2000xf32, #tpu.memory_space<vmem>>, vector<16xf32>,
        %get3A_128 = vector.shape_cast %get3A_127 : vector<16xf32> to vector<16xf32>
        %add3A_129 = arith.constant 1.000000e+00 : f32
        %add3A_130 = vector.broadcast %add3A_129 : f32 to vector<16xf32>
        %add3A_131 = arith.addf %get3A_128, %add3A_130 : vector<16xf32>
        %mul3A_132 = arith.constant 5.000000e-01 : f32
        %mul3A_133 = vector.broadcast %mul3A_132 : f32 to vector<16xf32>
        %mul3A_134 = arith.mulf %add3A_131, %mul3A_133 : vector<16xf32>
        %mul3A_135 = arith.constant 2.550000e+02 : f32
        %mul3A_136 = vector.broadcast %mul3A_135 : f32 to vector<16xf32>
        %mul3A_137 = arith.mulf %mul3A_134, %mul3A_136 : vector<16xf32>
        %convert_element_type3A_138 = arith.fptosi %mul3A_137 : vector<16xf32> to vector<16xi32>
        %convert_element_type3A_139 = arith.sitofp %convert_element_type3A_138 : vector<16xi32> to vector<16xf32>
        %sub3A_140 = arith.subf %mul3A_137, %convert_element_type3A_139 : vector<16xf32>
        %add3A_141 = arith.constant 2000 : i32
        %add3A_142 = arith.addi %add3A_141, %mul3A_107 : i32
        %swap3A_143 = arith.index_cast %add3A_142 : i32 to index
        %swap3A_144 = tpu.vector_load %arg13[%swap3A_143] {strides = array<i32>} : memref<6000xf32, #tpu.memory_space<vmem>>, vector<16xf32>,
        %swap3A_145 = vector.shape_cast %swap3A_144 : vector<16xf32> to vector<16xf32>
        %swap3A_146 = vector.shape_cast %sub3A_140 : vector<16xf32> to vector<16xf32>
        tpu.vector_store %arg13[%swap3A_143], %swap3A_146 {strides = array<i32>} : memref<6000xf32, #tpu.memory_space<vmem>>, vector<16xf32>,
        %get3A_147 = arith.index_cast %mul3A_107 : i32 to index
        %get3A_148 = tpu.vector_load %arg9[%get3A_147] {strides = array<i32>} : memref<2000xf32, #tpu.memory_space<vmem>>, vector<16xf32>,
        %get3A_149 = vector.shape_cast %get3A_148 : vector<16xf32> to vector<16xf32>
        %add3A_150 = arith.constant 1.000000e+00 : f32
        %add3A_151 = vector.broadcast %add3A_150 : f32 to vector<16xf32>
        %add3A_152 = arith.addf %get3A_149, %add3A_151 : vector<16xf32>
        %mul3A_153 = arith.constant 5.000000e-01 : f32
        %mul3A_154 = vector.broadcast %mul3A_153 : f32 to vector<16xf32>
        %mul3A_155 = arith.mulf %add3A_152, %mul3A_154 : vector<16xf32>
        %mul3A_156 = arith.constant 2.550000e+02 : f32
        %mul3A_157 = vector.broadcast %mul3A_156 : f32 to vector<16xf32>
        %mul3A_158 = arith.mulf %mul3A_155, %mul3A_157 : vector<16xf32>
        %convert_element_type3A_159 = arith.fptosi %mul3A_158 : vector<16xf32> to vector<16xi32>
        %convert_element_type3A_160 = arith.sitofp %convert_element_type3A_159 : vector<16xi32> to vector<16xf32>
        %sub3A_161 = arith.subf %mul3A_158, %convert_element_type3A_160 : vector<16xf32>
        %add3A_162 = arith.constant 4000 : i32
        %add3A_163 = arith.addi %add3A_162, %mul3A_107 : i32
        %swap3A_164 = arith.index_cast %add3A_163 : i32 to index
        %swap3A_165 = tpu.vector_load %arg13[%swap3A_164] {strides = array<i32>} : memref<6000xf32, #tpu.memory_space<vmem>>, vector<16xf32>,
        %swap3A_166 = vector.shape_cast %swap3A_165 : vector<16xf32> to vector<16xf32>
        %swap3A_167 = vector.shape_cast %sub3A_161 : vector<16xf32> to vector<16xf32>
        tpu.vector_store %arg13[%swap3A_164], %swap3A_167 {strides = array<i32>} : memref<6000xf32, #tpu.memory_space<vmem>>, vector<16xf32>,
        %mul3A_168 = arith.constant 256 : i32
        %mul3A_169 = vector.broadcast %mul3A_168 : i32 to vector<16xi32>
        %mul3A_170 = arith.muli %convert_element_type3A_119, %mul3A_169 : vector<16xi32>
        %add3A_171 = arith.addi %mul3A_170, %convert_element_type3A_138 : vector<16xi32>
        %mul3A_172 = arith.constant 256 : i32
        %mul3A_173 = vector.broadcast %mul3A_172 : i32 to vector<16xi32>
        %mul3A_174 = arith.muli %add3A_171, %mul3A_173 : vector<16xi32>
        %add3A_175 = arith.addi %mul3A_174, %convert_element_type3A_159 : vector<16xi32>
        %add3A_176 = arith.constant 0 : i32
        %add3A_177 = vector.broadcast %add3A_176 : i32 to vector<16xi32>
        %add3A_178 = arith.addi %add3A_175, %add3A_177 : vector<16xi32>
        %broadcast_in_dim3A = vector.shape_cast %shift_right_arithmetic3A_2 : vector<16xi32> to vector<16x1xi32>
        %gather3A = vector.shape_cast %broadcast_in_dim3A : vector<16x1xi32> to vector<16xi32>
        %gather3A_179 = tpu.dynamic_gather %add3A_178[%gather3A] in [0] : vector<16xi32>, vector<16xi32> -> vector<16xi32>
        %add3A_180 = arith.addi %gather3A_179, %and3A_4 : vector<16xi32>
        %add3A_181 = arith.constant 8 : i32
        %add3A_182 = vector.broadcast %add3A_181 : i32 to vector<16xi32>
        %add3A_183 = arith.addi %shift_right_arithmetic3A_2, %add3A_182 : vector<16xi32>
        %broadcast_in_dim3A_184 = vector.shape_cast %add3A_183 : vector<16xi32> to vector<16x1xi32>
        %gather3A_185 = vector.shape_cast %broadcast_in_dim3A_184 : vector<16x1xi32> to vector<16xi32>
        %gather3A_186 = tpu.dynamic_gather %add3A_178[%gather3A_185] in [0] : vector<16xi32>, vector<16xi32> -> vector<16xi32>
        %add3A_187 = arith.addi %gather3A_186, %and3A_4 : vector<16xi32>
        %add3A_188 = arith.constant 0 : i32
        %add3A_189 = arith.addi %add3A_188, %mul3A_107 : i32
        %mul3A_190 = arith.constant 2 : i32
        %mul3A_191 = arith.muli %mul3A_190, %add3A_189 : i32
        %swap3A_192 = arith.index_cast %mul3A_191 : i32 to index
        %swap3A_193 = tpu.vector_load %arg15[%swap3A_192] {strides = array<i32>} : memref<16000xi32, #tpu.memory_space<vmem>>, vector<16xi32>,
        %swap3A_194 = vector.shape_cast %swap3A_193 : vector<16xi32> to vector<16xi32>
        %swap3A_195 = vector.shape_cast %add3A_180 : vector<16xi32> to vector<16xi32>
        tpu.vector_store %arg15[%swap3A_192], %swap3A_195 {strides = array<i32>} : memref<16000xi32, #tpu.memory_space<vmem>>, vector<16xi32>,
        %add3A_196 = arith.constant 0 : i32
        %add3A_197 = arith.addi %add3A_196, %mul3A_107 : i32
        %mul3A_198 = arith.constant 2 : i32
        %mul3A_199 = arith.muli %mul3A_198, %add3A_197 : i32
        %add3A_200 = arith.constant 16 : i32
        %add3A_201 = arith.addi %mul3A_199, %add3A_200 : i32
        %swap3A_202 = arith.index_cast %add3A_201 : i32 to index
        %swap3A_203 = tpu.vector_load %arg15[%swap3A_202] {strides = array<i32>} : memref<16000xi32, #tpu.memory_space<vmem>>, vector<16xi32>,
        %swap3A_204 = vector.shape_cast %swap3A_203 : vector<16xi32> to vector<16xi32>
        %swap3A_205 = vector.shape_cast %add3A_187 : vector<16xi32> to vector<16xi32>
        tpu.vector_store %arg15[%swap3A_202], %swap3A_205 {strides = array<i32>} : memref<16000xi32, #tpu.memory_space<vmem>>, vector<16xi32>,
        %add3A_206 = arith.constant 256 : i32
        %add3A_207 = vector.broadcast %add3A_206 : i32 to vector<16xi32>
        %add3A_208 = arith.addi %add3A_175, %add3A_207 : vector<16xi32>
        %broadcast_in_dim3A_209 = vector.shape_cast %shift_right_arithmetic3A_2 : vector<16xi32> to vector<16x1xi32>
        %gather3A_210 = vector.shape_cast %broadcast_in_dim3A_209 : vector<16x1xi32> to vector<16xi32>
        %gather3A_211 = tpu.dynamic_gather %add3A_208[%gather3A_210] in [0] : vector<16xi32>, vector<16xi32> -> vector<16xi32>
        %add3A_212 = arith.addi %gather3A_211, %and3A_4 : vector<16xi32>
        %add3A_213 = arith.constant 8 : i32
        %add3A_214 = vector.broadcast %add3A_213 : i32 to vector<16xi32>
        %add3A_215 = arith.addi %shift_right_arithmetic3A_2, %add3A_214 : vector<16xi32>
        %broadcast_in_dim3A_216 = vector.shape_cast %add3A_215 : vector<16xi32> to vector<16x1xi32>
        %gather3A_217 = vector.shape_cast %broadcast_in_dim3A_216 : vector<16x1xi32> to vector<16xi32>
        %gather3A_218 = tpu.dynamic_gather %add3A_208[%gather3A_217] in [0] : vector<16xi32>, vector<16xi32> -> vector<16xi32>
        %add3A_219 = arith.addi %gather3A_218, %and3A_4 : vector<16xi32>
        %add3A_220 = arith.constant 2000 : i32
        %add3A_221 = arith.addi %add3A_220, %mul3A_107 : i32
        %mul3A_222 = arith.constant 2 : i32
        %mul3A_223 = arith.muli %mul3A_222, %add3A_221 : i32
        %swap3A_224 = arith.index_cast %mul3A_223 : i32 to index
        %swap3A_225 = tpu.vector_load %arg15[%swap3A_224] {strides = array<i32>} : memref<16000xi32, #tpu.memory_space<vmem>>, vector<16xi32>,
        %swap3A_226 = vector.shape_cast %swap3A_225 : vector<16xi32> to vector<16xi32>
        %swap3A_227 = vector.shape_cast %add3A_212 : vector<16xi32> to vector<16xi32>
        tpu.vector_store %arg15[%swap3A_224], %swap3A_227 {strides = array<i32>} : memref<16000xi32, #tpu.memory_space<vmem>>, vector<16xi32>,
        %add3A_228 = arith.constant 2000 : i32
        %add3A_229 = arith.addi %add3A_228, %mul3A_107 : i32
        %mul3A_230 = arith.constant 2 : i32
        %mul3A_231 = arith.muli %mul3A_230, %add3A_229 : i32
        %add3A_232 = arith.constant 16 : i32
        %add3A_233 = arith.addi %mul3A_231, %add3A_232 : i32
        %swap3A_234 = arith.index_cast %add3A_233 : i32 to index
        %swap3A_235 = tpu.vector_load %arg15[%swap3A_234] {strides = array<i32>} : memref<16000xi32, #tpu.memory_space<vmem>>, vector<16xi32>,
        %swap3A_236 = vector.shape_cast %swap3A_235 : vector<16xi32> to vector<16xi32>
        %swap3A_237 = vector.shape_cast %add3A_219 : vector<16xi32> to vector<16xi32>
        tpu.vector_store %arg15[%swap3A_234], %swap3A_237 {strides = array<i32>} : memref<16000xi32, #tpu.memory_space<vmem>>, vector<16xi32>,
        %add3A_238 = arith.constant 65536 : i32
        %add3A_239 = vector.broadcast %add3A_238 : i32 to vector<16xi32>
        %add3A_240 = arith.addi %add3A_175, %add3A_239 : vector<16xi32>
        %broadcast_in_dim3A_241 = vector.shape_cast %shift_right_arithmetic3A_2 : vector<16xi32> to vector<16x1xi32>
        %gather3A_242 = vector.shape_cast %broadcast_in_dim3A_241 : vector<16x1xi32> to vector<16xi32>
        %gather3A_243 = tpu.dynamic_gather %add3A_240[%gather3A_242] in [0] : vector<16xi32>, vector<16xi32> -> vector<16xi32>
        %add3A_244 = arith.addi %gather3A_243, %and3A_4 : vector<16xi32>
        %add3A_245 = arith.constant 8 : i32
        %add3A_246 = vector.broadcast %add3A_245 : i32 to vector<16xi32>
        %add3A_247 = arith.addi %shift_right_arithmetic3A_2, %add3A_246 : vector<16xi32>
        %broadcast_in_dim3A_248 = vector.shape_cast %add3A_247 : vector<16xi32> to vector<16x1xi32>
        %gather3A_249 = vector.shape_cast %broadcast_in_dim3A_248 : vector<16x1xi32> to vector<16xi32>
        %gather3A_250 = tpu.dynamic_gather %add3A_240[%gather3A_249] in [0] : vector<16xi32>, vector<16xi32> -> vector<16xi32>
        %add3A_251 = arith.addi %gather3A_250, %and3A_4 : vector<16xi32>
        %add3A_252 = arith.constant 4000 : i32
        %add3A_253 = arith.addi %add3A_252, %mul3A_107 : i32
        %mul3A_254 = arith.constant 2 : i32
        %mul3A_255 = arith.muli %mul3A_254, %add3A_253 : i32
        %swap3A_256 = arith.index_cast %mul3A_255 : i32 to index
        %swap3A_257 = tpu.vector_load %arg15[%swap3A_256] {strides = array<i32>} : memref<16000xi32, #tpu.memory_space<vmem>>, vector<16xi32>,
        %swap3A_258 = vector.shape_cast %swap3A_257 : vector<16xi32> to vector<16xi32>
        %swap3A_259 = vector.shape_cast %add3A_244 : vector<16xi32> to vector<16xi32>
        tpu.vector_store %arg15[%swap3A_256], %swap3A_259 {strides = array<i32>} : memref<16000xi32, #tpu.memory_space<vmem>>, vector<16xi32>,
        %add3A_260 = arith.constant 4000 : i32
        %add3A_261 = arith.addi %add3A_260, %mul3A_107 : i32
        %mul3A_262 = arith.constant 2 : i32
        %mul3A_263 = arith.muli %mul3A_262, %add3A_261 : i32
        %add3A_264 = arith.constant 16 : i32
        %add3A_265 = arith.addi %mul3A_263, %add3A_264 : i32
        %swap3A_266 = arith.index_cast %add3A_265 : i32 to index
        %swap3A_267 = tpu.vector_load %arg15[%swap3A_266] {strides = array<i32>} : memref<16000xi32, #tpu.memory_space<vmem>>, vector<16xi32>,
        %swap3A_268 = vector.shape_cast %swap3A_267 : vector<16xi32> to vector<16xi32>
        %swap3A_269 = vector.shape_cast %add3A_251 : vector<16xi32> to vector<16xi32>
        tpu.vector_store %arg15[%swap3A_266], %swap3A_269 {strides = array<i32>} : memref<16000xi32, #tpu.memory_space<vmem>>, vector<16xi32>,
        %add3A_270 = arith.constant 65792 : i32
        %add3A_271 = vector.broadcast %add3A_270 : i32 to vector<16xi32>
        %add3A_272 = arith.addi %add3A_175, %add3A_271 : vector<16xi32>
        %broadcast_in_dim3A_273 = vector.shape_cast %shift_right_arithmetic3A_2 : vector<16xi32> to vector<16x1xi32>
        %gather3A_274 = vector.shape_cast %broadcast_in_dim3A_273 : vector<16x1xi32> to vector<16xi32>
        %gather3A_275 = tpu.dynamic_gather %add3A_272[%gather3A_274] in [0] : vector<16xi32>, vector<16xi32> -> vector<16xi32>
        %add3A_276 = arith.addi %gather3A_275, %and3A_4 : vector<16xi32>
        %add3A_277 = arith.constant 8 : i32
        %add3A_278 = vector.broadcast %add3A_277 : i32 to vector<16xi32>
        %add3A_279 = arith.addi %shift_right_arithmetic3A_2, %add3A_278 : vector<16xi32>
        %broadcast_in_dim3A_280 = vector.shape_cast %add3A_279 : vector<16xi32> to vector<16x1xi32>
        %gather3A_281 = vector.shape_cast %broadcast_in_dim3A_280 : vector<16x1xi32> to vector<16xi32>
        %gather3A_282 = tpu.dynamic_gather %add3A_272[%gather3A_281] in [0] : vector<16xi32>, vector<16xi32> -> vector<16xi32>
        %add3A_283 = arith.addi %gather3A_282, %and3A_4 : vector<16xi32>
        %add3A_284 = arith.constant 6000 : i32
        %add3A_285 = arith.addi %add3A_284, %mul3A_107 : i32
        %mul3A_286 = arith.constant 2 : i32
        %mul3A_287 = arith.muli %mul3A_286, %add3A_285 : i32
        %swap3A_288 = arith.index_cast %mul3A_287 : i32 to index
        %swap3A_289 = tpu.vector_load %arg15[%swap3A_288] {strides = array<i32>} : memref<16000xi32, #tpu.memory_space<vmem>>, vector<16xi32>,
        %swap3A_290 = vector.shape_cast %swap3A_289 : vector<16xi32> to vector<16xi32>
        %swap3A_291 = vector.shape_cast %add3A_276 : vector<16xi32> to vector<16xi32>
        tpu.vector_store %arg15[%swap3A_288], %swap3A_291 {strides = array<i32>} : memref<16000xi32, #tpu.memory_space<vmem>>, vector<16xi32>,
        %add3A_292 = arith.constant 6000 : i32
        %add3A_293 = arith.addi %add3A_292, %mul3A_107 : i32
        %mul3A_294 = arith.constant 2 : i32
        %mul3A_295 = arith.muli %mul3A_294, %add3A_293 : i32
        %add3A_296 = arith.constant 16 : i32
        %add3A_297 = arith.addi %mul3A_295, %add3A_296 : i32
        %swap3A_298 = arith.index_cast %add3A_297 : i32 to index
        %swap3A_299 = tpu.vector_load %arg15[%swap3A_298] {strides = array<i32>} : memref<16000xi32, #tpu.memory_space<vmem>>, vector<16xi32>,
        %swap3A_300 = vector.shape_cast %swap3A_299 : vector<16xi32> to vector<16xi32>
        %swap3A_301 = vector.shape_cast %add3A_283 : vector<16xi32> to vector<16xi32>
        tpu.vector_store %arg15[%swap3A_298], %swap3A_301 {strides = array<i32>} : memref<16000xi32, #tpu.memory_space<vmem>>, vector<16xi32>,
        %scan3A_302 = arith.constant 0 : i32
        %scan3A_303 = arith.constant 125 : i32
        %dma_start3A = arith.constant 0 : i32
        %dma_start3A_304 = tpu.memref_slice %arg5[%dma_start3A] : memref<16777216xf32, #tpu.memory_space<hbm>> -> memref<16777216xf32, #tpu.memory_space<hbm>>
        tpu.enqueue_indirect_dma source(%dma_start3A_304 : memref<16777216xf32, #tpu.memory_space<hbm>>) target(%arg17 : memref<16000xf32, #tpu.memory_space<vmem>>) offsets(%arg15 : memref<16000xi32, #tpu.memory_space<vmem>>) semaphore(%arg21 : memref<!tpu.dma_semaphore, #tpu.memory_space<semaphore_mem>>)
      } else {
      }
      %add3A_83 = arith.constant 32 : i32
      %add3A_84 = arith.addi %add3A_49, %add3A_83 : i32
      %lt3A_85 = arith.constant 500 : i32
      %lt3A_86 = arith.cmpi slt, %add3A_84, %lt3A_85 : i32
      %convert_element_type3A_87 = arith.extui %lt3A_86 : i1 to i32
      %cond3A_88 = arith.constant 0 : i32
      %cond3A_89 = arith.cmpi ne, %convert_element_type3A_87, %cond3A_88 : i32
      scf.if %cond3A_89 {
        %dma_wait3A = arith.constant 0 : i32
        %dma_wait3A_91 = tpu.memref_slice %arg5[%dma_wait3A] : memref<16777216xf32, #tpu.memory_space<hbm>> -> memref<16777216xf32, #tpu.memory_space<hbm>>
        tpu.wait_indirect_dma semaphore(%arg22 : memref<!tpu.dma_semaphore, #tpu.memory_space<semaphore_mem>>) src(%dma_wait3A_91 : memref<16777216xf32, #tpu.memory_space<hbm>>) dst(%arg18 : memref<16000xf32, #tpu.memory_space<vmem>>)
        %scan3A_92 = arith.constant 0 : i32
        %scan3A_93 = arith.constant 0 : i32
        %scan3A_94 = arith.constant 124 : i32
        %scan3A_95 = arith.addi %scan3A_93, %scan3A_94 : i32
        %scan3A_96 = arith.constant 2 : i32
        %scan3A_97 = scf.for %scan3A_260 = %scan3A_93 to %scan3A_95 step %scan3A_96 iter_args(%scan3A_261 = %scan3A_92) -> (i32)  : i32 {
          %mul3A_262 = arith.constant 16 : i32
          %mul3A_263 = arith.muli %mul3A_262, %scan3A_260 : i32
          %add3A_264 = arith.constant 0 : i32
          %add3A_265 = arith.addi %add3A_264, %mul3A_263 : i32
          %get3A_266 = arith.index_cast %add3A_265 : i32 to index
          %get3A_267 = tpu.vector_load %arg14[%get3A_266] {strides = array<i32>} : memref<6000xf32, #tpu.memory_space<vmem>>, vector<16xf32>,
          %get3A_268 = vector.shape_cast %get3A_267 : vector<16xf32> to vector<16xf32>
          %add3A_269 = arith.constant 2000 : i32
          %add3A_270 = arith.addi %add3A_269, %mul3A_263 : i32
          %get3A_271 = arith.index_cast %add3A_270 : i32 to index
          %get3A_272 = tpu.vector_load %arg14[%get3A_271] {strides = array<i32>} : memref<6000xf32, #tpu.memory_space<vmem>>, vector<16xf32>,
          %get3A_273 = vector.shape_cast %get3A_272 : vector<16xf32> to vector<16xf32>
          %add3A_274 = arith.constant 4000 : i32
          %add3A_275 = arith.addi %add3A_274, %mul3A_263 : i32
          %get3A_276 = arith.index_cast %add3A_275 : i32 to index
          %get3A_277 = tpu.vector_load %arg14[%get3A_276] {strides = array<i32>} : memref<6000xf32, #tpu.memory_space<vmem>>, vector<16xf32>,
          %get3A_278 = vector.shape_cast %get3A_277 : vector<16xf32> to vector<16xf32>
          %add3A_279 = arith.constant 0 : i32
          %add3A_280 = arith.addi %add3A_279, %mul3A_263 : i32
          %mul3A_281 = arith.constant 2 : i32
          %mul3A_282 = arith.muli %mul3A_281, %add3A_280 : i32
          %get3A_283 = arith.index_cast %mul3A_282 : i32 to index
          %get3A_284 = tpu.vector_load %arg18[%get3A_283] {strides = array<i32>} : memref<16000xf32, #tpu.memory_space<vmem>>, vector<16xf32>,
          %get3A_285 = vector.shape_cast %get3A_284 : vector<16xf32> to vector<16xf32>
          %add3A_286 = arith.constant 0 : i32
          %add3A_287 = arith.addi %add3A_286, %mul3A_263 : i32
          %mul3A_288 = arith.constant 2 : i32
          %mul3A_289 = arith.muli %mul3A_288, %add3A_287 : i32
          %add3A_290 = arith.constant 16 : i32
          %add3A_291 = arith.addi %mul3A_289, %add3A_290 : i32
          %get3A_292 = arith.index_cast %add3A_291 : i32 to index
          %get3A_293 = tpu.vector_load %arg18[%get3A_292] {strides = array<i32>} : memref<16000xf32, #tpu.memory_space<vmem>>, vector<16xf32>,
          %get3A_294 = vector.shape_cast %get3A_293 : vector<16xf32> to vector<16xf32>
          %broadcast_in_dim3A_295 = vector.shape_cast %and3A_10 : vector<16xi32> to vector<16x1xi32>
          %gather3A_296 = vector.shape_cast %broadcast_in_dim3A_295 : vector<16x1xi32> to vector<16xi32>
          %gather3A_297 = tpu.dynamic_gather %get3A_285[%gather3A_296] in [0] : vector<16xf32>, vector<16xi32> -> vector<16xf32>
          %broadcast_in_dim3A_298 = vector.shape_cast %and3A_10 : vector<16xi32> to vector<16x1xi32>
          %gather3A_299 = vector.shape_cast %broadcast_in_dim3A_298 : vector<16x1xi32> to vector<16xi32>
          %gather3A_300 = tpu.dynamic_gather %get3A_294[%gather3A_299] in [0] : vector<16xf32>, vector<16xi32> -> vector<16xf32>
          %select_n3A_301 = arith.select %lt3A_21, %gather3A_297, %gather3A_300 : vector<16xi1>, vector<16xf32>
          %broadcast_in_dim3A_302 = vector.shape_cast %and3A_19 : vector<16xi32> to vector<16x1xi32>
          %gather3A_303 = vector.shape_cast %broadcast_in_dim3A_302 : vector<16x1xi32> to vector<16xi32>
          %gather3A_304 = tpu.dynamic_gather %get3A_285[%gather3A_303] in [0] : vector<16xf32>, vector<16xi32> -> vector<16xf32>
          %broadcast_in_dim3A_305 = vector.shape_cast %and3A_19 : vector<16xi32> to vector<16x1xi32>
          %gather3A_306 = vector.shape_cast %broadcast_in_dim3A_305 : vector<16x1xi32> to vector<16xi32>
          %gather3A_307 = tpu.dynamic_gather %get3A_294[%gather3A_306] in [0] : vector<16xf32>, vector<16xi32> -> vector<16xf32>
          %select_n3A_308 = arith.select %lt3A_21, %gather3A_304, %gather3A_307 : vector<16xi1>, vector<16xf32>
          %sub3A_309 = arith.subf %select_n3A_308, %select_n3A_301 : vector<16xf32>
          %mul3A_310 = arith.mulf %get3A_278, %sub3A_309 : vector<16xf32>
          %add3A_311 = arith.addf %select_n3A_301, %mul3A_310 : vector<16xf32>
          %add3A_312 = arith.constant 2000 : i32
          %add3A_313 = arith.addi %add3A_312, %mul3A_263 : i32
          %mul3A_314 = arith.constant 2 : i32
          %mul3A_315 = arith.muli %mul3A_314, %add3A_313 : i32
          %get3A_316 = arith.index_cast %mul3A_315 : i32 to index
          %get3A_317 = tpu.vector_load %arg18[%get3A_316] {strides = array<i32>} : memref<16000xf32, #tpu.memory_space<vmem>>, vector<16xf32>,
          %get3A_318 = vector.shape_cast %get3A_317 : vector<16xf32> to vector<16xf32>
          %add3A_319 = arith.constant 2000 : i32
          %add3A_320 = arith.addi %add3A_319, %mul3A_263 : i32
          %mul3A_321 = arith.constant 2 : i32
          %mul3A_322 = arith.muli %mul3A_321, %add3A_320 : i32
          %add3A_323 = arith.constant 16 : i32
          %add3A_324 = arith.addi %mul3A_322, %add3A_323 : i32
          %get3A_325 = arith.index_cast %add3A_324 : i32 to index
          %get3A_326 = tpu.vector_load %arg18[%get3A_325] {strides = array<i32>} : memref<16000xf32, #tpu.memory_space<vmem>>, vector<16xf32>,
          %get3A_327 = vector.shape_cast %get3A_326 : vector<16xf32> to vector<16xf32>
          %broadcast_in_dim3A_328 = vector.shape_cast %and3A_10 : vector<16xi32> to vector<16x1xi32>
          %gather3A_329 = vector.shape_cast %broadcast_in_dim3A_328 : vector<16x1xi32> to vector<16xi32>
          %gather3A_330 = tpu.dynamic_gather %get3A_318[%gather3A_329] in [0] : vector<16xf32>, vector<16xi32> -> vector<16xf32>
          %broadcast_in_dim3A_331 = vector.shape_cast %and3A_10 : vector<16xi32> to vector<16x1xi32>
          %gather3A_332 = vector.shape_cast %broadcast_in_dim3A_331 : vector<16x1xi32> to vector<16xi32>
          %gather3A_333 = tpu.dynamic_gather %get3A_327[%gather3A_332] in [0] : vector<16xf32>, vector<16xi32> -> vector<16xf32>
          %select_n3A_334 = arith.select %lt3A_21, %gather3A_330, %gather3A_333 : vector<16xi1>, vector<16xf32>
          %broadcast_in_dim3A_335 = vector.shape_cast %and3A_19 : vector<16xi32> to vector<16x1xi32>
          %gather3A_336 = vector.shape_cast %broadcast_in_dim3A_335 : vector<16x1xi32> to vector<16xi32>
          %gather3A_337 = tpu.dynamic_gather %get3A_318[%gather3A_336] in [0] : vector<16xf32>, vector<16xi32> -> vector<16xf32>
          %broadcast_in_dim3A_338 = vector.shape_cast %and3A_19 : vector<16xi32> to vector<16x1xi32>
          %gather3A_339 = vector.shape_cast %broadcast_in_dim3A_338 : vector<16x1xi32> to vector<16xi32>
          %gather3A_340 = tpu.dynamic_gather %get3A_327[%gather3A_339] in [0] : vector<16xf32>, vector<16xi32> -> vector<16xf32>
          %select_n3A_341 = arith.select %lt3A_21, %gather3A_337, %gather3A_340 : vector<16xi1>, vector<16xf32>
          %sub3A_342 = arith.subf %select_n3A_341, %select_n3A_334 : vector<16xf32>
          %mul3A_343 = arith.mulf %get3A_278, %sub3A_342 : vector<16xf32>
          %add3A_344 = arith.addf %select_n3A_334, %mul3A_343 : vector<16xf32>
          %add3A_345 = arith.constant 4000 : i32
          %add3A_346 = arith.addi %add3A_345, %mul3A_263 : i32
          %mul3A_347 = arith.constant 2 : i32
          %mul3A_348 = arith.muli %mul3A_347, %add3A_346 : i32
          %get3A_349 = arith.index_cast %mul3A_348 : i32 to index
          %get3A_350 = tpu.vector_load %arg18[%get3A_349] {strides = array<i32>} : memref<16000xf32, #tpu.memory_space<vmem>>, vector<16xf32>,
          %get3A_351 = vector.shape_cast %get3A_350 : vector<16xf32> to vector<16xf32>
          %add3A_352 = arith.constant 4000 : i32
          %add3A_353 = arith.addi %add3A_352, %mul3A_263 : i32
          %mul3A_354 = arith.constant 2 : i32
          %mul3A_355 = arith.muli %mul3A_354, %add3A_353 : i32
          %add3A_356 = arith.constant 16 : i32
          %add3A_357 = arith.addi %mul3A_355, %add3A_356 : i32
          %get3A_358 = arith.index_cast %add3A_357 : i32 to index
          %get3A_359 = tpu.vector_load %arg18[%get3A_358] {strides = array<i32>} : memref<16000xf32, #tpu.memory_space<vmem>>, vector<16xf32>,
          %get3A_360 = vector.shape_cast %get3A_359 : vector<16xf32> to vector<16xf32>
          %broadcast_in_dim3A_361 = vector.shape_cast %and3A_10 : vector<16xi32> to vector<16x1xi32>
          %gather3A_362 = vector.shape_cast %broadcast_in_dim3A_361 : vector<16x1xi32> to vector<16xi32>
          %gather3A_363 = tpu.dynamic_gather %get3A_351[%gather3A_362] in [0] : vector<16xf32>, vector<16xi32> -> vector<16xf32>
          %broadcast_in_dim3A_364 = vector.shape_cast %and3A_10 : vector<16xi32> to vector<16x1xi32>
          %gather3A_365 = vector.shape_cast %broadcast_in_dim3A_364 : vector<16x1xi32> to vector<16xi32>
          %gather3A_366 = tpu.dynamic_gather %get3A_360[%gather3A_365] in [0] : vector<16xf32>, vector<16xi32> -> vector<16xf32>
          %select_n3A_367 = arith.select %lt3A_21, %gather3A_363, %gather3A_366 : vector<16xi1>, vector<16xf32>
          %broadcast_in_dim3A_368 = vector.shape_cast %and3A_19 : vector<16xi32> to vector<16x1xi32>
          %gather3A_369 = vector.shape_cast %broadcast_in_dim3A_368 : vector<16x1xi32> to vector<16xi32>
          %gather3A_370 = tpu.dynamic_gather %get3A_351[%gather3A_369] in [0] : vector<16xf32>, vector<16xi32> -> vector<16xf32>
          %broadcast_in_dim3A_371 = vector.shape_cast %and3A_19 : vector<16xi32> to vector<16x1xi32>
          %gather3A_372 = vector.shape_cast %broadcast_in_dim3A_371 : vector<16x1xi32> to vector<16xi32>
          %gather3A_373 = tpu.dynamic_gather %get3A_360[%gather3A_372] in [0] : vector<16xf32>, vector<16xi32> -> vector<16xf32>
          %select_n3A_374 = arith.select %lt3A_21, %gather3A_370, %gather3A_373 : vector<16xi1>, vector<16xf32>
          %sub3A_375 = arith.subf %select_n3A_374, %select_n3A_367 : vector<16xf32>
          %mul3A_376 = arith.mulf %get3A_278, %sub3A_375 : vector<16xf32>
          %add3A_377 = arith.addf %select_n3A_367, %mul3A_376 : vector<16xf32>
          %add3A_378 = arith.constant 6000 : i32
          %add3A_379 = arith.addi %add3A_378, %mul3A_263 : i32
          %mul3A_380 = arith.constant 2 : i32
          %mul3A_381 = arith.muli %mul3A_380, %add3A_379 : i32
          %get3A_382 = arith.index_cast %mul3A_381 : i32 to index
          %get3A_383 = tpu.vector_load %arg18[%get3A_382] {strides = array<i32>} : memref<16000xf32, #tpu.memory_space<vmem>>, vector<16xf32>,
          %get3A_384 = vector.shape_cast %get3A_383 : vector<16xf32> to vector<16xf32>
          %add3A_385 = arith.constant 6000 : i32
          %add3A_386 = arith.addi %add3A_385, %mul3A_263 : i32
          %mul3A_387 = arith.constant 2 : i32
          %mul3A_388 = arith.muli %mul3A_387, %add3A_386 : i32
          %add3A_389 = arith.constant 16 : i32
          %add3A_390 = arith.addi %mul3A_388, %add3A_389 : i32
          %get3A_391 = arith.index_cast %add3A_390 : i32 to index
          %get3A_392 = tpu.vector_load %arg18[%get3A_391] {strides = array<i32>} : memref<16000xf32, #tpu.memory_space<vmem>>, vector<16xf32>,
          %get3A_393 = vector.shape_cast %get3A_392 : vector<16xf32> to vector<16xf32>
          %broadcast_in_dim3A_394 = vector.shape_cast %and3A_10 : vector<16xi32> to vector<16x1xi32>
          %gather3A_395 = vector.shape_cast %broadcast_in_dim3A_394 : vector<16x1xi32> to vector<16xi32>
          %gather3A_396 = tpu.dynamic_gather %get3A_384[%gather3A_395] in [0] : vector<16xf32>, vector<16xi32> -> vector<16xf32>
          %broadcast_in_dim3A_397 = vector.shape_cast %and3A_10 : vector<16xi32> to vector<16x1xi32>
          %gather3A_398 = vector.shape_cast %broadcast_in_dim3A_397 : vector<16x1xi32> to vector<16xi32>
          %gather3A_399 = tpu.dynamic_gather %get3A_393[%gather3A_398] in [0] : vector<16xf32>, vector<16xi32> -> vector<16xf32>
          %select_n3A_400 = arith.select %lt3A_21, %gather3A_396, %gather3A_399 : vector<16xi1>, vector<16xf32>
          %broadcast_in_dim3A_401 = vector.shape_cast %and3A_19 : vector<16xi32> to vector<16x1xi32>
          %gather3A_402 = vector.shape_cast %broadcast_in_dim3A_401 : vector<16x1xi32> to vector<16xi32>
          %gather3A_403 = tpu.dynamic_gather %get3A_384[%gather3A_402] in [0] : vector<16xf32>, vector<16xi32> -> vector<16xf32>
          %broadcast_in_dim3A_404 = vector.shape_cast %and3A_19 : vector<16xi32> to vector<16x1xi32>
          %gather3A_405 = vector.shape_cast %broadcast_in_dim3A_404 : vector<16x1xi32> to vector<16xi32>
          %gather3A_406 = tpu.dynamic_gather %get3A_393[%gather3A_405] in [0] : vector<16xf32>, vector<16xi32> -> vector<16xf32>
          %select_n3A_407 = arith.select %lt3A_21, %gather3A_403, %gather3A_406 : vector<16xi1>, vector<16xf32>
          %sub3A_408 = arith.subf %select_n3A_407, %select_n3A_400 : vector<16xf32>
          %mul3A_409 = arith.mulf %get3A_278, %sub3A_408 : vector<16xf32>
          %add3A_410 = arith.addf %select_n3A_400, %mul3A_409 : vector<16xf32>
          %sub3A_411 = arith.subf %add3A_344, %add3A_311 : vector<16xf32>
          %mul3A_412 = arith.mulf %get3A_273, %sub3A_411 : vector<16xf32>
          %add3A_413 = arith.addf %add3A_311, %mul3A_412 : vector<16xf32>
          %sub3A_414 = arith.subf %add3A_410, %add3A_377 : vector<16xf32>
          %mul3A_415 = arith.mulf %get3A_273, %sub3A_414 : vector<16xf32>
          %add3A_416 = arith.addf %add3A_377, %mul3A_415 : vector<16xf32>
          %sub3A_417 = arith.subf %add3A_416, %add3A_413 : vector<16xf32>
          %mul3A_418 = arith.mulf %get3A_268, %sub3A_417 : vector<16xf32>
          %add3A_419 = arith.addf %add3A_413, %mul3A_418 : vector<16xf32>
          %swap3A_420 = arith.index_cast %mul3A_263 : i32 to index
          %swap3A_421 = tpu.vector_load %arg20[%swap3A_420] {strides = array<i32>} : memref<2000xf32, #tpu.memory_space<vmem>>, vector<16xf32>,
          %swap3A_422 = vector.shape_cast %swap3A_421 : vector<16xf32> to vector<16xf32>
          %swap3A_423 = vector.shape_cast %add3A_419 : vector<16xf32> to vector<16xf32>
          tpu.vector_store %arg20[%swap3A_420], %swap3A_423 {strides = array<i32>} : memref<2000xf32, #tpu.memory_space<vmem>>, vector<16xf32>,
          %scan3A_424 = arith.constant 0 : i32
          %scan3A_425 = arith.constant 1 : i32
          %scan3A_426 = arith.addi %scan3A_260, %scan3A_425 : i32
          %mul3A_427 = arith.constant 16 : i32
          %mul3A_428 = arith.muli %mul3A_427, %scan3A_426 : i32
          %add3A_429 = arith.constant 0 : i32
          %add3A_430 = arith.addi %add3A_429, %mul3A_428 : i32
          %get3A_431 = arith.index_cast %add3A_430 : i32 to index
          %get3A_432 = tpu.vector_load %arg14[%get3A_431] {strides = array<i32>} : memref<6000xf32, #tpu.memory_space<vmem>>, vector<16xf32>,
          %get3A_433 = vector.shape_cast %get3A_432 : vector<16xf32> to vector<16xf32>
          %add3A_434 = arith.constant 2000 : i32
          %add3A_435 = arith.addi %add3A_434, %mul3A_428 : i32
          %get3A_436 = arith.index_cast %add3A_435 : i32 to index
          %get3A_437 = tpu.vector_load %arg14[%get3A_436] {strides = array<i32>} : memref<6000xf32, #tpu.memory_space<vmem>>, vector<16xf32>,
          %get3A_438 = vector.shape_cast %get3A_437 : vector<16xf32> to vector<16xf32>
          %add3A_439 = arith.constant 4000 : i32
          %add3A_440 = arith.addi %add3A_439, %mul3A_428 : i32
          %get3A_441 = arith.index_cast %add3A_440 : i32 to index
          %get3A_442 = tpu.vector_load %arg14[%get3A_441] {strides = array<i32>} : memref<6000xf32, #tpu.memory_space<vmem>>, vector<16xf32>,
          %get3A_443 = vector.shape_cast %get3A_442 : vector<16xf32> to vector<16xf32>
          %add3A_444 = arith.constant 0 : i32
          %add3A_445 = arith.addi %add3A_444, %mul3A_428 : i32
          %mul3A_446 = arith.constant 2 : i32
          %mul3A_447 = arith.muli %mul3A_446, %add3A_445 : i32
          %get3A_448 = arith.index_cast %mul3A_447 : i32 to index
          %get3A_449 = tpu.vector_load %arg18[%get3A_448] {strides = array<i32>} : memref<16000xf32, #tpu.memory_space<vmem>>, vector<16xf32>,
          %get3A_450 = vector.shape_cast %get3A_449 : vector<16xf32> to vector<16xf32>
          %add3A_451 = arith.constant 0 : i32
          %add3A_452 = arith.addi %add3A_451, %mul3A_428 : i32
          %mul3A_453 = arith.constant 2 : i32
          %mul3A_454 = arith.muli %mul3A_453, %add3A_452 : i32
          %add3A_455 = arith.constant 16 : i32
          %add3A_456 = arith.addi %mul3A_454, %add3A_455 : i32
          %get3A_457 = arith.index_cast %add3A_456 : i32 to index
          %get3A_458 = tpu.vector_load %arg18[%get3A_457] {strides = array<i32>} : memref<16000xf32, #tpu.memory_space<vmem>>, vector<16xf32>,
          %get3A_459 = vector.shape_cast %get3A_458 : vector<16xf32> to vector<16xf32>
          %broadcast_in_dim3A_460 = vector.shape_cast %and3A_10 : vector<16xi32> to vector<16x1xi32>
          %gather3A_461 = vector.shape_cast %broadcast_in_dim3A_460 : vector<16x1xi32> to vector<16xi32>
          %gather3A_462 = tpu.dynamic_gather %get3A_450[%gather3A_461] in [0] : vector<16xf32>, vector<16xi32> -> vector<16xf32>
          %broadcast_in_dim3A_463 = vector.shape_cast %and3A_10 : vector<16xi32> to vector<16x1xi32>
          %gather3A_464 = vector.shape_cast %broadcast_in_dim3A_463 : vector<16x1xi32> to vector<16xi32>
          %gather3A_465 = tpu.dynamic_gather %get3A_459[%gather3A_464] in [0] : vector<16xf32>, vector<16xi32> -> vector<16xf32>
          %select_n3A_466 = arith.select %lt3A_21, %gather3A_462, %gather3A_465 : vector<16xi1>, vector<16xf32>
          %broadcast_in_dim3A_467 = vector.shape_cast %and3A_19 : vector<16xi32> to vector<16x1xi32>
          %gather3A_468 = vector.shape_cast %broadcast_in_dim3A_467 : vector<16x1xi32> to vector<16xi32>
          %gather3A_469 = tpu.dynamic_gather %get3A_450[%gather3A_468] in [0] : vector<16xf32>, vector<16xi32> -> vector<16xf32>
          %broadcast_in_dim3A_470 = vector.shape_cast %and3A_19 : vector<16xi32> to vector<16x1xi32>
          %gather3A_471 = vector.shape_cast %broadcast_in_dim3A_470 : vector<16x1xi32> to vector<16xi32>
          %gather3A_472 = tpu.dynamic_gather %get3A_459[%gather3A_471] in [0] : vector<16xf32>, vector<16xi32> -> vector<16xf32>
          %select_n3A_473 = arith.select %lt3A_21, %gather3A_469, %gather3A_472 : vector<16xi1>, vector<16xf32>
          %sub3A_474 = arith.subf %select_n3A_473, %select_n3A_466 : vector<16xf32>
          %mul3A_475 = arith.mulf %get3A_443, %sub3A_474 : vector<16xf32>
          %add3A_476 = arith.addf %select_n3A_466, %mul3A_475 : vector<16xf32>
          %add3A_477 = arith.constant 2000 : i32
          %add3A_478 = arith.addi %add3A_477, %mul3A_428 : i32
          %mul3A_479 = arith.constant 2 : i32
          %mul3A_480 = arith.muli %mul3A_479, %add3A_478 : i32
          %get3A_481 = arith.index_cast %mul3A_480 : i32 to index
          %get3A_482 = tpu.vector_load %arg18[%get3A_481] {strides = array<i32>} : memref<16000xf32, #tpu.memory_space<vmem>>, vector<16xf32>,
          %get3A_483 = vector.shape_cast %get3A_482 : vector<16xf32> to vector<16xf32>
          %add3A_484 = arith.constant 2000 : i32
          %add3A_485 = arith.addi %add3A_484, %mul3A_428 : i32
          %mul3A_486 = arith.constant 2 : i32
          %mul3A_487 = arith.muli %mul3A_486, %add3A_485 : i32
          %add3A_488 = arith.constant 16 : i32
          %add3A_489 = arith.addi %mul3A_487, %add3A_488 : i32
          %get3A_490 = arith.index_cast %add3A_489 : i32 to index
          %get3A_491 = tpu.vector_load %arg18[%get3A_490] {strides = array<i32>} : memref<16000xf32, #tpu.memory_space<vmem>>, vector<16xf32>,
          %get3A_492 = vector.shape_cast %get3A_491 : vector<16xf32> to vector<16xf32>
          %broadcast_in_dim3A_493 = vector.shape_cast %and3A_10 : vector<16xi32> to vector<16x1xi32>
          %gather3A_494 = vector.shape_cast %broadcast_in_dim3A_493 : vector<16x1xi32> to vector<16xi32>
          %gather3A_495 = tpu.dynamic_gather %get3A_483[%gather3A_494] in [0] : vector<16xf32>, vector<16xi32> -> vector<16xf32>
          %broadcast_in_dim3A_496 = vector.shape_cast %and3A_10 : vector<16xi32> to vector<16x1xi32>
          %gather3A_497 = vector.shape_cast %broadcast_in_dim3A_496 : vector<16x1xi32> to vector<16xi32>
          %gather3A_498 = tpu.dynamic_gather %get3A_492[%gather3A_497] in [0] : vector<16xf32>, vector<16xi32> -> vector<16xf32>
          %select_n3A_499 = arith.select %lt3A_21, %gather3A_495, %gather3A_498 : vector<16xi1>, vector<16xf32>
          %broadcast_in_dim3A_500 = vector.shape_cast %and3A_19 : vector<16xi32> to vector<16x1xi32>
          %gather3A_501 = vector.shape_cast %broadcast_in_dim3A_500 : vector<16x1xi32> to vector<16xi32>
          %gather3A_502 = tpu.dynamic_gather %get3A_483[%gather3A_501] in [0] : vector<16xf32>, vector<16xi32> -> vector<16xf32>
          %broadcast_in_dim3A_503 = vector.shape_cast %and3A_19 : vector<16xi32> to vector<16x1xi32>
          %gather3A_504 = vector.shape_cast %broadcast_in_dim3A_503 : vector<16x1xi32> to vector<16xi32>
          %gather3A_505 = tpu.dynamic_gather %get3A_492[%gather3A_504] in [0] : vector<16xf32>, vector<16xi32> -> vector<16xf32>
          %select_n3A_506 = arith.select %lt3A_21, %gather3A_502, %gather3A_505 : vector<16xi1>, vector<16xf32>
          %sub3A_507 = arith.subf %select_n3A_506, %select_n3A_499 : vector<16xf32>
          %mul3A_508 = arith.mulf %get3A_443, %sub3A_507 : vector<16xf32>
          %add3A_509 = arith.addf %select_n3A_499, %mul3A_508 : vector<16xf32>
          %add3A_510 = arith.constant 4000 : i32
          %add3A_511 = arith.addi %add3A_510, %mul3A_428 : i32
          %mul3A_512 = arith.constant 2 : i32
          %mul3A_513 = arith.muli %mul3A_512, %add3A_511 : i32
          %get3A_514 = arith.index_cast %mul3A_513 : i32 to index
          %get3A_515 = tpu.vector_load %arg18[%get3A_514] {strides = array<i32>} : memref<16000xf32, #tpu.memory_space<vmem>>, vector<16xf32>,
          %get3A_516 = vector.shape_cast %get3A_515 : vector<16xf32> to vector<16xf32>
          %add3A_517 = arith.constant 4000 : i32
          %add3A_518 = arith.addi %add3A_517, %mul3A_428 : i32
          %mul3A_519 = arith.constant 2 : i32
          %mul3A_520 = arith.muli %mul3A_519, %add3A_518 : i32
          %add3A_521 = arith.constant 16 : i32
          %add3A_522 = arith.addi %mul3A_520, %add3A_521 : i32
          %get3A_523 = arith.index_cast %add3A_522 : i32 to index
          %get3A_524 = tpu.vector_load %arg18[%get3A_523] {strides = array<i32>} : memref<16000xf32, #tpu.memory_space<vmem>>, vector<16xf32>,
          %get3A_525 = vector.shape_cast %get3A_524 : vector<16xf32> to vector<16xf32>
          %broadcast_in_dim3A_526 = vector.shape_cast %and3A_10 : vector<16xi32> to vector<16x1xi32>
          %gather3A_527 = vector.shape_cast %broadcast_in_dim3A_526 : vector<16x1xi32> to vector<16xi32>
          %gather3A_528 = tpu.dynamic_gather %get3A_516[%gather3A_527] in [0] : vector<16xf32>, vector<16xi32> -> vector<16xf32>
          %broadcast_in_dim3A_529 = vector.shape_cast %and3A_10 : vector<16xi32> to vector<16x1xi32>
          %gather3A_530 = vector.shape_cast %broadcast_in_dim3A_529 : vector<16x1xi32> to vector<16xi32>
          %gather3A_531 = tpu.dynamic_gather %get3A_525[%gather3A_530] in [0] : vector<16xf32>, vector<16xi32> -> vector<16xf32>
          %select_n3A_532 = arith.select %lt3A_21, %gather3A_528, %gather3A_531 : vector<16xi1>, vector<16xf32>
          %broadcast_in_dim3A_533 = vector.shape_cast %and3A_19 : vector<16xi32> to vector<16x1xi32>
          %gather3A_534 = vector.shape_cast %broadcast_in_dim3A_533 : vector<16x1xi32> to vector<16xi32>
          %gather3A_535 = tpu.dynamic_gather %get3A_516[%gather3A_534] in [0] : vector<16xf32>, vector<16xi32> -> vector<16xf32>
          %broadcast_in_dim3A_536 = vector.shape_cast %and3A_19 : vector<16xi32> to vector<16x1xi32>
          %gather3A_537 = vector.shape_cast %broadcast_in_dim3A_536 : vector<16x1xi32> to vector<16xi32>
          %gather3A_538 = tpu.dynamic_gather %get3A_525[%gather3A_537] in [0] : vector<16xf32>, vector<16xi32> -> vector<16xf32>
          %select_n3A_539 = arith.select %lt3A_21, %gather3A_535, %gather3A_538 : vector<16xi1>, vector<16xf32>
          %sub3A_540 = arith.subf %select_n3A_539, %select_n3A_532 : vector<16xf32>
          %mul3A_541 = arith.mulf %get3A_443, %sub3A_540 : vector<16xf32>
          %add3A_542 = arith.addf %select_n3A_532, %mul3A_541 : vector<16xf32>
          %add3A_543 = arith.constant 6000 : i32
          %add3A_544 = arith.addi %add3A_543, %mul3A_428 : i32
          %mul3A_545 = arith.constant 2 : i32
          %mul3A_546 = arith.muli %mul3A_545, %add3A_544 : i32
          %get3A_547 = arith.index_cast %mul3A_546 : i32 to index
          %get3A_548 = tpu.vector_load %arg18[%get3A_547] {strides = array<i32>} : memref<16000xf32, #tpu.memory_space<vmem>>, vector<16xf32>,
          %get3A_549 = vector.shape_cast %get3A_548 : vector<16xf32> to vector<16xf32>
          %add3A_550 = arith.constant 6000 : i32
          %add3A_551 = arith.addi %add3A_550, %mul3A_428 : i32
          %mul3A_552 = arith.constant 2 : i32
          %mul3A_553 = arith.muli %mul3A_552, %add3A_551 : i32
          %add3A_554 = arith.constant 16 : i32
          %add3A_555 = arith.addi %mul3A_553, %add3A_554 : i32
          %get3A_556 = arith.index_cast %add3A_555 : i32 to index
          %get3A_557 = tpu.vector_load %arg18[%get3A_556] {strides = array<i32>} : memref<16000xf32, #tpu.memory_space<vmem>>, vector<16xf32>,
          %get3A_558 = vector.shape_cast %get3A_557 : vector<16xf32> to vector<16xf32>
          %broadcast_in_dim3A_559 = vector.shape_cast %and3A_10 : vector<16xi32> to vector<16x1xi32>
          %gather3A_560 = vector.shape_cast %broadcast_in_dim3A_559 : vector<16x1xi32> to vector<16xi32>
          %gather3A_561 = tpu.dynamic_gather %get3A_549[%gather3A_560] in [0] : vector<16xf32>, vector<16xi32> -> vector<16xf32>
          %broadcast_in_dim3A_562 = vector.shape_cast %and3A_10 : vector<16xi32> to vector<16x1xi32>
          %gather3A_563 = vector.shape_cast %broadcast_in_dim3A_562 : vector<16x1xi32> to vector<16xi32>
          %gather3A_564 = tpu.dynamic_gather %get3A_558[%gather3A_563] in [0] : vector<16xf32>, vector<16xi32> -> vector<16xf32>
          %select_n3A_565 = arith.select %lt3A_21, %gather3A_561, %gather3A_564 : vector<16xi1>, vector<16xf32>
          %broadcast_in_dim3A_566 = vector.shape_cast %and3A_19 : vector<16xi32> to vector<16x1xi32>
          %gather3A_567 = vector.shape_cast %broadcast_in_dim3A_566 : vector<16x1xi32> to vector<16xi32>
          %gather3A_568 = tpu.dynamic_gather %get3A_549[%gather3A_567] in [0] : vector<16xf32>, vector<16xi32> -> vector<16xf32>
          %broadcast_in_dim3A_569 = vector.shape_cast %and3A_19 : vector<16xi32> to vector<16x1xi32>
          %gather3A_570 = vector.shape_cast %broadcast_in_dim3A_569 : vector<16x1xi32> to vector<16xi32>
          %gather3A_571 = tpu.dynamic_gather %get3A_558[%gather3A_570] in [0] : vector<16xf32>, vector<16xi32> -> vector<16xf32>
          %select_n3A_572 = arith.select %lt3A_21, %gather3A_568, %gather3A_571 : vector<16xi1>, vector<16xf32>
          %sub3A_573 = arith.subf %select_n3A_572, %select_n3A_565 : vector<16xf32>
          %mul3A_574 = arith.mulf %get3A_443, %sub3A_573 : vector<16xf32>
          %add3A_575 = arith.addf %select_n3A_565, %mul3A_574 : vector<16xf32>
          %sub3A_576 = arith.subf %add3A_509, %add3A_476 : vector<16xf32>
          %mul3A_577 = arith.mulf %get3A_438, %sub3A_576 : vector<16xf32>
          %add3A_578 = arith.addf %add3A_476, %mul3A_577 : vector<16xf32>
          %sub3A_579 = arith.subf %add3A_575, %add3A_542 : vector<16xf32>
          %mul3A_580 = arith.mulf %get3A_438, %sub3A_579 : vector<16xf32>
          %add3A_581 = arith.addf %add3A_542, %mul3A_580 : vector<16xf32>
          %sub3A_582 = arith.subf %add3A_581, %add3A_578 : vector<16xf32>
          %mul3A_583 = arith.mulf %get3A_433, %sub3A_582 : vector<16xf32>
          %add3A_584 = arith.addf %add3A_578, %mul3A_583 : vector<16xf32>
          %swap3A_585 = arith.index_cast %mul3A_428 : i32 to index
          %swap3A_586 = tpu.vector_load %arg20[%swap3A_585] {strides = array<i32>} : memref<2000xf32, #tpu.memory_space<vmem>>, vector<16xf32>,
          %swap3A_587 = vector.shape_cast %swap3A_586 : vector<16xf32> to vector<16xf32>
          %swap3A_588 = vector.shape_cast %add3A_584 : vector<16xf32> to vector<16xf32>
          tpu.vector_store %arg20[%swap3A_585], %swap3A_588 {strides = array<i32>} : memref<2000xf32, #tpu.memory_space<vmem>>, vector<16xf32>,
          %scan3A_589 = arith.constant 0 : i32
          scf.yield %scan3A_589 : i32
        }
        %scan3A_98 = arith.constant 124 : i32
        %scan3A_99 = arith.addi %scan3A_93, %scan3A_98 : i32
        %mul3A_100 = arith.constant 16 : i32
        %mul3A_101 = arith.muli %mul3A_100, %scan3A_99 : i32
        %add3A_102 = arith.constant 0 : i32
        %add3A_103 = arith.addi %add3A_102, %mul3A_101 : i32
        %get3A = arith.index_cast %add3A_103 : i32 to index
        %get3A_104 = tpu.vector_load %arg14[%get3A] {strides = array<i32>} : memref<6000xf32, #tpu.memory_space<vmem>>, vector<16xf32>,
        %get3A_105 = vector.shape_cast %get3A_104 : vector<16xf32> to vector<16xf32>
        %add3A_106 = arith.constant 2000 : i32
        %add3A_107 = arith.addi %add3A_106, %mul3A_101 : i32
        %get3A_108 = arith.index_cast %add3A_107 : i32 to index
        %get3A_109 = tpu.vector_load %arg14[%get3A_108] {strides = array<i32>} : memref<6000xf32, #tpu.memory_space<vmem>>, vector<16xf32>,
        %get3A_110 = vector.shape_cast %get3A_109 : vector<16xf32> to vector<16xf32>
        %add3A_111 = arith.constant 4000 : i32
        %add3A_112 = arith.addi %add3A_111, %mul3A_101 : i32
        %get3A_113 = arith.index_cast %add3A_112 : i32 to index
        %get3A_114 = tpu.vector_load %arg14[%get3A_113] {strides = array<i32>} : memref<6000xf32, #tpu.memory_space<vmem>>, vector<16xf32>,
        %get3A_115 = vector.shape_cast %get3A_114 : vector<16xf32> to vector<16xf32>
        %add3A_116 = arith.constant 0 : i32
        %add3A_117 = arith.addi %add3A_116, %mul3A_101 : i32
        %mul3A_118 = arith.constant 2 : i32
        %mul3A_119 = arith.muli %mul3A_118, %add3A_117 : i32
        %get3A_120 = arith.index_cast %mul3A_119 : i32 to index
        %get3A_121 = tpu.vector_load %arg18[%get3A_120] {strides = array<i32>} : memref<16000xf32, #tpu.memory_space<vmem>>, vector<16xf32>,
        %get3A_122 = vector.shape_cast %get3A_121 : vector<16xf32> to vector<16xf32>
        %add3A_123 = arith.constant 0 : i32
        %add3A_124 = arith.addi %add3A_123, %mul3A_101 : i32
        %mul3A_125 = arith.constant 2 : i32
        %mul3A_126 = arith.muli %mul3A_125, %add3A_124 : i32
        %add3A_127 = arith.constant 16 : i32
        %add3A_128 = arith.addi %mul3A_126, %add3A_127 : i32
        %get3A_129 = arith.index_cast %add3A_128 : i32 to index
        %get3A_130 = tpu.vector_load %arg18[%get3A_129] {strides = array<i32>} : memref<16000xf32, #tpu.memory_space<vmem>>, vector<16xf32>,
        %get3A_131 = vector.shape_cast %get3A_130 : vector<16xf32> to vector<16xf32>
        %broadcast_in_dim3A = vector.shape_cast %and3A_10 : vector<16xi32> to vector<16x1xi32>
        %gather3A = vector.shape_cast %broadcast_in_dim3A : vector<16x1xi32> to vector<16xi32>
        %gather3A_132 = tpu.dynamic_gather %get3A_122[%gather3A] in [0] : vector<16xf32>, vector<16xi32> -> vector<16xf32>
        %broadcast_in_dim3A_133 = vector.shape_cast %and3A_10 : vector<16xi32> to vector<16x1xi32>
        %gather3A_134 = vector.shape_cast %broadcast_in_dim3A_133 : vector<16x1xi32> to vector<16xi32>
        %gather3A_135 = tpu.dynamic_gather %get3A_131[%gather3A_134] in [0] : vector<16xf32>, vector<16xi32> -> vector<16xf32>
        %select_n3A = arith.select %lt3A_21, %gather3A_132, %gather3A_135 : vector<16xi1>, vector<16xf32>
        %broadcast_in_dim3A_136 = vector.shape_cast %and3A_19 : vector<16xi32> to vector<16x1xi32>
        %gather3A_137 = vector.shape_cast %broadcast_in_dim3A_136 : vector<16x1xi32> to vector<16xi32>
        %gather3A_138 = tpu.dynamic_gather %get3A_122[%gather3A_137] in [0] : vector<16xf32>, vector<16xi32> -> vector<16xf32>
        %broadcast_in_dim3A_139 = vector.shape_cast %and3A_19 : vector<16xi32> to vector<16x1xi32>
        %gather3A_140 = vector.shape_cast %broadcast_in_dim3A_139 : vector<16x1xi32> to vector<16xi32>
        %gather3A_141 = tpu.dynamic_gather %get3A_131[%gather3A_140] in [0] : vector<16xf32>, vector<16xi32> -> vector<16xf32>
        %select_n3A_142 = arith.select %lt3A_21, %gather3A_138, %gather3A_141 : vector<16xi1>, vector<16xf32>
        %sub3A = arith.subf %select_n3A_142, %select_n3A : vector<16xf32>
        %mul3A_143 = arith.mulf %get3A_115, %sub3A : vector<16xf32>
        %add3A_144 = arith.addf %select_n3A, %mul3A_143 : vector<16xf32>
        %add3A_145 = arith.constant 2000 : i32
        %add3A_146 = arith.addi %add3A_145, %mul3A_101 : i32
        %mul3A_147 = arith.constant 2 : i32
        %mul3A_148 = arith.muli %mul3A_147, %add3A_146 : i32
        %get3A_149 = arith.index_cast %mul3A_148 : i32 to index
        %get3A_150 = tpu.vector_load %arg18[%get3A_149] {strides = array<i32>} : memref<16000xf32, #tpu.memory_space<vmem>>, vector<16xf32>,
        %get3A_151 = vector.shape_cast %get3A_150 : vector<16xf32> to vector<16xf32>
        %add3A_152 = arith.constant 2000 : i32
        %add3A_153 = arith.addi %add3A_152, %mul3A_101 : i32
        %mul3A_154 = arith.constant 2 : i32
        %mul3A_155 = arith.muli %mul3A_154, %add3A_153 : i32
        %add3A_156 = arith.constant 16 : i32
        %add3A_157 = arith.addi %mul3A_155, %add3A_156 : i32
        %get3A_158 = arith.index_cast %add3A_157 : i32 to index
        %get3A_159 = tpu.vector_load %arg18[%get3A_158] {strides = array<i32>} : memref<16000xf32, #tpu.memory_space<vmem>>, vector<16xf32>,
        %get3A_160 = vector.shape_cast %get3A_159 : vector<16xf32> to vector<16xf32>
        %broadcast_in_dim3A_161 = vector.shape_cast %and3A_10 : vector<16xi32> to vector<16x1xi32>
        %gather3A_162 = vector.shape_cast %broadcast_in_dim3A_161 : vector<16x1xi32> to vector<16xi32>
        %gather3A_163 = tpu.dynamic_gather %get3A_151[%gather3A_162] in [0] : vector<16xf32>, vector<16xi32> -> vector<16xf32>
        %broadcast_in_dim3A_164 = vector.shape_cast %and3A_10 : vector<16xi32> to vector<16x1xi32>
        %gather3A_165 = vector.shape_cast %broadcast_in_dim3A_164 : vector<16x1xi32> to vector<16xi32>
        %gather3A_166 = tpu.dynamic_gather %get3A_160[%gather3A_165] in [0] : vector<16xf32>, vector<16xi32> -> vector<16xf32>
        %select_n3A_167 = arith.select %lt3A_21, %gather3A_163, %gather3A_166 : vector<16xi1>, vector<16xf32>
        %broadcast_in_dim3A_168 = vector.shape_cast %and3A_19 : vector<16xi32> to vector<16x1xi32>
        %gather3A_169 = vector.shape_cast %broadcast_in_dim3A_168 : vector<16x1xi32> to vector<16xi32>
        %gather3A_170 = tpu.dynamic_gather %get3A_151[%gather3A_169] in [0] : vector<16xf32>, vector<16xi32> -> vector<16xf32>
        %broadcast_in_dim3A_171 = vector.shape_cast %and3A_19 : vector<16xi32> to vector<16x1xi32>
        %gather3A_172 = vector.shape_cast %broadcast_in_dim3A_171 : vector<16x1xi32> to vector<16xi32>
        %gather3A_173 = tpu.dynamic_gather %get3A_160[%gather3A_172] in [0] : vector<16xf32>, vector<16xi32> -> vector<16xf32>
        %select_n3A_174 = arith.select %lt3A_21, %gather3A_170, %gather3A_173 : vector<16xi1>, vector<16xf32>
        %sub3A_175 = arith.subf %select_n3A_174, %select_n3A_167 : vector<16xf32>
        %mul3A_176 = arith.mulf %get3A_115, %sub3A_175 : vector<16xf32>
        %add3A_177 = arith.addf %select_n3A_167, %mul3A_176 : vector<16xf32>
        %add3A_178 = arith.constant 4000 : i32
        %add3A_179 = arith.addi %add3A_178, %mul3A_101 : i32
        %mul3A_180 = arith.constant 2 : i32
        %mul3A_181 = arith.muli %mul3A_180, %add3A_179 : i32
        %get3A_182 = arith.index_cast %mul3A_181 : i32 to index
        %get3A_183 = tpu.vector_load %arg18[%get3A_182] {strides = array<i32>} : memref<16000xf32, #tpu.memory_space<vmem>>, vector<16xf32>,
        %get3A_184 = vector.shape_cast %get3A_183 : vector<16xf32> to vector<16xf32>
        %add3A_185 = arith.constant 4000 : i32
        %add3A_186 = arith.addi %add3A_185, %mul3A_101 : i32
        %mul3A_187 = arith.constant 2 : i32
        %mul3A_188 = arith.muli %mul3A_187, %add3A_186 : i32
        %add3A_189 = arith.constant 16 : i32
        %add3A_190 = arith.addi %mul3A_188, %add3A_189 : i32
        %get3A_191 = arith.index_cast %add3A_190 : i32 to index
        %get3A_192 = tpu.vector_load %arg18[%get3A_191] {strides = array<i32>} : memref<16000xf32, #tpu.memory_space<vmem>>, vector<16xf32>,
        %get3A_193 = vector.shape_cast %get3A_192 : vector<16xf32> to vector<16xf32>
        %broadcast_in_dim3A_194 = vector.shape_cast %and3A_10 : vector<16xi32> to vector<16x1xi32>
        %gather3A_195 = vector.shape_cast %broadcast_in_dim3A_194 : vector<16x1xi32> to vector<16xi32>
        %gather3A_196 = tpu.dynamic_gather %get3A_184[%gather3A_195] in [0] : vector<16xf32>, vector<16xi32> -> vector<16xf32>
        %broadcast_in_dim3A_197 = vector.shape_cast %and3A_10 : vector<16xi32> to vector<16x1xi32>
        %gather3A_198 = vector.shape_cast %broadcast_in_dim3A_197 : vector<16x1xi32> to vector<16xi32>
        %gather3A_199 = tpu.dynamic_gather %get3A_193[%gather3A_198] in [0] : vector<16xf32>, vector<16xi32> -> vector<16xf32>
        %select_n3A_200 = arith.select %lt3A_21, %gather3A_196, %gather3A_199 : vector<16xi1>, vector<16xf32>
        %broadcast_in_dim3A_201 = vector.shape_cast %and3A_19 : vector<16xi32> to vector<16x1xi32>
        %gather3A_202 = vector.shape_cast %broadcast_in_dim3A_201 : vector<16x1xi32> to vector<16xi32>
        %gather3A_203 = tpu.dynamic_gather %get3A_184[%gather3A_202] in [0] : vector<16xf32>, vector<16xi32> -> vector<16xf32>
        %broadcast_in_dim3A_204 = vector.shape_cast %and3A_19 : vector<16xi32> to vector<16x1xi32>
        %gather3A_205 = vector.shape_cast %broadcast_in_dim3A_204 : vector<16x1xi32> to vector<16xi32>
        %gather3A_206 = tpu.dynamic_gather %get3A_193[%gather3A_205] in [0] : vector<16xf32>, vector<16xi32> -> vector<16xf32>
        %select_n3A_207 = arith.select %lt3A_21, %gather3A_203, %gather3A_206 : vector<16xi1>, vector<16xf32>
        %sub3A_208 = arith.subf %select_n3A_207, %select_n3A_200 : vector<16xf32>
        %mul3A_209 = arith.mulf %get3A_115, %sub3A_208 : vector<16xf32>
        %add3A_210 = arith.addf %select_n3A_200, %mul3A_209 : vector<16xf32>
        %add3A_211 = arith.constant 6000 : i32
        %add3A_212 = arith.addi %add3A_211, %mul3A_101 : i32
        %mul3A_213 = arith.constant 2 : i32
        %mul3A_214 = arith.muli %mul3A_213, %add3A_212 : i32
        %get3A_215 = arith.index_cast %mul3A_214 : i32 to index
        %get3A_216 = tpu.vector_load %arg18[%get3A_215] {strides = array<i32>} : memref<16000xf32, #tpu.memory_space<vmem>>, vector<16xf32>,
        %get3A_217 = vector.shape_cast %get3A_216 : vector<16xf32> to vector<16xf32>
        %add3A_218 = arith.constant 6000 : i32
        %add3A_219 = arith.addi %add3A_218, %mul3A_101 : i32
        %mul3A_220 = arith.constant 2 : i32
        %mul3A_221 = arith.muli %mul3A_220, %add3A_219 : i32
        %add3A_222 = arith.constant 16 : i32
        %add3A_223 = arith.addi %mul3A_221, %add3A_222 : i32
        %get3A_224 = arith.index_cast %add3A_223 : i32 to index
        %get3A_225 = tpu.vector_load %arg18[%get3A_224] {strides = array<i32>} : memref<16000xf32, #tpu.memory_space<vmem>>, vector<16xf32>,
        %get3A_226 = vector.shape_cast %get3A_225 : vector<16xf32> to vector<16xf32>
        %broadcast_in_dim3A_227 = vector.shape_cast %and3A_10 : vector<16xi32> to vector<16x1xi32>
        %gather3A_228 = vector.shape_cast %broadcast_in_dim3A_227 : vector<16x1xi32> to vector<16xi32>
        %gather3A_229 = tpu.dynamic_gather %get3A_217[%gather3A_228] in [0] : vector<16xf32>, vector<16xi32> -> vector<16xf32>
        %broadcast_in_dim3A_230 = vector.shape_cast %and3A_10 : vector<16xi32> to vector<16x1xi32>
        %gather3A_231 = vector.shape_cast %broadcast_in_dim3A_230 : vector<16x1xi32> to vector<16xi32>
        %gather3A_232 = tpu.dynamic_gather %get3A_226[%gather3A_231] in [0] : vector<16xf32>, vector<16xi32> -> vector<16xf32>
        %select_n3A_233 = arith.select %lt3A_21, %gather3A_229, %gather3A_232 : vector<16xi1>, vector<16xf32>
        %broadcast_in_dim3A_234 = vector.shape_cast %and3A_19 : vector<16xi32> to vector<16x1xi32>
        %gather3A_235 = vector.shape_cast %broadcast_in_dim3A_234 : vector<16x1xi32> to vector<16xi32>
        %gather3A_236 = tpu.dynamic_gather %get3A_217[%gather3A_235] in [0] : vector<16xf32>, vector<16xi32> -> vector<16xf32>
        %broadcast_in_dim3A_237 = vector.shape_cast %and3A_19 : vector<16xi32> to vector<16x1xi32>
        %gather3A_238 = vector.shape_cast %broadcast_in_dim3A_237 : vector<16x1xi32> to vector<16xi32>
        %gather3A_239 = tpu.dynamic_gather %get3A_226[%gather3A_238] in [0] : vector<16xf32>, vector<16xi32> -> vector<16xf32>
        %select_n3A_240 = arith.select %lt3A_21, %gather3A_236, %gather3A_239 : vector<16xi1>, vector<16xf32>
        %sub3A_241 = arith.subf %select_n3A_240, %select_n3A_233 : vector<16xf32>
        %mul3A_242 = arith.mulf %get3A_115, %sub3A_241 : vector<16xf32>
        %add3A_243 = arith.addf %select_n3A_233, %mul3A_242 : vector<16xf32>
        %sub3A_244 = arith.subf %add3A_177, %add3A_144 : vector<16xf32>
        %mul3A_245 = arith.mulf %get3A_110, %sub3A_244 : vector<16xf32>
        %add3A_246 = arith.addf %add3A_144, %mul3A_245 : vector<16xf32>
        %sub3A_247 = arith.subf %add3A_243, %add3A_210 : vector<16xf32>
        %mul3A_248 = arith.mulf %get3A_110, %sub3A_247 : vector<16xf32>
        %add3A_249 = arith.addf %add3A_210, %mul3A_248 : vector<16xf32>
        %sub3A_250 = arith.subf %add3A_249, %add3A_246 : vector<16xf32>
        %mul3A_251 = arith.mulf %get3A_105, %sub3A_250 : vector<16xf32>
        %add3A_252 = arith.addf %add3A_246, %mul3A_251 : vector<16xf32>
        %swap3A = arith.index_cast %mul3A_101 : i32 to index
        %swap3A_253 = tpu.vector_load %arg20[%swap3A] {strides = array<i32>} : memref<2000xf32, #tpu.memory_space<vmem>>, vector<16xf32>,
        %swap3A_254 = vector.shape_cast %swap3A_253 : vector<16xf32> to vector<16xf32>
        %swap3A_255 = vector.shape_cast %add3A_252 : vector<16xf32> to vector<16xf32>
        tpu.vector_store %arg20[%swap3A], %swap3A_255 {strides = array<i32>} : memref<2000xf32, #tpu.memory_space<vmem>>, vector<16xf32>,
        %scan3A_256 = arith.constant 0 : i32
        %scan3A_257 = arith.constant 125 : i32
        %mul3A_258 = arith.constant 2000 : i32
        %mul3A_259 = arith.muli %add3A_84, %mul3A_258 : i32
        "tpu.region"() ({
          %run_scoped3A = tpu.sem_alloc : memref<!tpu.dma_semaphore, #tpu.memory_space<semaphore_mem>>
          %dma_start3A = tpu.memref_slice %arg6[%mul3A_259] : memref<1000000xf32, #tpu.memory_space<hbm>> -> memref<2000xf32, #tpu.memory_space<hbm>>
          %dma_start3A_260 = tpu.memref_slice %arg6[%mul3A_259] : memref<1000000xf32, #tpu.memory_space<hbm>> -> memref<2000xf32, #tpu.memory_space<hbm>>
          tpu.enqueue_dma source(%arg20 : memref<2000xf32, #tpu.memory_space<vmem>>) target(%dma_start3A_260 : memref<2000xf32, #tpu.memory_space<hbm>>) target_semaphore(%run_scoped3A : memref<!tpu.dma_semaphore, #tpu.memory_space<semaphore_mem>>)
          %dma_wait3A_261 = tpu.memref_slice %arg6[%mul3A_259] : memref<1000000xf32, #tpu.memory_space<hbm>> -> memref<2000xf32, #tpu.memory_space<hbm>>
          %dma_wait3A_262 = tpu.memref_slice %arg6[%mul3A_259] : memref<1000000xf32, #tpu.memory_space<hbm>> -> memref<2000xf32, #tpu.memory_space<hbm>>
          tpu.wait_dma2 semaphore(%run_scoped3A : memref<!tpu.dma_semaphore, #tpu.memory_space<semaphore_mem>>) src(%arg20 : memref<2000xf32, #tpu.memory_space<vmem>>) dst(%dma_wait3A_262 : memref<2000xf32, #tpu.memory_space<hbm>>)
          tpu.yield
        }) : () -> ()
      } else {
      }
      %scan3A_90 = arith.constant 0 : i32
      scf.yield %scan3A_90 : i32
    }
    %scan3A_42 = arith.constant 8 : i32
    return
  }
}

</mosaic_0001>

<sc_bundles>
// kernel: kernel.3.cloned.1.call-start
scs
__scs_entry_jumppad:
0x0: {  	(pc) =	sbr.rel $0x88, $3  }
0x1: {  	(tag) =	ssettag $0x0;
	lr =	simm.s32 $0x1  }
0x2: {  	[smem:$0x3F9F] =	sst lr;
	_ =	strace $0xD0000000  }
0x3: {  	_ = 	snop  }
0x4: {  	_ = 	snop  }
0x5: {  	_ = 	snop  }
0x6: {  	_ = 	snop  }
0x7: {  	_ = 	snop  }
__scs_overlays_trampoline_lowered:
0x8: {  	[smem:$0x3FAE] =	sst s0  }
0x9: {  	[smem:$0x3FAF] =	sst s1  }
0xa: {  	[smem:$0x3FB0] =	sst s2  }
0xb: {  	[smem:$0x3FB1] =	sst s3  }
0xc: {  	[smem:$0x3FB2] =	sst s4  }
0xd: {  	[smem:$0x3FB3] =	sst s5  }
0xe: {  	[smem:$0x3FB4] =	sst s6  }
0xf: {  	[smem:$0x3FB5] =	sst s7  }
0x10: {  	[smem:$0x3FB6] =	sst s8  }
0x11: {  	[smem:$0x3FB7] =	sst s9;
	s0 =	simm.s32 @!p0 $0x0  }
0x12: {  	s1 =	sld [smem:$0x3F9D];
	s0 =	simm.s32 @p0 $0x1  }
0x13: {  	[smem:$0x3FB8] =	sst s0;
	s0 =	simm.s32 @!p1 $0x0  }
0x14: {  	s2 =	sld [smem:$0x3F9C];
	s0 =	simm.s32 @p1 $0x1  }
0x15: {  	[smem:$0x3FB9] =	sst s0;
	s0 =	simm.s32 @!p2 $0x0  }
0x16: {  	s3 =	sld [smem:$0x3FDB];
	s0 =	simm.s32 @p2 $0x1  }
0x17: {  	s4 =	simm.s32 $0x1BF5;
	[smem:$0x3FBB] =	sst s0  }
0x18: {  	s0 =	sld [smem:$0x3F9E];
	_ =	swait.ge [sflag:s4], $0x0  }
0x19: {  	s7 =	sld [smem:$0x3F9F]  }
0x1a: {  	s8 =	sadd.s32 $0xFFFFE003, lr  }
0x1b: {  	s9 =	sadd.s32 $0xFFFFFEF7, lr;
	s5 =	simm.s32 $0xFFFFFFFF;
	p2 =	slt.u32 s8, $0xFFFFF086  }
0x1c: {  	p1 =	slt.u32 s9, $0xF7A;
	s5 =	simm.s32 @!p2 $0x0  }
0x1d: {  	s5 =	simm.s32 @p1 $0x1;
	p0 =	seq.s32 s7, s2  }
0x1e: {  	s7 =	smul.u32 @!p0 $0xF7A, s2;
	p2 =	seq.s32 @!p0 s5, $0x0  }
0x1f: {  	s9 =	smul.u32 $0xF7A, s1;
	s8 =	simm.s32 @!p0 $0x1BF5;
	p2 =	por !p2, p0  }
0x20: {  	[sflag:s8] =	ssyncset.s32 @!p0 $0xFFFFF086;
	s6 =	sadd.s32 @!p0 s3, s7;
	s7 =	simm.s32 @!p0 $0x108  }
0x21: {  	s3 =	sadd.s32 s3, s9;
	s6 =	sadd.s32 @!p0 $0x88, s6;
	s7 =	simm.s32 @p2 $0x1082  }
0x22: {  	[simem:s7], [sflag:s8] =	dma.local @!p0 [hbm:s6], $0xF7A  }
0x23: {  	s9 =	sor.u32 $0xD0000000, s2;
	s6 =	simm.s32 $0x108;
	_ =	swait.ge @!p0 [sflag:s8], $0x0  }
0x24: {  	s3 =	sadd.s32 $0x88, s3;
	s6 =	simm.s32 @!p1 $0x1082;
	[sflag:s4] =	ssyncset.s32 $0xFFFFF086  }
0x25: {  	[simem:s6], [sflag:s4] =	dma.local [hbm:s3], $0xF7A  }
0x26: {  	[smem:$0x3F9F] =	sst s1;
	(tag) =	ssettag s2;
	_ =	strace s9  }
0x27: {  	s1 =	sld [smem:$0x3FAF]  }
0x28: {  	s2 =	sld [smem:$0x3FB0]  }
0x29: {  	s4 =	sld [smem:$0x3FB2]  }
0x2a: {  	p0 =	seq.s32 s5, $0x0;
	s5 =	sld [smem:$0x3FB3]  }
0x2b: {  	s6 =	sld [smem:$0x3FB4]  }
0x2c: {  	s7 =	sld [smem:$0x3FB5]  }
0x2d: {  	s3 =	simm.s32 $0x108;
	s8 =	sld [smem:$0x3FB6]  }
0x2e: {  	s3 =	simm.s32 @!p0 $0x1082;
	s9 =	sld [smem:$0x3FB7]  }
0x2f: {  	lr =	sadd.s32 s0, s3;
	s0 =	sld [smem:$0x3FAE]  }
0x30: {  	s3 =	sld [smem:$0x3FB1]  }
0x31: {  	[smem:$0x3FBA] =	sst s10  }
0x32: {  	s10 =	sld [smem:$0x3FB8];
	_ =	sdelay $0x3  }
0x33: {  	p0 =	seq.s32 s10, $0x1;
	s10 =	sld [smem:$0x3FBA];
	_ =	sdelay $0x3  }
0x34: {  	[smem:$0x3FBA] =	sst s10  }
0x35: {  	s10 =	sld [smem:$0x3FB9];
	_ =	sdelay $0x3  }
0x36: {  	p1 =	seq.s32 s10, $0x1;
	s10 =	sld [smem:$0x3FBA];
	_ =	sdelay $0x3  }
0x37: {  	[smem:$0x3FBA] =	sst s10  }
0x38: {  	s10 =	sld [smem:$0x3FBB]  }
0x39: {  	_ = 	snop;
	(pc) =	sbr.ind lr, $3  }
0x3a: {  	_ = 	snop  }
0x3b: {  	_ = 	snop  }
0x3c: {  	p2 =	seq.s32 s10, $0x1;
	s10 =	sld [smem:$0x3FBA]  }
0x3d: {  	_ =	shalt  }
0x3e: {  	_ =	shalt  }
0x3f: {  	_ =	shalt  }
0x40: {  	_ =	shalt  }
0x41: {  	_ =	shalt  }
0x42: {  	_ =	shalt  }
0x43: {  	_ =	shalt  }
0x44: {  	_ =	shalt  }
0x45: {  	_ =	shalt  }
0x46: {  	_ =	shalt  }
0x47: {  	_ =	shalt  }
0x48: {  	_ =	shalt  }
0x49: {  	_ =	shalt  }
0x4a: {  	_ =	shalt  }
0x4b: {  	_ =	shalt  }
0x4c: {  	_ =	shalt  }
0x4d: {  	_ =	shalt  }
0x4e: {  	_ =	shalt  }
0x4f: {  	_ =	shalt  }
0x50: {  	_ =	shalt  }
0x51: {  	_ =	shalt  }
0x52: {  	_ =	shalt  }
0x53: {  	_ =	shalt  }
0x54: {  	_ =	shalt  }
0x55: {  	_ =	shalt  }
0x56: {  	_ =	shalt  }
0x57: {  	_ =	shalt  }
0x58: {  	_ =	shalt  }
0x59: {  	_ =	shalt  }
0x5a: {  	_ =	shalt  }
0x5b: {  	_ =	shalt  }
0x5c: {  	_ =	shalt  }
0x5d: {  	_ =	shalt  }
0x5e: {  	_ =	shalt  }
0x5f: {  	_ =	shalt  }
0x60: {  	_ =	shalt  }
0x61: {  	_ =	shalt  }
0x62: {  	_ =	shalt  }
0x63: {  	_ =	shalt  }
0x64: {  	_ =	shalt  }
0x65: {  	_ =	shalt  }
0x66: {  	_ =	shalt  }
0x67: {  	_ =	shalt  }
0x68: {  	_ =	shalt  }
0x69: {  	_ =	shalt  }
0x6a: {  	_ =	shalt  }
0x6b: {  	_ =	shalt  }
0x6c: {  	_ =	shalt  }
0x6d: {  	_ =	shalt  }
0x6e: {  	_ =	shalt  }
0x6f: {  	_ =	shalt  }
0x70: {  	_ =	shalt  }
0x71: {  	_ =	shalt  }
0x72: {  	_ =	shalt  }
0x73: {  	_ =	shalt  }
0x74: {  	_ =	shalt  }
0x75: {  	_ =	shalt  }
0x76: {  	_ =	shalt  }
0x77: {  	_ =	shalt  }
0x78: {  	_ =	shalt  }
0x79: {  	_ =	shalt  }
0x7a: {  	_ =	shalt  }
0x7b: {  	_ =	shalt  }
0x7c: {  	_ =	shalt  }
0x7d: {  	_ =	shalt  }
0x7e: {  	_ =	shalt  }
0x7f: {  	_ =	shalt  }
0x80: {  	_ =	shalt  }
0x81: {  	_ =	shalt  }
0x82: {  	_ =	shalt  }
0x83: {  	_ =	shalt  }
0x84: {  	_ =	shalt  }
0x85: {  	_ =	shalt  }
0x86: {  	_ =	shalt  }
0x87: {  	_ =	shalt  }
.Lfunc_end0:
.L_simem_size_0:
called_computation_lowered:
.L_overlay_start_0:
0x88: {  	s2 =	sld [smem:$0x3FD9]  }
0x89: {  	s3 =	sld [smem:$0x3FFE];
	_ =	sdelay $0x1  }
0x8a: {  	s1 =	srdreg.scid  }
0x8b: {  	s0 =	sand.u32 $0x1, s1  }
0x8c: {  	s17 =	sshll.u32 s0, $0xA;
	s2 =	sadd.s32 s3, s2  }
0x8d: {  	s2 =	sadd.s32 s2, s17  }
0x8e: {  	[smem:$0x3FC6] =	sst s2  }
0x8f: {  	_ = 	snop  }
0x90: {  	s2 =	sld [smem:$0x3FC8];
	(tm) =	ssettm $0x1  }
0x91: {  	s18 =	sld [smem:$0x3FFB];
	_ =	sdelay $0x3  }
0x92: {  	_ =	strace s18  }
0x93: {  	s3 =	sld [smem:$0x3FFC];
	_ =	sdelay $0x3  }
0x94: {  	_ =	strace s3  }
0x95: {  	s3 =	sld [smem:$0x3FFD];
	_ =	sdelay $0x3  }
0x96: {  	_ =	strace s3  }
0x97: {  	_ =	strace $0x8FFFFFFF  }
0x98: {  	s19 =	sld [smem:$0x3FDB];
	_ =	sdelay $0x1  }
0x99: {  	s4 =	simm.s32 $_scs_section_size  }
0x9a: {  	s5 =	simm.s32 $_size__tile_overlayer_lowered;
	s6 =	simm.s32 $_tile_overlayer_lowered  }
0x9b: {  	s22 =	simm.s32 $0x1BFF;
	s21 =	sshll.u32 s6, $0x1;
	s3 =	sadd.s32 s4, s19  }
0x9c: {  	s7 =	simm.s32 $0x0;
	s20 =	sshll.u32 s5, $0x1;
	s5 =	sadd.s32 s21, s3  }
0x9d: {  	[timem:s7], [sflag:s22] =	dma.local [hbm:s5], s20  }
0x9e: {  	_ =	swait.ge [sflag:s22], s20  }
0x9f: {  	s4 =	ssub.s32 $0x0, s20;
	[sflag:s22] =	ssyncset.done $0x0  }
0xa0: {  	[sflag:s22] =	ssyncadd.s32 s4;
	_ =	sdelay $0x1  }
0xa1: {  	s23 =	simm.s32 $0x1B8B  }
0xa2: {  	_ =	swait.ge [sflag:s23], $0x1  }
0xa3: {  	[sflag:s23] =	ssyncset.done $0x0  }
0xa4: {  	s25 =	simm.s32 $0x1B8E;
	s24 =	sld [smem:$0x3FFE];
	[sflag:s23] =	ssyncadd.s32 $0xFFFFFFFF  }
0xa5: {  	s26 =	simm.s32 $execute0_lowered;
	[smem:$0x3FD2] =	sst s25  }
0xa6: {  	s5 =	sshll.u32 s26, $0x1;
	_ =	strace $0x80000046;
	[dreg:$0x1] =	wrdreg $0xFFFFFFFF  }
0xa7: {  	s28 =	simm.s32 $_size_execute0_lowered;
	s3 =	sadd.s32 s3, s5;
	[dreg:$0x0] =	wrdreg $0x0  }
0xa8: {  	s5 =	sshll.u32 s28, $0x1;
	[dreg:$0x2] =	wrdreg s3  }
0xa9: {  	[dreg:$0x3] =	wrdreg s5  }
0xaa: {  	[dreg:$0x4] =	wrdreg $0xC0  }
0xab: {  	_ =	task [dreg:s7], $0x5FFFF  }
0xac: {  	[dreg:$0x1] =	wrdreg $0xFFFFFFFF  }
0xad: {  	[dreg:$0x0] =	wrdreg $0x60  }
0xae: {  	[dreg:$0x2] =	wrdreg s24  }
0xaf: {  	[dreg:$0x3] =	wrdreg s2  }
0xb0: {  	[dreg:$0x4] =	wrdreg $0x9  }
0xb1: {  	_ =	task.clear_ibuf [dreg:s7], $0x5FFFF;
	_ =	strace $0x90000046  }
0xb2: {  	s29 =	simm.s32 $0x9;
	_ =	strace $0x80000048  }
0xb3: {  	_ =	swait.ge [sflag:s29], $0x1  }
0xb4: {  	[sflag:s29] =	ssyncadd.s32 $0xFFFFFFFF  }
0xb5: {  	_ =	strace $0x90000048  }
0xb6: {  	_ =	sfence  }
0xb7: {  	s30 =	sld [smem:$0x0];
	_ =	sdelay $0x2  }
0xb8: {  	s31 =	sshll.u32 s1, $0xD;
	s1 =	sshrl.u32 s1, $0x2  }
0xb9: {  	s3 =	sand.u32 $0x4000, s31;
	s1 =	sadd.s32 s1, s30  }
0xba: {  	s0 =	sor.u32 s3, s0;
	s1 =	sshll.u32 s1, $0x11  }
0xbb: {  	s0 =	sor.u32 s1, s0  }
0xbc: {  	s0 =	sadd.s32 $0x8F2B, s0  }
0xbd: {  	[sflag:s0] =	ssyncadd.remote.s32 $0x1  }
0xbe: {  	_ =	sfence.sel $0xFFFF  }
0xbf: {  	[dreg:$0x0] =	wrdreg $0xFFFFFFFF;
	(pc) =	sbr.abs _section_cstart, $3  }
0xc0: {  	[dreg:$0x1] =	wrdreg $0xFFFFFFFF  }
0xc1: {  	_ =	task.clear_ibuf [dreg:s7], $0x2FFFF;
	_ =	strace $0x9FFFFFFF  }
0xc2: {  	(tm) =	ssettm $0x7FFFFFFF  }
0xc3: {  	_ =	shalt  }
tec
execute0_lowered:
.L_overlay_start_1:
0x0: {  	(tag) =	ssettag $0x1  }
0x1: {  	s1 =	rddreg [dreg:$0x0]  }
0x2: {  	s3 =	rddreg [dreg:$0x1];
	s4 =	simm.s32 $0x0;
	s0 =	srdreg.scid  }
0x3: {  	s2 =	stileid.u32;
	s19 =	simm.s32 $0x2000;
	s20 =	simm.s32 $0x2800  }
0x4: {  	s21 =	simm.s32 $0x3;
	s22 =	simm.s32 $0x3E80;
	s29 =	simm.s32 $0x1  }
0x5: {  	s30 =	simm.s32 $0x15900;
	s0 =	sand.u32 $0x1, s0;
	s2 =	sshll.u32 s2, $0x1  }
0x6: {  	s31 =	simm.s32 $0x6;
	s16 =	simm.s32 $0x5;
	s5 =	sor.u32 s0, s2  }
0x7: {  	[smem:$0x7FF] =	sst s4;
	s6 =	sadd.s32 $0x3D400, s1;
	s2 =	smul.u32 $0x7D0, s5  }
0x8: {  	s7 =	sadd.s32 $0x1EA00, s1;
	s0 =	ssub.s32 $0x2, s0;
	s10 =	smul.u32 $0xFA, s5  }
0x9: {  	s8 =	sadd.s32 $0x5BE00, s1;
	_ =	strace $0x80000047;
	s9 =	sshrl.u32 s0, $0x1  }
0xa: {  	s0 =	ssub.s32 s0, s9;
	s2 =	sshrl.u32 s2, $0x3;
	s23 =	sadd.s32 s6, s10  }
0xb: {  	s24 =	sadd.s32 s7, s10;
	s25 =	sadd.s32 s1, s10;
	[dreg:$0x3] =	wrdreg s23  }
0xc: {  	s0 =	smax.u32 s0, $0x1;
	s10 =	simm.s32 $0x0;
	[dreg:$0x4] =	wrdreg s24  }
.Ltmp0:
0xd: {  	s2 =	sadd.s32 $0x1F40, s2;
	[dreg:$0x5] =	wrdreg s25;
	(pc) =	sbr.rel .LBB2_1-.Ltmp0, $4  }
0xe: {  	[dreg:$0x9] =	wrdreg s0;
	s23 =	simm.s32 $0x5F00;
	s26 =	sadd.s32 s6, s2  }
0xf: {  	v0 =	vlaneseq.u32;
	s24 =	simm.s32 $0xDC00;
	s28 =	sadd.s32 s7, s2;
	[dreg:$0x6] =	wrdreg s26  }
0x10: {  	v1 =	vshrl.u32 v0, $0x1;
	s25 =	simm.s32 $0x4;
	s2 =	sadd.s32 s1, s2;
	[dreg:$0x7] =	wrdreg s28  }
0x11: {  	vm0 =	vmmov $0xff;
	v2 =	vand.u32 $0x1, v0;
	v3 =	vor.u32 $0x8, v1;
	s0 =	simm.s32 $0x2;
	[dreg:$0x8] =	wrdreg s2;
	s2 =	simm.s32 $0x16100  }
.LBB2_21:
0x12: {  	s10 =	rddreg [dreg:$0xa]  }
0x13: {  	s9 =	rddreg [dreg:$0x9];
	s10 =	sadd.s32 $0x1, s10  }
0x14: {  	p0 =	sne.s32 s10, s9  }
.Ltmp1:
0x15: {  	_ = 	snop;
	(pc) =	sbr.rel @!p0 .LBB2_22-.Ltmp1, $1  }
0x16: {  	_ =	sdelay $0x3  }
.LBB2_1:
0x17: {  	[dreg:$0xa] =	wrdreg s10  }
0x18: {  	s9 =	rddreg [dreg:$0x3]  }
0x19: {  	[tilespmem:s4], [sflag:$0x3] =	stream.linear.gather [hbm4b:s9+s4], $0x7D0, $0x38;
	[tilespmem:$0x16900] =	vst v63  }
0x1a: {  	s12 =	rddreg [dreg:$0x4];
	s13 =	simm.s32 $0x800  }
0x1b: {  	[tilespmem:s13], [sflag:$0x3] =	stream.linear.gather [hbm4b:s12+s4], $0x7D0, $0x38;
	[tilespmem:$0x16900] =	vst v63  }
0x1c: {  	s14 =	rddreg [dreg:$0x5];
	s15 =	simm.s32 $0x1000  }
0x1d: {  	[tilespmem:s15], [sflag:$0x3] =	stream.linear.gather [hbm4b:s14+s4], $0x7D0, $0x38;
	[tilespmem:$0x16900] =	vst v63  }
0x1e: {  	s17 =	rddreg [dreg:$0x6];
	s18 =	simm.s32 $0x1800  }
0x1f: {  	[tilespmem:s18], [sflag:$0x4] =	stream.linear.gather [hbm4b:s17+s4], $0x7D0, $0x38;
	[tilespmem:$0x16900] =	vst v63  }
0x20: {  	s26 =	rddreg [dreg:$0x7]  }
0x21: {  	[tilespmem:s19], [sflag:$0x4] =	stream.linear.gather [hbm4b:s26+s4], $0x7D0, $0x38;
	[tilespmem:$0x16900] =	vst v63  }
0x22: {  	s28 =	rddreg [dreg:$0x8]  }
0x23: {  	[tilespmem:s20], [sflag:$0x4] =	stream.linear.gather [hbm4b:s28+s4], $0x7D0, $0x38;
	[tilespmem:$0x16900] =	vst v63  }
0x24: {  	_ =	swait.ge [sflag:s21], $0x7D0  }
0x25: {  	[sflag:s21] =	ssyncset.done $0x0  }
0x26: {  	[sflag:s21] =	ssyncadd.s32 $0xFFFFF830  }
0x27: {  	_ =	swait.ge [sflag:s21], $0x7D0  }
0x28: {  	[sflag:s21] =	ssyncset.done $0x0  }
0x29: {  	[sflag:s21] =	ssyncadd.s32 $0xFFFFF830  }
0x2a: {  	_ =	swait.ge [sflag:s21], $0x7D0  }
0x2b: {  	[sflag:s21] =	ssyncset.done $0x0  }
0x2c: {  	s12 =	simm.s32 $0x10;
	[sflag:s21] =	ssyncadd.s32 $0xFFFFF830  }
0x2d: {  	v4 =	vld [tilespmem:s12+$0xFFFFFFF0];
	_ =	sdelay $0x4  }
0x2e: {  	v4 =	vadd.f32 $1.000000000e+00, v4;
	_ =	sdelay $0x1  }
0x2f: {  	v4 =	vmul.f32 $5.000000000e-01, v4;
	_ =	sdelay $0x1  }
0x30: {  	v4 =	vmul.f32 $2.550000000e+02, v4;
	_ =	sdelay $0x1  }
0x31: {  	v5 =	vtrunc.f32 v4  }
0x32: {  	v5 =	vcvt.f32.s32 v5;
	_ =	sdelay $0x1  }
0x33: {  	v6 =	vcvt.s32.f32 v5;
	_ =	sdelay $0x1  }
0x34: {  	v4 =	vsub.f32 v4, v6  }
0x35: {  	s10 =	simm.s32 $0x37E0  }
0x36: {  	s13 =	simm.s32 $0x810;
	[tilespmem:s10+$0xFFFFF820] =	vst v4  }
0x37: {  	v4 =	vld [tilespmem:s13+$0xFFFFFFF0];
	_ =	sdelay $0x4  }
0x38: {  	v4 =	vadd.f32 $1.000000000e+00, v4;
	_ =	sdelay $0x1  }
0x39: {  	v4 =	vmul.f32 $5.000000000e-01, v4;
	_ =	sdelay $0x1  }
0x3a: {  	v4 =	vmul.f32 $2.550000000e+02, v4;
	_ =	sdelay $0x1  }
0x3b: {  	v6 =	vtrunc.f32 v4  }
0x3c: {  	v6 =	vcvt.f32.s32 v6;
	_ =	sdelay $0x1  }
0x3d: {  	v7 =	vcvt.s32.f32 v6;
	_ =	sdelay $0x1  }
0x3e: {  	v4 =	vsub.f32 v4, v7;
	_ =	sdelay $0x1  }
0x3f: {  	s11 =	simm.s32 $0x1010;
	[tilespmem:s10+$0xFFFFFFF0] =	vst v4  }
0x40: {  	v4 =	vld [tilespmem:s11+$0xFFFFFFF0];
	_ =	sdelay $0x4  }
0x41: {  	v4 =	vadd.f32 $1.000000000e+00, v4;
	_ =	sdelay $0x1  }
0x42: {  	v4 =	vmul.f32 $5.000000000e-01, v4;
	_ =	sdelay $0x1  }
0x43: {  	v4 =	vmul.f32 $2.550000000e+02, v4;
	_ =	sdelay $0x1  }
0x44: {  	v7 =	vtrunc.f32 v4  }
0x45: {  	v7 =	vcvt.f32.s32 v7  }
0x46: {  	v5 =	vshll.u32 v5, $0x10;
	v6 =	vshll.u32 v6, $0x8  }
0x47: {  	v5 =	vadd.s32 v5, v6;
	v6 =	vcvt.s32.f32 v7  }
0x48: {  	v5 =	vadd.s32 v7, v5  }
0x49: {  	v7 =	vperm.xlane v5, v3;
	v8 =	vadd.s32 $0x10000, v5;
	v4 =	vsub.f32 v4, v6  }
0x4a: {  	v6 =	vperm.xlane v8, v1  }
0x4b: {  	s9 =	simm.s32 $0x7E40;
	v9 =	vperm.xlane v5, v1;
	v10 =	vadd.s32 $0x100, v5;
	v7 =	vadd.s32 v2, v7;
	[tilespmem:s10+$0x7C0] =	vst v4  }
0x4c: {  	v4 =	vadd.s32 $0x10100, v5;
	v5 =	vperm.xlane v10, v1;
	v6 =	vadd.s32 v2, v6;
	[tilespmem:s9+$0xFFFFE0D0] =	vst v7  }
0x4d: {  	v8 =	vperm.xlane v8, v3;
	v7 =	vadd.s32 v2, v9;
	[tilespmem:s9+$0x0] =	vst v6  }
0x4e: {  	v6 =	vperm.xlane v4, v3;
	[tilespmem:s9+$0xFFFFE0C0] =	vst v7;
	v5 =	vadd.s32 v2, v5  }
0x4f: {  	v4 =	vperm.xlane v4, v1;
	v7 =	vadd.s32 v2, v8;
	[tilespmem:s9+$0xFFFFF060] =	vst v5  }
0x50: {  	v5 =	vadd.s32 v2, v6;
	v6 =	vperm.xlane v10, v3;
	[tilespmem:s9+$0x10] =	vst v7  }
0x51: {  	v4 =	vadd.s32 v2, v4;
	[tilespmem:s9+$0xFB0] =	vst v5  }
0x52: {  	[tilespmem:s9+$0xFA0] =	vst v4;
	v5 =	vadd.s32 v2, v6  }
0x53: {  	[tilespmem:s9+$0xFFFFF070] =	vst v5  }
0x54: {  	v4 =	vld [tilespmem:s12+$0x0];
	_ =	sdelay $0x4  }
0x55: {  	v4 =	vadd.f32 $1.000000000e+00, v4;
	_ =	sdelay $0x1  }
0x56: {  	v4 =	vmul.f32 $5.000000000e-01, v4;
	_ =	sdelay $0x1  }
0x57: {  	v5 =	vmul.f32 $2.550000000e+02, v4;
	_ =	sdelay $0x1  }
0x58: {  	v4 =	vtrunc.f32 v5  }
0x59: {  	v4 =	vcvt.f32.s32 v4;
	_ =	sdelay $0x1  }
0x5a: {  	v6 =	vcvt.s32.f32 v4;
	_ =	sdelay $0x1  }
0x5b: {  	v5 =	vsub.f32 v5, v6;
	_ =	sdelay $0x1  }
0x5c: {  	[tilespmem:s10+$0xFFFFF830] =	vst v5  }
0x5d: {  	v5 =	vld [tilespmem:s13+$0x0];
	_ =	sdelay $0x4  }
0x5e: {  	v5 =	vadd.f32 $1.000000000e+00, v5;
	_ =	sdelay $0x1  }
0x5f: {  	v5 =	vmul.f32 $5.000000000e-01, v5;
	_ =	sdelay $0x1  }
0x60: {  	v5 =	vmul.f32 $2.550000000e+02, v5;
	_ =	sdelay $0x1  }
0x61: {  	v6 =	vtrunc.f32 v5  }
0x62: {  	v6 =	vcvt.f32.s32 v6;
	_ =	sdelay $0x1  }
0x63: {  	v7 =	vcvt.s32.f32 v6;
	_ =	sdelay $0x1  }
0x64: {  	v5 =	vsub.f32 v5, v7;
	_ =	sdelay $0x1  }
0x65: {  	[tilespmem:s10+$0x0] =	vst v5  }
0x66: {  	v5 =	vld [tilespmem:s11+$0x0];
	_ =	sdelay $0x4  }
0x67: {  	v5 =	vadd.f32 $1.000000000e+00, v5;
	_ =	sdelay $0x1  }
0x68: {  	v7 =	vmul.f32 $5.000000000e-01, v5  }
0x69: {  	s14 =	simm.s32 $0x830;
	s15 =	simm.s32 $0x7E80  }
0x6a: {  	s17 =	simm.s32 $0x30;
	s12 =	simm.s32 $0x37E0;
	s13 =	simm.s32 $0x0;
	v5 =	vshll.u32 v6, $0x8;
	v6 =	vmul.f32 $2.550000000e+02, v7  }
.LBB2_2:
0x6b: {  	s13 =	sadd.s32 $0x2, s13;
	s10 =	sadd.s32 $0x20, s10;
	s11 =	sadd.s32 $0x20, s11  }
0x6c: {  	p0 =	slt.u32 s13, $0x7A;
	v7 =	vtrunc.f32 v6  }
0x6d: {  	v4 =	vshll.u32 v4, $0x10;
	v7 =	vcvt.f32.s32 v7  }
0x6e: {  	v4 =	vadd.s32 v4, v5  }
0x6f: {  	v5 =	vcvt.s32.f32 v7;
	v4 =	vadd.s32 v7, v4  }
0x70: {  	v7 =	vadd.s32 $0x100, v4;
	v8 =	vadd.s32 $0x10000, v4;
	v9 =	vadd.s32 $0x10100, v4  }
0x71: {  	v5 =	vsub.f32 v6, v5;
	v6 =	vperm.xlane v7, v1;
	v7 =	vperm.xlane v7, v3  }
0x72: {  	v10 =	vperm.xlane v8, v1;
	v11 =	vperm.xlane v9, v1  }
0x73: {  	[tilespmem:s12+$0x7D0] =	vst v5;
	v5 =	vadd.s32 v2, v6;
	v6 =	vperm.xlane v8, v3;
	v8 =	vperm.xlane v9, v3;
	s12 =	smov.u32 s10  }
0x74: {  	v9 =	vperm.xlane v4, v1;
	v7 =	vadd.s32 v2, v7;
	[tilespmem:s9+$0xFFFFF080] =	vst v5;
	v5 =	vadd.s32 v2, v10  }
0x75: {  	[tilespmem:s9+$0xFFFFF090] =	vst v7;
	v6 =	vadd.s32 v2, v6;
	v7 =	vadd.s32 v2, v11;
	v8 =	vadd.s32 v2, v8  }
0x76: {  	v4 =	vperm.xlane v4, v3;
	[tilespmem:s9+$0xFC0] =	vst v7  }
0x77: {  	[tilespmem:s9+$0x20] =	vst v5  }
0x78: {  	v5 =	vadd.s32 v2, v9;
	[tilespmem:s9+$0xFD0] =	vst v8  }
0x79: {  	[tilespmem:s9+$0xFFFFE0E0] =	vst v5  }
0x7a: {  	v4 =	vadd.s32 v2, v4;
	[tilespmem:s9+$0x30] =	vst v6  }
0x7b: {  	[tilespmem:s9+$0xFFFFE0F0] =	vst v4;
	s9 =	smov.u32 s15  }
0x7c: {  	v4 =	vld [tilespmem:s17+$0xFFFFFFF0];
	_ =	sdelay $0x4  }
0x7d: {  	v4 =	vadd.f32 $1.000000000e+00, v4;
	_ =	sdelay $0x1  }
0x7e: {  	v4 =	vmul.f32 $5.000000000e-01, v4;
	_ =	sdelay $0x1  }
0x7f: {  	v4 =	vmul.f32 $2.550000000e+02, v4;
	_ =	sdelay $0x1  }
0x80: {  	v5 =	vtrunc.f32 v4  }
0x81: {  	v5 =	vcvt.f32.s32 v5;
	_ =	sdelay $0x1  }
0x82: {  	v6 =	vcvt.s32.f32 v5;
	_ =	sdelay $0x1  }
0x83: {  	v4 =	vsub.f32 v4, v6;
	_ =	sdelay $0x1  }
0x84: {  	[tilespmem:s10+$0xFFFFF820] =	vst v4  }
0x85: {  	v4 =	vld [tilespmem:s14+$0xFFFFFFF0];
	_ =	sdelay $0x4  }
0x86: {  	v4 =	vadd.f32 $1.000000000e+00, v4;
	_ =	sdelay $0x1  }
0x87: {  	v4 =	vmul.f32 $5.000000000e-01, v4;
	_ =	sdelay $0x1  }
0x88: {  	v4 =	vmul.f32 $2.550000000e+02, v4;
	_ =	sdelay $0x1  }
0x89: {  	v6 =	vtrunc.f32 v4  }
0x8a: {  	v6 =	vcvt.f32.s32 v6;
	_ =	sdelay $0x1  }
0x8b: {  	v7 =	vcvt.s32.f32 v6;
	v6 =	vshll.u32 v6, $0x8;
	_ =	sdelay $0x1  }
0x8c: {  	v4 =	vsub.f32 v4, v7;
	_ =	sdelay $0x1  }
0x8d: {  	[tilespmem:s10+$0xFFFFFFF0] =	vst v4  }
0x8e: {  	v4 =	vld [tilespmem:s11+$0xFFFFFFF0];
	_ =	sdelay $0x4  }
0x8f: {  	v4 =	vadd.f32 $1.000000000e+00, v4;
	_ =	sdelay $0x1  }
0x90: {  	v4 =	vmul.f32 $5.000000000e-01, v4;
	_ =	sdelay $0x1  }
0x91: {  	v4 =	vmul.f32 $2.550000000e+02, v4;
	_ =	sdelay $0x1  }
0x92: {  	v7 =	vtrunc.f32 v4  }
0x93: {  	v5 =	vshll.u32 v5, $0x10;
	v7 =	vcvt.f32.s32 v7  }
0x94: {  	v5 =	vadd.s32 v5, v6  }
0x95: {  	v6 =	vcvt.s32.f32 v7;
	v5 =	vadd.s32 v7, v5  }
0x96: {  	v7 =	vperm.xlane v5, v1;
	v8 =	vperm.xlane v5, v3;
	v9 =	vadd.s32 $0x10000, v5  }
0x97: {  	v10 =	vadd.s32 $0x10100, v5;
	v4 =	vsub.f32 v4, v6;
	v6 =	vperm.xlane v9, v1  }
0x98: {  	v5 =	vadd.s32 $0x100, v5;
	v11 =	vperm.xlane v10, v1;
	v8 =	vadd.s32 v2, v8  }
0x99: {  	v9 =	vperm.xlane v9, v3;
	[tilespmem:s10+$0x7C0] =	vst v4;
	v4 =	vperm.xlane v5, v3  }
0x9a: {  	v7 =	vadd.s32 v2, v7;
	v5 =	vperm.xlane v5, v1;
	v6 =	vadd.s32 v2, v6;
	[tilespmem:s15+$0xFFFFE0D0] =	vst v8  }
0x9b: {  	v8 =	vadd.s32 v2, v9;
	v4 =	vadd.s32 v2, v4;
	[tilespmem:s15+$0x0] =	vst v6;
	v6 =	vperm.xlane v10, v3  }
0x9c: {  	v5 =	vadd.s32 v2, v5;
	[tilespmem:s15+$0xFFFFE0C0] =	vst v7  }
0x9d: {  	[tilespmem:s15+$0xFFFFF060] =	vst v5;
	v5 =	vadd.s32 v2, v11;
	v6 =	vadd.s32 v2, v6  }
0x9e: {  	[tilespmem:s15+$0xFB0] =	vst v6  }
0x9f: {  	[tilespmem:s15+$0x10] =	vst v8  }
0xa0: {  	[tilespmem:s15+$0xFA0] =	vst v5  }
0xa1: {  	[tilespmem:s15+$0xFFFFF070] =	vst v4  }
0xa2: {  	v4 =	vld [tilespmem:s17+$0x0];
	_ =	sdelay $0x4  }
0xa3: {  	v4 =	vadd.f32 $1.000000000e+00, v4;
	_ =	sdelay $0x1  }
0xa4: {  	v4 =	vmul.f32 $5.000000000e-01, v4;
	_ =	sdelay $0x1  }
0xa5: {  	v5 =	vmul.f32 $2.550000000e+02, v4;
	_ =	sdelay $0x1  }
0xa6: {  	v4 =	vtrunc.f32 v5  }
0xa7: {  	v4 =	vcvt.f32.s32 v4;
	_ =	sdelay $0x1  }
0xa8: {  	v6 =	vcvt.s32.f32 v4;
	_ =	sdelay $0x1  }
0xa9: {  	v5 =	vsub.f32 v5, v6;
	_ =	sdelay $0x1  }
0xaa: {  	[tilespmem:s10+$0xFFFFF830] =	vst v5  }
0xab: {  	v5 =	vld [tilespmem:s14+$0x0];
	_ =	sdelay $0x4  }
0xac: {  	v5 =	vadd.f32 $1.000000000e+00, v5;
	_ =	sdelay $0x1  }
0xad: {  	v5 =	vmul.f32 $5.000000000e-01, v5;
	_ =	sdelay $0x1  }
0xae: {  	v6 =	vmul.f32 $2.550000000e+02, v5;
	_ =	sdelay $0x1  }
0xaf: {  	v5 =	vtrunc.f32 v6  }
0xb0: {  	v5 =	vcvt.f32.s32 v5;
	_ =	sdelay $0x1  }
0xb1: {  	v7 =	vcvt.s32.f32 v5;
	v5 =	vshll.u32 v5, $0x8;
	_ =	sdelay $0x1  }
0xb2: {  	v6 =	vsub.f32 v6, v7;
	_ =	sdelay $0x1  }
0xb3: {  	[tilespmem:s10+$0x0] =	vst v6  }
0xb4: {  	v6 =	vld [tilespmem:s11+$0x0];
	_ =	sdelay $0x4  }
.Ltmp2:
0xb5: {  	v6 =	vadd.f32 $1.000000000e+00, v6;
	(pc) =	sbr.rel @p0 .LBB2_2-.Ltmp2, $3  }
0xb6: {  	_ = 	snop  }
0xb7: {  	v6 =	vmul.f32 $5.000000000e-01, v6;
	_ =	sdelay $0x1  }
0xb8: {  	s15 =	sadd.s32 $0x40, s15;
	s17 =	sadd.s32 $0x20, s17;
	s14 =	sadd.s32 $0x20, s14;
	v6 =	vmul.f32 $2.550000000e+02, v6  }
0xb9: {  	_ = 	snop  }
0xba: {  	v7 =	vtrunc.f32 v6  }
0xbb: {  	v4 =	vshll.u32 v4, $0x10;
	v7 =	vcvt.f32.s32 v7  }
0xbc: {  	v4 =	vadd.s32 v4, v5  }
0xbd: {  	v5 =	vcvt.s32.f32 v7;
	v4 =	vadd.s32 v7, v4  }
0xbe: {  	v7 =	vadd.s32 $0x100, v4  }
0xbf: {  	v5 =	vsub.f32 v6, v5;
	v47 =	vperm.xlane v7, v1  }
0xc0: {  	v8 =	vadd.s32 $0x10100, v4;
	v7 =	vperm.xlane v7, v3  }
0xc1: {  	v9 =	vadd.s32 $0x10000, v4;
	v10 =	vperm.xlane v8, v1;
	[tilespmem:s12+$0x7D0] =	vst v5;
	v5 =	vadd.s32 v2, v47  }
0xc2: {  	v48 =	vperm.xlane v9, v1;
	v7 =	vadd.s32 v2, v7;
	[tilespmem:s9+$0xFFFFF080] =	vst v5  }
0xc3: {  	v50 =	vperm.xlane v4, v1;
	v49 =	vadd.s32 v2, v10;
	[tilespmem:s9+$0xFFFFF090] =	vst v7  }
0xc4: {  	v4 =	vperm.xlane v4, v3;
	v6 =	vadd.s32 v2, v48;
	[tilespmem:s9+$0xFC0] =	vst v49  }
0xc5: {  	v52 =	vadd.s32 v2, v50;
	v5 =	vperm.xlane v8, v3;
	[tilespmem:s9+$0x20] =	vst v6  }
0xc6: {  	v51 =	vperm.xlane v9, v3;
	v4 =	vadd.s32 v2, v4;
	[tilespmem:s9+$0xFFFFE0E0] =	vst v52  }
0xc7: {  	[tilespmem:s9+$0xFFFFE0F0] =	vst v4;
	v5 =	vadd.s32 v2, v5  }
0xc8: {  	[tilespmem:s9+$0xFD0] =	vst v5;
	v5 =	vadd.s32 v2, v51  }
0xc9: {  	[tilespmem:s9+$0x30] =	vst v5  }
0xca: {  	v4 =	vld [tilespmem:$0x7C0]  }
0xcb: {  	v5 =	vld [tilespmem:$0xFC0]  }
0xcc: {  	v6 =	vld [tilespmem:$0x17C0];
	_ =	sdelay $0x2  }
0xcd: {  	v4 =	vadd.f32 $1.000000000e+00, v4  }
0xce: {  	v5 =	vadd.f32 $1.000000000e+00, v5  }
0xcf: {  	v6 =	vadd.f32 $1.000000000e+00, v6;
	v4 =	vmul.f32 $5.000000000e-01, v4  }
0xd0: {  	v5 =	vmul.f32 $5.000000000e-01, v5  }
0xd1: {  	v6 =	vmul.f32 $5.000000000e-01, v6;
	v4 =	vmul.f32 $2.550000000e+02, v4  }
0xd2: {  	v5 =	vmul.f32 $2.550000000e+02, v5  }
0xd3: {  	v6 =	vmul.f32 $2.550000000e+02, v6;
	v53 =	vtrunc.f32 v4  }
0xd4: {  	v54 =	vtrunc.f32 v5;
	v7 =	vcvt.f32.s32 v53  }
0xd5: {  	v55 =	vtrunc.f32 v6;
	v8 =	vcvt.f32.s32 v54  }
0xd6: {  	v9 =	vcvt.f32.s32 v55;
	v56 =	vcvt.s32.f32 v7  }
0xd7: {  	v11 =	vcvt.s32.f32 v8;
	v7 =	vshll.u32 v7, $0x10;
	v8 =	vshll.u32 v8, $0x8  }
0xd8: {  	v57 =	vcvt.s32.f32 v9;
	v7 =	vadd.s32 v7, v8;
	v4 =	vsub.f32 v4, v56  }
0xd9: {  	v5 =	vsub.f32 v5, v11;
	v7 =	vadd.s32 v9, v7  }
0xda: {  	v58 =	vperm.xlane v7, v1;
	[tilespmem:$0x37C0] =	vst v4;
	v4 =	vsub.f32 v6, v57  }
0xdb: {  	v59 =	vadd.s32 $0x100, v7;
	[tilespmem:$0x3F90] =	vst v5;
	v5 =	vperm.xlane v7, v3  }
0xdc: {  	v60 =	vperm.xlane v59, v1;
	[tilespmem:$0x4760] =	vst v4;
	v4 =	vadd.s32 v2, v58  }
0xdd: {  	v61 =	vadd.s32 $0x10000, v7;
	v5 =	vadd.s32 v2, v5;
	[tilespmem:$0x6E80] =	vst v4;
	v4 =	vperm.xlane v59, v3  }
0xde: {  	v62 =	vperm.xlane v61, v1;
	[tilespmem:$0x6E90] =	vst v5;
	v5 =	vadd.s32 v2, v60  }
0xdf: {  	v7 =	vadd.s32 $0x10100, v7;
	[tilespmem:$0x7E20] =	vst v5;
	v5 =	vperm.xlane v61, v3;
	v4 =	vadd.s32 v2, v4  }
0xe0: {  	v63 =	vperm.xlane v7, v1;
	[tilespmem:$0x7E30] =	vst v4;
	v4 =	vadd.s32 v2, v62  }
.Ltmp3:
0xe1: {  	v5 =	vadd.s32 v2, v5;
	[tilespmem:$0x8DC0] =	vst v4;
	v4 =	vperm.xlane v7, v3;
	(pc) =	sbr.rel .LBB2_4-.Ltmp3, $4  }
0xe2: {  	[tilespmem:$0x8DD0] =	vst v5;
	v5 =	vadd.s32 v2, v63  }
0xe3: {  	[tilespmem:$0x9D60] =	vst v5;
	v4 =	vadd.s32 v2, v4  }
0xe4: {  	s9 =	simm.s32 $0x0;
	[tilespmem:$0x9D70] =	vst v4  }
0xe5: {  	[tilespmem:s24], [sflag:$0x1] =	stream.indirect.gather [hbm4b:s3+s22], $0x1, s23, s22, $0xb8;
	[tilespmem:$0x16900] =	vst v63  }
.LBB2_20:
0xe6: {  	s9 =	sadd.s32 $0x1, s9  }
0xe7: {  	p0 =	sne.s32 s9, $0x8  }
.Ltmp4:
0xe8: {  	_ = 	snop;
	(pc) =	sbr.rel @!p0 .LBB2_21-.Ltmp4, $1  }
0xe9: {  	_ =	sdelay $0x3  }
.LBB2_4:
0xea: {  	s10 =	sshll.u32 s9, $0x6  }
0xeb: {  	s11 =	sor.u32 s5, s10  }
0xec: {  	p0 =	sgt.u32 s11, $0x1B3  }
0xed: {  	s10 =	smul.u32 @!p0 $0x7D0, s11;
	_ =	sdelay $0x1  }
0xee: {  	s10 =	sshrl.u32 @!p0 s10, $0x3  }
0xef: {  	s10 =	sadd.s32 @!p0 $0x3E80, s10  }
0xf0: {  	s13 =	simm.s32 @!p0 $0x0;
	s12 =	sadd.s32 @!p0 s6, s10  }
0xf1: {  	[tilespmem:s13], [sflag:$0x3] =	stream.linear.gather @!p0 [hbm4b:s12+s13], $0x7D0, $0x38;
	[tilespmem:$0x16900] =	vst v63  }
0xf2: {  	s14 =	simm.s32 @!p0 $0x800;
	s12 =	sadd.s32 @!p0 s7, s10  }
0xf3: {  	[tilespmem:s14], [sflag:$0x3] =	stream.linear.gather @!p0 [hbm4b:s12+s13], $0x7D0, $0x38;
	[tilespmem:$0x16900] =	vst v63  }
0xf4: {  	s10 =	sadd.s32 @!p0 s1, s10;
	s12 =	simm.s32 @!p0 $0x1000  }
0xf5: {  	[tilespmem:s12], [sflag:$0x3] =	stream.linear.gather @!p0 [hbm4b:s10+s13], $0x7D0, $0x38;
	[tilespmem:$0x16900] =	vst v63  }
0xf6: {  	s10 =	sor.u32 $0x20, s11  }
0xf7: {  	p1 =	sgt.u32 s10, $0x1F3  }
.Ltmp5:
0xf8: {  	_ = 	snop;
	(pc) =	sbr.rel @p1 .LBB2_8-.Ltmp5, $1  }
0xf9: {  	_ =	sdelay $0x3  }
0xfa: {  	_ =	swait.ge [sflag:s25], $0x7D0  }
0xfb: {  	[sflag:s25] =	ssyncset.done $0x0  }
0xfc: {  	[sflag:s25] =	ssyncadd.s32 $0xFFFFF830  }
0xfd: {  	_ =	swait.ge [sflag:s25], $0x7D0  }
0xfe: {  	[sflag:s25] =	ssyncset.done $0x0  }
0xff: {  	[sflag:s25] =	ssyncadd.s32 $0xFFFFF830  }
0x100: {  	_ =	swait.ge [sflag:s25], $0x7D0  }
0x101: {  	[sflag:s25] =	ssyncset.done $0x0  }
0x102: {  	s15 =	simm.s32 $0x1810;
	[sflag:s25] =	ssyncadd.s32 $0xFFFFF830  }
0x103: {  	v4 =	vld [tilespmem:s15+$0xFFFFFFF0];
	_ =	sdelay $0x4  }
0x104: {  	v4 =	vadd.f32 $1.000000000e+00, v4;
	_ =	sdelay $0x1  }
0x105: {  	v4 =	vmul.f32 $5.000000000e-01, v4;
	_ =	sdelay $0x1  }
0x106: {  	v4 =	vmul.f32 $2.550000000e+02, v4;
	_ =	sdelay $0x1  }
0x107: {  	v5 =	vtrunc.f32 v4  }
0x108: {  	v5 =	vcvt.f32.s32 v5;
	_ =	sdelay $0x1  }
0x109: {  	v6 =	vcvt.s32.f32 v5;
	_ =	sdelay $0x1  }
0x10a: {  	v4 =	vsub.f32 v4, v6  }
0x10b: {  	s13 =	simm.s32 $0x4F60  }
0x10c: {  	s17 =	simm.s32 $0x2010;
	[tilespmem:s13+$0xFFFFF820] =	vst v4  }
0x10d: {  	v4 =	vld [tilespmem:s17+$0xFFFFFFF0];
	_ =	sdelay $0x4  }
0x10e: {  	v4 =	vadd.f32 $1.000000000e+00, v4;
	_ =	sdelay $0x1  }
0x10f: {  	v4 =	vmul.f32 $5.000000000e-01, v4;
	_ =	sdelay $0x1  }
0x110: {  	v4 =	vmul.f32 $2.550000000e+02, v4;
	_ =	sdelay $0x1  }
0x111: {  	v6 =	vtrunc.f32 v4  }
0x112: {  	v6 =	vcvt.f32.s32 v6;
	_ =	sdelay $0x1  }
0x113: {  	v7 =	vcvt.s32.f32 v6;
	_ =	sdelay $0x1  }
0x114: {  	v4 =	vsub.f32 v4, v7;
	_ =	sdelay $0x1  }
0x115: {  	s14 =	simm.s32 $0x2810;
	[tilespmem:s13+$0xFFFFFFF0] =	vst v4  }
0x116: {  	v4 =	vld [tilespmem:s14+$0xFFFFFFF0];
	_ =	sdelay $0x4  }
0x117: {  	v4 =	vadd.f32 $1.000000000e+00, v4;
	_ =	sdelay $0x1  }
0x118: {  	v4 =	vmul.f32 $5.000000000e-01, v4;
	_ =	sdelay $0x1  }
0x119: {  	v4 =	vmul.f32 $2.550000000e+02, v4;
	_ =	sdelay $0x1  }
0x11a: {  	v7 =	vtrunc.f32 v4  }
0x11b: {  	v7 =	vcvt.f32.s32 v7  }
0x11c: {  	v5 =	vshll.u32 v5, $0x10;
	v6 =	vshll.u32 v6, $0x8  }
0x11d: {  	v5 =	vadd.s32 v5, v6;
	v6 =	vcvt.s32.f32 v7  }
0x11e: {  	v5 =	vadd.s32 v7, v5  }
0x11f: {  	v7 =	vperm.xlane v5, v3;
	v8 =	vadd.s32 $0x10000, v5;
	v4 =	vsub.f32 v4, v6  }
0x120: {  	v6 =	vperm.xlane v8, v1  }
0x121: {  	s12 =	simm.s32 $0xBCC0;
	v9 =	vperm.xlane v5, v1;
	v10 =	vadd.s32 $0x100, v5;
	v7 =	vadd.s32 v2, v7;
	[tilespmem:s13+$0x7C0] =	vst v4  }
0x122: {  	v4 =	vadd.s32 $0x10100, v5;
	v5 =	vperm.xlane v10, v1;
	v6 =	vadd.s32 v2, v6;
	[tilespmem:s12+$0xFFFFE0D0] =	vst v7  }
0x123: {  	v8 =	vperm.xlane v8, v3;
	v7 =	vadd.s32 v2, v9;
	[tilespmem:s12+$0x0] =	vst v6  }
0x124: {  	v6 =	vperm.xlane v4, v3;
	[tilespmem:s12+$0xFFFFE0C0] =	vst v7;
	v5 =	vadd.s32 v2, v5  }
0x125: {  	v4 =	vperm.xlane v4, v1;
	v7 =	vadd.s32 v2, v8;
	[tilespmem:s12+$0xFFFFF060] =	vst v5  }
0x126: {  	v5 =	vadd.s32 v2, v6;
	v6 =	vperm.xlane v10, v3;
	[tilespmem:s12+$0x10] =	vst v7  }
0x127: {  	v4 =	vadd.s32 v2, v4;
	[tilespmem:s12+$0xFB0] =	vst v5  }
0x128: {  	[tilespmem:s12+$0xFA0] =	vst v4;
	v5 =	vadd.s32 v2, v6  }
0x129: {  	[tilespmem:s12+$0xFFFFF070] =	vst v5  }
0x12a: {  	v4 =	vld [tilespmem:s15+$0x0];
	_ =	sdelay $0x4  }
0x12b: {  	v4 =	vadd.f32 $1.000000000e+00, v4;
	_ =	sdelay $0x1  }
0x12c: {  	v4 =	vmul.f32 $5.000000000e-01, v4;
	_ =	sdelay $0x1  }
0x12d: {  	v5 =	vmul.f32 $2.550000000e+02, v4;
	_ =	sdelay $0x1  }
0x12e: {  	v4 =	vtrunc.f32 v5  }
0x12f: {  	v4 =	vcvt.f32.s32 v4;
	_ =	sdelay $0x1  }
0x130: {  	v6 =	vcvt.s32.f32 v4;
	_ =	sdelay $0x1  }
0x131: {  	v5 =	vsub.f32 v5, v6;
	_ =	sdelay $0x1  }
0x132: {  	[tilespmem:s13+$0xFFFFF830] =	vst v5  }
0x133: {  	v5 =	vld [tilespmem:s17+$0x0];
	_ =	sdelay $0x4  }
0x134: {  	v5 =	vadd.f32 $1.000000000e+00, v5;
	_ =	sdelay $0x1  }
0x135: {  	v5 =	vmul.f32 $5.000000000e-01, v5;
	_ =	sdelay $0x1  }
0x136: {  	v5 =	vmul.f32 $2.550000000e+02, v5;
	_ =	sdelay $0x1  }
0x137: {  	v6 =	vtrunc.f32 v5  }
0x138: {  	v6 =	vcvt.f32.s32 v6;
	_ =	sdelay $0x1  }
0x139: {  	v7 =	vcvt.s32.f32 v6;
	_ =	sdelay $0x1  }
0x13a: {  	v5 =	vsub.f32 v5, v7;
	_ =	sdelay $0x1  }
0x13b: {  	[tilespmem:s13+$0x0] =	vst v5  }
0x13c: {  	v5 =	vld [tilespmem:s14+$0x0];
	_ =	sdelay $0x4  }
0x13d: {  	v5 =	vadd.f32 $1.000000000e+00, v5;
	_ =	sdelay $0x1  }
0x13e: {  	v7 =	vmul.f32 $5.000000000e-01, v5  }
0x13f: {  	s26 =	simm.s32 $0x2030;
	s28 =	simm.s32 $0xBD00  }
0x140: {  	s18 =	simm.s32 $0x1830;
	s15 =	simm.s32 $0x4F60;
	s17 =	simm.s32 $0x0;
	v5 =	vshll.u32 v6, $0x8;
	v6 =	vmul.f32 $2.550000000e+02, v7  }
.LBB2_6:
0x141: {  	s17 =	sadd.s32 $0x2, s17;
	s13 =	sadd.s32 $0x20, s13;
	s14 =	sadd.s32 $0x20, s14  }
0x142: {  	p2 =	slt.u32 s17, $0x7A;
	v7 =	vtrunc.f32 v6  }
0x143: {  	v4 =	vshll.u32 v4, $0x10;
	v7 =	vcvt.f32.s32 v7  }
0x144: {  	v4 =	vadd.s32 v4, v5  }
0x145: {  	v5 =	vcvt.s32.f32 v7;
	v4 =	vadd.s32 v7, v4  }
0x146: {  	v7 =	vadd.s32 $0x100, v4;
	v8 =	vadd.s32 $0x10000, v4;
	v9 =	vadd.s32 $0x10100, v4  }
0x147: {  	v5 =	vsub.f32 v6, v5;
	v6 =	vperm.xlane v7, v1;
	v7 =	vperm.xlane v7, v3  }
0x148: {  	v10 =	vperm.xlane v8, v1;
	v11 =	vperm.xlane v9, v1  }
0x149: {  	[tilespmem:s15+$0x7D0] =	vst v5;
	v5 =	vadd.s32 v2, v6;
	v6 =	vperm.xlane v8, v3;
	v8 =	vperm.xlane v9, v3;
	s15 =	smov.u32 s13  }
0x14a: {  	v9 =	vperm.xlane v4, v1;
	v7 =	vadd.s32 v2, v7;
	[tilespmem:s12+$0xFFFFF080] =	vst v5;
	v5 =	vadd.s32 v2, v10  }
0x14b: {  	[tilespmem:s12+$0xFFFFF090] =	vst v7;
	v6 =	vadd.s32 v2, v6;
	v7 =	vadd.s32 v2, v11;
	v8 =	vadd.s32 v2, v8  }
0x14c: {  	v4 =	vperm.xlane v4, v3;
	[tilespmem:s12+$0xFC0] =	vst v7  }
0x14d: {  	[tilespmem:s12+$0x20] =	vst v5  }
0x14e: {  	v5 =	vadd.s32 v2, v9;
	[tilespmem:s12+$0xFD0] =	vst v8  }
0x14f: {  	[tilespmem:s12+$0xFFFFE0E0] =	vst v5  }
0x150: {  	v4 =	vadd.s32 v2, v4;
	[tilespmem:s12+$0x30] =	vst v6  }
0x151: {  	[tilespmem:s12+$0xFFFFE0F0] =	vst v4;
	s12 =	smov.u32 s28  }
0x152: {  	v4 =	vld [tilespmem:s18+$0xFFFFFFF0];
	_ =	sdelay $0x4  }
0x153: {  	v4 =	vadd.f32 $1.000000000e+00, v4;
	_ =	sdelay $0x1  }
0x154: {  	v4 =	vmul.f32 $5.000000000e-01, v4;
	_ =	sdelay $0x1  }
0x155: {  	v4 =	vmul.f32 $2.550000000e+02, v4;
	_ =	sdelay $0x1  }
0x156: {  	v5 =	vtrunc.f32 v4  }
0x157: {  	v5 =	vcvt.f32.s32 v5;
	_ =	sdelay $0x1  }
0x158: {  	v6 =	vcvt.s32.f32 v5;
	_ =	sdelay $0x1  }
0x159: {  	v4 =	vsub.f32 v4, v6;
	_ =	sdelay $0x1  }
0x15a: {  	[tilespmem:s13+$0xFFFFF820] =	vst v4  }
0x15b: {  	v4 =	vld [tilespmem:s26+$0xFFFFFFF0];
	_ =	sdelay $0x4  }
0x15c: {  	v4 =	vadd.f32 $1.000000000e+00, v4;
	_ =	sdelay $0x1  }
0x15d: {  	v4 =	vmul.f32 $5.000000000e-01, v4;
	_ =	sdelay $0x1  }
0x15e: {  	v4 =	vmul.f32 $2.550000000e+02, v4;
	_ =	sdelay $0x1  }
0x15f: {  	v6 =	vtrunc.f32 v4  }
0x160: {  	v6 =	vcvt.f32.s32 v6;
	_ =	sdelay $0x1  }
0x161: {  	v7 =	vcvt.s32.f32 v6;
	v6 =	vshll.u32 v6, $0x8;
	_ =	sdelay $0x1  }
0x162: {  	v4 =	vsub.f32 v4, v7;
	_ =	sdelay $0x1  }
0x163: {  	[tilespmem:s13+$0xFFFFFFF0] =	vst v4  }
0x164: {  	v4 =	vld [tilespmem:s14+$0xFFFFFFF0];
	_ =	sdelay $0x4  }
0x165: {  	v4 =	vadd.f32 $1.000000000e+00, v4;
	_ =	sdelay $0x1  }
0x166: {  	v4 =	vmul.f32 $5.000000000e-01, v4;
	_ =	sdelay $0x1  }
0x167: {  	v4 =	vmul.f32 $2.550000000e+02, v4;
	_ =	sdelay $0x1  }
0x168: {  	v7 =	vtrunc.f32 v4  }
0x169: {  	v5 =	vshll.u32 v5, $0x10;
	v7 =	vcvt.f32.s32 v7  }
0x16a: {  	v5 =	vadd.s32 v5, v6  }
0x16b: {  	v6 =	vcvt.s32.f32 v7;
	v5 =	vadd.s32 v7, v5  }
0x16c: {  	v7 =	vperm.xlane v5, v1;
	v8 =	vperm.xlane v5, v3;
	v9 =	vadd.s32 $0x10000, v5  }
0x16d: {  	v10 =	vadd.s32 $0x10100, v5;
	v4 =	vsub.f32 v4, v6;
	v6 =	vperm.xlane v9, v1  }
0x16e: {  	v5 =	vadd.s32 $0x100, v5;
	v11 =	vperm.xlane v10, v1;
	v8 =	vadd.s32 v2, v8  }
0x16f: {  	v9 =	vperm.xlane v9, v3;
	[tilespmem:s13+$0x7C0] =	vst v4;
	v4 =	vperm.xlane v5, v3  }
0x170: {  	v7 =	vadd.s32 v2, v7;
	v5 =	vperm.xlane v5, v1;
	v6 =	vadd.s32 v2, v6;
	[tilespmem:s28+$0xFFFFE0D0] =	vst v8  }
0x171: {  	v8 =	vadd.s32 v2, v9;
	v4 =	vadd.s32 v2, v4;
	[tilespmem:s28+$0x0] =	vst v6;
	v6 =	vperm.xlane v10, v3  }
0x172: {  	v5 =	vadd.s32 v2, v5;
	[tilespmem:s28+$0xFFFFE0C0] =	vst v7  }
0x173: {  	[tilespmem:s28+$0xFFFFF060] =	vst v5;
	v5 =	vadd.s32 v2, v11;
	v6 =	vadd.s32 v2, v6  }
0x174: {  	[tilespmem:s28+$0xFB0] =	vst v6  }
0x175: {  	[tilespmem:s28+$0x10] =	vst v8  }
0x176: {  	[tilespmem:s28+$0xFA0] =	vst v5  }
0x177: {  	[tilespmem:s28+$0xFFFFF070] =	vst v4  }
0x178: {  	v4 =	vld [tilespmem:s18+$0x0];
	_ =	sdelay $0x4  }
0x179: {  	v4 =	vadd.f32 $1.000000000e+00, v4;
	_ =	sdelay $0x1  }
0x17a: {  	v4 =	vmul.f32 $5.000000000e-01, v4;
	_ =	sdelay $0x1  }
0x17b: {  	v5 =	vmul.f32 $2.550000000e+02, v4;
	_ =	sdelay $0x1  }
0x17c: {  	v4 =	vtrunc.f32 v5  }
0x17d: {  	v4 =	vcvt.f32.s32 v4;
	_ =	sdelay $0x1  }
0x17e: {  	v6 =	vcvt.s32.f32 v4;
	_ =	sdelay $0x1  }
0x17f: {  	v5 =	vsub.f32 v5, v6;
	_ =	sdelay $0x1  }
0x180: {  	[tilespmem:s13+$0xFFFFF830] =	vst v5  }
0x181: {  	v5 =	vld [tilespmem:s26+$0x0];
	_ =	sdelay $0x4  }
0x182: {  	v5 =	vadd.f32 $1.000000000e+00, v5;
	_ =	sdelay $0x1  }
0x183: {  	v5 =	vmul.f32 $5.000000000e-01, v5;
	_ =	sdelay $0x1  }
0x184: {  	v6 =	vmul.f32 $2.550000000e+02, v5;
	_ =	sdelay $0x1  }
0x185: {  	v5 =	vtrunc.f32 v6  }
0x186: {  	v5 =	vcvt.f32.s32 v5;
	_ =	sdelay $0x1  }
0x187: {  	v7 =	vcvt.s32.f32 v5;
	v5 =	vshll.u32 v5, $0x8;
	_ =	sdelay $0x1  }
0x188: {  	v6 =	vsub.f32 v6, v7;
	_ =	sdelay $0x1  }
0x189: {  	[tilespmem:s13+$0x0] =	vst v6  }
0x18a: {  	v6 =	vld [tilespmem:s14+$0x0];
	_ =	sdelay $0x4  }
.Ltmp6:
0x18b: {  	v6 =	vadd.f32 $1.000000000e+00, v6;
	(pc) =	sbr.rel @p2 .LBB2_6-.Ltmp6, $3  }
0x18c: {  	_ = 	snop  }
0x18d: {  	v6 =	vmul.f32 $5.000000000e-01, v6;
	_ =	sdelay $0x1  }
0x18e: {  	s28 =	sadd.s32 $0x40, s28;
	s18 =	sadd.s32 $0x20, s18;
	s26 =	sadd.s32 $0x20, s26;
	v6 =	vmul.f32 $2.550000000e+02, v6  }
0x18f: {  	_ = 	snop  }
0x190: {  	v7 =	vtrunc.f32 v6  }
0x191: {  	v4 =	vshll.u32 v4, $0x10;
	v7 =	vcvt.f32.s32 v7  }
0x192: {  	v4 =	vadd.s32 v4, v5  }
0x193: {  	v5 =	vcvt.s32.f32 v7;
	v4 =	vadd.s32 v7, v4  }
0x194: {  	v7 =	vadd.s32 $0x100, v4  }
0x195: {  	v5 =	vsub.f32 v6, v5;
	v47 =	vperm.xlane v7, v1  }
0x196: {  	v8 =	vadd.s32 $0x10100, v4;
	v7 =	vperm.xlane v7, v3  }
0x197: {  	v9 =	vadd.s32 $0x10000, v4;
	v10 =	vperm.xlane v8, v1;
	[tilespmem:s15+$0x7D0] =	vst v5;
	v5 =	vadd.s32 v2, v47  }
0x198: {  	v48 =	vperm.xlane v9, v1;
	v7 =	vadd.s32 v2, v7;
	[tilespmem:s12+$0xFFFFF080] =	vst v5  }
0x199: {  	v50 =	vperm.xlane v4, v1;
	v49 =	vadd.s32 v2, v10;
	[tilespmem:s12+$0xFFFFF090] =	vst v7  }
0x19a: {  	v4 =	vperm.xlane v4, v3;
	v6 =	vadd.s32 v2, v48;
	[tilespmem:s12+$0xFC0] =	vst v49  }
0x19b: {  	v52 =	vadd.s32 v2, v50;
	v5 =	vperm.xlane v8, v3;
	[tilespmem:s12+$0x20] =	vst v6  }
0x19c: {  	v51 =	vperm.xlane v9, v3;
	v4 =	vadd.s32 v2, v4;
	[tilespmem:s12+$0xFFFFE0E0] =	vst v52  }
0x19d: {  	[tilespmem:s12+$0xFFFFE0F0] =	vst v4;
	v5 =	vadd.s32 v2, v5  }
0x19e: {  	[tilespmem:s12+$0xFD0] =	vst v5;
	v5 =	vadd.s32 v2, v51  }
0x19f: {  	[tilespmem:s12+$0x30] =	vst v5  }
0x1a0: {  	v4 =	vld [tilespmem:$0x1FC0]  }
0x1a1: {  	v5 =	vld [tilespmem:$0x27C0]  }
0x1a2: {  	v6 =	vld [tilespmem:$0x2FC0];
	_ =	sdelay $0x2  }
0x1a3: {  	v4 =	vadd.f32 $1.000000000e+00, v4  }
0x1a4: {  	v5 =	vadd.f32 $1.000000000e+00, v5  }
0x1a5: {  	v6 =	vadd.f32 $1.000000000e+00, v6;
	v4 =	vmul.f32 $5.000000000e-01, v4  }
0x1a6: {  	v5 =	vmul.f32 $5.000000000e-01, v5  }
0x1a7: {  	v6 =	vmul.f32 $5.000000000e-01, v6;
	v4 =	vmul.f32 $2.550000000e+02, v4  }
0x1a8: {  	v5 =	vmul.f32 $2.550000000e+02, v5  }
0x1a9: {  	v6 =	vmul.f32 $2.550000000e+02, v6;
	v53 =	vtrunc.f32 v4  }
0x1aa: {  	v54 =	vtrunc.f32 v5;
	v7 =	vcvt.f32.s32 v53  }
0x1ab: {  	v55 =	vtrunc.f32 v6;
	v8 =	vcvt.f32.s32 v54  }
0x1ac: {  	v9 =	vcvt.f32.s32 v55;
	v56 =	vcvt.s32.f32 v7  }
0x1ad: {  	v11 =	vcvt.s32.f32 v8;
	v7 =	vshll.u32 v7, $0x10;
	v8 =	vshll.u32 v8, $0x8  }
0x1ae: {  	v57 =	vcvt.s32.f32 v9;
	v7 =	vadd.s32 v7, v8;
	v4 =	vsub.f32 v4, v56  }
0x1af: {  	v5 =	vsub.f32 v5, v11;
	v7 =	vadd.s32 v9, v7  }
0x1b0: {  	v58 =	vperm.xlane v7, v1;
	[tilespmem:$0x4F40] =	vst v4;
	v4 =	vsub.f32 v6, v57  }
0x1b1: {  	v59 =	vadd.s32 $0x100, v7;
	[tilespmem:$0x5710] =	vst v5;
	v5 =	vperm.xlane v7, v3  }
0x1b2: {  	v60 =	vperm.xlane v59, v1;
	[tilespmem:$0x5EE0] =	vst v4;
	v4 =	vadd.s32 v2, v58  }
0x1b3: {  	v61 =	vadd.s32 $0x10000, v7;
	v5 =	vadd.s32 v2, v5;
	[tilespmem:$0xAD00] =	vst v4;
	v4 =	vperm.xlane v59, v3  }
0x1b4: {  	v62 =	vperm.xlane v61, v1;
	[tilespmem:$0xAD10] =	vst v5;
	v5 =	vadd.s32 v2, v60  }
0x1b5: {  	v7 =	vadd.s32 $0x10100, v7;
	[tilespmem:$0xBCA0] =	vst v5;
	v5 =	vperm.xlane v61, v3;
	v4 =	vadd.s32 v2, v4  }
0x1b6: {  	v63 =	vperm.xlane v7, v1;
	[tilespmem:$0xBCB0] =	vst v4;
	v4 =	vadd.s32 v2, v62  }
0x1b7: {  	v5 =	vadd.s32 v2, v5;
	[tilespmem:$0xCC40] =	vst v4;
	v4 =	vperm.xlane v7, v3  }
0x1b8: {  	[tilespmem:$0xCC50] =	vst v5;
	v5 =	vadd.s32 v2, v63  }
0x1b9: {  	[tilespmem:$0xDBE0] =	vst v5;
	v4 =	vadd.s32 v2, v4  }
0x1ba: {  	s28 =	simm.s32 $0x9D80;
	s13 =	simm.s32 $0x11A80;
	[tilespmem:$0xDBF0] =	vst v4  }
0x1bb: {  	[tilespmem:s13], [sflag:$0x2] =	stream.indirect.gather [hbm4b:s3+s22], $0x1, s28, s22, $0xb8;
	[tilespmem:$0x16900] =	vst v63  }
.LBB2_8:
0x1bc: {  	_ =	swait.ge [sflag:s29], $0x3E80  }
0x1bd: {  	[sflag:s29] =	ssyncset.done $0x0  }
0x1be: {  	s14 =	simm.s32 $0xFB40;
	[sflag:s29] =	ssyncadd.s32 $0xFFFFC180  }
0x1bf: {  	v6 =	vld [tilespmem:s14+$0xFB0]  }
0x1c0: {  	v7 =	vld [tilespmem:s14+$0xFA0]  }
0x1c1: {  	v4 =	vand.u32 $0x7, v0;
	v8 =	vld [tilespmem:s14+$0x10]  }
0x1c2: {  	v4 =	vmul.u32 $0x2, v4;
	v9 =	vld [tilespmem:s14+$0x0]  }
0x1c3: {  	v10 =	vld [tilespmem:s14+$0xFFFFF070]  }
0x1c4: {  	v5 =	vor.u32 $0x1, v4;
	v13 =	vld [tilespmem:s14+$0xFFFFE0D0];
	v12 =	vperm.xlane v6, v4  }
0x1c5: {  	v6 =	vperm.xlane v6, v5;
	v14 =	vperm.xlane v7, v4  }
0x1c6: {  	v11 =	vld [tilespmem:s14+$0xFFFFF060];
	v7 =	vperm.xlane v7, v5;
	v16 =	vperm.xlane v8, v4  }
0x1c7: {  	v15 =	vld [tilespmem:s14+$0xFFFFE0C0];
	v8 =	vperm.xlane v8, v5;
	v17 =	vperm.xlane v9, v4  }
0x1c8: {  	v9 =	vperm.xlane v9, v5;
	v50 =	vperm.xlane v10, v4  }
0x1c9: {  	v10 =	vperm.xlane v10, v5;
	v19 =	vperm.xlane v13, v4  }
0x1ca: {  	s12 =	simm.s32 $0x37E0;
	v13 =	vperm.xlane v13, v5;
	v12 =	vsel vm0, v14, v12;
	v6 =	vsel vm0, v7, v6  }
0x1cb: {  	v18 =	vld [tilespmem:s12+$0x7C0];
	v7 =	vperm.xlane v11, v4;
	v11 =	vperm.xlane v11, v5;
	v8 =	vsel vm0, v9, v8  }
0x1cc: {  	v9 =	vperm.xlane v15, v4;
	v15 =	vperm.xlane v15, v5;
	v6 =	vsub.f32 v6, v12  }
0x1cd: {  	v7 =	vsel vm0, v7, v50;
	v10 =	vsel vm0, v11, v10;
	v11 =	vsel vm0, v17, v16  }
0x1ce: {  	v9 =	vsel vm0, v9, v19;
	v13 =	vsel vm0, v15, v13;
	v10 =	vsub.f32 v10, v7  }
0x1cf: {  	v13 =	vsub.f32 v13, v9;
	v8 =	vsub.f32 v8, v11  }
0x1d0: {  	v6 =	vmul.f32 v6, v18;
	v10 =	vmul.f32 v10, v18  }
0x1d1: {  	v13 =	vmul.f32 v13, v18;
	v8 =	vmul.f32 v8, v18  }
0x1d2: {  	v51 =	vld [tilespmem:s12+$0xFFFFFFF0];
	v6 =	vadd.f32 v6, v12;
	v7 =	vadd.f32 v10, v7  }
0x1d3: {  	v9 =	vadd.f32 v13, v9;
	v8 =	vadd.f32 v8, v11;
	_ =	sdelay $0x1  }
0x1d4: {  	v7 =	vsub.f32 v7, v9;
	v6 =	vsub.f32 v6, v8;
	_ =	sdelay $0x1  }
0x1d5: {  	v7 =	vmul.f32 v7, v51;
	v6 =	vmul.f32 v6, v51  }
0x1d6: {  	v10 =	vld [tilespmem:s12+$0xFFFFF820]  }
0x1d7: {  	v7 =	vadd.f32 v7, v9;
	v6 =	vadd.f32 v6, v8;
	_ =	sdelay $0x1  }
0x1d8: {  	v6 =	vsub.f32 v6, v7;
	_ =	sdelay $0x1  }
0x1d9: {  	v6 =	vmul.f32 v6, v10;
	_ =	sdelay $0x1  }
0x1da: {  	v6 =	vadd.f32 v6, v7  }
0x1db: {  	s13 =	simm.s32 $0x15910  }
0x1dc: {  	[tilespmem:s13+$0xFFFFFFF0] =	vst v6  }
0x1dd: {  	v6 =	vld [tilespmem:s14+$0xFFFFE0E0]  }
0x1de: {  	v7 =	vld [tilespmem:s14+$0xFFFFE0F0]  }
0x1df: {  	v8 =	vld [tilespmem:s14+$0xFD0]  }
0x1e0: {  	v9 =	vld [tilespmem:s14+$0xFFFFF090]  }
0x1e1: {  	v10 =	vld [tilespmem:s14+$0x30]  }
0x1e2: {  	v11 =	vld [tilespmem:s14+$0xFC0]  }
0x1e3: {  	v55 =	vld [tilespmem:s14+$0xFFFFF080];
	v52 =	vperm.xlane v6, v4;
	v53 =	vperm.xlane v7, v4  }
0x1e4: {  	v54 =	vld [tilespmem:s14+$0x20];
	v7 =	vperm.xlane v7, v5;
	v6 =	vperm.xlane v6, v5  }
0x1e5: {  	v56 =	vperm.xlane v8, v5;
	v57 =	vperm.xlane v9, v4  }
0x1e6: {  	v9 =	vperm.xlane v9, v5;
	v58 =	vperm.xlane v10, v4  }
0x1e7: {  	v10 =	vperm.xlane v10, v5;
	v59 =	vperm.xlane v11, v4  }
0x1e8: {  	v11 =	vperm.xlane v11, v5;
	v20 =	vperm.xlane v55, v4  }
0x1e9: {  	v15 =	vperm.xlane v55, v5;
	v61 =	vperm.xlane v54, v5  }
0x1ea: {  	v60 =	vld [tilespmem:s12+$0x7D0];
	v12 =	vsel vm0, v52, v53;
	v6 =	vsel vm0, v6, v7;
	v7 =	vperm.xlane v8, v4  }
0x1eb: {  	v8 =	vperm.xlane v54, v4;
	v11 =	vsel vm0, v11, v56;
	v62 =	vsel vm0, v20, v57  }
0x1ec: {  	v9 =	vsel vm0, v15, v9;
	v10 =	vsel vm0, v61, v10;
	v7 =	vsel vm0, v59, v7  }
0x1ed: {  	v6 =	vsub.f32 v6, v12;
	v8 =	vsel vm0, v8, v58;
	v11 =	vsub.f32 v11, v7  }
0x1ee: {  	v9 =	vsub.f32 v9, v62;
	v10 =	vsub.f32 v10, v8  }
0x1ef: {  	v6 =	vmul.f32 v6, v60;
	v11 =	vmul.f32 v11, v60  }
0x1f0: {  	v9 =	vmul.f32 v9, v60;
	v10 =	vmul.f32 v10, v60  }
0x1f1: {  	v63 =	vld [tilespmem:s12+$0x0];
	v11 =	vadd.f32 v11, v7;
	v7 =	vadd.f32 v6, v12  }
0x1f2: {  	v6 =	vadd.f32 v9, v62;
	v8 =	vadd.f32 v10, v8;
	_ =	sdelay $0x1  }
0x1f3: {  	v9 =	vsub.f32 v6, v7;
	v10 =	vsub.f32 v11, v8;
	_ =	sdelay $0x1  }
0x1f4: {  	s15 =	simm.s32 $0x0;
	s17 =	simm.s32 $0xFB80;
	s14 =	simm.s32 $0x15910;
	v6 =	vld [tilespmem:s12+$0xFFFFF830];
	v9 =	vmul.f32 v9, v63;
	v10 =	vmul.f32 v10, v63  }
.LBB2_9:
0x1f5: {  	s15 =	sadd.s32 $0x2, s15;
	s12 =	sadd.s32 $0x20, s12;
	s13 =	sadd.s32 $0x20, s13  }
0x1f6: {  	v7 =	vadd.f32 v9, v7;
	v8 =	vadd.f32 v10, v8;
	p2 =	slt.u32 s15, $0x7A;
	_ =	sdelay $0x1  }
0x1f7: {  	v8 =	vsub.f32 v8, v7;
	_ =	sdelay $0x1  }
0x1f8: {  	v6 =	vmul.f32 v8, v6;
	_ =	sdelay $0x1  }
0x1f9: {  	v6 =	vadd.f32 v6, v7;
	_ =	sdelay $0x1  }
0x1fa: {  	[tilespmem:s14+$0x0] =	vst v6;
	s14 =	smov.u32 s13  }
0x1fb: {  	v6 =	vld [tilespmem:s17+$0xFB0]  }
0x1fc: {  	v7 =	vld [tilespmem:s17+$0xFA0]  }
0x1fd: {  	v8 =	vld [tilespmem:s17+$0x10]  }
0x1fe: {  	v9 =	vld [tilespmem:s17+$0x0]  }
0x1ff: {  	v10 =	vld [tilespmem:s17+$0xFFFFF070]  }
0x200: {  	v11 =	vld [tilespmem:s17+$0xFFFFF060];
	v12 =	vperm.xlane v6, v4;
	v6 =	vperm.xlane v6, v5  }
0x201: {  	v13 =	vld [tilespmem:s17+$0xFFFFE0D0];
	v14 =	vperm.xlane v7, v4;
	v7 =	vperm.xlane v7, v5  }
0x202: {  	v15 =	vld [tilespmem:s17+$0xFFFFE0C0];
	v16 =	vperm.xlane v8, v4;
	v8 =	vperm.xlane v8, v5  }
0x203: {  	v17 =	vld [tilespmem:s12+$0x7C0];
	v18 =	vperm.xlane v9, v4;
	v9 =	vperm.xlane v9, v5;
	v12 =	vsel vm0, v14, v12  }
0x204: {  	v6 =	vsel vm0, v7, v6;
	v14 =	vperm.xlane v10, v4;
	v10 =	vperm.xlane v10, v5  }
0x205: {  	v6 =	vsub.f32 v6, v12;
	v7 =	vperm.xlane v11, v4;
	v11 =	vperm.xlane v11, v5  }
0x206: {  	v8 =	vsel vm0, v9, v8;
	v19 =	vperm.xlane v13, v4;
	v13 =	vperm.xlane v13, v5  }
0x207: {  	v9 =	vperm.xlane v15, v4;
	v15 =	vperm.xlane v15, v5;
	v7 =	vsel vm0, v7, v14  }
0x208: {  	v10 =	vsel vm0, v11, v10;
	v11 =	vsel vm0, v18, v16;
	v6 =	vmul.f32 v6, v17  }
0x209: {  	v10 =	vsub.f32 v10, v7;
	v9 =	vsel vm0, v9, v19;
	v13 =	vsel vm0, v15, v13  }
0x20a: {  	v8 =	vsub.f32 v8, v11;
	v13 =	vsub.f32 v13, v9  }
0x20b: {  	v10 =	vmul.f32 v10, v17;
	v6 =	vadd.f32 v6, v12  }
0x20c: {  	v8 =	vmul.f32 v8, v17;
	v12 =	vmul.f32 v13, v17  }
0x20d: {  	v7 =	vadd.f32 v10, v7;
	v13 =	vld [tilespmem:s12+$0xFFFFFFF0]  }
0x20e: {  	v8 =	vadd.f32 v8, v11;
	v9 =	vadd.f32 v12, v9;
	_ =	sdelay $0x1  }
0x20f: {  	v6 =	vsub.f32 v6, v8;
	v7 =	vsub.f32 v7, v9;
	_ =	sdelay $0x1  }
0x210: {  	v7 =	vmul.f32 v7, v13;
	v6 =	vmul.f32 v6, v13  }
0x211: {  	v10 =	vld [tilespmem:s12+$0xFFFFF820]  }
0x212: {  	v7 =	vadd.f32 v7, v9;
	v6 =	vadd.f32 v6, v8;
	_ =	sdelay $0x1  }
0x213: {  	v6 =	vsub.f32 v6, v7;
	_ =	sdelay $0x1  }
0x214: {  	v6 =	vmul.f32 v6, v10;
	_ =	sdelay $0x1  }
0x215: {  	v6 =	vadd.f32 v6, v7;
	_ =	sdelay $0x1  }
0x216: {  	[tilespmem:s13+$0xFFFFFFF0] =	vst v6  }
0x217: {  	v6 =	vld [tilespmem:s17+$0xFFFFE0E0]  }
0x218: {  	v7 =	vld [tilespmem:s17+$0xFFFFE0F0]  }
0x219: {  	v8 =	vld [tilespmem:s17+$0xFD0]  }
0x21a: {  	v9 =	vld [tilespmem:s17+$0xFFFFF090]  }
0x21b: {  	v10 =	vld [tilespmem:s17+$0x30]  }
0x21c: {  	v11 =	vperm.xlane v6, v4;
	v12 =	vld [tilespmem:s17+$0xFC0]  }
0x21d: {  	v13 =	vperm.xlane v7, v4;
	v7 =	vperm.xlane v7, v5;
	v14 =	vld [tilespmem:s17+$0x20]  }
0x21e: {  	v15 =	vperm.xlane v6, v5;
	v16 =	vld [tilespmem:s17+$0xFFFFF080];
	v17 =	vperm.xlane v8, v5  }
0x21f: {  	v6 =	vld [tilespmem:s12+$0xFFFFF830];
	v11 =	vsel vm0, v11, v13;
	v13 =	vperm.xlane v9, v4;
	v9 =	vperm.xlane v9, v5  }
0x220: {  	v7 =	vsel vm0, v15, v7;
	v15 =	vperm.xlane v10, v4;
	v10 =	vperm.xlane v10, v5  }
0x221: {  	v8 =	vperm.xlane v8, v4;
	v7 =	vsub.f32 v7, v11;
	v18 =	vld [tilespmem:s12+$0x7D0];
	v19 =	vperm.xlane v12, v4  }
0x222: {  	v12 =	vperm.xlane v12, v5;
	v20 =	vperm.xlane v14, v4  }
0x223: {  	v21 =	vperm.xlane v16, v4;
	v16 =	vperm.xlane v16, v5;
	v8 =	vsel vm0, v19, v8  }
0x224: {  	v14 =	vperm.xlane v14, v5;
	v12 =	vsel vm0, v12, v17;
	v15 =	vsel vm0, v20, v15  }
0x225: {  	v12 =	vsub.f32 v12, v8;
	v13 =	vsel vm0, v21, v13;
	v9 =	vsel vm0, v16, v9  }
0x226: {  	v10 =	vsel vm0, v14, v10;
	v7 =	vmul.f32 v7, v18;
	v9 =	vsub.f32 v9, v13  }
0x227: {  	v10 =	vsub.f32 v10, v15;
	v12 =	vmul.f32 v12, v18  }
0x228: {  	v9 =	vmul.f32 v9, v18  }
0x229: {  	v10 =	vmul.f32 v10, v18;
	v12 =	vadd.f32 v12, v8;
	v14 =	vld [tilespmem:s12+$0x0]  }
0x22a: {  	v7 =	vadd.f32 v7, v11;
	v9 =	vadd.f32 v9, v13  }
0x22b: {  	v8 =	vadd.f32 v10, v15  }
.Ltmp7:
0x22c: {  	v9 =	vsub.f32 v9, v7;
	(pc) =	sbr.rel @p2 .LBB2_9-.Ltmp7, $4  }
0x22d: {  	v10 =	vsub.f32 v12, v8  }
0x22e: {  	v9 =	vmul.f32 v9, v14  }
0x22f: {  	v10 =	vmul.f32 v10, v14  }
0x230: {  	s17 =	sadd.s32 $0x40, s17  }
0x231: {  	v7 =	vadd.f32 v9, v7;
	v8 =	vadd.f32 v10, v8;
	_ =	sdelay $0x1  }
0x232: {  	v8 =	vsub.f32 v8, v7;
	_ =	sdelay $0x1  }
0x233: {  	v6 =	vmul.f32 v8, v6;
	_ =	sdelay $0x1  }
0x234: {  	v6 =	vadd.f32 v6, v7;
	_ =	sdelay $0x1  }
0x235: {  	[tilespmem:s14+$0x0] =	vst v6  }
0x236: {  	v6 =	vld [tilespmem:$0xEB80]  }
0x237: {  	v7 =	vld [tilespmem:$0xEB90]  }
0x238: {  	v52 =	vld [tilespmem:$0xFB20]  }
0x239: {  	v53 =	vld [tilespmem:$0xFB30]  }
0x23a: {  	v54 =	vld [tilespmem:$0x10AC0]  }
0x23b: {  	v11 =	vld [tilespmem:$0x10AD0]  }
0x23c: {  	v14 =	vld [tilespmem:$0x11A60];
	v12 =	vperm.xlane v6, v4;
	v13 =	vperm.xlane v7, v4  }
0x23d: {  	v15 =	vld [tilespmem:$0x11A70];
	v6 =	vperm.xlane v6, v5;
	v7 =	vperm.xlane v7, v5  }
0x23e: {  	v16 =	vperm.xlane v52, v4;
	v17 =	vperm.xlane v53, v4  }
0x23f: {  	v8 =	vperm.xlane v52, v5;
	v9 =	vperm.xlane v53, v5  }
0x240: {  	v55 =	vperm.xlane v54, v4;
	v18 =	vperm.xlane v11, v4  }
0x241: {  	v56 =	vperm.xlane v11, v5;
	v58 =	vperm.xlane v14, v4  }
0x242: {  	v19 =	vperm.xlane v15, v4;
	v59 =	vperm.xlane v14, v5  }
0x243: {  	v57 =	vld [tilespmem:$0x4760];
	v60 =	vperm.xlane v15, v5;
	v12 =	vsel vm0, v12, v13;
	v6 =	vsel vm0, v6, v7  }
0x244: {  	v7 =	vperm.xlane v54, v5;
	v16 =	vsel vm0, v16, v17;
	v8 =	vsel vm0, v8, v9  }
0x245: {  	v13 =	vsel vm0, v55, v18;
	v61 =	vsel vm0, v58, v19;
	v9 =	vsel vm0, v59, v60  }
0x246: {  	v6 =	vsub.f32 v6, v12;
	v8 =	vsub.f32 v8, v16;
	v7 =	vsel vm0, v7, v56  }
0x247: {  	v9 =	vsub.f32 v9, v61;
	v7 =	vsub.f32 v7, v13  }
0x248: {  	v6 =	vmul.f32 v6, v57;
	v8 =	vmul.f32 v8, v57  }
0x249: {  	v9 =	vmul.f32 v9, v57;
	v7 =	vmul.f32 v7, v57  }
0x24a: {  	v62 =	vld [tilespmem:$0x3F90];
	v6 =	vadd.f32 v6, v12;
	v8 =	vadd.f32 v8, v16  }
0x24b: {  	v9 =	vadd.f32 v9, v61;
	v7 =	vadd.f32 v7, v13;
	_ =	sdelay $0x1  }
0x24c: {  	v8 =	vsub.f32 v8, v6;
	v9 =	vsub.f32 v9, v7;
	_ =	sdelay $0x1  }
0x24d: {  	v8 =	vmul.f32 v8, v62;
	v9 =	vmul.f32 v9, v62  }
0x24e: {  	v63 =	vld [tilespmem:$0x37C0]  }
0x24f: {  	v6 =	vadd.f32 v8, v6;
	v7 =	vadd.f32 v9, v7;
	_ =	sdelay $0x1  }
0x250: {  	v7 =	vsub.f32 v7, v6;
	_ =	sdelay $0x1  }
0x251: {  	v7 =	vmul.f32 v7, v63;
	_ =	sdelay $0x1  }
0x252: {  	s12 =	smul.u32 $0xFA, s11;
	v6 =	vadd.f32 v7, v6  }
0x253: {  	p2 =	sgt.u32 s11, $0x193  }
.Ltmp8:
0x254: {  	s12 =	sadd.s32 s8, s12;
	[tilespmem:$0x160C0] =	vst v6;
	(pc) =	sbr.rel @p2 .LBB2_12-.Ltmp8, $4  }
0x255: {  	[hbm4b:s12+s4] =	stream.linear.scatter [tilespmem:s30], [sflag:$0x6], $0x7D0, $0x38;
	[tilespmem:$0x16900] =	vst v63  }
0x256: {  	_ =	swait.ge [sflag:s31], $0x7D0  }
0x257: {  	[sflag:s31] =	ssyncset.done $0x0  }
0x258: {  	[sflag:s31] =	ssyncadd.s32 $0xFFFFF830  }
0x259: {  	s11 =	smul.u32 $0x7D0, s11;
	_ =	sdelay $0x1  }
0x25a: {  	s11 =	sshrl.u32 s11, $0x3  }
0x25b: {  	s11 =	sadd.s32 $0x5DC0, s11  }
0x25c: {  	s13 =	simm.s32 $0x1800;
	s12 =	sadd.s32 s6, s11  }
0x25d: {  	[tilespmem:s13], [sflag:$0x4] =	stream.linear.gather [hbm4b:s12+s4], $0x7D0, $0x38;
	[tilespmem:$0x16900] =	vst v63  }
.Ltmp9:
0x25e: {  	_ = 	snop;
	(pc) =	sbr.rel .LBB2_13-.Ltmp9, $4  }
0x25f: {  	s28 =	sadd.s32 s7, s11  }
0x260: {  	[tilespmem:s19], [sflag:$0x4] =	stream.linear.gather [hbm4b:s28+s4], $0x7D0, $0x38;
	[tilespmem:$0x16900] =	vst v63  }
0x261: {  	s11 =	sadd.s32 s1, s11  }
0x262: {  	[tilespmem:s20], [sflag:$0x4] =	stream.linear.gather [hbm4b:s11+s4], $0x7D0, $0x38;
	[tilespmem:$0x16900] =	vst v63  }
.LBB2_12:
.Ltmp10:
0x263: {  	(pc) =	sbr.rel @p0 .LBB2_16-.Ltmp10, $1  }
0x264: {  	_ =	sdelay $0x3  }
.LBB2_13:
0x265: {  	_ =	swait.ge [sflag:s21], $0x7D0  }
0x266: {  	[sflag:s21] =	ssyncset.done $0x0  }
0x267: {  	[sflag:s21] =	ssyncadd.s32 $0xFFFFF830  }
0x268: {  	_ =	swait.ge [sflag:s21], $0x7D0  }
0x269: {  	[sflag:s21] =	ssyncset.done $0x0  }
0x26a: {  	[sflag:s21] =	ssyncadd.s32 $0xFFFFF830  }
0x26b: {  	_ =	swait.ge [sflag:s21], $0x7D0  }
0x26c: {  	[sflag:s21] =	ssyncset.done $0x0  }
0x26d: {  	s14 =	simm.s32 $0x10;
	[sflag:s21] =	ssyncadd.s32 $0xFFFFF830  }
0x26e: {  	v6 =	vld [tilespmem:s14+$0xFFFFFFF0];
	_ =	sdelay $0x4  }
0x26f: {  	v6 =	vadd.f32 $1.000000000e+00, v6;
	_ =	sdelay $0x1  }
0x270: {  	v6 =	vmul.f32 $5.000000000e-01, v6;
	_ =	sdelay $0x1  }
0x271: {  	v6 =	vmul.f32 $2.550000000e+02, v6;
	_ =	sdelay $0x1  }
0x272: {  	v7 =	vtrunc.f32 v6  }
0x273: {  	v7 =	vcvt.f32.s32 v7;
	_ =	sdelay $0x1  }
0x274: {  	v8 =	vcvt.s32.f32 v7;
	_ =	sdelay $0x1  }
0x275: {  	v6 =	vsub.f32 v6, v8  }
0x276: {  	s12 =	simm.s32 $0x37E0  }
0x277: {  	s15 =	simm.s32 $0x810;
	[tilespmem:s12+$0xFFFFF820] =	vst v6  }
0x278: {  	v6 =	vld [tilespmem:s15+$0xFFFFFFF0];
	_ =	sdelay $0x4  }
0x279: {  	v6 =	vadd.f32 $1.000000000e+00, v6;
	_ =	sdelay $0x1  }
0x27a: {  	v6 =	vmul.f32 $5.000000000e-01, v6;
	_ =	sdelay $0x1  }
0x27b: {  	v6 =	vmul.f32 $2.550000000e+02, v6;
	_ =	sdelay $0x1  }
0x27c: {  	v8 =	vtrunc.f32 v6  }
0x27d: {  	v8 =	vcvt.f32.s32 v8;
	_ =	sdelay $0x1  }
0x27e: {  	v9 =	vcvt.s32.f32 v8;
	_ =	sdelay $0x1  }
0x27f: {  	v6 =	vsub.f32 v6, v9;
	_ =	sdelay $0x1  }
0x280: {  	s13 =	simm.s32 $0x1010;
	[tilespmem:s12+$0xFFFFFFF0] =	vst v6  }
0x281: {  	v6 =	vld [tilespmem:s13+$0xFFFFFFF0];
	_ =	sdelay $0x4  }
0x282: {  	v6 =	vadd.f32 $1.000000000e+00, v6;
	_ =	sdelay $0x1  }
0x283: {  	v6 =	vmul.f32 $5.000000000e-01, v6;
	_ =	sdelay $0x1  }
0x284: {  	v6 =	vmul.f32 $2.550000000e+02, v6;
	_ =	sdelay $0x1  }
0x285: {  	v9 =	vtrunc.f32 v6  }
0x286: {  	v9 =	vcvt.f32.s32 v9  }
0x287: {  	v7 =	vshll.u32 v7, $0x10;
	v8 =	vshll.u32 v8, $0x8  }
0x288: {  	v7 =	vadd.s32 v7, v8;
	v8 =	vcvt.s32.f32 v9  }
0x289: {  	v7 =	vadd.s32 v9, v7  }
0x28a: {  	v9 =	vperm.xlane v7, v3;
	v10 =	vadd.s32 $0x10000, v7;
	v6 =	vsub.f32 v6, v8  }
0x28b: {  	v8 =	vperm.xlane v10, v1  }
0x28c: {  	s11 =	simm.s32 $0x7E40;
	v11 =	vperm.xlane v7, v1;
	v12 =	vadd.s32 $0x100, v7;
	v9 =	vadd.s32 v2, v9;
	[tilespmem:s12+$0x7C0] =	vst v6  }
0x28d: {  	v6 =	vadd.s32 $0x10100, v7;
	v7 =	vperm.xlane v12, v1;
	v8 =	vadd.s32 v2, v8;
	[tilespmem:s11+$0xFFFFE0D0] =	vst v9  }
0x28e: {  	v10 =	vperm.xlane v10, v3;
	v9 =	vadd.s32 v2, v11;
	[tilespmem:s11+$0x0] =	vst v8  }
0x28f: {  	v8 =	vperm.xlane v6, v3;
	[tilespmem:s11+$0xFFFFE0C0] =	vst v9;
	v7 =	vadd.s32 v2, v7  }
0x290: {  	v6 =	vperm.xlane v6, v1;
	v9 =	vadd.s32 v2, v10;
	[tilespmem:s11+$0xFFFFF060] =	vst v7  }
0x291: {  	v7 =	vadd.s32 v2, v8;
	v8 =	vperm.xlane v12, v3;
	[tilespmem:s11+$0x10] =	vst v9  }
0x292: {  	v6 =	vadd.s32 v2, v6;
	[tilespmem:s11+$0xFB0] =	vst v7  }
0x293: {  	[tilespmem:s11+$0xFA0] =	vst v6;
	v7 =	vadd.s32 v2, v8  }
0x294: {  	[tilespmem:s11+$0xFFFFF070] =	vst v7  }
0x295: {  	v6 =	vld [tilespmem:s14+$0x0];
	_ =	sdelay $0x4  }
0x296: {  	v6 =	vadd.f32 $1.000000000e+00, v6;
	_ =	sdelay $0x1  }
0x297: {  	v6 =	vmul.f32 $5.000000000e-01, v6;
	_ =	sdelay $0x1  }
0x298: {  	v7 =	vmul.f32 $2.550000000e+02, v6;
	_ =	sdelay $0x1  }
0x299: {  	v6 =	vtrunc.f32 v7  }
0x29a: {  	v6 =	vcvt.f32.s32 v6;
	_ =	sdelay $0x1  }
0x29b: {  	v8 =	vcvt.s32.f32 v6;
	_ =	sdelay $0x1  }
0x29c: {  	v7 =	vsub.f32 v7, v8;
	_ =	sdelay $0x1  }
0x29d: {  	[tilespmem:s12+$0xFFFFF830] =	vst v7  }
0x29e: {  	v7 =	vld [tilespmem:s15+$0x0];
	_ =	sdelay $0x4  }
0x29f: {  	v7 =	vadd.f32 $1.000000000e+00, v7;
	_ =	sdelay $0x1  }
0x2a0: {  	v7 =	vmul.f32 $5.000000000e-01, v7;
	_ =	sdelay $0x1  }
0x2a1: {  	v7 =	vmul.f32 $2.550000000e+02, v7;
	_ =	sdelay $0x1  }
0x2a2: {  	v8 =	vtrunc.f32 v7  }
0x2a3: {  	v8 =	vcvt.f32.s32 v8;
	_ =	sdelay $0x1  }
0x2a4: {  	v9 =	vcvt.s32.f32 v8;
	_ =	sdelay $0x1  }
0x2a5: {  	v7 =	vsub.f32 v7, v9;
	_ =	sdelay $0x1  }
0x2a6: {  	[tilespmem:s12+$0x0] =	vst v7  }
0x2a7: {  	v7 =	vld [tilespmem:s13+$0x0];
	_ =	sdelay $0x4  }
0x2a8: {  	v7 =	vadd.f32 $1.000000000e+00, v7;
	_ =	sdelay $0x1  }
0x2a9: {  	v9 =	vmul.f32 $5.000000000e-01, v7  }
0x2aa: {  	s17 =	simm.s32 $0x830;
	s26 =	simm.s32 $0x7E80  }
0x2ab: {  	s18 =	simm.s32 $0x30;
	s14 =	simm.s32 $0x37E0;
	s15 =	simm.s32 $0x0;
	v7 =	vshll.u32 v8, $0x8;
	v8 =	vmul.f32 $2.550000000e+02, v9  }
.LBB2_14:
0x2ac: {  	s15 =	sadd.s32 $0x2, s15;
	s12 =	sadd.s32 $0x20, s12;
	s13 =	sadd.s32 $0x20, s13  }
0x2ad: {  	p0 =	slt.u32 s15, $0x7A;
	v9 =	vtrunc.f32 v8  }
0x2ae: {  	v6 =	vshll.u32 v6, $0x10;
	v9 =	vcvt.f32.s32 v9  }
0x2af: {  	v6 =	vadd.s32 v6, v7  }
0x2b0: {  	v7 =	vcvt.s32.f32 v9;
	v6 =	vadd.s32 v9, v6  }
0x2b1: {  	v9 =	vadd.s32 $0x100, v6;
	v10 =	vadd.s32 $0x10000, v6;
	v11 =	vadd.s32 $0x10100, v6  }
0x2b2: {  	v7 =	vsub.f32 v8, v7;
	v8 =	vperm.xlane v9, v1;
	v9 =	vperm.xlane v9, v3  }
0x2b3: {  	v12 =	vperm.xlane v10, v1;
	v13 =	vperm.xlane v11, v1  }
0x2b4: {  	[tilespmem:s14+$0x7D0] =	vst v7;
	v7 =	vadd.s32 v2, v8;
	v8 =	vperm.xlane v10, v3;
	v10 =	vperm.xlane v11, v3;
	s14 =	smov.u32 s12  }
0x2b5: {  	v11 =	vperm.xlane v6, v1;
	v9 =	vadd.s32 v2, v9;
	[tilespmem:s11+$0xFFFFF080] =	vst v7;
	v7 =	vadd.s32 v2, v12  }
0x2b6: {  	[tilespmem:s11+$0xFFFFF090] =	vst v9;
	v8 =	vadd.s32 v2, v8;
	v9 =	vadd.s32 v2, v13;
	v10 =	vadd.s32 v2, v10  }
0x2b7: {  	v6 =	vperm.xlane v6, v3;
	[tilespmem:s11+$0xFC0] =	vst v9  }
0x2b8: {  	[tilespmem:s11+$0x20] =	vst v7  }
0x2b9: {  	v7 =	vadd.s32 v2, v11;
	[tilespmem:s11+$0xFD0] =	vst v10  }
0x2ba: {  	[tilespmem:s11+$0xFFFFE0E0] =	vst v7  }
0x2bb: {  	v6 =	vadd.s32 v2, v6;
	[tilespmem:s11+$0x30] =	vst v8  }
0x2bc: {  	[tilespmem:s11+$0xFFFFE0F0] =	vst v6;
	s11 =	smov.u32 s26  }
0x2bd: {  	v6 =	vld [tilespmem:s18+$0xFFFFFFF0];
	_ =	sdelay $0x4  }
0x2be: {  	v6 =	vadd.f32 $1.000000000e+00, v6;
	_ =	sdelay $0x1  }
0x2bf: {  	v6 =	vmul.f32 $5.000000000e-01, v6;
	_ =	sdelay $0x1  }
0x2c0: {  	v6 =	vmul.f32 $2.550000000e+02, v6;
	_ =	sdelay $0x1  }
0x2c1: {  	v7 =	vtrunc.f32 v6  }
0x2c2: {  	v7 =	vcvt.f32.s32 v7;
	_ =	sdelay $0x1  }
0x2c3: {  	v8 =	vcvt.s32.f32 v7;
	_ =	sdelay $0x1  }
0x2c4: {  	v6 =	vsub.f32 v6, v8;
	_ =	sdelay $0x1  }
0x2c5: {  	[tilespmem:s12+$0xFFFFF820] =	vst v6  }
0x2c6: {  	v6 =	vld [tilespmem:s17+$0xFFFFFFF0];
	_ =	sdelay $0x4  }
0x2c7: {  	v6 =	vadd.f32 $1.000000000e+00, v6;
	_ =	sdelay $0x1  }
0x2c8: {  	v6 =	vmul.f32 $5.000000000e-01, v6;
	_ =	sdelay $0x1  }
0x2c9: {  	v6 =	vmul.f32 $2.550000000e+02, v6;
	_ =	sdelay $0x1  }
0x2ca: {  	v8 =	vtrunc.f32 v6  }
0x2cb: {  	v8 =	vcvt.f32.s32 v8;
	_ =	sdelay $0x1  }
0x2cc: {  	v9 =	vcvt.s32.f32 v8;
	v8 =	vshll.u32 v8, $0x8;
	_ =	sdelay $0x1  }
0x2cd: {  	v6 =	vsub.f32 v6, v9;
	_ =	sdelay $0x1  }
0x2ce: {  	[tilespmem:s12+$0xFFFFFFF0] =	vst v6  }
0x2cf: {  	v6 =	vld [tilespmem:s13+$0xFFFFFFF0];
	_ =	sdelay $0x4  }
0x2d0: {  	v6 =	vadd.f32 $1.000000000e+00, v6;
	_ =	sdelay $0x1  }
0x2d1: {  	v6 =	vmul.f32 $5.000000000e-01, v6;
	_ =	sdelay $0x1  }
0x2d2: {  	v6 =	vmul.f32 $2.550000000e+02, v6;
	_ =	sdelay $0x1  }
0x2d3: {  	v9 =	vtrunc.f32 v6  }
0x2d4: {  	v7 =	vshll.u32 v7, $0x10;
	v9 =	vcvt.f32.s32 v9  }
0x2d5: {  	v7 =	vadd.s32 v7, v8  }
0x2d6: {  	v8 =	vcvt.s32.f32 v9;
	v7 =	vadd.s32 v9, v7  }
0x2d7: {  	v9 =	vperm.xlane v7, v1;
	v10 =	vperm.xlane v7, v3;
	v11 =	vadd.s32 $0x10000, v7  }
0x2d8: {  	v12 =	vadd.s32 $0x10100, v7;
	v6 =	vsub.f32 v6, v8;
	v8 =	vperm.xlane v11, v1  }
0x2d9: {  	v7 =	vadd.s32 $0x100, v7;
	v13 =	vperm.xlane v12, v1;
	v10 =	vadd.s32 v2, v10  }
0x2da: {  	v11 =	vperm.xlane v11, v3;
	[tilespmem:s12+$0x7C0] =	vst v6;
	v6 =	vperm.xlane v7, v3  }
0x2db: {  	v9 =	vadd.s32 v2, v9;
	v7 =	vperm.xlane v7, v1;
	v8 =	vadd.s32 v2, v8;
	[tilespmem:s26+$0xFFFFE0D0] =	vst v10  }
0x2dc: {  	v10 =	vadd.s32 v2, v11;
	v6 =	vadd.s32 v2, v6;
	[tilespmem:s26+$0x0] =	vst v8;
	v8 =	vperm.xlane v12, v3  }
0x2dd: {  	v7 =	vadd.s32 v2, v7;
	[tilespmem:s26+$0xFFFFE0C0] =	vst v9  }
0x2de: {  	[tilespmem:s26+$0xFFFFF060] =	vst v7;
	v7 =	vadd.s32 v2, v13;
	v8 =	vadd.s32 v2, v8  }
0x2df: {  	[tilespmem:s26+$0xFB0] =	vst v8  }
0x2e0: {  	[tilespmem:s26+$0x10] =	vst v10  }
0x2e1: {  	[tilespmem:s26+$0xFA0] =	vst v7  }
0x2e2: {  	[tilespmem:s26+$0xFFFFF070] =	vst v6  }
0x2e3: {  	v6 =	vld [tilespmem:s18+$0x0];
	_ =	sdelay $0x4  }
0x2e4: {  	v6 =	vadd.f32 $1.000000000e+00, v6;
	_ =	sdelay $0x1  }
0x2e5: {  	v6 =	vmul.f32 $5.000000000e-01, v6;
	_ =	sdelay $0x1  }
0x2e6: {  	v7 =	vmul.f32 $2.550000000e+02, v6;
	_ =	sdelay $0x1  }
0x2e7: {  	v6 =	vtrunc.f32 v7  }
0x2e8: {  	v6 =	vcvt.f32.s32 v6;
	_ =	sdelay $0x1  }
0x2e9: {  	v8 =	vcvt.s32.f32 v6;
	_ =	sdelay $0x1  }
0x2ea: {  	v7 =	vsub.f32 v7, v8;
	_ =	sdelay $0x1  }
0x2eb: {  	[tilespmem:s12+$0xFFFFF830] =	vst v7  }
0x2ec: {  	v7 =	vld [tilespmem:s17+$0x0];
	_ =	sdelay $0x4  }
0x2ed: {  	v7 =	vadd.f32 $1.000000000e+00, v7;
	_ =	sdelay $0x1  }
0x2ee: {  	v7 =	vmul.f32 $5.000000000e-01, v7;
	_ =	sdelay $0x1  }
0x2ef: {  	v8 =	vmul.f32 $2.550000000e+02, v7;
	_ =	sdelay $0x1  }
0x2f0: {  	v7 =	vtrunc.f32 v8  }
0x2f1: {  	v7 =	vcvt.f32.s32 v7;
	_ =	sdelay $0x1  }
0x2f2: {  	v9 =	vcvt.s32.f32 v7;
	v7 =	vshll.u32 v7, $0x8;
	_ =	sdelay $0x1  }
0x2f3: {  	v8 =	vsub.f32 v8, v9;
	_ =	sdelay $0x1  }
0x2f4: {  	[tilespmem:s12+$0x0] =	vst v8  }
0x2f5: {  	v8 =	vld [tilespmem:s13+$0x0];
	_ =	sdelay $0x4  }
.Ltmp11:
0x2f6: {  	v8 =	vadd.f32 $1.000000000e+00, v8;
	(pc) =	sbr.rel @p0 .LBB2_14-.Ltmp11, $3  }
0x2f7: {  	_ = 	snop  }
0x2f8: {  	v8 =	vmul.f32 $5.000000000e-01, v8;
	_ =	sdelay $0x1  }
0x2f9: {  	s26 =	sadd.s32 $0x40, s26;
	s18 =	sadd.s32 $0x20, s18;
	s17 =	sadd.s32 $0x20, s17;
	v8 =	vmul.f32 $2.550000000e+02, v8  }
0x2fa: {  	_ = 	snop  }
0x2fb: {  	v9 =	vtrunc.f32 v8  }
0x2fc: {  	v6 =	vshll.u32 v6, $0x10;
	v9 =	vcvt.f32.s32 v9  }
0x2fd: {  	v6 =	vadd.s32 v6, v7  }
0x2fe: {  	v7 =	vcvt.s32.f32 v9;
	v6 =	vadd.s32 v9, v6  }
0x2ff: {  	v9 =	vadd.s32 $0x100, v6  }
0x300: {  	v7 =	vsub.f32 v8, v7;
	v47 =	vperm.xlane v9, v1  }
0x301: {  	v10 =	vadd.s32 $0x10100, v6;
	v9 =	vperm.xlane v9, v3  }
0x302: {  	v11 =	vadd.s32 $0x10000, v6;
	v12 =	vperm.xlane v10, v1;
	[tilespmem:s14+$0x7D0] =	vst v7;
	v7 =	vadd.s32 v2, v47  }
0x303: {  	v48 =	vperm.xlane v11, v1;
	v9 =	vadd.s32 v2, v9;
	[tilespmem:s11+$0xFFFFF080] =	vst v7  }
0x304: {  	v50 =	vperm.xlane v6, v1;
	v49 =	vadd.s32 v2, v12;
	[tilespmem:s11+$0xFFFFF090] =	vst v9  }
0x305: {  	v6 =	vperm.xlane v6, v3;
	v8 =	vadd.s32 v2, v48;
	[tilespmem:s11+$0xFC0] =	vst v49  }
0x306: {  	v52 =	vadd.s32 v2, v50;
	v7 =	vperm.xlane v10, v3;
	[tilespmem:s11+$0x20] =	vst v8  }
0x307: {  	v51 =	vperm.xlane v11, v3;
	v6 =	vadd.s32 v2, v6;
	[tilespmem:s11+$0xFFFFE0E0] =	vst v52  }
0x308: {  	[tilespmem:s11+$0xFFFFE0F0] =	vst v6;
	v7 =	vadd.s32 v2, v7  }
0x309: {  	[tilespmem:s11+$0xFD0] =	vst v7;
	v7 =	vadd.s32 v2, v51  }
0x30a: {  	[tilespmem:s11+$0x30] =	vst v7  }
0x30b: {  	v6 =	vld [tilespmem:$0x7C0]  }
0x30c: {  	v7 =	vld [tilespmem:$0xFC0]  }
0x30d: {  	v8 =	vld [tilespmem:$0x17C0];
	_ =	sdelay $0x2  }
0x30e: {  	v6 =	vadd.f32 $1.000000000e+00, v6  }
0x30f: {  	v7 =	vadd.f32 $1.000000000e+00, v7  }
0x310: {  	v8 =	vadd.f32 $1.000000000e+00, v8;
	v6 =	vmul.f32 $5.000000000e-01, v6  }
0x311: {  	v7 =	vmul.f32 $5.000000000e-01, v7  }
0x312: {  	v8 =	vmul.f32 $5.000000000e-01, v8;
	v6 =	vmul.f32 $2.550000000e+02, v6  }
0x313: {  	v7 =	vmul.f32 $2.550000000e+02, v7  }
0x314: {  	v8 =	vmul.f32 $2.550000000e+02, v8;
	v53 =	vtrunc.f32 v6  }
0x315: {  	v54 =	vtrunc.f32 v7;
	v9 =	vcvt.f32.s32 v53  }
0x316: {  	v55 =	vtrunc.f32 v8;
	v10 =	vcvt.f32.s32 v54  }
0x317: {  	v11 =	vcvt.f32.s32 v55;
	v56 =	vcvt.s32.f32 v9  }
0x318: {  	v13 =	vcvt.s32.f32 v10;
	v9 =	vshll.u32 v9, $0x10;
	v10 =	vshll.u32 v10, $0x8  }
0x319: {  	v57 =	vcvt.s32.f32 v11;
	v9 =	vadd.s32 v9, v10;
	v6 =	vsub.f32 v6, v56  }
0x31a: {  	v7 =	vsub.f32 v7, v13;
	v9 =	vadd.s32 v11, v9  }
0x31b: {  	v58 =	vperm.xlane v9, v1;
	[tilespmem:$0x37C0] =	vst v6;
	v6 =	vsub.f32 v8, v57  }
0x31c: {  	v59 =	vadd.s32 $0x100, v9;
	[tilespmem:$0x3F90] =	vst v7;
	v7 =	vperm.xlane v9, v3  }
0x31d: {  	v60 =	vperm.xlane v59, v1;
	[tilespmem:$0x4760] =	vst v6;
	v6 =	vadd.s32 v2, v58  }
0x31e: {  	v61 =	vadd.s32 $0x10000, v9;
	v7 =	vadd.s32 v2, v7;
	[tilespmem:$0x6E80] =	vst v6;
	v6 =	vperm.xlane v59, v3  }
0x31f: {  	v62 =	vperm.xlane v61, v1;
	[tilespmem:$0x6E90] =	vst v7;
	v7 =	vadd.s32 v2, v60  }
0x320: {  	v9 =	vadd.s32 $0x10100, v9;
	[tilespmem:$0x7E20] =	vst v7;
	v7 =	vperm.xlane v61, v3;
	v6 =	vadd.s32 v2, v6  }
0x321: {  	v63 =	vperm.xlane v9, v1;
	[tilespmem:$0x7E30] =	vst v6;
	v6 =	vadd.s32 v2, v62  }
0x322: {  	v7 =	vadd.s32 v2, v7;
	[tilespmem:$0x8DC0] =	vst v6;
	v6 =	vperm.xlane v9, v3  }
0x323: {  	[tilespmem:$0x8DD0] =	vst v7;
	v7 =	vadd.s32 v2, v63  }
0x324: {  	[tilespmem:$0x9D60] =	vst v7;
	v6 =	vadd.s32 v2, v6  }
0x325: {  	[tilespmem:$0x9D70] =	vst v6  }
0x326: {  	[tilespmem:s24], [sflag:$0x1] =	stream.indirect.gather [hbm4b:s3+s22], $0x1, s23, s22, $0xb8;
	[tilespmem:$0x16900] =	vst v63  }
.LBB2_17:
0x327: {  	_ =	swait.ge [sflag:s0], $0x3E80  }
0x328: {  	[sflag:s0] =	ssyncset.done $0x0  }
0x329: {  	s13 =	simm.s32 $0x139C0;
	[sflag:s0] =	ssyncadd.s32 $0xFFFFC180  }
0x32a: {  	v6 =	vld [tilespmem:s13+$0xFB0]  }
0x32b: {  	v7 =	vld [tilespmem:s13+$0xFA0]  }
0x32c: {  	v8 =	vld [tilespmem:s13+$0x10]  }
0x32d: {  	v9 =	vld [tilespmem:s13+$0x0]  }
0x32e: {  	v10 =	vld [tilespmem:s13+$0xFFFFF070]  }
0x32f: {  	v13 =	vld [tilespmem:s13+$0xFFFFE0D0];
	v12 =	vperm.xlane v6, v4  }
0x330: {  	v6 =	vperm.xlane v6, v5;
	v14 =	vperm.xlane v7, v4  }
0x331: {  	v11 =	vld [tilespmem:s13+$0xFFFFF060];
	v7 =	vperm.xlane v7, v5;
	v16 =	vperm.xlane v8, v4  }
0x332: {  	v15 =	vld [tilespmem:s13+$0xFFFFE0C0];
	v8 =	vperm.xlane v8, v5;
	v17 =	vperm.xlane v9, v4  }
0x333: {  	v9 =	vperm.xlane v9, v5;
	v50 =	vperm.xlane v10, v4  }
0x334: {  	v10 =	vperm.xlane v10, v5;
	v51 =	vperm.xlane v13, v4  }
0x335: {  	s11 =	simm.s32 $0x4F60;
	v13 =	vperm.xlane v13, v5;
	v12 =	vsel vm0, v14, v12;
	v6 =	vsel vm0, v7, v6  }
0x336: {  	v18 =	vld [tilespmem:s11+$0x7C0];
	v7 =	vperm.xlane v11, v4;
	v11 =	vperm.xlane v11, v5;
	v16 =	vsel vm0, v17, v16  }
0x337: {  	v8 =	vsel vm0, v9, v8;
	v9 =	vperm.xlane v15, v4;
	v15 =	vperm.xlane v15, v5  }
0x338: {  	v8 =	vsub.f32 v8, v16;
	v6 =	vsub.f32 v6, v12;
	v7 =	vsel vm0, v7, v50  }
0x339: {  	v10 =	vsel vm0, v11, v10;
	v9 =	vsel vm0, v9, v51;
	v11 =	vsel vm0, v15, v13  }
0x33a: {  	v10 =	vsub.f32 v10, v7;
	v11 =	vsub.f32 v11, v9  }
0x33b: {  	v8 =	vmul.f32 v8, v18;
	v6 =	vmul.f32 v6, v18  }
0x33c: {  	v10 =	vmul.f32 v10, v18;
	v11 =	vmul.f32 v11, v18  }
0x33d: {  	v52 =	vld [tilespmem:s11+$0xFFFFFFF0];
	v8 =	vadd.f32 v8, v16;
	v6 =	vadd.f32 v6, v12  }
0x33e: {  	v7 =	vadd.f32 v10, v7;
	v9 =	vadd.f32 v11, v9;
	_ =	sdelay $0x1  }
0x33f: {  	v6 =	vsub.f32 v6, v8;
	v7 =	vsub.f32 v7, v9;
	_ =	sdelay $0x1  }
0x340: {  	v6 =	vmul.f32 v6, v52;
	v7 =	vmul.f32 v7, v52  }
0x341: {  	v10 =	vld [tilespmem:s11+$0xFFFFF820]  }
0x342: {  	v6 =	vadd.f32 v6, v8;
	v7 =	vadd.f32 v7, v9;
	_ =	sdelay $0x1  }
0x343: {  	v6 =	vsub.f32 v6, v7;
	_ =	sdelay $0x1  }
0x344: {  	v6 =	vmul.f32 v6, v10;
	_ =	sdelay $0x1  }
0x345: {  	v6 =	vadd.f32 v6, v7  }
0x346: {  	s12 =	simm.s32 $0x16110  }
0x347: {  	[tilespmem:s12+$0xFFFFFFF0] =	vst v6  }
0x348: {  	v6 =	vld [tilespmem:s13+$0xFFFFE0E0]  }
0x349: {  	v7 =	vld [tilespmem:s13+$0xFFFFE0F0]  }
0x34a: {  	v8 =	vld [tilespmem:s13+$0xFFFFF080]  }
0x34b: {  	v9 =	vld [tilespmem:s13+$0xFFFFF090]  }
0x34c: {  	v10 =	vld [tilespmem:s13+$0x20]  }
0x34d: {  	v11 =	vld [tilespmem:s13+$0xFD0]  }
0x34e: {  	v55 =	vld [tilespmem:s13+$0x30];
	v53 =	vperm.xlane v6, v4;
	v54 =	vperm.xlane v7, v4  }
0x34f: {  	v7 =	vperm.xlane v7, v5;
	v57 =	vperm.xlane v8, v4  }
0x350: {  	v56 =	vld [tilespmem:s13+$0xFC0];
	v8 =	vperm.xlane v8, v5;
	v58 =	vperm.xlane v9, v4  }
0x351: {  	v9 =	vperm.xlane v9, v5;
	v6 =	vperm.xlane v6, v5  }
0x352: {  	v59 =	vperm.xlane v10, v5;
	v10 =	vperm.xlane v10, v4  }
0x353: {  	v60 =	vperm.xlane v11, v4;
	v61 =	vperm.xlane v55, v4  }
0x354: {  	v14 =	vperm.xlane v55, v5;
	v11 =	vperm.xlane v11, v5  }
0x355: {  	v19 =	vld [tilespmem:s11+$0x7D0];
	v15 =	vperm.xlane v56, v5;
	v12 =	vsel vm0, v53, v54;
	v16 =	vsel vm0, v57, v58  }
0x356: {  	v8 =	vsel vm0, v8, v9;
	v9 =	vperm.xlane v56, v4;
	v10 =	vsel vm0, v10, v61  }
0x357: {  	v13 =	vsel vm0, v59, v14;
	v6 =	vsel vm0, v6, v7;
	v11 =	vsel vm0, v15, v11  }
0x358: {  	v8 =	vsub.f32 v8, v16;
	v7 =	vsub.f32 v13, v10;
	v9 =	vsel vm0, v9, v60  }
0x359: {  	v6 =	vsub.f32 v6, v12;
	v11 =	vsub.f32 v11, v9  }
0x35a: {  	v8 =	vmul.f32 v8, v19;
	v7 =	vmul.f32 v7, v19  }
0x35b: {  	v6 =	vmul.f32 v6, v19;
	v11 =	vmul.f32 v11, v19  }
0x35c: {  	v63 =	vld [tilespmem:s11+$0x0];
	v62 =	vadd.f32 v8, v16;
	v7 =	vadd.f32 v7, v10  }
0x35d: {  	v8 =	vadd.f32 v6, v12;
	v6 =	vadd.f32 v11, v9;
	_ =	sdelay $0x1  }
0x35e: {  	v9 =	vsub.f32 v62, v8;
	v10 =	vsub.f32 v6, v7;
	_ =	sdelay $0x1  }
0x35f: {  	s14 =	simm.s32 $0x0;
	s15 =	simm.s32 $0x13A00;
	s13 =	simm.s32 $0x16110;
	v6 =	vld [tilespmem:s11+$0xFFFFF830];
	v9 =	vmul.f32 v9, v63;
	v10 =	vmul.f32 v10, v63  }
.LBB2_18:
0x360: {  	s14 =	sadd.s32 $0x2, s14;
	s11 =	sadd.s32 $0x20, s11;
	s12 =	sadd.s32 $0x20, s12  }
0x361: {  	p0 =	slt.u32 s14, $0x7A;
	v8 =	vadd.f32 v9, v8;
	v7 =	vadd.f32 v10, v7;
	_ =	sdelay $0x1  }
0x362: {  	v7 =	vsub.f32 v7, v8;
	_ =	sdelay $0x1  }
0x363: {  	v6 =	vmul.f32 v7, v6;
	_ =	sdelay $0x1  }
0x364: {  	v6 =	vadd.f32 v6, v8;
	_ =	sdelay $0x1  }
0x365: {  	[tilespmem:s13+$0x0] =	vst v6;
	s13 =	smov.u32 s12  }
0x366: {  	v6 =	vld [tilespmem:s15+$0xFB0];
	_ =	sdelay $0x1  }
0x367: {  	v7 =	vld [tilespmem:s15+$0xFA0]  }
0x368: {  	v8 =	vld [tilespmem:s15+$0x10]  }
0x369: {  	v9 =	vld [tilespmem:s15+$0x0]  }
0x36a: {  	v10 =	vld [tilespmem:s15+$0xFFFFF070]  }
0x36b: {  	v12 =	vperm.xlane v6, v4;
	v6 =	vperm.xlane v6, v5;
	v11 =	vld [tilespmem:s15+$0xFFFFF060]  }
0x36c: {  	v13 =	vld [tilespmem:s15+$0xFFFFE0D0];
	v14 =	vperm.xlane v7, v4;
	v7 =	vperm.xlane v7, v5  }
0x36d: {  	v15 =	vld [tilespmem:s15+$0xFFFFE0C0];
	v16 =	vperm.xlane v8, v4;
	v8 =	vperm.xlane v8, v5  }
0x36e: {  	v17 =	vperm.xlane v9, v4;
	v9 =	vperm.xlane v9, v5;
	v12 =	vsel vm0, v14, v12  }
0x36f: {  	v6 =	vsel vm0, v7, v6;
	v14 =	vperm.xlane v10, v4;
	v10 =	vperm.xlane v10, v5  }
0x370: {  	v7 =	vld [tilespmem:s11+$0x7C0];
	v18 =	vperm.xlane v11, v4;
	v11 =	vperm.xlane v11, v5;
	v16 =	vsel vm0, v17, v16  }
0x371: {  	v8 =	vsel vm0, v9, v8;
	v17 =	vperm.xlane v13, v4;
	v13 =	vperm.xlane v13, v5  }
0x372: {  	v8 =	vsub.f32 v8, v16;
	v9 =	vperm.xlane v15, v4;
	v15 =	vperm.xlane v15, v5  }
0x373: {  	v6 =	vsub.f32 v6, v12;
	v14 =	vsel vm0, v18, v14;
	v10 =	vsel vm0, v11, v10  }
0x374: {  	v10 =	vsub.f32 v10, v14;
	v9 =	vsel vm0, v9, v17;
	v11 =	vsel vm0, v15, v13  }
0x375: {  	v11 =	vsub.f32 v11, v9;
	v8 =	vmul.f32 v8, v7;
	v6 =	vmul.f32 v6, v7  }
0x376: {  	v10 =	vmul.f32 v10, v7;
	v13 =	vld [tilespmem:s11+$0xFFFFFFF0]  }
0x377: {  	v7 =	vmul.f32 v11, v7;
	v8 =	vadd.f32 v8, v16;
	v6 =	vadd.f32 v6, v12  }
0x378: {  	v10 =	vadd.f32 v10, v14  }
0x379: {  	v7 =	vadd.f32 v7, v9;
	v6 =	vsub.f32 v6, v8;
	_ =	sdelay $0x1  }
0x37a: {  	v9 =	vsub.f32 v10, v7;
	v6 =	vmul.f32 v6, v13;
	_ =	sdelay $0x1  }
0x37b: {  	v9 =	vmul.f32 v9, v13;
	v6 =	vadd.f32 v6, v8  }
0x37c: {  	v8 =	vld [tilespmem:s11+$0xFFFFF820]  }
0x37d: {  	v7 =	vadd.f32 v9, v7;
	_ =	sdelay $0x1  }
0x37e: {  	v6 =	vsub.f32 v6, v7;
	_ =	sdelay $0x1  }
0x37f: {  	v6 =	vmul.f32 v6, v8;
	_ =	sdelay $0x1  }
0x380: {  	v6 =	vadd.f32 v6, v7;
	_ =	sdelay $0x1  }
0x381: {  	[tilespmem:s12+$0xFFFFFFF0] =	vst v6  }
0x382: {  	v7 =	vld [tilespmem:s15+$0xFFFFE0E0]  }
0x383: {  	v6 =	vld [tilespmem:s15+$0xFFFFE0F0]  }
0x384: {  	v8 =	vld [tilespmem:s15+$0xFFFFF080]  }
0x385: {  	v9 =	vld [tilespmem:s15+$0xFFFFF090]  }
0x386: {  	v10 =	vld [tilespmem:s15+$0x20]  }
0x387: {  	v11 =	vperm.xlane v7, v4;
	v12 =	vld [tilespmem:s15+$0xFD0]  }
0x388: {  	v13 =	vperm.xlane v6, v4;
	v14 =	vperm.xlane v6, v5;
	v15 =	vld [tilespmem:s15+$0xFC0]  }
0x389: {  	v16 =	vperm.xlane v8, v4;
	v8 =	vperm.xlane v8, v5;
	v17 =	vld [tilespmem:s15+$0x30]  }
0x38a: {  	v18 =	vld [tilespmem:s11+$0x7D0];
	v11 =	vsel vm0, v11, v13;
	v13 =	vperm.xlane v9, v4;
	v9 =	vperm.xlane v9, v5  }
0x38b: {  	v7 =	vperm.xlane v7, v5;
	v6 =	vld [tilespmem:s11+$0xFFFFF830];
	v19 =	vperm.xlane v10, v5  }
0x38c: {  	v13 =	vsel vm0, v16, v13;
	v8 =	vsel vm0, v8, v9;
	v9 =	vperm.xlane v12, v5  }
0x38d: {  	v10 =	vperm.xlane v10, v4;
	v12 =	vperm.xlane v12, v4;
	v8 =	vsub.f32 v8, v13  }
0x38e: {  	v20 =	vperm.xlane v15, v4;
	v16 =	vperm.xlane v17, v4  }
0x38f: {  	v17 =	vperm.xlane v17, v5;
	v8 =	vmul.f32 v8, v18  }
0x390: {  	v15 =	vperm.xlane v15, v5;
	v12 =	vsel vm0, v20, v12;
	v10 =	vsel vm0, v10, v16  }
0x391: {  	v13 =	vadd.f32 v8, v13;
	v8 =	vsel vm0, v19, v17  }
0x392: {  	v7 =	vsel vm0, v7, v14;
	v9 =	vsel vm0, v15, v9;
	v8 =	vsub.f32 v8, v10  }
0x393: {  	v7 =	vsub.f32 v7, v11;
	v9 =	vsub.f32 v9, v12  }
0x394: {  	v8 =	vmul.f32 v8, v18  }
0x395: {  	v14 =	vmul.f32 v7, v18;
	v9 =	vmul.f32 v9, v18  }
0x396: {  	v15 =	vld [tilespmem:s11+$0x0];
	v7 =	vadd.f32 v8, v10  }
.Ltmp12:
0x397: {  	v9 =	vadd.f32 v9, v12;
	v8 =	vadd.f32 v14, v11;
	(pc) =	sbr.rel @p0 .LBB2_18-.Ltmp12, $3  }
0x398: {  	_ = 	snop  }
0x399: {  	v10 =	vsub.f32 v13, v8;
	v11 =	vsub.f32 v9, v7;
	_ =	sdelay $0x1  }
0x39a: {  	s15 =	sadd.s32 $0x40, s15;
	v9 =	vmul.f32 v10, v15;
	v10 =	vmul.f32 v11, v15  }
0x39b: {  	_ = 	snop  }
0x39c: {  	v8 =	vadd.f32 v9, v8;
	v7 =	vadd.f32 v10, v7;
	_ =	sdelay $0x1  }
0x39d: {  	v7 =	vsub.f32 v7, v8;
	_ =	sdelay $0x1  }
0x39e: {  	v6 =	vmul.f32 v7, v6;
	_ =	sdelay $0x1  }
0x39f: {  	v6 =	vadd.f32 v6, v8;
	_ =	sdelay $0x1  }
0x3a0: {  	[tilespmem:s13+$0x0] =	vst v6  }
0x3a1: {  	v6 =	vld [tilespmem:$0x12A00]  }
0x3a2: {  	v52 =	vld [tilespmem:$0x12A10]  }
0x3a3: {  	v53 =	vld [tilespmem:$0x139A0]  }
0x3a4: {  	v54 =	vld [tilespmem:$0x139B0]  }
0x3a5: {  	v55 =	vld [tilespmem:$0x14940]  }
0x3a6: {  	v11 =	vld [tilespmem:$0x14950]  }
0x3a7: {  	v14 =	vld [tilespmem:$0x158E0];
	v12 =	vperm.xlane v6, v4;
	v13 =	vperm.xlane v52, v4  }
0x3a8: {  	v15 =	vld [tilespmem:$0x158F0];
	v6 =	vperm.xlane v6, v5;
	v7 =	vperm.xlane v52, v5  }
0x3a9: {  	v16 =	vperm.xlane v53, v4;
	v17 =	vperm.xlane v54, v4  }
0x3aa: {  	v8 =	vperm.xlane v53, v5;
	v9 =	vperm.xlane v54, v5  }
0x3ab: {  	v56 =	vperm.xlane v55, v4;
	v18 =	vperm.xlane v11, v4  }
0x3ac: {  	v57 =	vperm.xlane v55, v5;
	v58 =	vperm.xlane v11, v5  }
0x3ad: {  	v60 =	vperm.xlane v14, v4;
	v4 =	vperm.xlane v15, v4  }
0x3ae: {  	v59 =	vld [tilespmem:$0x5EE0];
	v61 =	vperm.xlane v14, v5;
	v5 =	vperm.xlane v15, v5;
	v12 =	vsel vm0, v12, v13  }
0x3af: {  	v6 =	vsel vm0, v6, v7;
	v16 =	vsel vm0, v16, v17;
	v8 =	vsel vm0, v8, v9  }
0x3b0: {  	v13 =	vsel vm0, v56, v18;
	v7 =	vsel vm0, v57, v58;
	v4 =	vsel vm0, v60, v4  }
0x3b1: {  	v5 =	vsel vm0, v61, v5;
	v6 =	vsub.f32 v6, v12;
	v8 =	vsub.f32 v8, v16  }
0x3b2: {  	v7 =	vsub.f32 v7, v13;
	v5 =	vsub.f32 v5, v4  }
0x3b3: {  	v6 =	vmul.f32 v6, v59;
	v8 =	vmul.f32 v8, v59  }
0x3b4: {  	v7 =	vmul.f32 v7, v59;
	v5 =	vmul.f32 v5, v59  }
0x3b5: {  	v62 =	vld [tilespmem:$0x5710];
	v6 =	vadd.f32 v6, v12;
	v8 =	vadd.f32 v8, v16  }
0x3b6: {  	v7 =	vadd.f32 v7, v13;
	v4 =	vadd.f32 v5, v4;
	_ =	sdelay $0x1  }
0x3b7: {  	v5 =	vsub.f32 v8, v6;
	v4 =	vsub.f32 v4, v7;
	_ =	sdelay $0x1  }
0x3b8: {  	v5 =	vmul.f32 v5, v62;
	v4 =	vmul.f32 v4, v62  }
0x3b9: {  	v63 =	vld [tilespmem:$0x4F40]  }
0x3ba: {  	v5 =	vadd.f32 v5, v6;
	v4 =	vadd.f32 v4, v7;
	_ =	sdelay $0x1  }
0x3bb: {  	v4 =	vsub.f32 v4, v5;
	_ =	sdelay $0x1  }
0x3bc: {  	v4 =	vmul.f32 v4, v63;
	_ =	sdelay $0x1  }
0x3bd: {  	s10 =	smul.u32 $0xFA, s10;
	v4 =	vadd.f32 v4, v5;
	_ =	sdelay $0x1  }
.Ltmp13:
0x3be: {  	s10 =	sadd.s32 s8, s10;
	[tilespmem:$0x168C0] =	vst v4;
	(pc) =	sbr.rel .LBB2_20-.Ltmp13, $4  }
0x3bf: {  	[hbm4b:s10+s4] =	stream.linear.scatter [tilespmem:s2], [sflag:$0x5], $0x7D0, $0x38;
	[tilespmem:$0x16900] =	vst v63  }
0x3c0: {  	_ =	swait.ge [sflag:s16], $0x7D0  }
0x3c1: {  	[sflag:s16] =	ssyncset.done $0x0  }
0x3c2: {  	[sflag:s16] =	ssyncadd.s32 $0xFFFFF830  }
.LBB2_16:
.Ltmp14:
0x3c3: {  	(pc) =	sbr.rel @p1 .LBB2_20-.Ltmp14, $4  }
.Ltmp15:
0x3c4: {  	(pc) =	sbr.rel @!p1 .LBB2_17-.Ltmp15, $4  }
0x3c5: {  	_ = 	snop  }
0x3c6: {  	_ = 	snop  }
0x3c7: {  	_ = 	snop  }
0x3c8: {  	_ = 	snop  }
.LBB2_22:
0x3c9: {  	_ =	sfence.sel $0x180000  }
0x3ca: {  	[bflag:$0x0] =	sbarrier.arrive $0xFFFF  }
0x3cb: {  	_ =	strace $0x90000047  }
0x3cc: {  	s0 =	stileid.u32;
	[bflag:$0x2] =	sbarrier.arrive $0xFFFF  }
0x3cd: {  	p0 =	sne.s32 s0, $0x0;
	s0 =	rddreg [dreg:$0x2]  }
0x3ce: {  	s0 =	sadd.s32 @!p0 $0x100000, s0  }
0x3cf: {  	[sflag:s0] =	ssyncadd.tile.s32 @!p0 $0x1;
	_ =	shalt  }
.Lfunc_end2:
_tile_overlayer_lowered:
.L_overlay_start_2:
0x3d0: {  	(tag) =	ssettag $0x2  }
0x3d1: {  	s0 =	rddreg [dreg:$0x0];
	s2 =	stileid.u32  }
0x3d2: {  	s1 =	rddreg [dreg:$0x1];
	p0 =	sne.s32 s2, $0x0  }
0x3d3: {  	s3 =	rddreg [dreg:$0x2];
	[bflag:$0x3] =	sbarrier.arrive $0xFFFF;
	s2 =	simm.s32 @!p0 $0x1C05  }
0x3d4: {  	[timem:s3], [sflag:s2] =	dma.local @!p0 [hbm:s0], s1  }
0x3d5: {  	s0 =	simm.s32 @!p0 $0x5  }
0x3d6: {  	_ =	swait.ge @!p0 [sflag:s0], s1  }
0x3d7: {  	s1 =	ssub.s32 @!p0 $0x0, s1;
	[sflag:s0] =	ssyncset.done @!p0 $0x0  }
0x3d8: {  	[sflag:s0] =	ssyncadd.s32 @!p0 s1  }
0x3d9: {  	[bflag:$0x3] =	sbarrier.arrive $0xFFFF  }
0x3da: {  	_ =	shalt  }

</sc_bundles>
